<compile_context>
chip_gen: v7x
topology: tpu7x:2x2x1
jax: 0.10.2.dev20260603
libtpu: 0.0.44.dev20260713+nightly
codegen_flags: <defaults>
</compile_context>

<pallas_src>
import functools

import jax
import jax.numpy as jnp
from jax import lax
from jax.experimental import pallas as pl
from jax.experimental.pallas import tpu as pltpu
from jax.experimental.pallas import tpu_sc as plsc

N = 10000
E = 160000
ETOT = E + N
NC = 2
NS = 16
NW = NC * NS
LANES = 16
GEO1 = (96, 76, 36)
GEO2 = (96, 76, 36)
BIGCORE = 0
NPAD = 10112
STRIPE = NPAD // NS

C1, CP1 = 66, 80
C2, CP2 = 100, 112
B = 50
NODES_PER_G = 200
OUT_DIM = 200

_SELU_ALPHA = 1.6732632423543772
_SELU_SCALE = 1.0507009873554805


def _selu(v):
    neg = _SELU_ALPHA * (jnp.exp(jnp.minimum(v, 0.0)) - 1.0)
    return _SELU_SCALE * jnp.where(v > 0, v, neg)



@functools.lru_cache(maxsize=None)
def _edge_pass(cp, geo):
    chunk, nch_a, nch_b = geo
    pt_a = nch_a * chunk
    pt_b = nch_b * chunk
    off_b = NS * pt_a
    mesh = plsc.VectorSubcoreMesh(
        core_axis_name="c", subcore_axis_name="s", num_cores=NC, num_subcores=NS)

    @functools.partial(
        pl.kernel,
        out_type=jax.ShapeDtypeStruct((NC, NPAD, cp), jnp.float32),
        mesh=mesh,
        scratch_types=[
            pltpu.VMEM((nch_a, chunk), jnp.int32),
            pltpu.VMEM((nch_a, chunk), jnp.int32),
            pltpu.VMEM((2, N), jnp.float32),
            pltpu.VMEM((chunk,), jnp.float32),
            pltpu.VMEM((chunk, cp), jnp.float32),
            pltpu.VMEM((chunk, cp), jnp.float32),
            pltpu.VMEM_SHARED((NPAD, cp), jnp.float32),
            pltpu.SemaphoreType.DMA,
            pltpu.SemaphoreType.DMA,
            pltpu.SemaphoreType.DMA,
            pltpu.SemaphoreType.DMA,
        ],
        compiler_params=pltpu.CompilerParams(
            needs_layout_passes=False, use_tc_tiling_on_sc=False),
    )
    def edge_pass(h_hbm, src_hbm, dst_hbm, aa_hbm, z_hbm, out_hbm,
                  src_v, dst_v, aa_v, ex_v, rows0_v, rows1_v,
                  acc_sh, gsem0, gsem1, ssem0, ssem1):
        cid = lax.axis_index("c")
        sid = lax.axis_index("s")
        slab = lax.select(cid == BIGCORE, sid, NS + sid)
        pltpu.sync_copy(aa_hbm, aa_v)
        pltpu.sync_copy(src_hbm.at[slab], src_v)
        pltpu.sync_copy(dst_hbm.at[slab], dst_v)
        pltpu.sync_copy(z_hbm.at[pl.ds(sid * STRIPE, STRIPE)],
                        acc_sh.at[pl.ds(sid * STRIPE, STRIPE)])

        lanes = lax.iota(jnp.int32, LANES)
        zeros16 = jnp.zeros((LANES,), jnp.int32)
        ones16 = jnp.ones((LANES,), jnp.int32)

        def _mx(i, m):
            ma, md = m
            lin = i * LANES + lanes
            return (jnp.maximum(ma, plsc.load_gather(aa_v, [zeros16, lin])),
                    jnp.maximum(md, plsc.load_gather(aa_v, [ones16, lin])))
        ninf = jnp.full((LANES,), -jnp.inf, jnp.float32)
        ma, md = lax.fori_loop(0, N // LANES, _mx, (ninf, ninf))
        plsc.store_scatter(ex_v, [lanes], ma)
        plsc.store_scatter(ex_v, [LANES + lanes], md)
        ga, gd = ninf, ninf
        for k in range(LANES):
            ga = jnp.maximum(ga, plsc.load_gather(
                ex_v, [jnp.full((LANES,), k, jnp.int32)]))
            gd = jnp.maximum(gd, plsc.load_gather(
                ex_v, [jnp.full((LANES,), LANES + k, jnp.int32)]))
        g0 = ga + gd
        g = jnp.maximum(g0, 0.2 * g0)

        plsc.subcore_barrier()
        base = lax.select(cid == BIGCORE, sid * pt_a, off_b + sid * pt_b)
        nch = lax.select(cid == BIGCORE, nch_a, nch_b)

        def alpha_chunk(j):
            j16 = jnp.full((LANES,), j, jnp.int32)
            for t in range(chunk // LANES):
                s16 = plsc.load_gather(src_v, [j16, t * LANES + lanes])
                d16 = plsc.load_gather(dst_v, [j16, t * LANES + lanes])
                a = (plsc.load_gather(aa_v, [zeros16, s16]) +
                     plsc.load_gather(aa_v, [ones16, d16]))
                a = jnp.maximum(a, 0.2 * a)
                ex = jnp.exp(a - g)
                eid = base + j * chunk + t * LANES + lanes
                plsc.store_scatter(ex_v, [t * LANES + lanes],
                                   jnp.where(eid < ETOT, ex, 0.0))

        def scale(rows):
            @plsc.parallel_loop(0, chunk, unroll=4)
            def scale_body(k):
                k16 = jnp.full((LANES,), k, jnp.int32)
                exb = plsc.load_gather(ex_v, [k16])
                for c in range(cp // LANES):
                    v = plsc.load_gather(rows, [k16, c * LANES + lanes])
                    plsc.store_scatter(rows, [k16, c * LANES + lanes], v * exb)

        pltpu.async_copy(h_hbm.at[src_v.at[0]], rows0_v, gsem0)

        def outer(i, _):
            for b in range(2):
                j = 2 * i + b
                rows, gsem, ssem = ((rows0_v, gsem0, ssem0) if b == 0
                                    else (rows1_v, gsem1, ssem1))
                orows, ogsem, ossem = ((rows1_v, gsem1, ssem1) if b == 0
                                       else (rows0_v, gsem0, ssem0))
                alpha_chunk(j)

                @pl.when(j >= 1)
                def _wait_prev_scatter():
                    pltpu.make_async_copy(
                        orows, acc_sh.at[dst_v.at[j - 1]], ossem).wait()

                @pl.when(j + 1 < nch)
                def _issue():
                    pltpu.async_copy(h_hbm.at[src_v.at[j + 1]], orows, ogsem)

                pltpu.make_async_copy(h_hbm.at[src_v.at[j]], rows, gsem).wait()
                scale(rows)
                pltpu.async_copy(rows, acc_sh.at[dst_v.at[j]], ssem, add=True)
            return 0

        lax.fori_loop(0, nch // 2, outer, 0)
        pltpu.make_async_copy(rows1_v, acc_sh.at[dst_v.at[nch - 1]], ssem1).wait()
        plsc.subcore_barrier()
        pltpu.sync_copy(acc_sh.at[pl.ds(sid * STRIPE, STRIPE)],
                        out_hbm.at[cid, pl.ds(sid * STRIPE, STRIPE)])

    return edge_pass



def _tc_prep_body(x_ref, w_ref, asr_ref, adr_ref, h_ref, aa_ref):
    h = jnp.dot(x_ref[...], w_ref[...], preferred_element_type=jnp.float32)
    asv = jnp.sum(h * asr_ref[...], axis=1)
    adv = jnp.sum(h * adr_ref[...], axis=1)
    h_ref[...] = jnp.concatenate(
        [h, jnp.ones((N, 1), jnp.float32),
         jnp.zeros((N, CP1 - C1 - 1), jnp.float32)], axis=1)
    aa_ref[...] = jnp.stack([asv, adv])


def _tc_mid_body(p_ref, b1_ref, w2_ref, a2s_ref, a2d_ref, h_ref, aa_ref):
    p0 = p_ref[0, :N]
    p1 = p_ref[1, :N]
    num = p0[:, :C1] + p1[:, :C1]
    den = p0[:, C1:C1 + 1] + p1[:, C1:C1 + 1] + 1e-16
    o1 = _selu(num / den + b1_ref[...])
    h2 = jnp.dot(o1, w2_ref[...], preferred_element_type=jnp.float32)
    asv = jnp.sum(h2 * a2s_ref[...], axis=1)
    adv = jnp.sum(h2 * a2d_ref[...], axis=1)
    h_ref[...] = jnp.concatenate(
        [h2, jnp.ones((N, 1), jnp.float32),
         jnp.zeros((N, CP2 - C2 - 1), jnp.float32)], axis=1)
    aa_ref[...] = jnp.stack([asv, adv])


def _tc_fina_body(p_ref, b2_ref, o_ref):
    p0 = p_ref[0, :N]
    p1 = p_ref[1, :N]
    num = p0[:, :C2] + p1[:, :C2]
    den = p0[:, C2:C2 + 1] + p1[:, C2:C2 + 1] + 1e-16
    o_ref[...] = _selu(num / den + b2_ref[...])


def _tc_finb_body(o_ref, w1_ref, b1_ref, w2_ref, b2_ref, m_ref, z_ref):
    y = lax.dot_general(o_ref[...], w1_ref[...], (((1,), (1,)), ((), ())),
                        preferred_element_type=jnp.float32)
    y = _selu(y + b1_ref[...])
    z = lax.dot_general(y, w2_ref[...], (((1,), (1,)), ((), ())),
                        preferred_element_type=jnp.float32)
    z = z + b2_ref[...]
    z_ref[...] = jnp.where(m_ref[...], z, -jnp.inf)



def kernel(x, edge_index, mask, W1, att_src1, att_dst1, b1,
           W2, att_src2, att_dst2, b2, fc1_w, fc1_b, fc2_w, fc2_b):
    loop = jnp.arange(N, dtype=jnp.int32)

    def _slabs(e, geo):
        chunk, nch_a, nch_b = geo
        off_b = NS * nch_a * chunk
        total = NS * (nch_a + nch_b) * chunk
        flat = jnp.concatenate(
            [e.astype(jnp.int32), loop,
             jnp.zeros((total - ETOT,), jnp.int32)])
        a = flat[:off_b].reshape(NS, nch_a, chunk)
        bpart = flat[off_b:].reshape(NS, nch_b, chunk)
        padch = jnp.zeros((NS, nch_a - nch_b, chunk), jnp.int32)
        return jnp.concatenate([a, jnp.concatenate([bpart, padch], axis=1)])

    srcp1 = _slabs(edge_index[0], GEO1)
    dstp1 = _slabs(edge_index[1], GEO1)
    srcp2 = srcp1 if GEO2 == GEO1 else _slabs(edge_index[0], GEO2)
    dstp2 = dstp1 if GEO2 == GEO1 else _slabs(edge_index[1], GEO2)
    z1 = jnp.zeros((NPAD, CP1), jnp.float32)
    z2 = jnp.zeros((NPAD, CP2), jnp.float32)

    h1pad, aa1 = pl.pallas_call(
        _tc_prep_body,
        out_shape=(jax.ShapeDtypeStruct((N, CP1), jnp.float32),
                   jax.ShapeDtypeStruct((2, N), jnp.float32)),
    )(x, W1, att_src1.reshape(1, C1), att_dst1.reshape(1, C1))

    p1 = _edge_pass(CP1, GEO1)(h1pad, srcp1, dstp1, aa1, z1)

    h2pad, aa2 = pl.pallas_call(
        _tc_mid_body,
        out_shape=(jax.ShapeDtypeStruct((N, CP2), jnp.float32),
                   jax.ShapeDtypeStruct((2, N), jnp.float32)),
    )(p1, b1.reshape(1, C1), W2, att_src2.reshape(1, C2),
      att_dst2.reshape(1, C2))

    p2 = _edge_pass(CP2, GEO2)(h2pad, srcp2, dstp2, aa2, z2)

    o2 = pl.pallas_call(
        _tc_fina_body,
        out_shape=jax.ShapeDtypeStruct((N, C2), jnp.float32),
    )(p2, b2.reshape(1, C2))

    o2f = o2.reshape(B, NODES_PER_G * C2)

    out = pl.pallas_call(
        _tc_finb_body,
        out_shape=jax.ShapeDtypeStruct((B, OUT_DIM), jnp.float32),
    )(o2f, fc1_w, fc1_b.reshape(1, OUT_DIM), fc2_w,
      fc2_b.reshape(1, OUT_DIM), mask)
    return out

# --- scband reference (transcript-rebuilt; emitter-appended) ---
"""Pipeline reference for scband-gcn-dtaware-82755429859988 (READ-ONLY COPY).

The authoritative reference and input builder live on the scoring server;
editing this copy changes nothing except your own understanding.
"""

import jax, jax.numpy as jnp
import numpy as np

NUM_NODES = 200
B = 50
N = NUM_NODES * B  # 10000
E = 160000
FEAT = 7
C1 = NUM_NODES // 3  # 66
C2 = NUM_NODES // 2  # 100
OUT_DIM = 200


def setup_inputs(seed: int = 0) -> dict:
    key = jax.random.key(seed)
    ks = jax.random.split(key, 16)
    x = jax.random.normal(ks[0], (N, FEAT), dtype=jnp.float32)
    edge_index = jax.random.randint(ks[1], (2, E), 0, N)
    mask = jnp.ones((B, OUT_DIM), dtype=bool)
    # GATConv 1 params (heads=1)
    W1 = jax.random.normal(ks[2], (FEAT, C1), dtype=jnp.float32) * (1.0 / np.sqrt(FEAT))
    att_src1 = jax.random.normal(ks[3], (C1,), dtype=jnp.float32) * (1.0 / np.sqrt(C1))
    att_dst1 = jax.random.normal(ks[4], (C1,), dtype=jnp.float32) * (1.0 / np.sqrt(C1))
    b1 = jnp.zeros((C1,), dtype=jnp.float32)
    # GATConv 2 params
    W2 = jax.random.normal(ks[5], (C1, C2), dtype=jnp.float32) * (1.0 / np.sqrt(C1))
    att_src2 = jax.random.normal(ks[6], (C2,), dtype=jnp.float32) * (1.0 / np.sqrt(C2))
    att_dst2 = jax.random.normal(ks[7], (C2,), dtype=jnp.float32) * (1.0 / np.sqrt(C2))
    b2 = jnp.zeros((C2,), dtype=jnp.float32)
    # fc layers
    fc1_w = jax.random.normal(ks[8], (NUM_NODES, NUM_NODES * C2), dtype=jnp.float32) * (1.0 / np.sqrt(NUM_NODES * C2))
    fc1_b = jnp.zeros((NUM_NODES,), dtype=jnp.float32)
    fc2_w = jax.random.normal(ks[9], (OUT_DIM, NUM_NODES), dtype=jnp.float32) * (1.0 / np.sqrt(NUM_NODES))
    fc2_b = jnp.zeros((OUT_DIM,), dtype=jnp.float32)
    return {"x": x, "edge_index": edge_index, "mask": mask,
            "W1": W1, "att_src1": att_src1, "att_dst1": att_dst1, "b1": b1,
            "W2": W2, "att_src2": att_src2, "att_dst2": att_dst2, "b2": b2,
            "fc1_w": fc1_w, "fc1_b": fc1_b, "fc2_w": fc2_w, "fc2_b": fc2_b}


def gat_conv(x, edge_index, W, att_src, att_dst, bias, num_nodes):
    # PyG GATConv, heads=1, concat=True, add_self_loops=True, negative_slope=0.2,
    # edge_attr=None (lin_edge path skipped, matching the original forward call).
    h = x @ W  # [N, C]
    src = edge_index[0]
    dst = edge_index[1]
    loop = jnp.arange(num_nodes, dtype=src.dtype)
    src = jnp.concatenate([src, loop])
    dst = jnp.concatenate([dst, loop])
    alpha_src = (h * att_src[None, :]).sum(-1)  # [N]
    alpha_dst = (h * att_dst[None, :]).sum(-1)  # [N]
    alpha = alpha_src[src] + alpha_dst[dst]  # [E+N]
    alpha = jax.nn.leaky_relu(alpha, negative_slope=0.2)
    amax = jax.ops.segment_max(alpha, dst, num_segments=num_nodes)
    amax = jnp.where(jnp.isfinite(amax), amax, 0.0)
    ex = jnp.exp(alpha - amax[dst])
    denom = jax.ops.segment_sum(ex, dst, num_segments=num_nodes)
    coef = ex / (denom[dst] + 1e-16)
    msg = h[src] * coef[:, None]  # gather + weight
    out = jax.ops.segment_sum(msg, dst, num_segments=num_nodes)  # scatter-add
    return out + bias[None, :]


def reference(x, edge_index, mask, W1, att_src1, att_dst1, b1, W2, att_src2, att_dst2, b2, fc1_w, fc1_b, fc2_w, fc2_b):
    out = gat_conv(x, edge_index, W1, att_src1, att_dst1, b1, N)
    out = jax.nn.selu(out)
    out = gat_conv(out, edge_index, W2, att_src2, att_dst2, b2, N)
    # torch.stack(out.split(num_nodes)).flatten(start_dim=1)
    out = out.reshape(B, NUM_NODES * C2)
    out = jax.nn.selu(out)
    out = out @ fc1_w.T + fc1_b[None, :]
    out = jax.nn.selu(out)
    out = out @ fc2_w.T + fc2_b[None, :]
    out = jnp.where(mask, out, -jnp.inf)
    return out

if __name__ == "__main__":
    import jax
    _d = setup_inputs()
    print(jax.jit(kernel)(*tuple(_d.values())))

</pallas_src>

<mosaic_0001>
#map = affine_map<(d0, d1) -> (0, 0)>
#map1 = affine_map<(d0, d1) -> (0, 0, 0)>
module attributes {stable_mosaic.version = 14 : i64} {
  func.func @edge_pass(%arg0: i32, %arg1: i32, %arg2: memref<10000x112xf32, #tpu.memory_space<hbm>>, %arg3: memref<32x76x96xi32, #tpu.memory_space<hbm>>, %arg4: memref<32x76x96xi32, #tpu.memory_space<hbm>>, %arg5: memref<2x10000xf32, #tpu.memory_space<hbm>>, %arg6: memref<10112x112xf32, #tpu.memory_space<hbm>>, %arg7: memref<2x10112x112xf32, #tpu.memory_space<hbm>>, %arg8: memref<76x96xi32, #tpu.memory_space<vmem>>, %arg9: memref<76x96xi32, #tpu.memory_space<vmem>>, %arg10: memref<2x10000xf32, #tpu.memory_space<vmem>>, %arg11: memref<96xf32, #tpu.memory_space<vmem>>, %arg12: memref<96x112xf32, #tpu.memory_space<vmem>>, %arg13: memref<96x112xf32, #tpu.memory_space<vmem>>, %arg14: memref<10112x112xf32, #tpu.memory_space<vmem_shared>>, %arg15: memref<!tpu.dma_semaphore, #tpu.memory_space<semaphore_mem>>, %arg16: memref<!tpu.dma_semaphore, #tpu.memory_space<semaphore_mem>>, %arg17: memref<!tpu.dma_semaphore, #tpu.memory_space<semaphore_mem>>, %arg18: memref<!tpu.dma_semaphore, #tpu.memory_space<semaphore_mem>>) attributes {dimension_semantics = [#tpu.dimension_semantics<core_parallel>, #tpu.dimension_semantics<subcore_parallel>], iteration_bounds = array<i64: 2, 16>, scalar_prefetch = 0 : i64, scratch_operands = 11 : i64, tpu.core_type = #tpu.core_type<sc_vector_subcore>, window_params = [{transform_indices = #map}, {transform_indices = #map1}, {transform_indices = #map1}, {transform_indices = #map}, {transform_indices = #map}, {transform_indices = #map1}]} {
    %eq3A = arith.constant 0 : i32
    %eq3A_0 = arith.cmpi eq, %arg0, %eq3A : i32
    %add3A = arith.constant 16 : i32
    %add3A_1 = arith.addi %add3A, %arg1 : i32
    %select_n3A = arith.select %eq3A_0, %arg1, %add3A_1 : i32
    "tpu.region"() ({
      %run_scoped3A = tpu.sem_alloc : memref<!tpu.dma_semaphore, #tpu.memory_space<semaphore_mem>>
      tpu.enqueue_dma source(%arg5 : memref<2x10000xf32, #tpu.memory_space<hbm>>) target(%arg10 : memref<2x10000xf32, #tpu.memory_space<vmem>>) target_semaphore(%run_scoped3A : memref<!tpu.dma_semaphore, #tpu.memory_space<semaphore_mem>>)
      tpu.wait_dma2 semaphore(%run_scoped3A : memref<!tpu.dma_semaphore, #tpu.memory_space<semaphore_mem>>) src(%arg5 : memref<2x10000xf32, #tpu.memory_space<hbm>>) dst(%arg10 : memref<2x10000xf32, #tpu.memory_space<vmem>>)
      tpu.yield
    }) : () -> ()
    "tpu.region"() ({
      %run_scoped3A = tpu.sem_alloc : memref<!tpu.dma_semaphore, #tpu.memory_space<semaphore_mem>>
      %dma_start3A_209 = arith.constant 0 : i32
      %dma_start3A_210 = arith.constant 0 : i32
      %dma_start3A_211 = tpu.memref_slice %arg3[%select_n3A, %dma_start3A_209, %dma_start3A_210] : memref<32x76x96xi32, #tpu.memory_space<hbm>> -> memref<1x76x96xi32, #tpu.memory_space<hbm>>
      %dma_start3A_212 = tpu.memref_squeeze %dma_start3A_211 : memref<1x76x96xi32, #tpu.memory_space<hbm>> -> memref<76x96xi32, #tpu.memory_space<hbm>>
      %dma_start3A_213 = arith.constant 0 : i32
      %dma_start3A_214 = arith.constant 0 : i32
      %dma_start3A_215 = tpu.memref_slice %arg3[%select_n3A, %dma_start3A_213, %dma_start3A_214] : memref<32x76x96xi32, #tpu.memory_space<hbm>> -> memref<1x76x96xi32, #tpu.memory_space<hbm>>
      %dma_start3A_216 = tpu.memref_squeeze %dma_start3A_215 : memref<1x76x96xi32, #tpu.memory_space<hbm>> -> memref<76x96xi32, #tpu.memory_space<hbm>>
      tpu.enqueue_dma source(%dma_start3A_216 : memref<76x96xi32, #tpu.memory_space<hbm>>) target(%arg8 : memref<76x96xi32, #tpu.memory_space<vmem>>) target_semaphore(%run_scoped3A : memref<!tpu.dma_semaphore, #tpu.memory_space<semaphore_mem>>)
      %dma_wait3A_217 = arith.constant 0 : i32
      %dma_wait3A_218 = arith.constant 0 : i32
      %dma_wait3A_219 = tpu.memref_slice %arg3[%select_n3A, %dma_wait3A_217, %dma_wait3A_218] : memref<32x76x96xi32, #tpu.memory_space<hbm>> -> memref<1x76x96xi32, #tpu.memory_space<hbm>>
      %dma_wait3A_220 = tpu.memref_squeeze %dma_wait3A_219 : memref<1x76x96xi32, #tpu.memory_space<hbm>> -> memref<76x96xi32, #tpu.memory_space<hbm>>
      %dma_wait3A_221 = arith.constant 0 : i32
      %dma_wait3A_222 = arith.constant 0 : i32
      %dma_wait3A_223 = tpu.memref_slice %arg3[%select_n3A, %dma_wait3A_221, %dma_wait3A_222] : memref<32x76x96xi32, #tpu.memory_space<hbm>> -> memref<1x76x96xi32, #tpu.memory_space<hbm>>
      %dma_wait3A_224 = tpu.memref_squeeze %dma_wait3A_223 : memref<1x76x96xi32, #tpu.memory_space<hbm>> -> memref<76x96xi32, #tpu.memory_space<hbm>>
      tpu.wait_dma2 semaphore(%run_scoped3A : memref<!tpu.dma_semaphore, #tpu.memory_space<semaphore_mem>>) src(%dma_wait3A_224 : memref<76x96xi32, #tpu.memory_space<hbm>>) dst(%arg8 : memref<76x96xi32, #tpu.memory_space<vmem>>)
      tpu.yield
    }) : () -> ()
    "tpu.region"() ({
      %run_scoped3A = tpu.sem_alloc : memref<!tpu.dma_semaphore, #tpu.memory_space<semaphore_mem>>
      %dma_start3A_209 = arith.constant 0 : i32
      %dma_start3A_210 = arith.constant 0 : i32
      %dma_start3A_211 = tpu.memref_slice %arg4[%select_n3A, %dma_start3A_209, %dma_start3A_210] : memref<32x76x96xi32, #tpu.memory_space<hbm>> -> memref<1x76x96xi32, #tpu.memory_space<hbm>>
      %dma_start3A_212 = tpu.memref_squeeze %dma_start3A_211 : memref<1x76x96xi32, #tpu.memory_space<hbm>> -> memref<76x96xi32, #tpu.memory_space<hbm>>
      %dma_start3A_213 = arith.constant 0 : i32
      %dma_start3A_214 = arith.constant 0 : i32
      %dma_start3A_215 = tpu.memref_slice %arg4[%select_n3A, %dma_start3A_213, %dma_start3A_214] : memref<32x76x96xi32, #tpu.memory_space<hbm>> -> memref<1x76x96xi32, #tpu.memory_space<hbm>>
      %dma_start3A_216 = tpu.memref_squeeze %dma_start3A_215 : memref<1x76x96xi32, #tpu.memory_space<hbm>> -> memref<76x96xi32, #tpu.memory_space<hbm>>
      tpu.enqueue_dma source(%dma_start3A_216 : memref<76x96xi32, #tpu.memory_space<hbm>>) target(%arg9 : memref<76x96xi32, #tpu.memory_space<vmem>>) target_semaphore(%run_scoped3A : memref<!tpu.dma_semaphore, #tpu.memory_space<semaphore_mem>>)
      %dma_wait3A_217 = arith.constant 0 : i32
      %dma_wait3A_218 = arith.constant 0 : i32
      %dma_wait3A_219 = tpu.memref_slice %arg4[%select_n3A, %dma_wait3A_217, %dma_wait3A_218] : memref<32x76x96xi32, #tpu.memory_space<hbm>> -> memref<1x76x96xi32, #tpu.memory_space<hbm>>
      %dma_wait3A_220 = tpu.memref_squeeze %dma_wait3A_219 : memref<1x76x96xi32, #tpu.memory_space<hbm>> -> memref<76x96xi32, #tpu.memory_space<hbm>>
      %dma_wait3A_221 = arith.constant 0 : i32
      %dma_wait3A_222 = arith.constant 0 : i32
      %dma_wait3A_223 = tpu.memref_slice %arg4[%select_n3A, %dma_wait3A_221, %dma_wait3A_222] : memref<32x76x96xi32, #tpu.memory_space<hbm>> -> memref<1x76x96xi32, #tpu.memory_space<hbm>>
      %dma_wait3A_224 = tpu.memref_squeeze %dma_wait3A_223 : memref<1x76x96xi32, #tpu.memory_space<hbm>> -> memref<76x96xi32, #tpu.memory_space<hbm>>
      tpu.wait_dma2 semaphore(%run_scoped3A : memref<!tpu.dma_semaphore, #tpu.memory_space<semaphore_mem>>) src(%dma_wait3A_224 : memref<76x96xi32, #tpu.memory_space<hbm>>) dst(%arg9 : memref<76x96xi32, #tpu.memory_space<vmem>>)
      tpu.yield
    }) : () -> ()
    %mul3A = arith.constant 632 : i32
    %mul3A_2 = arith.muli %arg1, %mul3A : i32
    %mul3A_3 = arith.constant 632 : i32
    %mul3A_4 = arith.muli %arg1, %mul3A_3 : i32
    "tpu.region"() ({
      %run_scoped3A = tpu.sem_alloc : memref<!tpu.dma_semaphore, #tpu.memory_space<semaphore_mem>>
      %dma_start3A_209 = arith.constant 0 : i32
      %dma_start3A_210 = tpu.memref_slice %arg14[%mul3A_4, %dma_start3A_209] : memref<10112x112xf32, #tpu.memory_space<vmem_shared>> -> memref<632x112xf32, #tpu.memory_space<vmem_shared>>
      %dma_start3A_211 = arith.constant 0 : i32
      %dma_start3A_212 = tpu.memref_slice %arg6[%mul3A_2, %dma_start3A_211] : memref<10112x112xf32, #tpu.memory_space<hbm>> -> memref<632x112xf32, #tpu.memory_space<hbm>>
      tpu.enqueue_dma source(%dma_start3A_212 : memref<632x112xf32, #tpu.memory_space<hbm>>) target(%dma_start3A_210 : memref<632x112xf32, #tpu.memory_space<vmem_shared>>) target_semaphore(%run_scoped3A : memref<!tpu.dma_semaphore, #tpu.memory_space<semaphore_mem>>)
      %dma_wait3A_213 = arith.constant 0 : i32
      %dma_wait3A_214 = tpu.memref_slice %arg14[%mul3A_4, %dma_wait3A_213] : memref<10112x112xf32, #tpu.memory_space<vmem_shared>> -> memref<632x112xf32, #tpu.memory_space<vmem_shared>>
      %dma_wait3A_215 = arith.constant 0 : i32
      %dma_wait3A_216 = tpu.memref_slice %arg6[%mul3A_2, %dma_wait3A_215] : memref<10112x112xf32, #tpu.memory_space<hbm>> -> memref<632x112xf32, #tpu.memory_space<hbm>>
      tpu.wait_dma2 semaphore(%run_scoped3A : memref<!tpu.dma_semaphore, #tpu.memory_space<semaphore_mem>>) src(%dma_wait3A_216 : memref<632x112xf32, #tpu.memory_space<hbm>>) dst(%dma_wait3A_214 : memref<632x112xf32, #tpu.memory_space<vmem_shared>>)
      tpu.yield
    }) : () -> ()
    %iota3A = tpu.iota {dimensions = array<i32: 0>} : vector<16xi32>
    %broadcast_in_dim3A = arith.constant 0 : i32
    %broadcast_in_dim3A_5 = vector.broadcast %broadcast_in_dim3A : i32 to vector<16xi32>
    %broadcast_in_dim3A_6 = arith.constant 1 : i32
    %broadcast_in_dim3A_7 = vector.broadcast %broadcast_in_dim3A_6 : i32 to vector<16xi32>
    %broadcast_in_dim3A_8 = arith.constant 0xFF800000 : f32
    %broadcast_in_dim3A_9 = vector.broadcast %broadcast_in_dim3A_8 : f32 to vector<16xf32>
    %scan3A = arith.constant 0 : i32
    %scan3A_10 = arith.constant 625 : i32
    %scan3A_11 = arith.addi %scan3A, %scan3A_10 : i32
    %scan3A_12 = arith.constant 1 : i32
    %scan3A_13:2 = scf.for %scan3A_209 = %scan3A to %scan3A_11 step %scan3A_12 iter_args(%scan3A_210 = %broadcast_in_dim3A_9, %scan3A_211 = %broadcast_in_dim3A_9) -> (vector<16xf32>, vector<16xf32>)  : i32 {
      %mul3A_212 = arith.constant 16 : i32
      %mul3A_213 = arith.muli %scan3A_209, %mul3A_212 : i32
      %add3A_214 = vector.broadcast %mul3A_213 : i32 to vector<16xi32>
      %add3A_215 = arith.addi %add3A_214, %iota3A : vector<16xi32>
      %gather3A_216 = tpu.vector_load_idx %arg10[%broadcast_in_dim3A_5, %add3A_215] : memref<2x10000xf32, #tpu.memory_space<vmem>>[vector<16xi32>, vector<16xi32>], vector<16xf32>,
      %max3A_217 = arith.maximumf %scan3A_210, %gather3A_216 : vector<16xf32>
      %gather3A_218 = tpu.vector_load_idx %arg10[%broadcast_in_dim3A_7, %add3A_215] : memref<2x10000xf32, #tpu.memory_space<vmem>>[vector<16xi32>, vector<16xi32>], vector<16xf32>,
      %max3A_219 = arith.maximumf %scan3A_211, %gather3A_218 : vector<16xf32>
      scf.yield %max3A_217, %max3A_219 : vector<16xf32>, vector<16xf32>
    }
    %scan3A_14 = arith.constant 625 : i32
    tpu.vector_store_idx %arg11[%iota3A], %scan3A_13#0 : memref<96xf32, #tpu.memory_space<vmem>>[vector<16xi32>], vector<16xf32>,
    %add3A_15 = arith.constant 16 : i32
    %add3A_16 = vector.broadcast %add3A_15 : i32 to vector<16xi32>
    %add3A_17 = arith.addi %add3A_16, %iota3A : vector<16xi32>
    tpu.vector_store_idx %arg11[%add3A_17], %scan3A_13#1 : memref<96xf32, #tpu.memory_space<vmem>>[vector<16xi32>], vector<16xf32>,
    %broadcast_in_dim3A_18 = arith.constant 0 : i32
    %broadcast_in_dim3A_19 = vector.broadcast %broadcast_in_dim3A_18 : i32 to vector<16xi32>
    %gather3A = tpu.vector_load_idx %arg11[%broadcast_in_dim3A_19] : memref<96xf32, #tpu.memory_space<vmem>>[vector<16xi32>], vector<16xf32>,
    %max3A = arith.maximumf %broadcast_in_dim3A_9, %gather3A : vector<16xf32>
    %broadcast_in_dim3A_20 = arith.constant 16 : i32
    %broadcast_in_dim3A_21 = vector.broadcast %broadcast_in_dim3A_20 : i32 to vector<16xi32>
    %gather3A_22 = tpu.vector_load_idx %arg11[%broadcast_in_dim3A_21] : memref<96xf32, #tpu.memory_space<vmem>>[vector<16xi32>], vector<16xf32>,
    %max3A_23 = arith.maximumf %broadcast_in_dim3A_9, %gather3A_22 : vector<16xf32>
    %broadcast_in_dim3A_24 = arith.constant 1 : i32
    %broadcast_in_dim3A_25 = vector.broadcast %broadcast_in_dim3A_24 : i32 to vector<16xi32>
    %gather3A_26 = tpu.vector_load_idx %arg11[%broadcast_in_dim3A_25] : memref<96xf32, #tpu.memory_space<vmem>>[vector<16xi32>], vector<16xf32>,
    %max3A_27 = arith.maximumf %max3A, %gather3A_26 : vector<16xf32>
    %broadcast_in_dim3A_28 = arith.constant 17 : i32
    %broadcast_in_dim3A_29 = vector.broadcast %broadcast_in_dim3A_28 : i32 to vector<16xi32>
    %gather3A_30 = tpu.vector_load_idx %arg11[%broadcast_in_dim3A_29] : memref<96xf32, #tpu.memory_space<vmem>>[vector<16xi32>], vector<16xf32>,
    %max3A_31 = arith.maximumf %max3A_23, %gather3A_30 : vector<16xf32>
    %broadcast_in_dim3A_32 = arith.constant 2 : i32
    %broadcast_in_dim3A_33 = vector.broadcast %broadcast_in_dim3A_32 : i32 to vector<16xi32>
    %gather3A_34 = tpu.vector_load_idx %arg11[%broadcast_in_dim3A_33] : memref<96xf32, #tpu.memory_space<vmem>>[vector<16xi32>], vector<16xf32>,
    %max3A_35 = arith.maximumf %max3A_27, %gather3A_34 : vector<16xf32>
    %broadcast_in_dim3A_36 = arith.constant 18 : i32
    %broadcast_in_dim3A_37 = vector.broadcast %broadcast_in_dim3A_36 : i32 to vector<16xi32>
    %gather3A_38 = tpu.vector_load_idx %arg11[%broadcast_in_dim3A_37] : memref<96xf32, #tpu.memory_space<vmem>>[vector<16xi32>], vector<16xf32>,
    %max3A_39 = arith.maximumf %max3A_31, %gather3A_38 : vector<16xf32>
    %broadcast_in_dim3A_40 = arith.constant 3 : i32
    %broadcast_in_dim3A_41 = vector.broadcast %broadcast_in_dim3A_40 : i32 to vector<16xi32>
    %gather3A_42 = tpu.vector_load_idx %arg11[%broadcast_in_dim3A_41] : memref<96xf32, #tpu.memory_space<vmem>>[vector<16xi32>], vector<16xf32>,
    %max3A_43 = arith.maximumf %max3A_35, %gather3A_42 : vector<16xf32>
    %broadcast_in_dim3A_44 = arith.constant 19 : i32
    %broadcast_in_dim3A_45 = vector.broadcast %broadcast_in_dim3A_44 : i32 to vector<16xi32>
    %gather3A_46 = tpu.vector_load_idx %arg11[%broadcast_in_dim3A_45] : memref<96xf32, #tpu.memory_space<vmem>>[vector<16xi32>], vector<16xf32>,
    %max3A_47 = arith.maximumf %max3A_39, %gather3A_46 : vector<16xf32>
    %broadcast_in_dim3A_48 = arith.constant 4 : i32
    %broadcast_in_dim3A_49 = vector.broadcast %broadcast_in_dim3A_48 : i32 to vector<16xi32>
    %gather3A_50 = tpu.vector_load_idx %arg11[%broadcast_in_dim3A_49] : memref<96xf32, #tpu.memory_space<vmem>>[vector<16xi32>], vector<16xf32>,
    %max3A_51 = arith.maximumf %max3A_43, %gather3A_50 : vector<16xf32>
    %broadcast_in_dim3A_52 = arith.constant 20 : i32
    %broadcast_in_dim3A_53 = vector.broadcast %broadcast_in_dim3A_52 : i32 to vector<16xi32>
    %gather3A_54 = tpu.vector_load_idx %arg11[%broadcast_in_dim3A_53] : memref<96xf32, #tpu.memory_space<vmem>>[vector<16xi32>], vector<16xf32>,
    %max3A_55 = arith.maximumf %max3A_47, %gather3A_54 : vector<16xf32>
    %broadcast_in_dim3A_56 = arith.constant 5 : i32
    %broadcast_in_dim3A_57 = vector.broadcast %broadcast_in_dim3A_56 : i32 to vector<16xi32>
    %gather3A_58 = tpu.vector_load_idx %arg11[%broadcast_in_dim3A_57] : memref<96xf32, #tpu.memory_space<vmem>>[vector<16xi32>], vector<16xf32>,
    %max3A_59 = arith.maximumf %max3A_51, %gather3A_58 : vector<16xf32>
    %broadcast_in_dim3A_60 = arith.constant 21 : i32
    %broadcast_in_dim3A_61 = vector.broadcast %broadcast_in_dim3A_60 : i32 to vector<16xi32>
    %gather3A_62 = tpu.vector_load_idx %arg11[%broadcast_in_dim3A_61] : memref<96xf32, #tpu.memory_space<vmem>>[vector<16xi32>], vector<16xf32>,
    %max3A_63 = arith.maximumf %max3A_55, %gather3A_62 : vector<16xf32>
    %broadcast_in_dim3A_64 = arith.constant 6 : i32
    %broadcast_in_dim3A_65 = vector.broadcast %broadcast_in_dim3A_64 : i32 to vector<16xi32>
    %gather3A_66 = tpu.vector_load_idx %arg11[%broadcast_in_dim3A_65] : memref<96xf32, #tpu.memory_space<vmem>>[vector<16xi32>], vector<16xf32>,
    %max3A_67 = arith.maximumf %max3A_59, %gather3A_66 : vector<16xf32>
    %broadcast_in_dim3A_68 = arith.constant 22 : i32
    %broadcast_in_dim3A_69 = vector.broadcast %broadcast_in_dim3A_68 : i32 to vector<16xi32>
    %gather3A_70 = tpu.vector_load_idx %arg11[%broadcast_in_dim3A_69] : memref<96xf32, #tpu.memory_space<vmem>>[vector<16xi32>], vector<16xf32>,
    %max3A_71 = arith.maximumf %max3A_63, %gather3A_70 : vector<16xf32>
    %broadcast_in_dim3A_72 = arith.constant 7 : i32
    %broadcast_in_dim3A_73 = vector.broadcast %broadcast_in_dim3A_72 : i32 to vector<16xi32>
    %gather3A_74 = tpu.vector_load_idx %arg11[%broadcast_in_dim3A_73] : memref<96xf32, #tpu.memory_space<vmem>>[vector<16xi32>], vector<16xf32>,
    %max3A_75 = arith.maximumf %max3A_67, %gather3A_74 : vector<16xf32>
    %broadcast_in_dim3A_76 = arith.constant 23 : i32
    %broadcast_in_dim3A_77 = vector.broadcast %broadcast_in_dim3A_76 : i32 to vector<16xi32>
    %gather3A_78 = tpu.vector_load_idx %arg11[%broadcast_in_dim3A_77] : memref<96xf32, #tpu.memory_space<vmem>>[vector<16xi32>], vector<16xf32>,
    %max3A_79 = arith.maximumf %max3A_71, %gather3A_78 : vector<16xf32>
    %broadcast_in_dim3A_80 = arith.constant 8 : i32
    %broadcast_in_dim3A_81 = vector.broadcast %broadcast_in_dim3A_80 : i32 to vector<16xi32>
    %gather3A_82 = tpu.vector_load_idx %arg11[%broadcast_in_dim3A_81] : memref<96xf32, #tpu.memory_space<vmem>>[vector<16xi32>], vector<16xf32>,
    %max3A_83 = arith.maximumf %max3A_75, %gather3A_82 : vector<16xf32>
    %broadcast_in_dim3A_84 = arith.constant 24 : i32
    %broadcast_in_dim3A_85 = vector.broadcast %broadcast_in_dim3A_84 : i32 to vector<16xi32>
    %gather3A_86 = tpu.vector_load_idx %arg11[%broadcast_in_dim3A_85] : memref<96xf32, #tpu.memory_space<vmem>>[vector<16xi32>], vector<16xf32>,
    %max3A_87 = arith.maximumf %max3A_79, %gather3A_86 : vector<16xf32>
    %broadcast_in_dim3A_88 = arith.constant 9 : i32
    %broadcast_in_dim3A_89 = vector.broadcast %broadcast_in_dim3A_88 : i32 to vector<16xi32>
    %gather3A_90 = tpu.vector_load_idx %arg11[%broadcast_in_dim3A_89] : memref<96xf32, #tpu.memory_space<vmem>>[vector<16xi32>], vector<16xf32>,
    %max3A_91 = arith.maximumf %max3A_83, %gather3A_90 : vector<16xf32>
    %broadcast_in_dim3A_92 = arith.constant 25 : i32
    %broadcast_in_dim3A_93 = vector.broadcast %broadcast_in_dim3A_92 : i32 to vector<16xi32>
    %gather3A_94 = tpu.vector_load_idx %arg11[%broadcast_in_dim3A_93] : memref<96xf32, #tpu.memory_space<vmem>>[vector<16xi32>], vector<16xf32>,
    %max3A_95 = arith.maximumf %max3A_87, %gather3A_94 : vector<16xf32>
    %broadcast_in_dim3A_96 = arith.constant 10 : i32
    %broadcast_in_dim3A_97 = vector.broadcast %broadcast_in_dim3A_96 : i32 to vector<16xi32>
    %gather3A_98 = tpu.vector_load_idx %arg11[%broadcast_in_dim3A_97] : memref<96xf32, #tpu.memory_space<vmem>>[vector<16xi32>], vector<16xf32>,
    %max3A_99 = arith.maximumf %max3A_91, %gather3A_98 : vector<16xf32>
    %broadcast_in_dim3A_100 = arith.constant 26 : i32
    %broadcast_in_dim3A_101 = vector.broadcast %broadcast_in_dim3A_100 : i32 to vector<16xi32>
    %gather3A_102 = tpu.vector_load_idx %arg11[%broadcast_in_dim3A_101] : memref<96xf32, #tpu.memory_space<vmem>>[vector<16xi32>], vector<16xf32>,
    %max3A_103 = arith.maximumf %max3A_95, %gather3A_102 : vector<16xf32>
    %broadcast_in_dim3A_104 = arith.constant 11 : i32
    %broadcast_in_dim3A_105 = vector.broadcast %broadcast_in_dim3A_104 : i32 to vector<16xi32>
    %gather3A_106 = tpu.vector_load_idx %arg11[%broadcast_in_dim3A_105] : memref<96xf32, #tpu.memory_space<vmem>>[vector<16xi32>], vector<16xf32>,
    %max3A_107 = arith.maximumf %max3A_99, %gather3A_106 : vector<16xf32>
    %broadcast_in_dim3A_108 = arith.constant 27 : i32
    %broadcast_in_dim3A_109 = vector.broadcast %broadcast_in_dim3A_108 : i32 to vector<16xi32>
    %gather3A_110 = tpu.vector_load_idx %arg11[%broadcast_in_dim3A_109] : memref<96xf32, #tpu.memory_space<vmem>>[vector<16xi32>], vector<16xf32>,
    %max3A_111 = arith.maximumf %max3A_103, %gather3A_110 : vector<16xf32>
    %broadcast_in_dim3A_112 = arith.constant 12 : i32
    %broadcast_in_dim3A_113 = vector.broadcast %broadcast_in_dim3A_112 : i32 to vector<16xi32>
    %gather3A_114 = tpu.vector_load_idx %arg11[%broadcast_in_dim3A_113] : memref<96xf32, #tpu.memory_space<vmem>>[vector<16xi32>], vector<16xf32>,
    %max3A_115 = arith.maximumf %max3A_107, %gather3A_114 : vector<16xf32>
    %broadcast_in_dim3A_116 = arith.constant 28 : i32
    %broadcast_in_dim3A_117 = vector.broadcast %broadcast_in_dim3A_116 : i32 to vector<16xi32>
    %gather3A_118 = tpu.vector_load_idx %arg11[%broadcast_in_dim3A_117] : memref<96xf32, #tpu.memory_space<vmem>>[vector<16xi32>], vector<16xf32>,
    %max3A_119 = arith.maximumf %max3A_111, %gather3A_118 : vector<16xf32>
    %broadcast_in_dim3A_120 = arith.constant 13 : i32
    %broadcast_in_dim3A_121 = vector.broadcast %broadcast_in_dim3A_120 : i32 to vector<16xi32>
    %gather3A_122 = tpu.vector_load_idx %arg11[%broadcast_in_dim3A_121] : memref<96xf32, #tpu.memory_space<vmem>>[vector<16xi32>], vector<16xf32>,
    %max3A_123 = arith.maximumf %max3A_115, %gather3A_122 : vector<16xf32>
    %broadcast_in_dim3A_124 = arith.constant 29 : i32
    %broadcast_in_dim3A_125 = vector.broadcast %broadcast_in_dim3A_124 : i32 to vector<16xi32>
    %gather3A_126 = tpu.vector_load_idx %arg11[%broadcast_in_dim3A_125] : memref<96xf32, #tpu.memory_space<vmem>>[vector<16xi32>], vector<16xf32>,
    %max3A_127 = arith.maximumf %max3A_119, %gather3A_126 : vector<16xf32>
    %broadcast_in_dim3A_128 = arith.constant 14 : i32
    %broadcast_in_dim3A_129 = vector.broadcast %broadcast_in_dim3A_128 : i32 to vector<16xi32>
    %gather3A_130 = tpu.vector_load_idx %arg11[%broadcast_in_dim3A_129] : memref<96xf32, #tpu.memory_space<vmem>>[vector<16xi32>], vector<16xf32>,
    %max3A_131 = arith.maximumf %max3A_123, %gather3A_130 : vector<16xf32>
    %broadcast_in_dim3A_132 = arith.constant 30 : i32
    %broadcast_in_dim3A_133 = vector.broadcast %broadcast_in_dim3A_132 : i32 to vector<16xi32>
    %gather3A_134 = tpu.vector_load_idx %arg11[%broadcast_in_dim3A_133] : memref<96xf32, #tpu.memory_space<vmem>>[vector<16xi32>], vector<16xf32>,
    %max3A_135 = arith.maximumf %max3A_127, %gather3A_134 : vector<16xf32>
    %broadcast_in_dim3A_136 = arith.constant 15 : i32
    %broadcast_in_dim3A_137 = vector.broadcast %broadcast_in_dim3A_136 : i32 to vector<16xi32>
    %gather3A_138 = tpu.vector_load_idx %arg11[%broadcast_in_dim3A_137] : memref<96xf32, #tpu.memory_space<vmem>>[vector<16xi32>], vector<16xf32>,
    %max3A_139 = arith.maximumf %max3A_131, %gather3A_138 : vector<16xf32>
    %broadcast_in_dim3A_140 = arith.constant 31 : i32
    %broadcast_in_dim3A_141 = vector.broadcast %broadcast_in_dim3A_140 : i32 to vector<16xi32>
    %gather3A_142 = tpu.vector_load_idx %arg11[%broadcast_in_dim3A_141] : memref<96xf32, #tpu.memory_space<vmem>>[vector<16xi32>], vector<16xf32>,
    %max3A_143 = arith.maximumf %max3A_135, %gather3A_142 : vector<16xf32>
    %add3A_144 = arith.addf %max3A_139, %max3A_143 : vector<16xf32>
    %mul3A_145 = arith.constant 2.000000e-01 : f32
    %mul3A_146 = vector.broadcast %mul3A_145 : f32 to vector<16xf32>
    %mul3A_147 = arith.mulf %mul3A_146, %add3A_144 : vector<16xf32>
    %max3A_148 = arith.maximumf %add3A_144, %mul3A_147 : vector<16xf32>
    %barrier3A = arith.constant 0 : index
    tpu.barrier barrier_id(%barrier3A)
    %eq3A_149 = arith.constant 0 : i32
    %eq3A_150 = arith.cmpi eq, %arg0, %eq3A_149 : i32
    %mul3A_151 = arith.constant 7296 : i32
    %mul3A_152 = arith.muli %arg1, %mul3A_151 : i32
    %mul3A_153 = arith.constant 3456 : i32
    %mul3A_154 = arith.muli %arg1, %mul3A_153 : i32
    %add3A_155 = arith.constant 116736 : i32
    %add3A_156 = arith.addi %add3A_155, %mul3A_154 : i32
    %select_n3A_157 = arith.select %eq3A_150, %mul3A_152, %add3A_156 : i32
    %eq3A_158 = arith.constant 0 : i32
    %eq3A_159 = arith.cmpi eq, %arg0, %eq3A_158 : i32
    %select_n3A_160 = arith.constant 36 : i32
    %select_n3A_161 = arith.constant 76 : i32
    %select_n3A_162 = arith.select %eq3A_159, %select_n3A_161, %select_n3A_160 : i32
    %dma_start3A = arith.constant 0 : i32
    %dma_start3A_163 = arith.constant 0 : i32
    %dma_start3A_164 = tpu.memref_slice %arg8[%dma_start3A, %dma_start3A_163] : memref<76x96xi32, #tpu.memory_space<vmem>> -> memref<1x96xi32, #tpu.memory_space<vmem>>
    %dma_start3A_165 = tpu.memref_squeeze %dma_start3A_164 : memref<1x96xi32, #tpu.memory_space<vmem>> -> memref<96xi32, #tpu.memory_space<vmem>>
    %dma_start3A_166 = arith.constant 0 : i32
    %dma_start3A_167 = arith.constant 0 : i32
    %dma_start3A_168 = tpu.memref_slice %arg2[%dma_start3A_166, %dma_start3A_167] : memref<10000x112xf32, #tpu.memory_space<hbm>> -> memref<10000x112xf32, #tpu.memory_space<hbm>>
    tpu.enqueue_indirect_dma source(%dma_start3A_168 : memref<10000x112xf32, #tpu.memory_space<hbm>>) target(%arg12 : memref<96x112xf32, #tpu.memory_space<vmem>>) offsets(%dma_start3A_165 : memref<96xi32, #tpu.memory_space<vmem>>) semaphore(%arg15 : memref<!tpu.dma_semaphore, #tpu.memory_space<semaphore_mem>>)
    %jit3A = arith.constant 2 : i32
    %div3A = arith.divsi %select_n3A_162, %jit3A : i32
    %sign3A = arith.constant 0 : i32
    %sign3A_169 = arith.cmpi sgt, %select_n3A_162, %sign3A : i32
    %sign3A_170 = arith.extui %sign3A_169 : i1 to i32
    %sign3A_171 = arith.constant 0 : i32
    %sign3A_172 = arith.cmpi slt, %select_n3A_162, %sign3A_171 : i32
    %sign3A_173 = arith.extui %sign3A_172 : i1 to i32
    %sign3A_174 = arith.subi %sign3A_170, %sign3A_173 : i32
    %sign3A_175 = arith.constant 0 : i32
    %sign3A_176 = arith.cmpi sgt, %jit3A, %sign3A_175 : i32
    %sign3A_177 = arith.extui %sign3A_176 : i1 to i32
    %sign3A_178 = arith.constant 0 : i32
    %sign3A_179 = arith.cmpi slt, %jit3A, %sign3A_178 : i32
    %sign3A_180 = arith.extui %sign3A_179 : i1 to i32
    %sign3A_181 = arith.subi %sign3A_177, %sign3A_180 : i32
    %ne3A = arith.cmpi ne, %sign3A_174, %sign3A_181 : i32
    %rem3A = arith.remsi %select_n3A_162, %jit3A : i32
    %ne3A_182 = arith.constant 0 : i32
    %ne3A_183 = arith.cmpi ne, %rem3A, %ne3A_182 : i32
    %and3A = arith.andi %ne3A, %ne3A_183 : i1
    %sub3A = arith.constant 1 : i32
    %sub3A_184 = arith.subi %div3A, %sub3A : i32
    %select_n3A_185 = arith.select %and3A, %sub3A_184, %div3A : i32
    %while3A = arith.constant 0 : i32
    %while3A_186 = arith.constant 0 : i32
    %while3A_187 = arith.subi %select_n3A_185, %while3A : i32
    %while3A_188 = arith.addi %while3A, %while3A_187 : i32
    %while3A_189 = arith.constant 1 : i32
    %while3A_190 = arith.divsi %while3A_187, %while3A_189 : i32
    %while3A_191 = arith.muli %while3A_190, %while3A_189 : i32
    %while3A_192 = arith.addi %while3A, %while3A_191 : i32
    %while3A_193 = arith.constant 1 : i32
    %while3A_194 = scf.for %while3A_209 = %while3A to %while3A_192 step %while3A_193 iter_args(%while3A_210 = %while3A_186) -> (i32)  : i32 {
      %mul3A_211 = arith.constant 2 : i32
      %mul3A_212 = arith.muli %mul3A_211, %while3A_209 : i32
      %add3A_213 = arith.constant 0 : i32
      %add3A_214 = arith.addi %mul3A_212, %add3A_213 : i32
      %broadcast_in_dim3A_215 = vector.broadcast %add3A_214 : i32 to vector<16xi32>
      %add3A_216 = arith.constant 0 : i32
      %add3A_217 = vector.broadcast %add3A_216 : i32 to vector<16xi32>
      %add3A_218 = arith.addi %add3A_217, %iota3A : vector<16xi32>
      %gather3A_219 = tpu.vector_load_idx %arg8[%broadcast_in_dim3A_215, %add3A_218] : memref<76x96xi32, #tpu.memory_space<vmem>>[vector<16xi32>, vector<16xi32>], vector<16xi32>,
      %add3A_220 = arith.constant 0 : i32
      %add3A_221 = vector.broadcast %add3A_220 : i32 to vector<16xi32>
      %add3A_222 = arith.addi %add3A_221, %iota3A : vector<16xi32>
      %gather3A_223 = tpu.vector_load_idx %arg9[%broadcast_in_dim3A_215, %add3A_222] : memref<76x96xi32, #tpu.memory_space<vmem>>[vector<16xi32>, vector<16xi32>], vector<16xi32>,
      %gather3A_224 = tpu.vector_load_idx %arg10[%broadcast_in_dim3A_5, %gather3A_219] : memref<2x10000xf32, #tpu.memory_space<vmem>>[vector<16xi32>, vector<16xi32>], vector<16xf32>,
      %gather3A_225 = tpu.vector_load_idx %arg10[%broadcast_in_dim3A_7, %gather3A_223] : memref<2x10000xf32, #tpu.memory_space<vmem>>[vector<16xi32>, vector<16xi32>], vector<16xf32>,
      %add3A_226 = arith.addf %gather3A_224, %gather3A_225 : vector<16xf32>
      %mul3A_227 = arith.constant 2.000000e-01 : f32
      %mul3A_228 = vector.broadcast %mul3A_227 : f32 to vector<16xf32>
      %mul3A_229 = arith.mulf %mul3A_228, %add3A_226 : vector<16xf32>
      %max3A_230 = arith.maximumf %add3A_226, %mul3A_229 : vector<16xf32>
      %sub3A_231 = arith.subf %max3A_230, %max3A_148 : vector<16xf32>
      %exp3A = math.exp %sub3A_231 : vector<16xf32>
      %mul3A_232 = arith.constant 96 : i32
      %mul3A_233 = arith.muli %add3A_214, %mul3A_232 : i32
      %add3A_234 = arith.addi %select_n3A_157, %mul3A_233 : i32
      %add3A_235 = arith.constant 0 : i32
      %add3A_236 = arith.addi %add3A_234, %add3A_235 : i32
      %add3A_237 = vector.broadcast %add3A_236 : i32 to vector<16xi32>
      %add3A_238 = arith.addi %add3A_237, %iota3A : vector<16xi32>
      %add3A_239 = arith.constant 0 : i32
      %add3A_240 = vector.broadcast %add3A_239 : i32 to vector<16xi32>
      %add3A_241 = arith.addi %add3A_240, %iota3A : vector<16xi32>
      %lt3A = arith.constant 170000 : i32
      %lt3A_242 = vector.broadcast %lt3A : i32 to vector<16xi32>
      %lt3A_243 = arith.cmpi slt, %add3A_238, %lt3A_242 : vector<16xi32>
      %jit3A_244 = arith.constant 0.000000e+00 : f32
      %broadcast_in_dim3A_245 = vector.broadcast %jit3A_244 : f32 to vector<16xf32>
      %select_n3A_246 = arith.select %lt3A_243, %exp3A, %broadcast_in_dim3A_245 : vector<16xi1>, vector<16xf32>
      tpu.vector_store_idx %arg11[%add3A_241], %select_n3A_246 : memref<96xf32, #tpu.memory_space<vmem>>[vector<16xi32>], vector<16xf32>,
      %add3A_247 = arith.constant 16 : i32
      %add3A_248 = vector.broadcast %add3A_247 : i32 to vector<16xi32>
      %add3A_249 = arith.addi %add3A_248, %iota3A : vector<16xi32>
      %gather3A_250 = tpu.vector_load_idx %arg8[%broadcast_in_dim3A_215, %add3A_249] : memref<76x96xi32, #tpu.memory_space<vmem>>[vector<16xi32>, vector<16xi32>], vector<16xi32>,
      %add3A_251 = arith.constant 16 : i32
      %add3A_252 = vector.broadcast %add3A_251 : i32 to vector<16xi32>
      %add3A_253 = arith.addi %add3A_252, %iota3A : vector<16xi32>
      %gather3A_254 = tpu.vector_load_idx %arg9[%broadcast_in_dim3A_215, %add3A_253] : memref<76x96xi32, #tpu.memory_space<vmem>>[vector<16xi32>, vector<16xi32>], vector<16xi32>,
      %gather3A_255 = tpu.vector_load_idx %arg10[%broadcast_in_dim3A_5, %gather3A_250] : memref<2x10000xf32, #tpu.memory_space<vmem>>[vector<16xi32>, vector<16xi32>], vector<16xf32>,
      %gather3A_256 = tpu.vector_load_idx %arg10[%broadcast_in_dim3A_7, %gather3A_254] : memref<2x10000xf32, #tpu.memory_space<vmem>>[vector<16xi32>, vector<16xi32>], vector<16xf32>,
      %add3A_257 = arith.addf %gather3A_255, %gather3A_256 : vector<16xf32>
      %mul3A_258 = arith.constant 2.000000e-01 : f32
      %mul3A_259 = vector.broadcast %mul3A_258 : f32 to vector<16xf32>
      %mul3A_260 = arith.mulf %mul3A_259, %add3A_257 : vector<16xf32>
      %max3A_261 = arith.maximumf %add3A_257, %mul3A_260 : vector<16xf32>
      %sub3A_262 = arith.subf %max3A_261, %max3A_148 : vector<16xf32>
      %exp3A_263 = math.exp %sub3A_262 : vector<16xf32>
      %mul3A_264 = arith.constant 96 : i32
      %mul3A_265 = arith.muli %add3A_214, %mul3A_264 : i32
      %add3A_266 = arith.addi %select_n3A_157, %mul3A_265 : i32
      %add3A_267 = arith.constant 16 : i32
      %add3A_268 = arith.addi %add3A_266, %add3A_267 : i32
      %add3A_269 = vector.broadcast %add3A_268 : i32 to vector<16xi32>
      %add3A_270 = arith.addi %add3A_269, %iota3A : vector<16xi32>
      %add3A_271 = arith.constant 16 : i32
      %add3A_272 = vector.broadcast %add3A_271 : i32 to vector<16xi32>
      %add3A_273 = arith.addi %add3A_272, %iota3A : vector<16xi32>
      %lt3A_274 = arith.constant 170000 : i32
      %lt3A_275 = vector.broadcast %lt3A_274 : i32 to vector<16xi32>
      %lt3A_276 = arith.cmpi slt, %add3A_270, %lt3A_275 : vector<16xi32>
      %jit3A_277 = arith.constant 0.000000e+00 : f32
      %broadcast_in_dim3A_278 = vector.broadcast %jit3A_277 : f32 to vector<16xf32>
      %select_n3A_279 = arith.select %lt3A_276, %exp3A_263, %broadcast_in_dim3A_278 : vector<16xi1>, vector<16xf32>
      tpu.vector_store_idx %arg11[%add3A_273], %select_n3A_279 : memref<96xf32, #tpu.memory_space<vmem>>[vector<16xi32>], vector<16xf32>,
      %add3A_280 = arith.constant 32 : i32
      %add3A_281 = vector.broadcast %add3A_280 : i32 to vector<16xi32>
      %add3A_282 = arith.addi %add3A_281, %iota3A : vector<16xi32>
      %gather3A_283 = tpu.vector_load_idx %arg8[%broadcast_in_dim3A_215, %add3A_282] : memref<76x96xi32, #tpu.memory_space<vmem>>[vector<16xi32>, vector<16xi32>], vector<16xi32>,
      %add3A_284 = arith.constant 32 : i32
      %add3A_285 = vector.broadcast %add3A_284 : i32 to vector<16xi32>
      %add3A_286 = arith.addi %add3A_285, %iota3A : vector<16xi32>
      %gather3A_287 = tpu.vector_load_idx %arg9[%broadcast_in_dim3A_215, %add3A_286] : memref<76x96xi32, #tpu.memory_space<vmem>>[vector<16xi32>, vector<16xi32>], vector<16xi32>,
      %gather3A_288 = tpu.vector_load_idx %arg10[%broadcast_in_dim3A_5, %gather3A_283] : memref<2x10000xf32, #tpu.memory_space<vmem>>[vector<16xi32>, vector<16xi32>], vector<16xf32>,
      %gather3A_289 = tpu.vector_load_idx %arg10[%broadcast_in_dim3A_7, %gather3A_287] : memref<2x10000xf32, #tpu.memory_space<vmem>>[vector<16xi32>, vector<16xi32>], vector<16xf32>,
      %add3A_290 = arith.addf %gather3A_288, %gather3A_289 : vector<16xf32>
      %mul3A_291 = arith.constant 2.000000e-01 : f32
      %mul3A_292 = vector.broadcast %mul3A_291 : f32 to vector<16xf32>
      %mul3A_293 = arith.mulf %mul3A_292, %add3A_290 : vector<16xf32>
      %max3A_294 = arith.maximumf %add3A_290, %mul3A_293 : vector<16xf32>
      %sub3A_295 = arith.subf %max3A_294, %max3A_148 : vector<16xf32>
      %exp3A_296 = math.exp %sub3A_295 : vector<16xf32>
      %mul3A_297 = arith.constant 96 : i32
      %mul3A_298 = arith.muli %add3A_214, %mul3A_297 : i32
      %add3A_299 = arith.addi %select_n3A_157, %mul3A_298 : i32
      %add3A_300 = arith.constant 32 : i32
      %add3A_301 = arith.addi %add3A_299, %add3A_300 : i32
      %add3A_302 = vector.broadcast %add3A_301 : i32 to vector<16xi32>
      %add3A_303 = arith.addi %add3A_302, %iota3A : vector<16xi32>
      %add3A_304 = arith.constant 32 : i32
      %add3A_305 = vector.broadcast %add3A_304 : i32 to vector<16xi32>
      %add3A_306 = arith.addi %add3A_305, %iota3A : vector<16xi32>
      %lt3A_307 = arith.constant 170000 : i32
      %lt3A_308 = vector.broadcast %lt3A_307 : i32 to vector<16xi32>
      %lt3A_309 = arith.cmpi slt, %add3A_303, %lt3A_308 : vector<16xi32>
      %jit3A_310 = arith.constant 0.000000e+00 : f32
      %broadcast_in_dim3A_311 = vector.broadcast %jit3A_310 : f32 to vector<16xf32>
      %select_n3A_312 = arith.select %lt3A_309, %exp3A_296, %broadcast_in_dim3A_311 : vector<16xi1>, vector<16xf32>
      tpu.vector_store_idx %arg11[%add3A_306], %select_n3A_312 : memref<96xf32, #tpu.memory_space<vmem>>[vector<16xi32>], vector<16xf32>,
      %add3A_313 = arith.constant 48 : i32
      %add3A_314 = vector.broadcast %add3A_313 : i32 to vector<16xi32>
      %add3A_315 = arith.addi %add3A_314, %iota3A : vector<16xi32>
      %gather3A_316 = tpu.vector_load_idx %arg8[%broadcast_in_dim3A_215, %add3A_315] : memref<76x96xi32, #tpu.memory_space<vmem>>[vector<16xi32>, vector<16xi32>], vector<16xi32>,
      %add3A_317 = arith.constant 48 : i32
      %add3A_318 = vector.broadcast %add3A_317 : i32 to vector<16xi32>
      %add3A_319 = arith.addi %add3A_318, %iota3A : vector<16xi32>
      %gather3A_320 = tpu.vector_load_idx %arg9[%broadcast_in_dim3A_215, %add3A_319] : memref<76x96xi32, #tpu.memory_space<vmem>>[vector<16xi32>, vector<16xi32>], vector<16xi32>,
      %gather3A_321 = tpu.vector_load_idx %arg10[%broadcast_in_dim3A_5, %gather3A_316] : memref<2x10000xf32, #tpu.memory_space<vmem>>[vector<16xi32>, vector<16xi32>], vector<16xf32>,
      %gather3A_322 = tpu.vector_load_idx %arg10[%broadcast_in_dim3A_7, %gather3A_320] : memref<2x10000xf32, #tpu.memory_space<vmem>>[vector<16xi32>, vector<16xi32>], vector<16xf32>,
      %add3A_323 = arith.addf %gather3A_321, %gather3A_322 : vector<16xf32>
      %mul3A_324 = arith.constant 2.000000e-01 : f32
      %mul3A_325 = vector.broadcast %mul3A_324 : f32 to vector<16xf32>
      %mul3A_326 = arith.mulf %mul3A_325, %add3A_323 : vector<16xf32>
      %max3A_327 = arith.maximumf %add3A_323, %mul3A_326 : vector<16xf32>
      %sub3A_328 = arith.subf %max3A_327, %max3A_148 : vector<16xf32>
      %exp3A_329 = math.exp %sub3A_328 : vector<16xf32>
      %mul3A_330 = arith.constant 96 : i32
      %mul3A_331 = arith.muli %add3A_214, %mul3A_330 : i32
      %add3A_332 = arith.addi %select_n3A_157, %mul3A_331 : i32
      %add3A_333 = arith.constant 48 : i32
      %add3A_334 = arith.addi %add3A_332, %add3A_333 : i32
      %add3A_335 = vector.broadcast %add3A_334 : i32 to vector<16xi32>
      %add3A_336 = arith.addi %add3A_335, %iota3A : vector<16xi32>
      %add3A_337 = arith.constant 48 : i32
      %add3A_338 = vector.broadcast %add3A_337 : i32 to vector<16xi32>
      %add3A_339 = arith.addi %add3A_338, %iota3A : vector<16xi32>
      %lt3A_340 = arith.constant 170000 : i32
      %lt3A_341 = vector.broadcast %lt3A_340 : i32 to vector<16xi32>
      %lt3A_342 = arith.cmpi slt, %add3A_336, %lt3A_341 : vector<16xi32>
      %jit3A_343 = arith.constant 0.000000e+00 : f32
      %broadcast_in_dim3A_344 = vector.broadcast %jit3A_343 : f32 to vector<16xf32>
      %select_n3A_345 = arith.select %lt3A_342, %exp3A_329, %broadcast_in_dim3A_344 : vector<16xi1>, vector<16xf32>
      tpu.vector_store_idx %arg11[%add3A_339], %select_n3A_345 : memref<96xf32, #tpu.memory_space<vmem>>[vector<16xi32>], vector<16xf32>,
      %add3A_346 = arith.constant 64 : i32
      %add3A_347 = vector.broadcast %add3A_346 : i32 to vector<16xi32>
      %add3A_348 = arith.addi %add3A_347, %iota3A : vector<16xi32>
      %gather3A_349 = tpu.vector_load_idx %arg8[%broadcast_in_dim3A_215, %add3A_348] : memref<76x96xi32, #tpu.memory_space<vmem>>[vector<16xi32>, vector<16xi32>], vector<16xi32>,
      %add3A_350 = arith.constant 64 : i32
      %add3A_351 = vector.broadcast %add3A_350 : i32 to vector<16xi32>
      %add3A_352 = arith.addi %add3A_351, %iota3A : vector<16xi32>
      %gather3A_353 = tpu.vector_load_idx %arg9[%broadcast_in_dim3A_215, %add3A_352] : memref<76x96xi32, #tpu.memory_space<vmem>>[vector<16xi32>, vector<16xi32>], vector<16xi32>,
      %gather3A_354 = tpu.vector_load_idx %arg10[%broadcast_in_dim3A_5, %gather3A_349] : memref<2x10000xf32, #tpu.memory_space<vmem>>[vector<16xi32>, vector<16xi32>], vector<16xf32>,
      %gather3A_355 = tpu.vector_load_idx %arg10[%broadcast_in_dim3A_7, %gather3A_353] : memref<2x10000xf32, #tpu.memory_space<vmem>>[vector<16xi32>, vector<16xi32>], vector<16xf32>,
      %add3A_356 = arith.addf %gather3A_354, %gather3A_355 : vector<16xf32>
      %mul3A_357 = arith.constant 2.000000e-01 : f32
      %mul3A_358 = vector.broadcast %mul3A_357 : f32 to vector<16xf32>
      %mul3A_359 = arith.mulf %mul3A_358, %add3A_356 : vector<16xf32>
      %max3A_360 = arith.maximumf %add3A_356, %mul3A_359 : vector<16xf32>
      %sub3A_361 = arith.subf %max3A_360, %max3A_148 : vector<16xf32>
      %exp3A_362 = math.exp %sub3A_361 : vector<16xf32>
      %mul3A_363 = arith.constant 96 : i32
      %mul3A_364 = arith.muli %add3A_214, %mul3A_363 : i32
      %add3A_365 = arith.addi %select_n3A_157, %mul3A_364 : i32
      %add3A_366 = arith.constant 64 : i32
      %add3A_367 = arith.addi %add3A_365, %add3A_366 : i32
      %add3A_368 = vector.broadcast %add3A_367 : i32 to vector<16xi32>
      %add3A_369 = arith.addi %add3A_368, %iota3A : vector<16xi32>
      %add3A_370 = arith.constant 64 : i32
      %add3A_371 = vector.broadcast %add3A_370 : i32 to vector<16xi32>
      %add3A_372 = arith.addi %add3A_371, %iota3A : vector<16xi32>
      %lt3A_373 = arith.constant 170000 : i32
      %lt3A_374 = vector.broadcast %lt3A_373 : i32 to vector<16xi32>
      %lt3A_375 = arith.cmpi slt, %add3A_369, %lt3A_374 : vector<16xi32>
      %jit3A_376 = arith.constant 0.000000e+00 : f32
      %broadcast_in_dim3A_377 = vector.broadcast %jit3A_376 : f32 to vector<16xf32>
      %select_n3A_378 = arith.select %lt3A_375, %exp3A_362, %broadcast_in_dim3A_377 : vector<16xi1>, vector<16xf32>
      tpu.vector_store_idx %arg11[%add3A_372], %select_n3A_378 : memref<96xf32, #tpu.memory_space<vmem>>[vector<16xi32>], vector<16xf32>,
      %add3A_379 = arith.constant 80 : i32
      %add3A_380 = vector.broadcast %add3A_379 : i32 to vector<16xi32>
      %add3A_381 = arith.addi %add3A_380, %iota3A : vector<16xi32>
      %gather3A_382 = tpu.vector_load_idx %arg8[%broadcast_in_dim3A_215, %add3A_381] : memref<76x96xi32, #tpu.memory_space<vmem>>[vector<16xi32>, vector<16xi32>], vector<16xi32>,
      %add3A_383 = arith.constant 80 : i32
      %add3A_384 = vector.broadcast %add3A_383 : i32 to vector<16xi32>
      %add3A_385 = arith.addi %add3A_384, %iota3A : vector<16xi32>
      %gather3A_386 = tpu.vector_load_idx %arg9[%broadcast_in_dim3A_215, %add3A_385] : memref<76x96xi32, #tpu.memory_space<vmem>>[vector<16xi32>, vector<16xi32>], vector<16xi32>,
      %gather3A_387 = tpu.vector_load_idx %arg10[%broadcast_in_dim3A_5, %gather3A_382] : memref<2x10000xf32, #tpu.memory_space<vmem>>[vector<16xi32>, vector<16xi32>], vector<16xf32>,
      %gather3A_388 = tpu.vector_load_idx %arg10[%broadcast_in_dim3A_7, %gather3A_386] : memref<2x10000xf32, #tpu.memory_space<vmem>>[vector<16xi32>, vector<16xi32>], vector<16xf32>,
      %add3A_389 = arith.addf %gather3A_387, %gather3A_388 : vector<16xf32>
      %mul3A_390 = arith.constant 2.000000e-01 : f32
      %mul3A_391 = vector.broadcast %mul3A_390 : f32 to vector<16xf32>
      %mul3A_392 = arith.mulf %mul3A_391, %add3A_389 : vector<16xf32>
      %max3A_393 = arith.maximumf %add3A_389, %mul3A_392 : vector<16xf32>
      %sub3A_394 = arith.subf %max3A_393, %max3A_148 : vector<16xf32>
      %exp3A_395 = math.exp %sub3A_394 : vector<16xf32>
      %mul3A_396 = arith.constant 96 : i32
      %mul3A_397 = arith.muli %add3A_214, %mul3A_396 : i32
      %add3A_398 = arith.addi %select_n3A_157, %mul3A_397 : i32
      %add3A_399 = arith.constant 80 : i32
      %add3A_400 = arith.addi %add3A_398, %add3A_399 : i32
      %add3A_401 = vector.broadcast %add3A_400 : i32 to vector<16xi32>
      %add3A_402 = arith.addi %add3A_401, %iota3A : vector<16xi32>
      %add3A_403 = arith.constant 80 : i32
      %add3A_404 = vector.broadcast %add3A_403 : i32 to vector<16xi32>
      %add3A_405 = arith.addi %add3A_404, %iota3A : vector<16xi32>
      %lt3A_406 = arith.constant 170000 : i32
      %lt3A_407 = vector.broadcast %lt3A_406 : i32 to vector<16xi32>
      %lt3A_408 = arith.cmpi slt, %add3A_402, %lt3A_407 : vector<16xi32>
      %jit3A_409 = arith.constant 0.000000e+00 : f32
      %broadcast_in_dim3A_410 = vector.broadcast %jit3A_409 : f32 to vector<16xf32>
      %select_n3A_411 = arith.select %lt3A_408, %exp3A_395, %broadcast_in_dim3A_410 : vector<16xi1>, vector<16xf32>
      tpu.vector_store_idx %arg11[%add3A_405], %select_n3A_411 : memref<96xf32, #tpu.memory_space<vmem>>[vector<16xi32>], vector<16xf32>,
      %ge3A = arith.constant 1 : i32
      %ge3A_412 = arith.cmpi sge, %add3A_214, %ge3A : i32
      %convert_element_type3A = arith.extui %ge3A_412 : i1 to i32
      %cond3A = arith.constant 0 : i32
      %cond3A_413 = arith.cmpi ne, %convert_element_type3A, %cond3A : i32
      scf.if %cond3A_413 {
        %sub3A_664 = arith.constant 1 : i32
        %sub3A_665 = arith.subi %add3A_214, %sub3A_664 : i32
        %dma_wait3A_666 = arith.constant 0 : i32
        %dma_wait3A_667 = tpu.memref_slice %arg9[%sub3A_665, %dma_wait3A_666] : memref<76x96xi32, #tpu.memory_space<vmem>> -> memref<1x96xi32, #tpu.memory_space<vmem>>
        %dma_wait3A_668 = tpu.memref_squeeze %dma_wait3A_667 : memref<1x96xi32, #tpu.memory_space<vmem>> -> memref<96xi32, #tpu.memory_space<vmem>>
        %dma_wait3A_669 = arith.constant 0 : i32
        %dma_wait3A_670 = arith.constant 0 : i32
        %dma_wait3A_671 = tpu.memref_slice %arg14[%dma_wait3A_669, %dma_wait3A_670] : memref<10112x112xf32, #tpu.memory_space<vmem_shared>> -> memref<10112x112xf32, #tpu.memory_space<vmem_shared>>
        tpu.wait_indirect_dma semaphore(%arg18 : memref<!tpu.dma_semaphore, #tpu.memory_space<semaphore_mem>>) src(%arg13 : memref<96x112xf32, #tpu.memory_space<vmem>>) dst(%dma_wait3A_671 : memref<10112x112xf32, #tpu.memory_space<vmem_shared>>)
      } else {
      }
      %add3A_414 = arith.constant 1 : i32
      %add3A_415 = arith.addi %add3A_214, %add3A_414 : i32
      %lt3A_416 = arith.cmpi slt, %add3A_415, %select_n3A_162 : i32
      %convert_element_type3A_417 = arith.extui %lt3A_416 : i1 to i32
      %cond3A_418 = arith.constant 0 : i32
      %cond3A_419 = arith.cmpi ne, %convert_element_type3A_417, %cond3A_418 : i32
      scf.if %cond3A_419 {
        %add3A_664 = arith.constant 1 : i32
        %add3A_665 = arith.addi %add3A_214, %add3A_664 : i32
        %dma_start3A_666 = arith.constant 0 : i32
        %dma_start3A_667 = tpu.memref_slice %arg8[%add3A_665, %dma_start3A_666] : memref<76x96xi32, #tpu.memory_space<vmem>> -> memref<1x96xi32, #tpu.memory_space<vmem>>
        %dma_start3A_668 = tpu.memref_squeeze %dma_start3A_667 : memref<1x96xi32, #tpu.memory_space<vmem>> -> memref<96xi32, #tpu.memory_space<vmem>>
        %dma_start3A_669 = arith.constant 0 : i32
        %dma_start3A_670 = arith.constant 0 : i32
        %dma_start3A_671 = tpu.memref_slice %arg2[%dma_start3A_669, %dma_start3A_670] : memref<10000x112xf32, #tpu.memory_space<hbm>> -> memref<10000x112xf32, #tpu.memory_space<hbm>>
        tpu.enqueue_indirect_dma source(%dma_start3A_671 : memref<10000x112xf32, #tpu.memory_space<hbm>>) target(%arg13 : memref<96x112xf32, #tpu.memory_space<vmem>>) offsets(%dma_start3A_668 : memref<96xi32, #tpu.memory_space<vmem>>) semaphore(%arg16 : memref<!tpu.dma_semaphore, #tpu.memory_space<semaphore_mem>>)
      } else {
      }
      %dma_wait3A_420 = arith.constant 0 : i32
      %dma_wait3A_421 = tpu.memref_slice %arg8[%add3A_214, %dma_wait3A_420] : memref<76x96xi32, #tpu.memory_space<vmem>> -> memref<1x96xi32, #tpu.memory_space<vmem>>
      %dma_wait3A_422 = tpu.memref_squeeze %dma_wait3A_421 : memref<1x96xi32, #tpu.memory_space<vmem>> -> memref<96xi32, #tpu.memory_space<vmem>>
      %dma_wait3A_423 = arith.constant 0 : i32
      %dma_wait3A_424 = arith.constant 0 : i32
      %dma_wait3A_425 = tpu.memref_slice %arg2[%dma_wait3A_423, %dma_wait3A_424] : memref<10000x112xf32, #tpu.memory_space<hbm>> -> memref<10000x112xf32, #tpu.memory_space<hbm>>
      tpu.wait_indirect_dma semaphore(%arg15 : memref<!tpu.dma_semaphore, #tpu.memory_space<semaphore_mem>>) src(%dma_wait3A_425 : memref<10000x112xf32, #tpu.memory_space<hbm>>) dst(%arg12 : memref<96x112xf32, #tpu.memory_space<vmem>>)
      %parallel_loop3A = arith.constant 0 : i32
      %parallel_loop3A_426 = arith.constant 96 : i32
      %parallel_loop3A_427 = arith.constant 1 : i32
      scf.for %parallel_loop3A_664 = %parallel_loop3A to %parallel_loop3A_426 step %parallel_loop3A_427  : i32 {
        %parallel_loop3A_665 = vector.broadcast %parallel_loop3A_664 : i32 to vector<16xi32>
        %parallel_loop3A_666 = tpu.vector_load_idx %arg11[%parallel_loop3A_665] : memref<96xf32, #tpu.memory_space<vmem>>[vector<16xi32>], vector<16xf32>,
        %parallel_loop3A_667 = arith.constant 0 : i32
        %parallel_loop3A_668 = vector.broadcast %parallel_loop3A_667 : i32 to vector<16xi32>
        %parallel_loop3A_669 = arith.addi %parallel_loop3A_668, %iota3A : vector<16xi32>
        %parallel_loop3A_670 = tpu.vector_load_idx %arg12[%parallel_loop3A_665, %parallel_loop3A_669] : memref<96x112xf32, #tpu.memory_space<vmem>>[vector<16xi32>, vector<16xi32>], vector<16xf32>,
        %parallel_loop3A_671 = arith.constant 0 : i32
        %parallel_loop3A_672 = vector.broadcast %parallel_loop3A_671 : i32 to vector<16xi32>
        %parallel_loop3A_673 = arith.addi %parallel_loop3A_672, %iota3A : vector<16xi32>
        %parallel_loop3A_674 = arith.mulf %parallel_loop3A_670, %parallel_loop3A_666 : vector<16xf32>
        tpu.vector_store_idx %arg12[%parallel_loop3A_665, %parallel_loop3A_673], %parallel_loop3A_674 : memref<96x112xf32, #tpu.memory_space<vmem>>[vector<16xi32>, vector<16xi32>], vector<16xf32>,
        %parallel_loop3A_675 = arith.constant 16 : i32
        %parallel_loop3A_676 = vector.broadcast %parallel_loop3A_675 : i32 to vector<16xi32>
        %parallel_loop3A_677 = arith.addi %parallel_loop3A_676, %iota3A : vector<16xi32>
        %parallel_loop3A_678 = tpu.vector_load_idx %arg12[%parallel_loop3A_665, %parallel_loop3A_677] : memref<96x112xf32, #tpu.memory_space<vmem>>[vector<16xi32>, vector<16xi32>], vector<16xf32>,
        %parallel_loop3A_679 = arith.constant 16 : i32
        %parallel_loop3A_680 = vector.broadcast %parallel_loop3A_679 : i32 to vector<16xi32>
        %parallel_loop3A_681 = arith.addi %parallel_loop3A_680, %iota3A : vector<16xi32>
        %parallel_loop3A_682 = arith.mulf %parallel_loop3A_678, %parallel_loop3A_666 : vector<16xf32>
        tpu.vector_store_idx %arg12[%parallel_loop3A_665, %parallel_loop3A_681], %parallel_loop3A_682 : memref<96x112xf32, #tpu.memory_space<vmem>>[vector<16xi32>, vector<16xi32>], vector<16xf32>,
        %parallel_loop3A_683 = arith.constant 32 : i32
        %parallel_loop3A_684 = vector.broadcast %parallel_loop3A_683 : i32 to vector<16xi32>
        %parallel_loop3A_685 = arith.addi %parallel_loop3A_684, %iota3A : vector<16xi32>
        %parallel_loop3A_686 = tpu.vector_load_idx %arg12[%parallel_loop3A_665, %parallel_loop3A_685] : memref<96x112xf32, #tpu.memory_space<vmem>>[vector<16xi32>, vector<16xi32>], vector<16xf32>,
        %parallel_loop3A_687 = arith.constant 32 : i32
        %parallel_loop3A_688 = vector.broadcast %parallel_loop3A_687 : i32 to vector<16xi32>
        %parallel_loop3A_689 = arith.addi %parallel_loop3A_688, %iota3A : vector<16xi32>
        %parallel_loop3A_690 = arith.mulf %parallel_loop3A_686, %parallel_loop3A_666 : vector<16xf32>
        tpu.vector_store_idx %arg12[%parallel_loop3A_665, %parallel_loop3A_689], %parallel_loop3A_690 : memref<96x112xf32, #tpu.memory_space<vmem>>[vector<16xi32>, vector<16xi32>], vector<16xf32>,
        %parallel_loop3A_691 = arith.constant 48 : i32
        %parallel_loop3A_692 = vector.broadcast %parallel_loop3A_691 : i32 to vector<16xi32>
        %parallel_loop3A_693 = arith.addi %parallel_loop3A_692, %iota3A : vector<16xi32>
        %parallel_loop3A_694 = tpu.vector_load_idx %arg12[%parallel_loop3A_665, %parallel_loop3A_693] : memref<96x112xf32, #tpu.memory_space<vmem>>[vector<16xi32>, vector<16xi32>], vector<16xf32>,
        %parallel_loop3A_695 = arith.constant 48 : i32
        %parallel_loop3A_696 = vector.broadcast %parallel_loop3A_695 : i32 to vector<16xi32>
        %parallel_loop3A_697 = arith.addi %parallel_loop3A_696, %iota3A : vector<16xi32>
        %parallel_loop3A_698 = arith.mulf %parallel_loop3A_694, %parallel_loop3A_666 : vector<16xf32>
        tpu.vector_store_idx %arg12[%parallel_loop3A_665, %parallel_loop3A_697], %parallel_loop3A_698 : memref<96x112xf32, #tpu.memory_space<vmem>>[vector<16xi32>, vector<16xi32>], vector<16xf32>,
        %parallel_loop3A_699 = arith.constant 64 : i32
        %parallel_loop3A_700 = vector.broadcast %parallel_loop3A_699 : i32 to vector<16xi32>
        %parallel_loop3A_701 = arith.addi %parallel_loop3A_700, %iota3A : vector<16xi32>
        %parallel_loop3A_702 = tpu.vector_load_idx %arg12[%parallel_loop3A_665, %parallel_loop3A_701] : memref<96x112xf32, #tpu.memory_space<vmem>>[vector<16xi32>, vector<16xi32>], vector<16xf32>,
        %parallel_loop3A_703 = arith.constant 64 : i32
        %parallel_loop3A_704 = vector.broadcast %parallel_loop3A_703 : i32 to vector<16xi32>
        %parallel_loop3A_705 = arith.addi %parallel_loop3A_704, %iota3A : vector<16xi32>
        %parallel_loop3A_706 = arith.mulf %parallel_loop3A_702, %parallel_loop3A_666 : vector<16xf32>
        tpu.vector_store_idx %arg12[%parallel_loop3A_665, %parallel_loop3A_705], %parallel_loop3A_706 : memref<96x112xf32, #tpu.memory_space<vmem>>[vector<16xi32>, vector<16xi32>], vector<16xf32>,
        %parallel_loop3A_707 = arith.constant 80 : i32
        %parallel_loop3A_708 = vector.broadcast %parallel_loop3A_707 : i32 to vector<16xi32>
        %parallel_loop3A_709 = arith.addi %parallel_loop3A_708, %iota3A : vector<16xi32>
        %parallel_loop3A_710 = tpu.vector_load_idx %arg12[%parallel_loop3A_665, %parallel_loop3A_709] : memref<96x112xf32, #tpu.memory_space<vmem>>[vector<16xi32>, vector<16xi32>], vector<16xf32>,
        %parallel_loop3A_711 = arith.constant 80 : i32
        %parallel_loop3A_712 = vector.broadcast %parallel_loop3A_711 : i32 to vector<16xi32>
        %parallel_loop3A_713 = arith.addi %parallel_loop3A_712, %iota3A : vector<16xi32>
        %parallel_loop3A_714 = arith.mulf %parallel_loop3A_710, %parallel_loop3A_666 : vector<16xf32>
        tpu.vector_store_idx %arg12[%parallel_loop3A_665, %parallel_loop3A_713], %parallel_loop3A_714 : memref<96x112xf32, #tpu.memory_space<vmem>>[vector<16xi32>, vector<16xi32>], vector<16xf32>,
        %parallel_loop3A_715 = arith.constant 96 : i32
        %parallel_loop3A_716 = vector.broadcast %parallel_loop3A_715 : i32 to vector<16xi32>
        %parallel_loop3A_717 = arith.addi %parallel_loop3A_716, %iota3A : vector<16xi32>
        %parallel_loop3A_718 = tpu.vector_load_idx %arg12[%parallel_loop3A_665, %parallel_loop3A_717] : memref<96x112xf32, #tpu.memory_space<vmem>>[vector<16xi32>, vector<16xi32>], vector<16xf32>,
        %parallel_loop3A_719 = arith.constant 96 : i32
        %parallel_loop3A_720 = vector.broadcast %parallel_loop3A_719 : i32 to vector<16xi32>
        %parallel_loop3A_721 = arith.addi %parallel_loop3A_720, %iota3A : vector<16xi32>
        %parallel_loop3A_722 = arith.mulf %parallel_loop3A_718, %parallel_loop3A_666 : vector<16xf32>
        tpu.vector_store_idx %arg12[%parallel_loop3A_665, %parallel_loop3A_721], %parallel_loop3A_722 : memref<96x112xf32, #tpu.memory_space<vmem>>[vector<16xi32>, vector<16xi32>], vector<16xf32>,
      } {sc.loop_unroll_factor = 4 : i64, sc.parallel_access}
      %dma_start3A_428 = arith.constant 0 : i32
      %dma_start3A_429 = tpu.memref_slice %arg9[%add3A_214, %dma_start3A_428] : memref<76x96xi32, #tpu.memory_space<vmem>> -> memref<1x96xi32, #tpu.memory_space<vmem>>
      %dma_start3A_430 = tpu.memref_squeeze %dma_start3A_429 : memref<1x96xi32, #tpu.memory_space<vmem>> -> memref<96xi32, #tpu.memory_space<vmem>>
      %dma_start3A_431 = arith.constant 0 : i32
      %dma_start3A_432 = arith.constant 0 : i32
      %dma_start3A_433 = tpu.memref_slice %arg14[%dma_start3A_431, %dma_start3A_432] : memref<10112x112xf32, #tpu.memory_space<vmem_shared>> -> memref<10112x112xf32, #tpu.memory_space<vmem_shared>>
      tpu.enqueue_indirect_dma source(%arg12 : memref<96x112xf32, #tpu.memory_space<vmem>>) target(%dma_start3A_433 : memref<10112x112xf32, #tpu.memory_space<vmem_shared>>) offsets(%dma_start3A_430 : memref<96xi32, #tpu.memory_space<vmem>>) semaphore(%arg17 : memref<!tpu.dma_semaphore, #tpu.memory_space<semaphore_mem>>) {add = true}
      %mul3A_434 = arith.constant 2 : i32
      %mul3A_435 = arith.muli %mul3A_434, %while3A_209 : i32
      %add3A_436 = arith.constant 1 : i32
      %add3A_437 = arith.addi %mul3A_435, %add3A_436 : i32
      %broadcast_in_dim3A_438 = vector.broadcast %add3A_437 : i32 to vector<16xi32>
      %add3A_439 = arith.constant 0 : i32
      %add3A_440 = vector.broadcast %add3A_439 : i32 to vector<16xi32>
      %add3A_441 = arith.addi %add3A_440, %iota3A : vector<16xi32>
      %gather3A_442 = tpu.vector_load_idx %arg8[%broadcast_in_dim3A_438, %add3A_441] : memref<76x96xi32, #tpu.memory_space<vmem>>[vector<16xi32>, vector<16xi32>], vector<16xi32>,
      %add3A_443 = arith.constant 0 : i32
      %add3A_444 = vector.broadcast %add3A_443 : i32 to vector<16xi32>
      %add3A_445 = arith.addi %add3A_444, %iota3A : vector<16xi32>
      %gather3A_446 = tpu.vector_load_idx %arg9[%broadcast_in_dim3A_438, %add3A_445] : memref<76x96xi32, #tpu.memory_space<vmem>>[vector<16xi32>, vector<16xi32>], vector<16xi32>,
      %gather3A_447 = tpu.vector_load_idx %arg10[%broadcast_in_dim3A_5, %gather3A_442] : memref<2x10000xf32, #tpu.memory_space<vmem>>[vector<16xi32>, vector<16xi32>], vector<16xf32>,
      %gather3A_448 = tpu.vector_load_idx %arg10[%broadcast_in_dim3A_7, %gather3A_446] : memref<2x10000xf32, #tpu.memory_space<vmem>>[vector<16xi32>, vector<16xi32>], vector<16xf32>,
      %add3A_449 = arith.addf %gather3A_447, %gather3A_448 : vector<16xf32>
      %mul3A_450 = arith.constant 2.000000e-01 : f32
      %mul3A_451 = vector.broadcast %mul3A_450 : f32 to vector<16xf32>
      %mul3A_452 = arith.mulf %mul3A_451, %add3A_449 : vector<16xf32>
      %max3A_453 = arith.maximumf %add3A_449, %mul3A_452 : vector<16xf32>
      %sub3A_454 = arith.subf %max3A_453, %max3A_148 : vector<16xf32>
      %exp3A_455 = math.exp %sub3A_454 : vector<16xf32>
      %mul3A_456 = arith.constant 96 : i32
      %mul3A_457 = arith.muli %add3A_437, %mul3A_456 : i32
      %add3A_458 = arith.addi %select_n3A_157, %mul3A_457 : i32
      %add3A_459 = arith.constant 0 : i32
      %add3A_460 = arith.addi %add3A_458, %add3A_459 : i32
      %add3A_461 = vector.broadcast %add3A_460 : i32 to vector<16xi32>
      %add3A_462 = arith.addi %add3A_461, %iota3A : vector<16xi32>
      %add3A_463 = arith.constant 0 : i32
      %add3A_464 = vector.broadcast %add3A_463 : i32 to vector<16xi32>
      %add3A_465 = arith.addi %add3A_464, %iota3A : vector<16xi32>
      %lt3A_466 = arith.constant 170000 : i32
      %lt3A_467 = vector.broadcast %lt3A_466 : i32 to vector<16xi32>
      %lt3A_468 = arith.cmpi slt, %add3A_462, %lt3A_467 : vector<16xi32>
      %jit3A_469 = arith.constant 0.000000e+00 : f32
      %broadcast_in_dim3A_470 = vector.broadcast %jit3A_469 : f32 to vector<16xf32>
      %select_n3A_471 = arith.select %lt3A_468, %exp3A_455, %broadcast_in_dim3A_470 : vector<16xi1>, vector<16xf32>
      tpu.vector_store_idx %arg11[%add3A_465], %select_n3A_471 : memref<96xf32, #tpu.memory_space<vmem>>[vector<16xi32>], vector<16xf32>,
      %add3A_472 = arith.constant 16 : i32
      %add3A_473 = vector.broadcast %add3A_472 : i32 to vector<16xi32>
      %add3A_474 = arith.addi %add3A_473, %iota3A : vector<16xi32>
      %gather3A_475 = tpu.vector_load_idx %arg8[%broadcast_in_dim3A_438, %add3A_474] : memref<76x96xi32, #tpu.memory_space<vmem>>[vector<16xi32>, vector<16xi32>], vector<16xi32>,
      %add3A_476 = arith.constant 16 : i32
      %add3A_477 = vector.broadcast %add3A_476 : i32 to vector<16xi32>
      %add3A_478 = arith.addi %add3A_477, %iota3A : vector<16xi32>
      %gather3A_479 = tpu.vector_load_idx %arg9[%broadcast_in_dim3A_438, %add3A_478] : memref<76x96xi32, #tpu.memory_space<vmem>>[vector<16xi32>, vector<16xi32>], vector<16xi32>,
      %gather3A_480 = tpu.vector_load_idx %arg10[%broadcast_in_dim3A_5, %gather3A_475] : memref<2x10000xf32, #tpu.memory_space<vmem>>[vector<16xi32>, vector<16xi32>], vector<16xf32>,
      %gather3A_481 = tpu.vector_load_idx %arg10[%broadcast_in_dim3A_7, %gather3A_479] : memref<2x10000xf32, #tpu.memory_space<vmem>>[vector<16xi32>, vector<16xi32>], vector<16xf32>,
      %add3A_482 = arith.addf %gather3A_480, %gather3A_481 : vector<16xf32>
      %mul3A_483 = arith.constant 2.000000e-01 : f32
      %mul3A_484 = vector.broadcast %mul3A_483 : f32 to vector<16xf32>
      %mul3A_485 = arith.mulf %mul3A_484, %add3A_482 : vector<16xf32>
      %max3A_486 = arith.maximumf %add3A_482, %mul3A_485 : vector<16xf32>
      %sub3A_487 = arith.subf %max3A_486, %max3A_148 : vector<16xf32>
      %exp3A_488 = math.exp %sub3A_487 : vector<16xf32>
      %mul3A_489 = arith.constant 96 : i32
      %mul3A_490 = arith.muli %add3A_437, %mul3A_489 : i32
      %add3A_491 = arith.addi %select_n3A_157, %mul3A_490 : i32
      %add3A_492 = arith.constant 16 : i32
      %add3A_493 = arith.addi %add3A_491, %add3A_492 : i32
      %add3A_494 = vector.broadcast %add3A_493 : i32 to vector<16xi32>
      %add3A_495 = arith.addi %add3A_494, %iota3A : vector<16xi32>
      %add3A_496 = arith.constant 16 : i32
      %add3A_497 = vector.broadcast %add3A_496 : i32 to vector<16xi32>
      %add3A_498 = arith.addi %add3A_497, %iota3A : vector<16xi32>
      %lt3A_499 = arith.constant 170000 : i32
      %lt3A_500 = vector.broadcast %lt3A_499 : i32 to vector<16xi32>
      %lt3A_501 = arith.cmpi slt, %add3A_495, %lt3A_500 : vector<16xi32>
      %jit3A_502 = arith.constant 0.000000e+00 : f32
      %broadcast_in_dim3A_503 = vector.broadcast %jit3A_502 : f32 to vector<16xf32>
      %select_n3A_504 = arith.select %lt3A_501, %exp3A_488, %broadcast_in_dim3A_503 : vector<16xi1>, vector<16xf32>
      tpu.vector_store_idx %arg11[%add3A_498], %select_n3A_504 : memref<96xf32, #tpu.memory_space<vmem>>[vector<16xi32>], vector<16xf32>,
      %add3A_505 = arith.constant 32 : i32
      %add3A_506 = vector.broadcast %add3A_505 : i32 to vector<16xi32>
      %add3A_507 = arith.addi %add3A_506, %iota3A : vector<16xi32>
      %gather3A_508 = tpu.vector_load_idx %arg8[%broadcast_in_dim3A_438, %add3A_507] : memref<76x96xi32, #tpu.memory_space<vmem>>[vector<16xi32>, vector<16xi32>], vector<16xi32>,
      %add3A_509 = arith.constant 32 : i32
      %add3A_510 = vector.broadcast %add3A_509 : i32 to vector<16xi32>
      %add3A_511 = arith.addi %add3A_510, %iota3A : vector<16xi32>
      %gather3A_512 = tpu.vector_load_idx %arg9[%broadcast_in_dim3A_438, %add3A_511] : memref<76x96xi32, #tpu.memory_space<vmem>>[vector<16xi32>, vector<16xi32>], vector<16xi32>,
      %gather3A_513 = tpu.vector_load_idx %arg10[%broadcast_in_dim3A_5, %gather3A_508] : memref<2x10000xf32, #tpu.memory_space<vmem>>[vector<16xi32>, vector<16xi32>], vector<16xf32>,
      %gather3A_514 = tpu.vector_load_idx %arg10[%broadcast_in_dim3A_7, %gather3A_512] : memref<2x10000xf32, #tpu.memory_space<vmem>>[vector<16xi32>, vector<16xi32>], vector<16xf32>,
      %add3A_515 = arith.addf %gather3A_513, %gather3A_514 : vector<16xf32>
      %mul3A_516 = arith.constant 2.000000e-01 : f32
      %mul3A_517 = vector.broadcast %mul3A_516 : f32 to vector<16xf32>
      %mul3A_518 = arith.mulf %mul3A_517, %add3A_515 : vector<16xf32>
      %max3A_519 = arith.maximumf %add3A_515, %mul3A_518 : vector<16xf32>
      %sub3A_520 = arith.subf %max3A_519, %max3A_148 : vector<16xf32>
      %exp3A_521 = math.exp %sub3A_520 : vector<16xf32>
      %mul3A_522 = arith.constant 96 : i32
      %mul3A_523 = arith.muli %add3A_437, %mul3A_522 : i32
      %add3A_524 = arith.addi %select_n3A_157, %mul3A_523 : i32
      %add3A_525 = arith.constant 32 : i32
      %add3A_526 = arith.addi %add3A_524, %add3A_525 : i32
      %add3A_527 = vector.broadcast %add3A_526 : i32 to vector<16xi32>
      %add3A_528 = arith.addi %add3A_527, %iota3A : vector<16xi32>
      %add3A_529 = arith.constant 32 : i32
      %add3A_530 = vector.broadcast %add3A_529 : i32 to vector<16xi32>
      %add3A_531 = arith.addi %add3A_530, %iota3A : vector<16xi32>
      %lt3A_532 = arith.constant 170000 : i32
      %lt3A_533 = vector.broadcast %lt3A_532 : i32 to vector<16xi32>
      %lt3A_534 = arith.cmpi slt, %add3A_528, %lt3A_533 : vector<16xi32>
      %jit3A_535 = arith.constant 0.000000e+00 : f32
      %broadcast_in_dim3A_536 = vector.broadcast %jit3A_535 : f32 to vector<16xf32>
      %select_n3A_537 = arith.select %lt3A_534, %exp3A_521, %broadcast_in_dim3A_536 : vector<16xi1>, vector<16xf32>
      tpu.vector_store_idx %arg11[%add3A_531], %select_n3A_537 : memref<96xf32, #tpu.memory_space<vmem>>[vector<16xi32>], vector<16xf32>,
      %add3A_538 = arith.constant 48 : i32
      %add3A_539 = vector.broadcast %add3A_538 : i32 to vector<16xi32>
      %add3A_540 = arith.addi %add3A_539, %iota3A : vector<16xi32>
      %gather3A_541 = tpu.vector_load_idx %arg8[%broadcast_in_dim3A_438, %add3A_540] : memref<76x96xi32, #tpu.memory_space<vmem>>[vector<16xi32>, vector<16xi32>], vector<16xi32>,
      %add3A_542 = arith.constant 48 : i32
      %add3A_543 = vector.broadcast %add3A_542 : i32 to vector<16xi32>
      %add3A_544 = arith.addi %add3A_543, %iota3A : vector<16xi32>
      %gather3A_545 = tpu.vector_load_idx %arg9[%broadcast_in_dim3A_438, %add3A_544] : memref<76x96xi32, #tpu.memory_space<vmem>>[vector<16xi32>, vector<16xi32>], vector<16xi32>,
      %gather3A_546 = tpu.vector_load_idx %arg10[%broadcast_in_dim3A_5, %gather3A_541] : memref<2x10000xf32, #tpu.memory_space<vmem>>[vector<16xi32>, vector<16xi32>], vector<16xf32>,
      %gather3A_547 = tpu.vector_load_idx %arg10[%broadcast_in_dim3A_7, %gather3A_545] : memref<2x10000xf32, #tpu.memory_space<vmem>>[vector<16xi32>, vector<16xi32>], vector<16xf32>,
      %add3A_548 = arith.addf %gather3A_546, %gather3A_547 : vector<16xf32>
      %mul3A_549 = arith.constant 2.000000e-01 : f32
      %mul3A_550 = vector.broadcast %mul3A_549 : f32 to vector<16xf32>
      %mul3A_551 = arith.mulf %mul3A_550, %add3A_548 : vector<16xf32>
      %max3A_552 = arith.maximumf %add3A_548, %mul3A_551 : vector<16xf32>
      %sub3A_553 = arith.subf %max3A_552, %max3A_148 : vector<16xf32>
      %exp3A_554 = math.exp %sub3A_553 : vector<16xf32>
      %mul3A_555 = arith.constant 96 : i32
      %mul3A_556 = arith.muli %add3A_437, %mul3A_555 : i32
      %add3A_557 = arith.addi %select_n3A_157, %mul3A_556 : i32
      %add3A_558 = arith.constant 48 : i32
      %add3A_559 = arith.addi %add3A_557, %add3A_558 : i32
      %add3A_560 = vector.broadcast %add3A_559 : i32 to vector<16xi32>
      %add3A_561 = arith.addi %add3A_560, %iota3A : vector<16xi32>
      %add3A_562 = arith.constant 48 : i32
      %add3A_563 = vector.broadcast %add3A_562 : i32 to vector<16xi32>
      %add3A_564 = arith.addi %add3A_563, %iota3A : vector<16xi32>
      %lt3A_565 = arith.constant 170000 : i32
      %lt3A_566 = vector.broadcast %lt3A_565 : i32 to vector<16xi32>
      %lt3A_567 = arith.cmpi slt, %add3A_561, %lt3A_566 : vector<16xi32>
      %jit3A_568 = arith.constant 0.000000e+00 : f32
      %broadcast_in_dim3A_569 = vector.broadcast %jit3A_568 : f32 to vector<16xf32>
      %select_n3A_570 = arith.select %lt3A_567, %exp3A_554, %broadcast_in_dim3A_569 : vector<16xi1>, vector<16xf32>
      tpu.vector_store_idx %arg11[%add3A_564], %select_n3A_570 : memref<96xf32, #tpu.memory_space<vmem>>[vector<16xi32>], vector<16xf32>,
      %add3A_571 = arith.constant 64 : i32
      %add3A_572 = vector.broadcast %add3A_571 : i32 to vector<16xi32>
      %add3A_573 = arith.addi %add3A_572, %iota3A : vector<16xi32>
      %gather3A_574 = tpu.vector_load_idx %arg8[%broadcast_in_dim3A_438, %add3A_573] : memref<76x96xi32, #tpu.memory_space<vmem>>[vector<16xi32>, vector<16xi32>], vector<16xi32>,
      %add3A_575 = arith.constant 64 : i32
      %add3A_576 = vector.broadcast %add3A_575 : i32 to vector<16xi32>
      %add3A_577 = arith.addi %add3A_576, %iota3A : vector<16xi32>
      %gather3A_578 = tpu.vector_load_idx %arg9[%broadcast_in_dim3A_438, %add3A_577] : memref<76x96xi32, #tpu.memory_space<vmem>>[vector<16xi32>, vector<16xi32>], vector<16xi32>,
      %gather3A_579 = tpu.vector_load_idx %arg10[%broadcast_in_dim3A_5, %gather3A_574] : memref<2x10000xf32, #tpu.memory_space<vmem>>[vector<16xi32>, vector<16xi32>], vector<16xf32>,
      %gather3A_580 = tpu.vector_load_idx %arg10[%broadcast_in_dim3A_7, %gather3A_578] : memref<2x10000xf32, #tpu.memory_space<vmem>>[vector<16xi32>, vector<16xi32>], vector<16xf32>,
      %add3A_581 = arith.addf %gather3A_579, %gather3A_580 : vector<16xf32>
      %mul3A_582 = arith.constant 2.000000e-01 : f32
      %mul3A_583 = vector.broadcast %mul3A_582 : f32 to vector<16xf32>
      %mul3A_584 = arith.mulf %mul3A_583, %add3A_581 : vector<16xf32>
      %max3A_585 = arith.maximumf %add3A_581, %mul3A_584 : vector<16xf32>
      %sub3A_586 = arith.subf %max3A_585, %max3A_148 : vector<16xf32>
      %exp3A_587 = math.exp %sub3A_586 : vector<16xf32>
      %mul3A_588 = arith.constant 96 : i32
      %mul3A_589 = arith.muli %add3A_437, %mul3A_588 : i32
      %add3A_590 = arith.addi %select_n3A_157, %mul3A_589 : i32
      %add3A_591 = arith.constant 64 : i32
      %add3A_592 = arith.addi %add3A_590, %add3A_591 : i32
      %add3A_593 = vector.broadcast %add3A_592 : i32 to vector<16xi32>
      %add3A_594 = arith.addi %add3A_593, %iota3A : vector<16xi32>
      %add3A_595 = arith.constant 64 : i32
      %add3A_596 = vector.broadcast %add3A_595 : i32 to vector<16xi32>
      %add3A_597 = arith.addi %add3A_596, %iota3A : vector<16xi32>
      %lt3A_598 = arith.constant 170000 : i32
      %lt3A_599 = vector.broadcast %lt3A_598 : i32 to vector<16xi32>
      %lt3A_600 = arith.cmpi slt, %add3A_594, %lt3A_599 : vector<16xi32>
      %jit3A_601 = arith.constant 0.000000e+00 : f32
      %broadcast_in_dim3A_602 = vector.broadcast %jit3A_601 : f32 to vector<16xf32>
      %select_n3A_603 = arith.select %lt3A_600, %exp3A_587, %broadcast_in_dim3A_602 : vector<16xi1>, vector<16xf32>
      tpu.vector_store_idx %arg11[%add3A_597], %select_n3A_603 : memref<96xf32, #tpu.memory_space<vmem>>[vector<16xi32>], vector<16xf32>,
      %add3A_604 = arith.constant 80 : i32
      %add3A_605 = vector.broadcast %add3A_604 : i32 to vector<16xi32>
      %add3A_606 = arith.addi %add3A_605, %iota3A : vector<16xi32>
      %gather3A_607 = tpu.vector_load_idx %arg8[%broadcast_in_dim3A_438, %add3A_606] : memref<76x96xi32, #tpu.memory_space<vmem>>[vector<16xi32>, vector<16xi32>], vector<16xi32>,
      %add3A_608 = arith.constant 80 : i32
      %add3A_609 = vector.broadcast %add3A_608 : i32 to vector<16xi32>
      %add3A_610 = arith.addi %add3A_609, %iota3A : vector<16xi32>
      %gather3A_611 = tpu.vector_load_idx %arg9[%broadcast_in_dim3A_438, %add3A_610] : memref<76x96xi32, #tpu.memory_space<vmem>>[vector<16xi32>, vector<16xi32>], vector<16xi32>,
      %gather3A_612 = tpu.vector_load_idx %arg10[%broadcast_in_dim3A_5, %gather3A_607] : memref<2x10000xf32, #tpu.memory_space<vmem>>[vector<16xi32>, vector<16xi32>], vector<16xf32>,
      %gather3A_613 = tpu.vector_load_idx %arg10[%broadcast_in_dim3A_7, %gather3A_611] : memref<2x10000xf32, #tpu.memory_space<vmem>>[vector<16xi32>, vector<16xi32>], vector<16xf32>,
      %add3A_614 = arith.addf %gather3A_612, %gather3A_613 : vector<16xf32>
      %mul3A_615 = arith.constant 2.000000e-01 : f32
      %mul3A_616 = vector.broadcast %mul3A_615 : f32 to vector<16xf32>
      %mul3A_617 = arith.mulf %mul3A_616, %add3A_614 : vector<16xf32>
      %max3A_618 = arith.maximumf %add3A_614, %mul3A_617 : vector<16xf32>
      %sub3A_619 = arith.subf %max3A_618, %max3A_148 : vector<16xf32>
      %exp3A_620 = math.exp %sub3A_619 : vector<16xf32>
      %mul3A_621 = arith.constant 96 : i32
      %mul3A_622 = arith.muli %add3A_437, %mul3A_621 : i32
      %add3A_623 = arith.addi %select_n3A_157, %mul3A_622 : i32
      %add3A_624 = arith.constant 80 : i32
      %add3A_625 = arith.addi %add3A_623, %add3A_624 : i32
      %add3A_626 = vector.broadcast %add3A_625 : i32 to vector<16xi32>
      %add3A_627 = arith.addi %add3A_626, %iota3A : vector<16xi32>
      %add3A_628 = arith.constant 80 : i32
      %add3A_629 = vector.broadcast %add3A_628 : i32 to vector<16xi32>
      %add3A_630 = arith.addi %add3A_629, %iota3A : vector<16xi32>
      %lt3A_631 = arith.constant 170000 : i32
      %lt3A_632 = vector.broadcast %lt3A_631 : i32 to vector<16xi32>
      %lt3A_633 = arith.cmpi slt, %add3A_627, %lt3A_632 : vector<16xi32>
      %jit3A_634 = arith.constant 0.000000e+00 : f32
      %broadcast_in_dim3A_635 = vector.broadcast %jit3A_634 : f32 to vector<16xf32>
      %select_n3A_636 = arith.select %lt3A_633, %exp3A_620, %broadcast_in_dim3A_635 : vector<16xi1>, vector<16xf32>
      tpu.vector_store_idx %arg11[%add3A_630], %select_n3A_636 : memref<96xf32, #tpu.memory_space<vmem>>[vector<16xi32>], vector<16xf32>,
      %ge3A_637 = arith.constant 1 : i32
      %ge3A_638 = arith.cmpi sge, %add3A_437, %ge3A_637 : i32
      %convert_element_type3A_639 = arith.extui %ge3A_638 : i1 to i32
      %cond3A_640 = arith.constant 0 : i32
      %cond3A_641 = arith.cmpi ne, %convert_element_type3A_639, %cond3A_640 : i32
      scf.if %cond3A_641 {
        %sub3A_664 = arith.constant 1 : i32
        %sub3A_665 = arith.subi %add3A_437, %sub3A_664 : i32
        %dma_wait3A_666 = arith.constant 0 : i32
        %dma_wait3A_667 = tpu.memref_slice %arg9[%sub3A_665, %dma_wait3A_666] : memref<76x96xi32, #tpu.memory_space<vmem>> -> memref<1x96xi32, #tpu.memory_space<vmem>>
        %dma_wait3A_668 = tpu.memref_squeeze %dma_wait3A_667 : memref<1x96xi32, #tpu.memory_space<vmem>> -> memref<96xi32, #tpu.memory_space<vmem>>
        %dma_wait3A_669 = arith.constant 0 : i32
        %dma_wait3A_670 = arith.constant 0 : i32
        %dma_wait3A_671 = tpu.memref_slice %arg14[%dma_wait3A_669, %dma_wait3A_670] : memref<10112x112xf32, #tpu.memory_space<vmem_shared>> -> memref<10112x112xf32, #tpu.memory_space<vmem_shared>>
        tpu.wait_indirect_dma semaphore(%arg17 : memref<!tpu.dma_semaphore, #tpu.memory_space<semaphore_mem>>) src(%arg12 : memref<96x112xf32, #tpu.memory_space<vmem>>) dst(%dma_wait3A_671 : memref<10112x112xf32, #tpu.memory_space<vmem_shared>>)
      } else {
      }
      %add3A_642 = arith.constant 1 : i32
      %add3A_643 = arith.addi %add3A_437, %add3A_642 : i32
      %lt3A_644 = arith.cmpi slt, %add3A_643, %select_n3A_162 : i32
      %convert_element_type3A_645 = arith.extui %lt3A_644 : i1 to i32
      %cond3A_646 = arith.constant 0 : i32
      %cond3A_647 = arith.cmpi ne, %convert_element_type3A_645, %cond3A_646 : i32
      scf.if %cond3A_647 {
        %add3A_664 = arith.constant 1 : i32
        %add3A_665 = arith.addi %add3A_437, %add3A_664 : i32
        %dma_start3A_666 = arith.constant 0 : i32
        %dma_start3A_667 = tpu.memref_slice %arg8[%add3A_665, %dma_start3A_666] : memref<76x96xi32, #tpu.memory_space<vmem>> -> memref<1x96xi32, #tpu.memory_space<vmem>>
        %dma_start3A_668 = tpu.memref_squeeze %dma_start3A_667 : memref<1x96xi32, #tpu.memory_space<vmem>> -> memref<96xi32, #tpu.memory_space<vmem>>
        %dma_start3A_669 = arith.constant 0 : i32
        %dma_start3A_670 = arith.constant 0 : i32
        %dma_start3A_671 = tpu.memref_slice %arg2[%dma_start3A_669, %dma_start3A_670] : memref<10000x112xf32, #tpu.memory_space<hbm>> -> memref<10000x112xf32, #tpu.memory_space<hbm>>
        tpu.enqueue_indirect_dma source(%dma_start3A_671 : memref<10000x112xf32, #tpu.memory_space<hbm>>) target(%arg12 : memref<96x112xf32, #tpu.memory_space<vmem>>) offsets(%dma_start3A_668 : memref<96xi32, #tpu.memory_space<vmem>>) semaphore(%arg15 : memref<!tpu.dma_semaphore, #tpu.memory_space<semaphore_mem>>)
      } else {
      }
      %dma_wait3A_648 = arith.constant 0 : i32
      %dma_wait3A_649 = tpu.memref_slice %arg8[%add3A_437, %dma_wait3A_648] : memref<76x96xi32, #tpu.memory_space<vmem>> -> memref<1x96xi32, #tpu.memory_space<vmem>>
      %dma_wait3A_650 = tpu.memref_squeeze %dma_wait3A_649 : memref<1x96xi32, #tpu.memory_space<vmem>> -> memref<96xi32, #tpu.memory_space<vmem>>
      %dma_wait3A_651 = arith.constant 0 : i32
      %dma_wait3A_652 = arith.constant 0 : i32
      %dma_wait3A_653 = tpu.memref_slice %arg2[%dma_wait3A_651, %dma_wait3A_652] : memref<10000x112xf32, #tpu.memory_space<hbm>> -> memref<10000x112xf32, #tpu.memory_space<hbm>>
      tpu.wait_indirect_dma semaphore(%arg16 : memref<!tpu.dma_semaphore, #tpu.memory_space<semaphore_mem>>) src(%dma_wait3A_653 : memref<10000x112xf32, #tpu.memory_space<hbm>>) dst(%arg13 : memref<96x112xf32, #tpu.memory_space<vmem>>)
      %parallel_loop3A_654 = arith.constant 0 : i32
      %parallel_loop3A_655 = arith.constant 96 : i32
      %parallel_loop3A_656 = arith.constant 1 : i32
      scf.for %parallel_loop3A_664 = %parallel_loop3A_654 to %parallel_loop3A_655 step %parallel_loop3A_656  : i32 {
        %parallel_loop3A_665 = vector.broadcast %parallel_loop3A_664 : i32 to vector<16xi32>
        %parallel_loop3A_666 = tpu.vector_load_idx %arg11[%parallel_loop3A_665] : memref<96xf32, #tpu.memory_space<vmem>>[vector<16xi32>], vector<16xf32>,
        %parallel_loop3A_667 = arith.constant 0 : i32
        %parallel_loop3A_668 = vector.broadcast %parallel_loop3A_667 : i32 to vector<16xi32>
        %parallel_loop3A_669 = arith.addi %parallel_loop3A_668, %iota3A : vector<16xi32>
        %parallel_loop3A_670 = tpu.vector_load_idx %arg13[%parallel_loop3A_665, %parallel_loop3A_669] : memref<96x112xf32, #tpu.memory_space<vmem>>[vector<16xi32>, vector<16xi32>], vector<16xf32>,
        %parallel_loop3A_671 = arith.constant 0 : i32
        %parallel_loop3A_672 = vector.broadcast %parallel_loop3A_671 : i32 to vector<16xi32>
        %parallel_loop3A_673 = arith.addi %parallel_loop3A_672, %iota3A : vector<16xi32>
        %parallel_loop3A_674 = arith.mulf %parallel_loop3A_670, %parallel_loop3A_666 : vector<16xf32>
        tpu.vector_store_idx %arg13[%parallel_loop3A_665, %parallel_loop3A_673], %parallel_loop3A_674 : memref<96x112xf32, #tpu.memory_space<vmem>>[vector<16xi32>, vector<16xi32>], vector<16xf32>,
        %parallel_loop3A_675 = arith.constant 16 : i32
        %parallel_loop3A_676 = vector.broadcast %parallel_loop3A_675 : i32 to vector<16xi32>
        %parallel_loop3A_677 = arith.addi %parallel_loop3A_676, %iota3A : vector<16xi32>
        %parallel_loop3A_678 = tpu.vector_load_idx %arg13[%parallel_loop3A_665, %parallel_loop3A_677] : memref<96x112xf32, #tpu.memory_space<vmem>>[vector<16xi32>, vector<16xi32>], vector<16xf32>,
        %parallel_loop3A_679 = arith.constant 16 : i32
        %parallel_loop3A_680 = vector.broadcast %parallel_loop3A_679 : i32 to vector<16xi32>
        %parallel_loop3A_681 = arith.addi %parallel_loop3A_680, %iota3A : vector<16xi32>
        %parallel_loop3A_682 = arith.mulf %parallel_loop3A_678, %parallel_loop3A_666 : vector<16xf32>
        tpu.vector_store_idx %arg13[%parallel_loop3A_665, %parallel_loop3A_681], %parallel_loop3A_682 : memref<96x112xf32, #tpu.memory_space<vmem>>[vector<16xi32>, vector<16xi32>], vector<16xf32>,
        %parallel_loop3A_683 = arith.constant 32 : i32
        %parallel_loop3A_684 = vector.broadcast %parallel_loop3A_683 : i32 to vector<16xi32>
        %parallel_loop3A_685 = arith.addi %parallel_loop3A_684, %iota3A : vector<16xi32>
        %parallel_loop3A_686 = tpu.vector_load_idx %arg13[%parallel_loop3A_665, %parallel_loop3A_685] : memref<96x112xf32, #tpu.memory_space<vmem>>[vector<16xi32>, vector<16xi32>], vector<16xf32>,
        %parallel_loop3A_687 = arith.constant 32 : i32
        %parallel_loop3A_688 = vector.broadcast %parallel_loop3A_687 : i32 to vector<16xi32>
        %parallel_loop3A_689 = arith.addi %parallel_loop3A_688, %iota3A : vector<16xi32>
        %parallel_loop3A_690 = arith.mulf %parallel_loop3A_686, %parallel_loop3A_666 : vector<16xf32>
        tpu.vector_store_idx %arg13[%parallel_loop3A_665, %parallel_loop3A_689], %parallel_loop3A_690 : memref<96x112xf32, #tpu.memory_space<vmem>>[vector<16xi32>, vector<16xi32>], vector<16xf32>,
        %parallel_loop3A_691 = arith.constant 48 : i32
        %parallel_loop3A_692 = vector.broadcast %parallel_loop3A_691 : i32 to vector<16xi32>
        %parallel_loop3A_693 = arith.addi %parallel_loop3A_692, %iota3A : vector<16xi32>
        %parallel_loop3A_694 = tpu.vector_load_idx %arg13[%parallel_loop3A_665, %parallel_loop3A_693] : memref<96x112xf32, #tpu.memory_space<vmem>>[vector<16xi32>, vector<16xi32>], vector<16xf32>,
        %parallel_loop3A_695 = arith.constant 48 : i32
        %parallel_loop3A_696 = vector.broadcast %parallel_loop3A_695 : i32 to vector<16xi32>
        %parallel_loop3A_697 = arith.addi %parallel_loop3A_696, %iota3A : vector<16xi32>
        %parallel_loop3A_698 = arith.mulf %parallel_loop3A_694, %parallel_loop3A_666 : vector<16xf32>
        tpu.vector_store_idx %arg13[%parallel_loop3A_665, %parallel_loop3A_697], %parallel_loop3A_698 : memref<96x112xf32, #tpu.memory_space<vmem>>[vector<16xi32>, vector<16xi32>], vector<16xf32>,
        %parallel_loop3A_699 = arith.constant 64 : i32
        %parallel_loop3A_700 = vector.broadcast %parallel_loop3A_699 : i32 to vector<16xi32>
        %parallel_loop3A_701 = arith.addi %parallel_loop3A_700, %iota3A : vector<16xi32>
        %parallel_loop3A_702 = tpu.vector_load_idx %arg13[%parallel_loop3A_665, %parallel_loop3A_701] : memref<96x112xf32, #tpu.memory_space<vmem>>[vector<16xi32>, vector<16xi32>], vector<16xf32>,
        %parallel_loop3A_703 = arith.constant 64 : i32
        %parallel_loop3A_704 = vector.broadcast %parallel_loop3A_703 : i32 to vector<16xi32>
        %parallel_loop3A_705 = arith.addi %parallel_loop3A_704, %iota3A : vector<16xi32>
        %parallel_loop3A_706 = arith.mulf %parallel_loop3A_702, %parallel_loop3A_666 : vector<16xf32>
        tpu.vector_store_idx %arg13[%parallel_loop3A_665, %parallel_loop3A_705], %parallel_loop3A_706 : memref<96x112xf32, #tpu.memory_space<vmem>>[vector<16xi32>, vector<16xi32>], vector<16xf32>,
        %parallel_loop3A_707 = arith.constant 80 : i32
        %parallel_loop3A_708 = vector.broadcast %parallel_loop3A_707 : i32 to vector<16xi32>
        %parallel_loop3A_709 = arith.addi %parallel_loop3A_708, %iota3A : vector<16xi32>
        %parallel_loop3A_710 = tpu.vector_load_idx %arg13[%parallel_loop3A_665, %parallel_loop3A_709] : memref<96x112xf32, #tpu.memory_space<vmem>>[vector<16xi32>, vector<16xi32>], vector<16xf32>,
        %parallel_loop3A_711 = arith.constant 80 : i32
        %parallel_loop3A_712 = vector.broadcast %parallel_loop3A_711 : i32 to vector<16xi32>
        %parallel_loop3A_713 = arith.addi %parallel_loop3A_712, %iota3A : vector<16xi32>
        %parallel_loop3A_714 = arith.mulf %parallel_loop3A_710, %parallel_loop3A_666 : vector<16xf32>
        tpu.vector_store_idx %arg13[%parallel_loop3A_665, %parallel_loop3A_713], %parallel_loop3A_714 : memref<96x112xf32, #tpu.memory_space<vmem>>[vector<16xi32>, vector<16xi32>], vector<16xf32>,
        %parallel_loop3A_715 = arith.constant 96 : i32
        %parallel_loop3A_716 = vector.broadcast %parallel_loop3A_715 : i32 to vector<16xi32>
        %parallel_loop3A_717 = arith.addi %parallel_loop3A_716, %iota3A : vector<16xi32>
        %parallel_loop3A_718 = tpu.vector_load_idx %arg13[%parallel_loop3A_665, %parallel_loop3A_717] : memref<96x112xf32, #tpu.memory_space<vmem>>[vector<16xi32>, vector<16xi32>], vector<16xf32>,
        %parallel_loop3A_719 = arith.constant 96 : i32
        %parallel_loop3A_720 = vector.broadcast %parallel_loop3A_719 : i32 to vector<16xi32>
        %parallel_loop3A_721 = arith.addi %parallel_loop3A_720, %iota3A : vector<16xi32>
        %parallel_loop3A_722 = arith.mulf %parallel_loop3A_718, %parallel_loop3A_666 : vector<16xf32>
        tpu.vector_store_idx %arg13[%parallel_loop3A_665, %parallel_loop3A_721], %parallel_loop3A_722 : memref<96x112xf32, #tpu.memory_space<vmem>>[vector<16xi32>, vector<16xi32>], vector<16xf32>,
      } {sc.loop_unroll_factor = 4 : i64, sc.parallel_access}
      %dma_start3A_657 = arith.constant 0 : i32
      %dma_start3A_658 = tpu.memref_slice %arg9[%add3A_437, %dma_start3A_657] : memref<76x96xi32, #tpu.memory_space<vmem>> -> memref<1x96xi32, #tpu.memory_space<vmem>>
      %dma_start3A_659 = tpu.memref_squeeze %dma_start3A_658 : memref<1x96xi32, #tpu.memory_space<vmem>> -> memref<96xi32, #tpu.memory_space<vmem>>
      %dma_start3A_660 = arith.constant 0 : i32
      %dma_start3A_661 = arith.constant 0 : i32
      %dma_start3A_662 = tpu.memref_slice %arg14[%dma_start3A_660, %dma_start3A_661] : memref<10112x112xf32, #tpu.memory_space<vmem_shared>> -> memref<10112x112xf32, #tpu.memory_space<vmem_shared>>
      tpu.enqueue_indirect_dma source(%arg13 : memref<96x112xf32, #tpu.memory_space<vmem>>) target(%dma_start3A_662 : memref<10112x112xf32, #tpu.memory_space<vmem_shared>>) offsets(%dma_start3A_659 : memref<96xi32, #tpu.memory_space<vmem>>) semaphore(%arg18 : memref<!tpu.dma_semaphore, #tpu.memory_space<semaphore_mem>>) {add = true}
      %while3A_663 = arith.constant 0 : i32
      scf.yield %while3A_663 : i32
    }
    %while3A_195 = arith.constant 1 : i32
    %while3A_196 = scf.for %while3A_209 = %while3A_192 to %while3A_188 step %while3A_195 iter_args(%while3A_210 = %while3A_194) -> (i32)  : i32 {
      %mul3A_211 = arith.constant 2 : i32
      %mul3A_212 = arith.muli %mul3A_211, %while3A_209 : i32
      %add3A_213 = arith.constant 0 : i32
      %add3A_214 = arith.addi %mul3A_212, %add3A_213 : i32
      %broadcast_in_dim3A_215 = vector.broadcast %add3A_214 : i32 to vector<16xi32>
      %add3A_216 = arith.constant 0 : i32
      %add3A_217 = vector.broadcast %add3A_216 : i32 to vector<16xi32>
      %add3A_218 = arith.addi %add3A_217, %iota3A : vector<16xi32>
      %gather3A_219 = tpu.vector_load_idx %arg8[%broadcast_in_dim3A_215, %add3A_218] : memref<76x96xi32, #tpu.memory_space<vmem>>[vector<16xi32>, vector<16xi32>], vector<16xi32>,
      %add3A_220 = arith.constant 0 : i32
      %add3A_221 = vector.broadcast %add3A_220 : i32 to vector<16xi32>
      %add3A_222 = arith.addi %add3A_221, %iota3A : vector<16xi32>
      %gather3A_223 = tpu.vector_load_idx %arg9[%broadcast_in_dim3A_215, %add3A_222] : memref<76x96xi32, #tpu.memory_space<vmem>>[vector<16xi32>, vector<16xi32>], vector<16xi32>,
      %gather3A_224 = tpu.vector_load_idx %arg10[%broadcast_in_dim3A_5, %gather3A_219] : memref<2x10000xf32, #tpu.memory_space<vmem>>[vector<16xi32>, vector<16xi32>], vector<16xf32>,
      %gather3A_225 = tpu.vector_load_idx %arg10[%broadcast_in_dim3A_7, %gather3A_223] : memref<2x10000xf32, #tpu.memory_space<vmem>>[vector<16xi32>, vector<16xi32>], vector<16xf32>,
      %add3A_226 = arith.addf %gather3A_224, %gather3A_225 : vector<16xf32>
      %mul3A_227 = arith.constant 2.000000e-01 : f32
      %mul3A_228 = vector.broadcast %mul3A_227 : f32 to vector<16xf32>
      %mul3A_229 = arith.mulf %mul3A_228, %add3A_226 : vector<16xf32>
      %max3A_230 = arith.maximumf %add3A_226, %mul3A_229 : vector<16xf32>
      %sub3A_231 = arith.subf %max3A_230, %max3A_148 : vector<16xf32>
      %exp3A = math.exp %sub3A_231 : vector<16xf32>
      %mul3A_232 = arith.constant 96 : i32
      %mul3A_233 = arith.muli %add3A_214, %mul3A_232 : i32
      %add3A_234 = arith.addi %select_n3A_157, %mul3A_233 : i32
      %add3A_235 = arith.constant 0 : i32
      %add3A_236 = arith.addi %add3A_234, %add3A_235 : i32
      %add3A_237 = vector.broadcast %add3A_236 : i32 to vector<16xi32>
      %add3A_238 = arith.addi %add3A_237, %iota3A : vector<16xi32>
      %add3A_239 = arith.constant 0 : i32
      %add3A_240 = vector.broadcast %add3A_239 : i32 to vector<16xi32>
      %add3A_241 = arith.addi %add3A_240, %iota3A : vector<16xi32>
      %lt3A = arith.constant 170000 : i32
      %lt3A_242 = vector.broadcast %lt3A : i32 to vector<16xi32>
      %lt3A_243 = arith.cmpi slt, %add3A_238, %lt3A_242 : vector<16xi32>
      %jit3A_244 = arith.constant 0.000000e+00 : f32
      %broadcast_in_dim3A_245 = vector.broadcast %jit3A_244 : f32 to vector<16xf32>
      %select_n3A_246 = arith.select %lt3A_243, %exp3A, %broadcast_in_dim3A_245 : vector<16xi1>, vector<16xf32>
      tpu.vector_store_idx %arg11[%add3A_241], %select_n3A_246 : memref<96xf32, #tpu.memory_space<vmem>>[vector<16xi32>], vector<16xf32>,
      %add3A_247 = arith.constant 16 : i32
      %add3A_248 = vector.broadcast %add3A_247 : i32 to vector<16xi32>
      %add3A_249 = arith.addi %add3A_248, %iota3A : vector<16xi32>
      %gather3A_250 = tpu.vector_load_idx %arg8[%broadcast_in_dim3A_215, %add3A_249] : memref<76x96xi32, #tpu.memory_space<vmem>>[vector<16xi32>, vector<16xi32>], vector<16xi32>,
      %add3A_251 = arith.constant 16 : i32
      %add3A_252 = vector.broadcast %add3A_251 : i32 to vector<16xi32>
      %add3A_253 = arith.addi %add3A_252, %iota3A : vector<16xi32>
      %gather3A_254 = tpu.vector_load_idx %arg9[%broadcast_in_dim3A_215, %add3A_253] : memref<76x96xi32, #tpu.memory_space<vmem>>[vector<16xi32>, vector<16xi32>], vector<16xi32>,
      %gather3A_255 = tpu.vector_load_idx %arg10[%broadcast_in_dim3A_5, %gather3A_250] : memref<2x10000xf32, #tpu.memory_space<vmem>>[vector<16xi32>, vector<16xi32>], vector<16xf32>,
      %gather3A_256 = tpu.vector_load_idx %arg10[%broadcast_in_dim3A_7, %gather3A_254] : memref<2x10000xf32, #tpu.memory_space<vmem>>[vector<16xi32>, vector<16xi32>], vector<16xf32>,
      %add3A_257 = arith.addf %gather3A_255, %gather3A_256 : vector<16xf32>
      %mul3A_258 = arith.constant 2.000000e-01 : f32
      %mul3A_259 = vector.broadcast %mul3A_258 : f32 to vector<16xf32>
      %mul3A_260 = arith.mulf %mul3A_259, %add3A_257 : vector<16xf32>
      %max3A_261 = arith.maximumf %add3A_257, %mul3A_260 : vector<16xf32>
      %sub3A_262 = arith.subf %max3A_261, %max3A_148 : vector<16xf32>
      %exp3A_263 = math.exp %sub3A_262 : vector<16xf32>
      %mul3A_264 = arith.constant 96 : i32
      %mul3A_265 = arith.muli %add3A_214, %mul3A_264 : i32
      %add3A_266 = arith.addi %select_n3A_157, %mul3A_265 : i32
      %add3A_267 = arith.constant 16 : i32
      %add3A_268 = arith.addi %add3A_266, %add3A_267 : i32
      %add3A_269 = vector.broadcast %add3A_268 : i32 to vector<16xi32>
      %add3A_270 = arith.addi %add3A_269, %iota3A : vector<16xi32>
      %add3A_271 = arith.constant 16 : i32
      %add3A_272 = vector.broadcast %add3A_271 : i32 to vector<16xi32>
      %add3A_273 = arith.addi %add3A_272, %iota3A : vector<16xi32>
      %lt3A_274 = arith.constant 170000 : i32
      %lt3A_275 = vector.broadcast %lt3A_274 : i32 to vector<16xi32>
      %lt3A_276 = arith.cmpi slt, %add3A_270, %lt3A_275 : vector<16xi32>
      %jit3A_277 = arith.constant 0.000000e+00 : f32
      %broadcast_in_dim3A_278 = vector.broadcast %jit3A_277 : f32 to vector<16xf32>
      %select_n3A_279 = arith.select %lt3A_276, %exp3A_263, %broadcast_in_dim3A_278 : vector<16xi1>, vector<16xf32>
      tpu.vector_store_idx %arg11[%add3A_273], %select_n3A_279 : memref<96xf32, #tpu.memory_space<vmem>>[vector<16xi32>], vector<16xf32>,
      %add3A_280 = arith.constant 32 : i32
      %add3A_281 = vector.broadcast %add3A_280 : i32 to vector<16xi32>
      %add3A_282 = arith.addi %add3A_281, %iota3A : vector<16xi32>
      %gather3A_283 = tpu.vector_load_idx %arg8[%broadcast_in_dim3A_215, %add3A_282] : memref<76x96xi32, #tpu.memory_space<vmem>>[vector<16xi32>, vector<16xi32>], vector<16xi32>,
      %add3A_284 = arith.constant 32 : i32
      %add3A_285 = vector.broadcast %add3A_284 : i32 to vector<16xi32>
      %add3A_286 = arith.addi %add3A_285, %iota3A : vector<16xi32>
      %gather3A_287 = tpu.vector_load_idx %arg9[%broadcast_in_dim3A_215, %add3A_286] : memref<76x96xi32, #tpu.memory_space<vmem>>[vector<16xi32>, vector<16xi32>], vector<16xi32>,
      %gather3A_288 = tpu.vector_load_idx %arg10[%broadcast_in_dim3A_5, %gather3A_283] : memref<2x10000xf32, #tpu.memory_space<vmem>>[vector<16xi32>, vector<16xi32>], vector<16xf32>,
      %gather3A_289 = tpu.vector_load_idx %arg10[%broadcast_in_dim3A_7, %gather3A_287] : memref<2x10000xf32, #tpu.memory_space<vmem>>[vector<16xi32>, vector<16xi32>], vector<16xf32>,
      %add3A_290 = arith.addf %gather3A_288, %gather3A_289 : vector<16xf32>
      %mul3A_291 = arith.constant 2.000000e-01 : f32
      %mul3A_292 = vector.broadcast %mul3A_291 : f32 to vector<16xf32>
      %mul3A_293 = arith.mulf %mul3A_292, %add3A_290 : vector<16xf32>
      %max3A_294 = arith.maximumf %add3A_290, %mul3A_293 : vector<16xf32>
      %sub3A_295 = arith.subf %max3A_294, %max3A_148 : vector<16xf32>
      %exp3A_296 = math.exp %sub3A_295 : vector<16xf32>
      %mul3A_297 = arith.constant 96 : i32
      %mul3A_298 = arith.muli %add3A_214, %mul3A_297 : i32
      %add3A_299 = arith.addi %select_n3A_157, %mul3A_298 : i32
      %add3A_300 = arith.constant 32 : i32
      %add3A_301 = arith.addi %add3A_299, %add3A_300 : i32
      %add3A_302 = vector.broadcast %add3A_301 : i32 to vector<16xi32>
      %add3A_303 = arith.addi %add3A_302, %iota3A : vector<16xi32>
      %add3A_304 = arith.constant 32 : i32
      %add3A_305 = vector.broadcast %add3A_304 : i32 to vector<16xi32>
      %add3A_306 = arith.addi %add3A_305, %iota3A : vector<16xi32>
      %lt3A_307 = arith.constant 170000 : i32
      %lt3A_308 = vector.broadcast %lt3A_307 : i32 to vector<16xi32>
      %lt3A_309 = arith.cmpi slt, %add3A_303, %lt3A_308 : vector<16xi32>
      %jit3A_310 = arith.constant 0.000000e+00 : f32
      %broadcast_in_dim3A_311 = vector.broadcast %jit3A_310 : f32 to vector<16xf32>
      %select_n3A_312 = arith.select %lt3A_309, %exp3A_296, %broadcast_in_dim3A_311 : vector<16xi1>, vector<16xf32>
      tpu.vector_store_idx %arg11[%add3A_306], %select_n3A_312 : memref<96xf32, #tpu.memory_space<vmem>>[vector<16xi32>], vector<16xf32>,
      %add3A_313 = arith.constant 48 : i32
      %add3A_314 = vector.broadcast %add3A_313 : i32 to vector<16xi32>
      %add3A_315 = arith.addi %add3A_314, %iota3A : vector<16xi32>
      %gather3A_316 = tpu.vector_load_idx %arg8[%broadcast_in_dim3A_215, %add3A_315] : memref<76x96xi32, #tpu.memory_space<vmem>>[vector<16xi32>, vector<16xi32>], vector<16xi32>,
      %add3A_317 = arith.constant 48 : i32
      %add3A_318 = vector.broadcast %add3A_317 : i32 to vector<16xi32>
      %add3A_319 = arith.addi %add3A_318, %iota3A : vector<16xi32>
      %gather3A_320 = tpu.vector_load_idx %arg9[%broadcast_in_dim3A_215, %add3A_319] : memref<76x96xi32, #tpu.memory_space<vmem>>[vector<16xi32>, vector<16xi32>], vector<16xi32>,
      %gather3A_321 = tpu.vector_load_idx %arg10[%broadcast_in_dim3A_5, %gather3A_316] : memref<2x10000xf32, #tpu.memory_space<vmem>>[vector<16xi32>, vector<16xi32>], vector<16xf32>,
      %gather3A_322 = tpu.vector_load_idx %arg10[%broadcast_in_dim3A_7, %gather3A_320] : memref<2x10000xf32, #tpu.memory_space<vmem>>[vector<16xi32>, vector<16xi32>], vector<16xf32>,
      %add3A_323 = arith.addf %gather3A_321, %gather3A_322 : vector<16xf32>
      %mul3A_324 = arith.constant 2.000000e-01 : f32
      %mul3A_325 = vector.broadcast %mul3A_324 : f32 to vector<16xf32>
      %mul3A_326 = arith.mulf %mul3A_325, %add3A_323 : vector<16xf32>
      %max3A_327 = arith.maximumf %add3A_323, %mul3A_326 : vector<16xf32>
      %sub3A_328 = arith.subf %max3A_327, %max3A_148 : vector<16xf32>
      %exp3A_329 = math.exp %sub3A_328 : vector<16xf32>
      %mul3A_330 = arith.constant 96 : i32
      %mul3A_331 = arith.muli %add3A_214, %mul3A_330 : i32
      %add3A_332 = arith.addi %select_n3A_157, %mul3A_331 : i32
      %add3A_333 = arith.constant 48 : i32
      %add3A_334 = arith.addi %add3A_332, %add3A_333 : i32
      %add3A_335 = vector.broadcast %add3A_334 : i32 to vector<16xi32>
      %add3A_336 = arith.addi %add3A_335, %iota3A : vector<16xi32>
      %add3A_337 = arith.constant 48 : i32
      %add3A_338 = vector.broadcast %add3A_337 : i32 to vector<16xi32>
      %add3A_339 = arith.addi %add3A_338, %iota3A : vector<16xi32>
      %lt3A_340 = arith.constant 170000 : i32
      %lt3A_341 = vector.broadcast %lt3A_340 : i32 to vector<16xi32>
      %lt3A_342 = arith.cmpi slt, %add3A_336, %lt3A_341 : vector<16xi32>
      %jit3A_343 = arith.constant 0.000000e+00 : f32
      %broadcast_in_dim3A_344 = vector.broadcast %jit3A_343 : f32 to vector<16xf32>
      %select_n3A_345 = arith.select %lt3A_342, %exp3A_329, %broadcast_in_dim3A_344 : vector<16xi1>, vector<16xf32>
      tpu.vector_store_idx %arg11[%add3A_339], %select_n3A_345 : memref<96xf32, #tpu.memory_space<vmem>>[vector<16xi32>], vector<16xf32>,
      %add3A_346 = arith.constant 64 : i32
      %add3A_347 = vector.broadcast %add3A_346 : i32 to vector<16xi32>
      %add3A_348 = arith.addi %add3A_347, %iota3A : vector<16xi32>
      %gather3A_349 = tpu.vector_load_idx %arg8[%broadcast_in_dim3A_215, %add3A_348] : memref<76x96xi32, #tpu.memory_space<vmem>>[vector<16xi32>, vector<16xi32>], vector<16xi32>,
      %add3A_350 = arith.constant 64 : i32
      %add3A_351 = vector.broadcast %add3A_350 : i32 to vector<16xi32>
      %add3A_352 = arith.addi %add3A_351, %iota3A : vector<16xi32>
      %gather3A_353 = tpu.vector_load_idx %arg9[%broadcast_in_dim3A_215, %add3A_352] : memref<76x96xi32, #tpu.memory_space<vmem>>[vector<16xi32>, vector<16xi32>], vector<16xi32>,
      %gather3A_354 = tpu.vector_load_idx %arg10[%broadcast_in_dim3A_5, %gather3A_349] : memref<2x10000xf32, #tpu.memory_space<vmem>>[vector<16xi32>, vector<16xi32>], vector<16xf32>,
      %gather3A_355 = tpu.vector_load_idx %arg10[%broadcast_in_dim3A_7, %gather3A_353] : memref<2x10000xf32, #tpu.memory_space<vmem>>[vector<16xi32>, vector<16xi32>], vector<16xf32>,
      %add3A_356 = arith.addf %gather3A_354, %gather3A_355 : vector<16xf32>
      %mul3A_357 = arith.constant 2.000000e-01 : f32
      %mul3A_358 = vector.broadcast %mul3A_357 : f32 to vector<16xf32>
      %mul3A_359 = arith.mulf %mul3A_358, %add3A_356 : vector<16xf32>
      %max3A_360 = arith.maximumf %add3A_356, %mul3A_359 : vector<16xf32>
      %sub3A_361 = arith.subf %max3A_360, %max3A_148 : vector<16xf32>
      %exp3A_362 = math.exp %sub3A_361 : vector<16xf32>
      %mul3A_363 = arith.constant 96 : i32
      %mul3A_364 = arith.muli %add3A_214, %mul3A_363 : i32
      %add3A_365 = arith.addi %select_n3A_157, %mul3A_364 : i32
      %add3A_366 = arith.constant 64 : i32
      %add3A_367 = arith.addi %add3A_365, %add3A_366 : i32
      %add3A_368 = vector.broadcast %add3A_367 : i32 to vector<16xi32>
      %add3A_369 = arith.addi %add3A_368, %iota3A : vector<16xi32>
      %add3A_370 = arith.constant 64 : i32
      %add3A_371 = vector.broadcast %add3A_370 : i32 to vector<16xi32>
      %add3A_372 = arith.addi %add3A_371, %iota3A : vector<16xi32>
      %lt3A_373 = arith.constant 170000 : i32
      %lt3A_374 = vector.broadcast %lt3A_373 : i32 to vector<16xi32>
      %lt3A_375 = arith.cmpi slt, %add3A_369, %lt3A_374 : vector<16xi32>
      %jit3A_376 = arith.constant 0.000000e+00 : f32
      %broadcast_in_dim3A_377 = vector.broadcast %jit3A_376 : f32 to vector<16xf32>
      %select_n3A_378 = arith.select %lt3A_375, %exp3A_362, %broadcast_in_dim3A_377 : vector<16xi1>, vector<16xf32>
      tpu.vector_store_idx %arg11[%add3A_372], %select_n3A_378 : memref<96xf32, #tpu.memory_space<vmem>>[vector<16xi32>], vector<16xf32>,
      %add3A_379 = arith.constant 80 : i32
      %add3A_380 = vector.broadcast %add3A_379 : i32 to vector<16xi32>
      %add3A_381 = arith.addi %add3A_380, %iota3A : vector<16xi32>
      %gather3A_382 = tpu.vector_load_idx %arg8[%broadcast_in_dim3A_215, %add3A_381] : memref<76x96xi32, #tpu.memory_space<vmem>>[vector<16xi32>, vector<16xi32>], vector<16xi32>,
      %add3A_383 = arith.constant 80 : i32
      %add3A_384 = vector.broadcast %add3A_383 : i32 to vector<16xi32>
      %add3A_385 = arith.addi %add3A_384, %iota3A : vector<16xi32>
      %gather3A_386 = tpu.vector_load_idx %arg9[%broadcast_in_dim3A_215, %add3A_385] : memref<76x96xi32, #tpu.memory_space<vmem>>[vector<16xi32>, vector<16xi32>], vector<16xi32>,
      %gather3A_387 = tpu.vector_load_idx %arg10[%broadcast_in_dim3A_5, %gather3A_382] : memref<2x10000xf32, #tpu.memory_space<vmem>>[vector<16xi32>, vector<16xi32>], vector<16xf32>,
      %gather3A_388 = tpu.vector_load_idx %arg10[%broadcast_in_dim3A_7, %gather3A_386] : memref<2x10000xf32, #tpu.memory_space<vmem>>[vector<16xi32>, vector<16xi32>], vector<16xf32>,
      %add3A_389 = arith.addf %gather3A_387, %gather3A_388 : vector<16xf32>
      %mul3A_390 = arith.constant 2.000000e-01 : f32
      %mul3A_391 = vector.broadcast %mul3A_390 : f32 to vector<16xf32>
      %mul3A_392 = arith.mulf %mul3A_391, %add3A_389 : vector<16xf32>
      %max3A_393 = arith.maximumf %add3A_389, %mul3A_392 : vector<16xf32>
      %sub3A_394 = arith.subf %max3A_393, %max3A_148 : vector<16xf32>
      %exp3A_395 = math.exp %sub3A_394 : vector<16xf32>
      %mul3A_396 = arith.constant 96 : i32
      %mul3A_397 = arith.muli %add3A_214, %mul3A_396 : i32
      %add3A_398 = arith.addi %select_n3A_157, %mul3A_397 : i32
      %add3A_399 = arith.constant 80 : i32
      %add3A_400 = arith.addi %add3A_398, %add3A_399 : i32
      %add3A_401 = vector.broadcast %add3A_400 : i32 to vector<16xi32>
      %add3A_402 = arith.addi %add3A_401, %iota3A : vector<16xi32>
      %add3A_403 = arith.constant 80 : i32
      %add3A_404 = vector.broadcast %add3A_403 : i32 to vector<16xi32>
      %add3A_405 = arith.addi %add3A_404, %iota3A : vector<16xi32>
      %lt3A_406 = arith.constant 170000 : i32
      %lt3A_407 = vector.broadcast %lt3A_406 : i32 to vector<16xi32>
      %lt3A_408 = arith.cmpi slt, %add3A_402, %lt3A_407 : vector<16xi32>
      %jit3A_409 = arith.constant 0.000000e+00 : f32
      %broadcast_in_dim3A_410 = vector.broadcast %jit3A_409 : f32 to vector<16xf32>
      %select_n3A_411 = arith.select %lt3A_408, %exp3A_395, %broadcast_in_dim3A_410 : vector<16xi1>, vector<16xf32>
      tpu.vector_store_idx %arg11[%add3A_405], %select_n3A_411 : memref<96xf32, #tpu.memory_space<vmem>>[vector<16xi32>], vector<16xf32>,
      %ge3A = arith.constant 1 : i32
      %ge3A_412 = arith.cmpi sge, %add3A_214, %ge3A : i32
      %convert_element_type3A = arith.extui %ge3A_412 : i1 to i32
      %cond3A = arith.constant 0 : i32
      %cond3A_413 = arith.cmpi ne, %convert_element_type3A, %cond3A : i32
      scf.if %cond3A_413 {
        %sub3A_664 = arith.constant 1 : i32
        %sub3A_665 = arith.subi %add3A_214, %sub3A_664 : i32
        %dma_wait3A_666 = arith.constant 0 : i32
        %dma_wait3A_667 = tpu.memref_slice %arg9[%sub3A_665, %dma_wait3A_666] : memref<76x96xi32, #tpu.memory_space<vmem>> -> memref<1x96xi32, #tpu.memory_space<vmem>>
        %dma_wait3A_668 = tpu.memref_squeeze %dma_wait3A_667 : memref<1x96xi32, #tpu.memory_space<vmem>> -> memref<96xi32, #tpu.memory_space<vmem>>
        %dma_wait3A_669 = arith.constant 0 : i32
        %dma_wait3A_670 = arith.constant 0 : i32
        %dma_wait3A_671 = tpu.memref_slice %arg14[%dma_wait3A_669, %dma_wait3A_670] : memref<10112x112xf32, #tpu.memory_space<vmem_shared>> -> memref<10112x112xf32, #tpu.memory_space<vmem_shared>>
        tpu.wait_indirect_dma semaphore(%arg18 : memref<!tpu.dma_semaphore, #tpu.memory_space<semaphore_mem>>) src(%arg13 : memref<96x112xf32, #tpu.memory_space<vmem>>) dst(%dma_wait3A_671 : memref<10112x112xf32, #tpu.memory_space<vmem_shared>>)
      } else {
      }
      %add3A_414 = arith.constant 1 : i32
      %add3A_415 = arith.addi %add3A_214, %add3A_414 : i32
      %lt3A_416 = arith.cmpi slt, %add3A_415, %select_n3A_162 : i32
      %convert_element_type3A_417 = arith.extui %lt3A_416 : i1 to i32
      %cond3A_418 = arith.constant 0 : i32
      %cond3A_419 = arith.cmpi ne, %convert_element_type3A_417, %cond3A_418 : i32
      scf.if %cond3A_419 {
        %add3A_664 = arith.constant 1 : i32
        %add3A_665 = arith.addi %add3A_214, %add3A_664 : i32
        %dma_start3A_666 = arith.constant 0 : i32
        %dma_start3A_667 = tpu.memref_slice %arg8[%add3A_665, %dma_start3A_666] : memref<76x96xi32, #tpu.memory_space<vmem>> -> memref<1x96xi32, #tpu.memory_space<vmem>>
        %dma_start3A_668 = tpu.memref_squeeze %dma_start3A_667 : memref<1x96xi32, #tpu.memory_space<vmem>> -> memref<96xi32, #tpu.memory_space<vmem>>
        %dma_start3A_669 = arith.constant 0 : i32
        %dma_start3A_670 = arith.constant 0 : i32
        %dma_start3A_671 = tpu.memref_slice %arg2[%dma_start3A_669, %dma_start3A_670] : memref<10000x112xf32, #tpu.memory_space<hbm>> -> memref<10000x112xf32, #tpu.memory_space<hbm>>
        tpu.enqueue_indirect_dma source(%dma_start3A_671 : memref<10000x112xf32, #tpu.memory_space<hbm>>) target(%arg13 : memref<96x112xf32, #tpu.memory_space<vmem>>) offsets(%dma_start3A_668 : memref<96xi32, #tpu.memory_space<vmem>>) semaphore(%arg16 : memref<!tpu.dma_semaphore, #tpu.memory_space<semaphore_mem>>)
      } else {
      }
      %dma_wait3A_420 = arith.constant 0 : i32
      %dma_wait3A_421 = tpu.memref_slice %arg8[%add3A_214, %dma_wait3A_420] : memref<76x96xi32, #tpu.memory_space<vmem>> -> memref<1x96xi32, #tpu.memory_space<vmem>>
      %dma_wait3A_422 = tpu.memref_squeeze %dma_wait3A_421 : memref<1x96xi32, #tpu.memory_space<vmem>> -> memref<96xi32, #tpu.memory_space<vmem>>
      %dma_wait3A_423 = arith.constant 0 : i32
      %dma_wait3A_424 = arith.constant 0 : i32
      %dma_wait3A_425 = tpu.memref_slice %arg2[%dma_wait3A_423, %dma_wait3A_424] : memref<10000x112xf32, #tpu.memory_space<hbm>> -> memref<10000x112xf32, #tpu.memory_space<hbm>>
      tpu.wait_indirect_dma semaphore(%arg15 : memref<!tpu.dma_semaphore, #tpu.memory_space<semaphore_mem>>) src(%dma_wait3A_425 : memref<10000x112xf32, #tpu.memory_space<hbm>>) dst(%arg12 : memref<96x112xf32, #tpu.memory_space<vmem>>)
      %parallel_loop3A = arith.constant 0 : i32
      %parallel_loop3A_426 = arith.constant 96 : i32
      %parallel_loop3A_427 = arith.constant 1 : i32
      scf.for %parallel_loop3A_664 = %parallel_loop3A to %parallel_loop3A_426 step %parallel_loop3A_427  : i32 {
        %parallel_loop3A_665 = vector.broadcast %parallel_loop3A_664 : i32 to vector<16xi32>
        %parallel_loop3A_666 = tpu.vector_load_idx %arg11[%parallel_loop3A_665] : memref<96xf32, #tpu.memory_space<vmem>>[vector<16xi32>], vector<16xf32>,
        %parallel_loop3A_667 = arith.constant 0 : i32
        %parallel_loop3A_668 = vector.broadcast %parallel_loop3A_667 : i32 to vector<16xi32>
        %parallel_loop3A_669 = arith.addi %parallel_loop3A_668, %iota3A : vector<16xi32>
        %parallel_loop3A_670 = tpu.vector_load_idx %arg12[%parallel_loop3A_665, %parallel_loop3A_669] : memref<96x112xf32, #tpu.memory_space<vmem>>[vector<16xi32>, vector<16xi32>], vector<16xf32>,
        %parallel_loop3A_671 = arith.constant 0 : i32
        %parallel_loop3A_672 = vector.broadcast %parallel_loop3A_671 : i32 to vector<16xi32>
        %parallel_loop3A_673 = arith.addi %parallel_loop3A_672, %iota3A : vector<16xi32>
        %parallel_loop3A_674 = arith.mulf %parallel_loop3A_670, %parallel_loop3A_666 : vector<16xf32>
        tpu.vector_store_idx %arg12[%parallel_loop3A_665, %parallel_loop3A_673], %parallel_loop3A_674 : memref<96x112xf32, #tpu.memory_space<vmem>>[vector<16xi32>, vector<16xi32>], vector<16xf32>,
        %parallel_loop3A_675 = arith.constant 16 : i32
        %parallel_loop3A_676 = vector.broadcast %parallel_loop3A_675 : i32 to vector<16xi32>
        %parallel_loop3A_677 = arith.addi %parallel_loop3A_676, %iota3A : vector<16xi32>
        %parallel_loop3A_678 = tpu.vector_load_idx %arg12[%parallel_loop3A_665, %parallel_loop3A_677] : memref<96x112xf32, #tpu.memory_space<vmem>>[vector<16xi32>, vector<16xi32>], vector<16xf32>,
        %parallel_loop3A_679 = arith.constant 16 : i32
        %parallel_loop3A_680 = vector.broadcast %parallel_loop3A_679 : i32 to vector<16xi32>
        %parallel_loop3A_681 = arith.addi %parallel_loop3A_680, %iota3A : vector<16xi32>
        %parallel_loop3A_682 = arith.mulf %parallel_loop3A_678, %parallel_loop3A_666 : vector<16xf32>
        tpu.vector_store_idx %arg12[%parallel_loop3A_665, %parallel_loop3A_681], %parallel_loop3A_682 : memref<96x112xf32, #tpu.memory_space<vmem>>[vector<16xi32>, vector<16xi32>], vector<16xf32>,
        %parallel_loop3A_683 = arith.constant 32 : i32
        %parallel_loop3A_684 = vector.broadcast %parallel_loop3A_683 : i32 to vector<16xi32>
        %parallel_loop3A_685 = arith.addi %parallel_loop3A_684, %iota3A : vector<16xi32>
        %parallel_loop3A_686 = tpu.vector_load_idx %arg12[%parallel_loop3A_665, %parallel_loop3A_685] : memref<96x112xf32, #tpu.memory_space<vmem>>[vector<16xi32>, vector<16xi32>], vector<16xf32>,
        %parallel_loop3A_687 = arith.constant 32 : i32
        %parallel_loop3A_688 = vector.broadcast %parallel_loop3A_687 : i32 to vector<16xi32>
        %parallel_loop3A_689 = arith.addi %parallel_loop3A_688, %iota3A : vector<16xi32>
        %parallel_loop3A_690 = arith.mulf %parallel_loop3A_686, %parallel_loop3A_666 : vector<16xf32>
        tpu.vector_store_idx %arg12[%parallel_loop3A_665, %parallel_loop3A_689], %parallel_loop3A_690 : memref<96x112xf32, #tpu.memory_space<vmem>>[vector<16xi32>, vector<16xi32>], vector<16xf32>,
        %parallel_loop3A_691 = arith.constant 48 : i32
        %parallel_loop3A_692 = vector.broadcast %parallel_loop3A_691 : i32 to vector<16xi32>
        %parallel_loop3A_693 = arith.addi %parallel_loop3A_692, %iota3A : vector<16xi32>
        %parallel_loop3A_694 = tpu.vector_load_idx %arg12[%parallel_loop3A_665, %parallel_loop3A_693] : memref<96x112xf32, #tpu.memory_space<vmem>>[vector<16xi32>, vector<16xi32>], vector<16xf32>,
        %parallel_loop3A_695 = arith.constant 48 : i32
        %parallel_loop3A_696 = vector.broadcast %parallel_loop3A_695 : i32 to vector<16xi32>
        %parallel_loop3A_697 = arith.addi %parallel_loop3A_696, %iota3A : vector<16xi32>
        %parallel_loop3A_698 = arith.mulf %parallel_loop3A_694, %parallel_loop3A_666 : vector<16xf32>
        tpu.vector_store_idx %arg12[%parallel_loop3A_665, %parallel_loop3A_697], %parallel_loop3A_698 : memref<96x112xf32, #tpu.memory_space<vmem>>[vector<16xi32>, vector<16xi32>], vector<16xf32>,
        %parallel_loop3A_699 = arith.constant 64 : i32
        %parallel_loop3A_700 = vector.broadcast %parallel_loop3A_699 : i32 to vector<16xi32>
        %parallel_loop3A_701 = arith.addi %parallel_loop3A_700, %iota3A : vector<16xi32>
        %parallel_loop3A_702 = tpu.vector_load_idx %arg12[%parallel_loop3A_665, %parallel_loop3A_701] : memref<96x112xf32, #tpu.memory_space<vmem>>[vector<16xi32>, vector<16xi32>], vector<16xf32>,
        %parallel_loop3A_703 = arith.constant 64 : i32
        %parallel_loop3A_704 = vector.broadcast %parallel_loop3A_703 : i32 to vector<16xi32>
        %parallel_loop3A_705 = arith.addi %parallel_loop3A_704, %iota3A : vector<16xi32>
        %parallel_loop3A_706 = arith.mulf %parallel_loop3A_702, %parallel_loop3A_666 : vector<16xf32>
        tpu.vector_store_idx %arg12[%parallel_loop3A_665, %parallel_loop3A_705], %parallel_loop3A_706 : memref<96x112xf32, #tpu.memory_space<vmem>>[vector<16xi32>, vector<16xi32>], vector<16xf32>,
        %parallel_loop3A_707 = arith.constant 80 : i32
        %parallel_loop3A_708 = vector.broadcast %parallel_loop3A_707 : i32 to vector<16xi32>
        %parallel_loop3A_709 = arith.addi %parallel_loop3A_708, %iota3A : vector<16xi32>
        %parallel_loop3A_710 = tpu.vector_load_idx %arg12[%parallel_loop3A_665, %parallel_loop3A_709] : memref<96x112xf32, #tpu.memory_space<vmem>>[vector<16xi32>, vector<16xi32>], vector<16xf32>,
        %parallel_loop3A_711 = arith.constant 80 : i32
        %parallel_loop3A_712 = vector.broadcast %parallel_loop3A_711 : i32 to vector<16xi32>
        %parallel_loop3A_713 = arith.addi %parallel_loop3A_712, %iota3A : vector<16xi32>
        %parallel_loop3A_714 = arith.mulf %parallel_loop3A_710, %parallel_loop3A_666 : vector<16xf32>
        tpu.vector_store_idx %arg12[%parallel_loop3A_665, %parallel_loop3A_713], %parallel_loop3A_714 : memref<96x112xf32, #tpu.memory_space<vmem>>[vector<16xi32>, vector<16xi32>], vector<16xf32>,
        %parallel_loop3A_715 = arith.constant 96 : i32
        %parallel_loop3A_716 = vector.broadcast %parallel_loop3A_715 : i32 to vector<16xi32>
        %parallel_loop3A_717 = arith.addi %parallel_loop3A_716, %iota3A : vector<16xi32>
        %parallel_loop3A_718 = tpu.vector_load_idx %arg12[%parallel_loop3A_665, %parallel_loop3A_717] : memref<96x112xf32, #tpu.memory_space<vmem>>[vector<16xi32>, vector<16xi32>], vector<16xf32>,
        %parallel_loop3A_719 = arith.constant 96 : i32
        %parallel_loop3A_720 = vector.broadcast %parallel_loop3A_719 : i32 to vector<16xi32>
        %parallel_loop3A_721 = arith.addi %parallel_loop3A_720, %iota3A : vector<16xi32>
        %parallel_loop3A_722 = arith.mulf %parallel_loop3A_718, %parallel_loop3A_666 : vector<16xf32>
        tpu.vector_store_idx %arg12[%parallel_loop3A_665, %parallel_loop3A_721], %parallel_loop3A_722 : memref<96x112xf32, #tpu.memory_space<vmem>>[vector<16xi32>, vector<16xi32>], vector<16xf32>,
      } {sc.loop_unroll_factor = 4 : i64, sc.parallel_access}
      %dma_start3A_428 = arith.constant 0 : i32
      %dma_start3A_429 = tpu.memref_slice %arg9[%add3A_214, %dma_start3A_428] : memref<76x96xi32, #tpu.memory_space<vmem>> -> memref<1x96xi32, #tpu.memory_space<vmem>>
      %dma_start3A_430 = tpu.memref_squeeze %dma_start3A_429 : memref<1x96xi32, #tpu.memory_space<vmem>> -> memref<96xi32, #tpu.memory_space<vmem>>
      %dma_start3A_431 = arith.constant 0 : i32
      %dma_start3A_432 = arith.constant 0 : i32
      %dma_start3A_433 = tpu.memref_slice %arg14[%dma_start3A_431, %dma_start3A_432] : memref<10112x112xf32, #tpu.memory_space<vmem_shared>> -> memref<10112x112xf32, #tpu.memory_space<vmem_shared>>
      tpu.enqueue_indirect_dma source(%arg12 : memref<96x112xf32, #tpu.memory_space<vmem>>) target(%dma_start3A_433 : memref<10112x112xf32, #tpu.memory_space<vmem_shared>>) offsets(%dma_start3A_430 : memref<96xi32, #tpu.memory_space<vmem>>) semaphore(%arg17 : memref<!tpu.dma_semaphore, #tpu.memory_space<semaphore_mem>>) {add = true}
      %mul3A_434 = arith.constant 2 : i32
      %mul3A_435 = arith.muli %mul3A_434, %while3A_209 : i32
      %add3A_436 = arith.constant 1 : i32
      %add3A_437 = arith.addi %mul3A_435, %add3A_436 : i32
      %broadcast_in_dim3A_438 = vector.broadcast %add3A_437 : i32 to vector<16xi32>
      %add3A_439 = arith.constant 0 : i32
      %add3A_440 = vector.broadcast %add3A_439 : i32 to vector<16xi32>
      %add3A_441 = arith.addi %add3A_440, %iota3A : vector<16xi32>
      %gather3A_442 = tpu.vector_load_idx %arg8[%broadcast_in_dim3A_438, %add3A_441] : memref<76x96xi32, #tpu.memory_space<vmem>>[vector<16xi32>, vector<16xi32>], vector<16xi32>,
      %add3A_443 = arith.constant 0 : i32
      %add3A_444 = vector.broadcast %add3A_443 : i32 to vector<16xi32>
      %add3A_445 = arith.addi %add3A_444, %iota3A : vector<16xi32>
      %gather3A_446 = tpu.vector_load_idx %arg9[%broadcast_in_dim3A_438, %add3A_445] : memref<76x96xi32, #tpu.memory_space<vmem>>[vector<16xi32>, vector<16xi32>], vector<16xi32>,
      %gather3A_447 = tpu.vector_load_idx %arg10[%broadcast_in_dim3A_5, %gather3A_442] : memref<2x10000xf32, #tpu.memory_space<vmem>>[vector<16xi32>, vector<16xi32>], vector<16xf32>,
      %gather3A_448 = tpu.vector_load_idx %arg10[%broadcast_in_dim3A_7, %gather3A_446] : memref<2x10000xf32, #tpu.memory_space<vmem>>[vector<16xi32>, vector<16xi32>], vector<16xf32>,
      %add3A_449 = arith.addf %gather3A_447, %gather3A_448 : vector<16xf32>
      %mul3A_450 = arith.constant 2.000000e-01 : f32
      %mul3A_451 = vector.broadcast %mul3A_450 : f32 to vector<16xf32>
      %mul3A_452 = arith.mulf %mul3A_451, %add3A_449 : vector<16xf32>
      %max3A_453 = arith.maximumf %add3A_449, %mul3A_452 : vector<16xf32>
      %sub3A_454 = arith.subf %max3A_453, %max3A_148 : vector<16xf32>
      %exp3A_455 = math.exp %sub3A_454 : vector<16xf32>
      %mul3A_456 = arith.constant 96 : i32
      %mul3A_457 = arith.muli %add3A_437, %mul3A_456 : i32
      %add3A_458 = arith.addi %select_n3A_157, %mul3A_457 : i32
      %add3A_459 = arith.constant 0 : i32
      %add3A_460 = arith.addi %add3A_458, %add3A_459 : i32
      %add3A_461 = vector.broadcast %add3A_460 : i32 to vector<16xi32>
      %add3A_462 = arith.addi %add3A_461, %iota3A : vector<16xi32>
      %add3A_463 = arith.constant 0 : i32
      %add3A_464 = vector.broadcast %add3A_463 : i32 to vector<16xi32>
      %add3A_465 = arith.addi %add3A_464, %iota3A : vector<16xi32>
      %lt3A_466 = arith.constant 170000 : i32
      %lt3A_467 = vector.broadcast %lt3A_466 : i32 to vector<16xi32>
      %lt3A_468 = arith.cmpi slt, %add3A_462, %lt3A_467 : vector<16xi32>
      %jit3A_469 = arith.constant 0.000000e+00 : f32
      %broadcast_in_dim3A_470 = vector.broadcast %jit3A_469 : f32 to vector<16xf32>
      %select_n3A_471 = arith.select %lt3A_468, %exp3A_455, %broadcast_in_dim3A_470 : vector<16xi1>, vector<16xf32>
      tpu.vector_store_idx %arg11[%add3A_465], %select_n3A_471 : memref<96xf32, #tpu.memory_space<vmem>>[vector<16xi32>], vector<16xf32>,
      %add3A_472 = arith.constant 16 : i32
      %add3A_473 = vector.broadcast %add3A_472 : i32 to vector<16xi32>
      %add3A_474 = arith.addi %add3A_473, %iota3A : vector<16xi32>
      %gather3A_475 = tpu.vector_load_idx %arg8[%broadcast_in_dim3A_438, %add3A_474] : memref<76x96xi32, #tpu.memory_space<vmem>>[vector<16xi32>, vector<16xi32>], vector<16xi32>,
      %add3A_476 = arith.constant 16 : i32
      %add3A_477 = vector.broadcast %add3A_476 : i32 to vector<16xi32>
      %add3A_478 = arith.addi %add3A_477, %iota3A : vector<16xi32>
      %gather3A_479 = tpu.vector_load_idx %arg9[%broadcast_in_dim3A_438, %add3A_478] : memref<76x96xi32, #tpu.memory_space<vmem>>[vector<16xi32>, vector<16xi32>], vector<16xi32>,
      %gather3A_480 = tpu.vector_load_idx %arg10[%broadcast_in_dim3A_5, %gather3A_475] : memref<2x10000xf32, #tpu.memory_space<vmem>>[vector<16xi32>, vector<16xi32>], vector<16xf32>,
      %gather3A_481 = tpu.vector_load_idx %arg10[%broadcast_in_dim3A_7, %gather3A_479] : memref<2x10000xf32, #tpu.memory_space<vmem>>[vector<16xi32>, vector<16xi32>], vector<16xf32>,
      %add3A_482 = arith.addf %gather3A_480, %gather3A_481 : vector<16xf32>
      %mul3A_483 = arith.constant 2.000000e-01 : f32
      %mul3A_484 = vector.broadcast %mul3A_483 : f32 to vector<16xf32>
      %mul3A_485 = arith.mulf %mul3A_484, %add3A_482 : vector<16xf32>
      %max3A_486 = arith.maximumf %add3A_482, %mul3A_485 : vector<16xf32>
      %sub3A_487 = arith.subf %max3A_486, %max3A_148 : vector<16xf32>
      %exp3A_488 = math.exp %sub3A_487 : vector<16xf32>
      %mul3A_489 = arith.constant 96 : i32
      %mul3A_490 = arith.muli %add3A_437, %mul3A_489 : i32
      %add3A_491 = arith.addi %select_n3A_157, %mul3A_490 : i32
      %add3A_492 = arith.constant 16 : i32
      %add3A_493 = arith.addi %add3A_491, %add3A_492 : i32
      %add3A_494 = vector.broadcast %add3A_493 : i32 to vector<16xi32>
      %add3A_495 = arith.addi %add3A_494, %iota3A : vector<16xi32>
      %add3A_496 = arith.constant 16 : i32
      %add3A_497 = vector.broadcast %add3A_496 : i32 to vector<16xi32>
      %add3A_498 = arith.addi %add3A_497, %iota3A : vector<16xi32>
      %lt3A_499 = arith.constant 170000 : i32
      %lt3A_500 = vector.broadcast %lt3A_499 : i32 to vector<16xi32>
      %lt3A_501 = arith.cmpi slt, %add3A_495, %lt3A_500 : vector<16xi32>
      %jit3A_502 = arith.constant 0.000000e+00 : f32
      %broadcast_in_dim3A_503 = vector.broadcast %jit3A_502 : f32 to vector<16xf32>
      %select_n3A_504 = arith.select %lt3A_501, %exp3A_488, %broadcast_in_dim3A_503 : vector<16xi1>, vector<16xf32>
      tpu.vector_store_idx %arg11[%add3A_498], %select_n3A_504 : memref<96xf32, #tpu.memory_space<vmem>>[vector<16xi32>], vector<16xf32>,
      %add3A_505 = arith.constant 32 : i32
      %add3A_506 = vector.broadcast %add3A_505 : i32 to vector<16xi32>
      %add3A_507 = arith.addi %add3A_506, %iota3A : vector<16xi32>
      %gather3A_508 = tpu.vector_load_idx %arg8[%broadcast_in_dim3A_438, %add3A_507] : memref<76x96xi32, #tpu.memory_space<vmem>>[vector<16xi32>, vector<16xi32>], vector<16xi32>,
      %add3A_509 = arith.constant 32 : i32
      %add3A_510 = vector.broadcast %add3A_509 : i32 to vector<16xi32>
      %add3A_511 = arith.addi %add3A_510, %iota3A : vector<16xi32>
      %gather3A_512 = tpu.vector_load_idx %arg9[%broadcast_in_dim3A_438, %add3A_511] : memref<76x96xi32, #tpu.memory_space<vmem>>[vector<16xi32>, vector<16xi32>], vector<16xi32>,
      %gather3A_513 = tpu.vector_load_idx %arg10[%broadcast_in_dim3A_5, %gather3A_508] : memref<2x10000xf32, #tpu.memory_space<vmem>>[vector<16xi32>, vector<16xi32>], vector<16xf32>,
      %gather3A_514 = tpu.vector_load_idx %arg10[%broadcast_in_dim3A_7, %gather3A_512] : memref<2x10000xf32, #tpu.memory_space<vmem>>[vector<16xi32>, vector<16xi32>], vector<16xf32>,
      %add3A_515 = arith.addf %gather3A_513, %gather3A_514 : vector<16xf32>
      %mul3A_516 = arith.constant 2.000000e-01 : f32
      %mul3A_517 = vector.broadcast %mul3A_516 : f32 to vector<16xf32>
      %mul3A_518 = arith.mulf %mul3A_517, %add3A_515 : vector<16xf32>
      %max3A_519 = arith.maximumf %add3A_515, %mul3A_518 : vector<16xf32>
      %sub3A_520 = arith.subf %max3A_519, %max3A_148 : vector<16xf32>
      %exp3A_521 = math.exp %sub3A_520 : vector<16xf32>
      %mul3A_522 = arith.constant 96 : i32
      %mul3A_523 = arith.muli %add3A_437, %mul3A_522 : i32
      %add3A_524 = arith.addi %select_n3A_157, %mul3A_523 : i32
      %add3A_525 = arith.constant 32 : i32
      %add3A_526 = arith.addi %add3A_524, %add3A_525 : i32
      %add3A_527 = vector.broadcast %add3A_526 : i32 to vector<16xi32>
      %add3A_528 = arith.addi %add3A_527, %iota3A : vector<16xi32>
      %add3A_529 = arith.constant 32 : i32
      %add3A_530 = vector.broadcast %add3A_529 : i32 to vector<16xi32>
      %add3A_531 = arith.addi %add3A_530, %iota3A : vector<16xi32>
      %lt3A_532 = arith.constant 170000 : i32
      %lt3A_533 = vector.broadcast %lt3A_532 : i32 to vector<16xi32>
      %lt3A_534 = arith.cmpi slt, %add3A_528, %lt3A_533 : vector<16xi32>
      %jit3A_535 = arith.constant 0.000000e+00 : f32
      %broadcast_in_dim3A_536 = vector.broadcast %jit3A_535 : f32 to vector<16xf32>
      %select_n3A_537 = arith.select %lt3A_534, %exp3A_521, %broadcast_in_dim3A_536 : vector<16xi1>, vector<16xf32>
      tpu.vector_store_idx %arg11[%add3A_531], %select_n3A_537 : memref<96xf32, #tpu.memory_space<vmem>>[vector<16xi32>], vector<16xf32>,
      %add3A_538 = arith.constant 48 : i32
      %add3A_539 = vector.broadcast %add3A_538 : i32 to vector<16xi32>
      %add3A_540 = arith.addi %add3A_539, %iota3A : vector<16xi32>
      %gather3A_541 = tpu.vector_load_idx %arg8[%broadcast_in_dim3A_438, %add3A_540] : memref<76x96xi32, #tpu.memory_space<vmem>>[vector<16xi32>, vector<16xi32>], vector<16xi32>,
      %add3A_542 = arith.constant 48 : i32
      %add3A_543 = vector.broadcast %add3A_542 : i32 to vector<16xi32>
      %add3A_544 = arith.addi %add3A_543, %iota3A : vector<16xi32>
      %gather3A_545 = tpu.vector_load_idx %arg9[%broadcast_in_dim3A_438, %add3A_544] : memref<76x96xi32, #tpu.memory_space<vmem>>[vector<16xi32>, vector<16xi32>], vector<16xi32>,
      %gather3A_546 = tpu.vector_load_idx %arg10[%broadcast_in_dim3A_5, %gather3A_541] : memref<2x10000xf32, #tpu.memory_space<vmem>>[vector<16xi32>, vector<16xi32>], vector<16xf32>,
      %gather3A_547 = tpu.vector_load_idx %arg10[%broadcast_in_dim3A_7, %gather3A_545] : memref<2x10000xf32, #tpu.memory_space<vmem>>[vector<16xi32>, vector<16xi32>], vector<16xf32>,
      %add3A_548 = arith.addf %gather3A_546, %gather3A_547 : vector<16xf32>
      %mul3A_549 = arith.constant 2.000000e-01 : f32
      %mul3A_550 = vector.broadcast %mul3A_549 : f32 to vector<16xf32>
      %mul3A_551 = arith.mulf %mul3A_550, %add3A_548 : vector<16xf32>
      %max3A_552 = arith.maximumf %add3A_548, %mul3A_551 : vector<16xf32>
      %sub3A_553 = arith.subf %max3A_552, %max3A_148 : vector<16xf32>
      %exp3A_554 = math.exp %sub3A_553 : vector<16xf32>
      %mul3A_555 = arith.constant 96 : i32
      %mul3A_556 = arith.muli %add3A_437, %mul3A_555 : i32
      %add3A_557 = arith.addi %select_n3A_157, %mul3A_556 : i32
      %add3A_558 = arith.constant 48 : i32
      %add3A_559 = arith.addi %add3A_557, %add3A_558 : i32
      %add3A_560 = vector.broadcast %add3A_559 : i32 to vector<16xi32>
      %add3A_561 = arith.addi %add3A_560, %iota3A : vector<16xi32>
      %add3A_562 = arith.constant 48 : i32
      %add3A_563 = vector.broadcast %add3A_562 : i32 to vector<16xi32>
      %add3A_564 = arith.addi %add3A_563, %iota3A : vector<16xi32>
      %lt3A_565 = arith.constant 170000 : i32
      %lt3A_566 = vector.broadcast %lt3A_565 : i32 to vector<16xi32>
      %lt3A_567 = arith.cmpi slt, %add3A_561, %lt3A_566 : vector<16xi32>
      %jit3A_568 = arith.constant 0.000000e+00 : f32
      %broadcast_in_dim3A_569 = vector.broadcast %jit3A_568 : f32 to vector<16xf32>
      %select_n3A_570 = arith.select %lt3A_567, %exp3A_554, %broadcast_in_dim3A_569 : vector<16xi1>, vector<16xf32>
      tpu.vector_store_idx %arg11[%add3A_564], %select_n3A_570 : memref<96xf32, #tpu.memory_space<vmem>>[vector<16xi32>], vector<16xf32>,
      %add3A_571 = arith.constant 64 : i32
      %add3A_572 = vector.broadcast %add3A_571 : i32 to vector<16xi32>
      %add3A_573 = arith.addi %add3A_572, %iota3A : vector<16xi32>
      %gather3A_574 = tpu.vector_load_idx %arg8[%broadcast_in_dim3A_438, %add3A_573] : memref<76x96xi32, #tpu.memory_space<vmem>>[vector<16xi32>, vector<16xi32>], vector<16xi32>,
      %add3A_575 = arith.constant 64 : i32
      %add3A_576 = vector.broadcast %add3A_575 : i32 to vector<16xi32>
      %add3A_577 = arith.addi %add3A_576, %iota3A : vector<16xi32>
      %gather3A_578 = tpu.vector_load_idx %arg9[%broadcast_in_dim3A_438, %add3A_577] : memref<76x96xi32, #tpu.memory_space<vmem>>[vector<16xi32>, vector<16xi32>], vector<16xi32>,
      %gather3A_579 = tpu.vector_load_idx %arg10[%broadcast_in_dim3A_5, %gather3A_574] : memref<2x10000xf32, #tpu.memory_space<vmem>>[vector<16xi32>, vector<16xi32>], vector<16xf32>,
      %gather3A_580 = tpu.vector_load_idx %arg10[%broadcast_in_dim3A_7, %gather3A_578] : memref<2x10000xf32, #tpu.memory_space<vmem>>[vector<16xi32>, vector<16xi32>], vector<16xf32>,
      %add3A_581 = arith.addf %gather3A_579, %gather3A_580 : vector<16xf32>
      %mul3A_582 = arith.constant 2.000000e-01 : f32
      %mul3A_583 = vector.broadcast %mul3A_582 : f32 to vector<16xf32>
      %mul3A_584 = arith.mulf %mul3A_583, %add3A_581 : vector<16xf32>
      %max3A_585 = arith.maximumf %add3A_581, %mul3A_584 : vector<16xf32>
      %sub3A_586 = arith.subf %max3A_585, %max3A_148 : vector<16xf32>
      %exp3A_587 = math.exp %sub3A_586 : vector<16xf32>
      %mul3A_588 = arith.constant 96 : i32
      %mul3A_589 = arith.muli %add3A_437, %mul3A_588 : i32
      %add3A_590 = arith.addi %select_n3A_157, %mul3A_589 : i32
      %add3A_591 = arith.constant 64 : i32
      %add3A_592 = arith.addi %add3A_590, %add3A_591 : i32
      %add3A_593 = vector.broadcast %add3A_592 : i32 to vector<16xi32>
      %add3A_594 = arith.addi %add3A_593, %iota3A : vector<16xi32>
      %add3A_595 = arith.constant 64 : i32
      %add3A_596 = vector.broadcast %add3A_595 : i32 to vector<16xi32>
      %add3A_597 = arith.addi %add3A_596, %iota3A : vector<16xi32>
      %lt3A_598 = arith.constant 170000 : i32
      %lt3A_599 = vector.broadcast %lt3A_598 : i32 to vector<16xi32>
      %lt3A_600 = arith.cmpi slt, %add3A_594, %lt3A_599 : vector<16xi32>
      %jit3A_601 = arith.constant 0.000000e+00 : f32
      %broadcast_in_dim3A_602 = vector.broadcast %jit3A_601 : f32 to vector<16xf32>
      %select_n3A_603 = arith.select %lt3A_600, %exp3A_587, %broadcast_in_dim3A_602 : vector<16xi1>, vector<16xf32>
      tpu.vector_store_idx %arg11[%add3A_597], %select_n3A_603 : memref<96xf32, #tpu.memory_space<vmem>>[vector<16xi32>], vector<16xf32>,
      %add3A_604 = arith.constant 80 : i32
      %add3A_605 = vector.broadcast %add3A_604 : i32 to vector<16xi32>
      %add3A_606 = arith.addi %add3A_605, %iota3A : vector<16xi32>
      %gather3A_607 = tpu.vector_load_idx %arg8[%broadcast_in_dim3A_438, %add3A_606] : memref<76x96xi32, #tpu.memory_space<vmem>>[vector<16xi32>, vector<16xi32>], vector<16xi32>,
      %add3A_608 = arith.constant 80 : i32
      %add3A_609 = vector.broadcast %add3A_608 : i32 to vector<16xi32>
      %add3A_610 = arith.addi %add3A_609, %iota3A : vector<16xi32>
      %gather3A_611 = tpu.vector_load_idx %arg9[%broadcast_in_dim3A_438, %add3A_610] : memref<76x96xi32, #tpu.memory_space<vmem>>[vector<16xi32>, vector<16xi32>], vector<16xi32>,
      %gather3A_612 = tpu.vector_load_idx %arg10[%broadcast_in_dim3A_5, %gather3A_607] : memref<2x10000xf32, #tpu.memory_space<vmem>>[vector<16xi32>, vector<16xi32>], vector<16xf32>,
      %gather3A_613 = tpu.vector_load_idx %arg10[%broadcast_in_dim3A_7, %gather3A_611] : memref<2x10000xf32, #tpu.memory_space<vmem>>[vector<16xi32>, vector<16xi32>], vector<16xf32>,
      %add3A_614 = arith.addf %gather3A_612, %gather3A_613 : vector<16xf32>
      %mul3A_615 = arith.constant 2.000000e-01 : f32
      %mul3A_616 = vector.broadcast %mul3A_615 : f32 to vector<16xf32>
      %mul3A_617 = arith.mulf %mul3A_616, %add3A_614 : vector<16xf32>
      %max3A_618 = arith.maximumf %add3A_614, %mul3A_617 : vector<16xf32>
      %sub3A_619 = arith.subf %max3A_618, %max3A_148 : vector<16xf32>
      %exp3A_620 = math.exp %sub3A_619 : vector<16xf32>
      %mul3A_621 = arith.constant 96 : i32
      %mul3A_622 = arith.muli %add3A_437, %mul3A_621 : i32
      %add3A_623 = arith.addi %select_n3A_157, %mul3A_622 : i32
      %add3A_624 = arith.constant 80 : i32
      %add3A_625 = arith.addi %add3A_623, %add3A_624 : i32
      %add3A_626 = vector.broadcast %add3A_625 : i32 to vector<16xi32>
      %add3A_627 = arith.addi %add3A_626, %iota3A : vector<16xi32>
      %add3A_628 = arith.constant 80 : i32
      %add3A_629 = vector.broadcast %add3A_628 : i32 to vector<16xi32>
      %add3A_630 = arith.addi %add3A_629, %iota3A : vector<16xi32>
      %lt3A_631 = arith.constant 170000 : i32
      %lt3A_632 = vector.broadcast %lt3A_631 : i32 to vector<16xi32>
      %lt3A_633 = arith.cmpi slt, %add3A_627, %lt3A_632 : vector<16xi32>
      %jit3A_634 = arith.constant 0.000000e+00 : f32
      %broadcast_in_dim3A_635 = vector.broadcast %jit3A_634 : f32 to vector<16xf32>
      %select_n3A_636 = arith.select %lt3A_633, %exp3A_620, %broadcast_in_dim3A_635 : vector<16xi1>, vector<16xf32>
      tpu.vector_store_idx %arg11[%add3A_630], %select_n3A_636 : memref<96xf32, #tpu.memory_space<vmem>>[vector<16xi32>], vector<16xf32>,
      %ge3A_637 = arith.constant 1 : i32
      %ge3A_638 = arith.cmpi sge, %add3A_437, %ge3A_637 : i32
      %convert_element_type3A_639 = arith.extui %ge3A_638 : i1 to i32
      %cond3A_640 = arith.constant 0 : i32
      %cond3A_641 = arith.cmpi ne, %convert_element_type3A_639, %cond3A_640 : i32
      scf.if %cond3A_641 {
        %sub3A_664 = arith.constant 1 : i32
        %sub3A_665 = arith.subi %add3A_437, %sub3A_664 : i32
        %dma_wait3A_666 = arith.constant 0 : i32
        %dma_wait3A_667 = tpu.memref_slice %arg9[%sub3A_665, %dma_wait3A_666] : memref<76x96xi32, #tpu.memory_space<vmem>> -> memref<1x96xi32, #tpu.memory_space<vmem>>
        %dma_wait3A_668 = tpu.memref_squeeze %dma_wait3A_667 : memref<1x96xi32, #tpu.memory_space<vmem>> -> memref<96xi32, #tpu.memory_space<vmem>>
        %dma_wait3A_669 = arith.constant 0 : i32
        %dma_wait3A_670 = arith.constant 0 : i32
        %dma_wait3A_671 = tpu.memref_slice %arg14[%dma_wait3A_669, %dma_wait3A_670] : memref<10112x112xf32, #tpu.memory_space<vmem_shared>> -> memref<10112x112xf32, #tpu.memory_space<vmem_shared>>
        tpu.wait_indirect_dma semaphore(%arg17 : memref<!tpu.dma_semaphore, #tpu.memory_space<semaphore_mem>>) src(%arg12 : memref<96x112xf32, #tpu.memory_space<vmem>>) dst(%dma_wait3A_671 : memref<10112x112xf32, #tpu.memory_space<vmem_shared>>)
      } else {
      }
      %add3A_642 = arith.constant 1 : i32
      %add3A_643 = arith.addi %add3A_437, %add3A_642 : i32
      %lt3A_644 = arith.cmpi slt, %add3A_643, %select_n3A_162 : i32
      %convert_element_type3A_645 = arith.extui %lt3A_644 : i1 to i32
      %cond3A_646 = arith.constant 0 : i32
      %cond3A_647 = arith.cmpi ne, %convert_element_type3A_645, %cond3A_646 : i32
      scf.if %cond3A_647 {
        %add3A_664 = arith.constant 1 : i32
        %add3A_665 = arith.addi %add3A_437, %add3A_664 : i32
        %dma_start3A_666 = arith.constant 0 : i32
        %dma_start3A_667 = tpu.memref_slice %arg8[%add3A_665, %dma_start3A_666] : memref<76x96xi32, #tpu.memory_space<vmem>> -> memref<1x96xi32, #tpu.memory_space<vmem>>
        %dma_start3A_668 = tpu.memref_squeeze %dma_start3A_667 : memref<1x96xi32, #tpu.memory_space<vmem>> -> memref<96xi32, #tpu.memory_space<vmem>>
        %dma_start3A_669 = arith.constant 0 : i32
        %dma_start3A_670 = arith.constant 0 : i32
        %dma_start3A_671 = tpu.memref_slice %arg2[%dma_start3A_669, %dma_start3A_670] : memref<10000x112xf32, #tpu.memory_space<hbm>> -> memref<10000x112xf32, #tpu.memory_space<hbm>>
        tpu.enqueue_indirect_dma source(%dma_start3A_671 : memref<10000x112xf32, #tpu.memory_space<hbm>>) target(%arg12 : memref<96x112xf32, #tpu.memory_space<vmem>>) offsets(%dma_start3A_668 : memref<96xi32, #tpu.memory_space<vmem>>) semaphore(%arg15 : memref<!tpu.dma_semaphore, #tpu.memory_space<semaphore_mem>>)
      } else {
      }
      %dma_wait3A_648 = arith.constant 0 : i32
      %dma_wait3A_649 = tpu.memref_slice %arg8[%add3A_437, %dma_wait3A_648] : memref<76x96xi32, #tpu.memory_space<vmem>> -> memref<1x96xi32, #tpu.memory_space<vmem>>
      %dma_wait3A_650 = tpu.memref_squeeze %dma_wait3A_649 : memref<1x96xi32, #tpu.memory_space<vmem>> -> memref<96xi32, #tpu.memory_space<vmem>>
      %dma_wait3A_651 = arith.constant 0 : i32
      %dma_wait3A_652 = arith.constant 0 : i32
      %dma_wait3A_653 = tpu.memref_slice %arg2[%dma_wait3A_651, %dma_wait3A_652] : memref<10000x112xf32, #tpu.memory_space<hbm>> -> memref<10000x112xf32, #tpu.memory_space<hbm>>
      tpu.wait_indirect_dma semaphore(%arg16 : memref<!tpu.dma_semaphore, #tpu.memory_space<semaphore_mem>>) src(%dma_wait3A_653 : memref<10000x112xf32, #tpu.memory_space<hbm>>) dst(%arg13 : memref<96x112xf32, #tpu.memory_space<vmem>>)
      %parallel_loop3A_654 = arith.constant 0 : i32
      %parallel_loop3A_655 = arith.constant 96 : i32
      %parallel_loop3A_656 = arith.constant 1 : i32
      scf.for %parallel_loop3A_664 = %parallel_loop3A_654 to %parallel_loop3A_655 step %parallel_loop3A_656  : i32 {
        %parallel_loop3A_665 = vector.broadcast %parallel_loop3A_664 : i32 to vector<16xi32>
        %parallel_loop3A_666 = tpu.vector_load_idx %arg11[%parallel_loop3A_665] : memref<96xf32, #tpu.memory_space<vmem>>[vector<16xi32>], vector<16xf32>,
        %parallel_loop3A_667 = arith.constant 0 : i32
        %parallel_loop3A_668 = vector.broadcast %parallel_loop3A_667 : i32 to vector<16xi32>
        %parallel_loop3A_669 = arith.addi %parallel_loop3A_668, %iota3A : vector<16xi32>
        %parallel_loop3A_670 = tpu.vector_load_idx %arg13[%parallel_loop3A_665, %parallel_loop3A_669] : memref<96x112xf32, #tpu.memory_space<vmem>>[vector<16xi32>, vector<16xi32>], vector<16xf32>,
        %parallel_loop3A_671 = arith.constant 0 : i32
        %parallel_loop3A_672 = vector.broadcast %parallel_loop3A_671 : i32 to vector<16xi32>
        %parallel_loop3A_673 = arith.addi %parallel_loop3A_672, %iota3A : vector<16xi32>
        %parallel_loop3A_674 = arith.mulf %parallel_loop3A_670, %parallel_loop3A_666 : vector<16xf32>
        tpu.vector_store_idx %arg13[%parallel_loop3A_665, %parallel_loop3A_673], %parallel_loop3A_674 : memref<96x112xf32, #tpu.memory_space<vmem>>[vector<16xi32>, vector<16xi32>], vector<16xf32>,
        %parallel_loop3A_675 = arith.constant 16 : i32
        %parallel_loop3A_676 = vector.broadcast %parallel_loop3A_675 : i32 to vector<16xi32>
        %parallel_loop3A_677 = arith.addi %parallel_loop3A_676, %iota3A : vector<16xi32>
        %parallel_loop3A_678 = tpu.vector_load_idx %arg13[%parallel_loop3A_665, %parallel_loop3A_677] : memref<96x112xf32, #tpu.memory_space<vmem>>[vector<16xi32>, vector<16xi32>], vector<16xf32>,
        %parallel_loop3A_679 = arith.constant 16 : i32
        %parallel_loop3A_680 = vector.broadcast %parallel_loop3A_679 : i32 to vector<16xi32>
        %parallel_loop3A_681 = arith.addi %parallel_loop3A_680, %iota3A : vector<16xi32>
        %parallel_loop3A_682 = arith.mulf %parallel_loop3A_678, %parallel_loop3A_666 : vector<16xf32>
        tpu.vector_store_idx %arg13[%parallel_loop3A_665, %parallel_loop3A_681], %parallel_loop3A_682 : memref<96x112xf32, #tpu.memory_space<vmem>>[vector<16xi32>, vector<16xi32>], vector<16xf32>,
        %parallel_loop3A_683 = arith.constant 32 : i32
        %parallel_loop3A_684 = vector.broadcast %parallel_loop3A_683 : i32 to vector<16xi32>
        %parallel_loop3A_685 = arith.addi %parallel_loop3A_684, %iota3A : vector<16xi32>
        %parallel_loop3A_686 = tpu.vector_load_idx %arg13[%parallel_loop3A_665, %parallel_loop3A_685] : memref<96x112xf32, #tpu.memory_space<vmem>>[vector<16xi32>, vector<16xi32>], vector<16xf32>,
        %parallel_loop3A_687 = arith.constant 32 : i32
        %parallel_loop3A_688 = vector.broadcast %parallel_loop3A_687 : i32 to vector<16xi32>
        %parallel_loop3A_689 = arith.addi %parallel_loop3A_688, %iota3A : vector<16xi32>
        %parallel_loop3A_690 = arith.mulf %parallel_loop3A_686, %parallel_loop3A_666 : vector<16xf32>
        tpu.vector_store_idx %arg13[%parallel_loop3A_665, %parallel_loop3A_689], %parallel_loop3A_690 : memref<96x112xf32, #tpu.memory_space<vmem>>[vector<16xi32>, vector<16xi32>], vector<16xf32>,
        %parallel_loop3A_691 = arith.constant 48 : i32
        %parallel_loop3A_692 = vector.broadcast %parallel_loop3A_691 : i32 to vector<16xi32>
        %parallel_loop3A_693 = arith.addi %parallel_loop3A_692, %iota3A : vector<16xi32>
        %parallel_loop3A_694 = tpu.vector_load_idx %arg13[%parallel_loop3A_665, %parallel_loop3A_693] : memref<96x112xf32, #tpu.memory_space<vmem>>[vector<16xi32>, vector<16xi32>], vector<16xf32>,
        %parallel_loop3A_695 = arith.constant 48 : i32
        %parallel_loop3A_696 = vector.broadcast %parallel_loop3A_695 : i32 to vector<16xi32>
        %parallel_loop3A_697 = arith.addi %parallel_loop3A_696, %iota3A : vector<16xi32>
        %parallel_loop3A_698 = arith.mulf %parallel_loop3A_694, %parallel_loop3A_666 : vector<16xf32>
        tpu.vector_store_idx %arg13[%parallel_loop3A_665, %parallel_loop3A_697], %parallel_loop3A_698 : memref<96x112xf32, #tpu.memory_space<vmem>>[vector<16xi32>, vector<16xi32>], vector<16xf32>,
        %parallel_loop3A_699 = arith.constant 64 : i32
        %parallel_loop3A_700 = vector.broadcast %parallel_loop3A_699 : i32 to vector<16xi32>
        %parallel_loop3A_701 = arith.addi %parallel_loop3A_700, %iota3A : vector<16xi32>
        %parallel_loop3A_702 = tpu.vector_load_idx %arg13[%parallel_loop3A_665, %parallel_loop3A_701] : memref<96x112xf32, #tpu.memory_space<vmem>>[vector<16xi32>, vector<16xi32>], vector<16xf32>,
        %parallel_loop3A_703 = arith.constant 64 : i32
        %parallel_loop3A_704 = vector.broadcast %parallel_loop3A_703 : i32 to vector<16xi32>
        %parallel_loop3A_705 = arith.addi %parallel_loop3A_704, %iota3A : vector<16xi32>
        %parallel_loop3A_706 = arith.mulf %parallel_loop3A_702, %parallel_loop3A_666 : vector<16xf32>
        tpu.vector_store_idx %arg13[%parallel_loop3A_665, %parallel_loop3A_705], %parallel_loop3A_706 : memref<96x112xf32, #tpu.memory_space<vmem>>[vector<16xi32>, vector<16xi32>], vector<16xf32>,
        %parallel_loop3A_707 = arith.constant 80 : i32
        %parallel_loop3A_708 = vector.broadcast %parallel_loop3A_707 : i32 to vector<16xi32>
        %parallel_loop3A_709 = arith.addi %parallel_loop3A_708, %iota3A : vector<16xi32>
        %parallel_loop3A_710 = tpu.vector_load_idx %arg13[%parallel_loop3A_665, %parallel_loop3A_709] : memref<96x112xf32, #tpu.memory_space<vmem>>[vector<16xi32>, vector<16xi32>], vector<16xf32>,
        %parallel_loop3A_711 = arith.constant 80 : i32
        %parallel_loop3A_712 = vector.broadcast %parallel_loop3A_711 : i32 to vector<16xi32>
        %parallel_loop3A_713 = arith.addi %parallel_loop3A_712, %iota3A : vector<16xi32>
        %parallel_loop3A_714 = arith.mulf %parallel_loop3A_710, %parallel_loop3A_666 : vector<16xf32>
        tpu.vector_store_idx %arg13[%parallel_loop3A_665, %parallel_loop3A_713], %parallel_loop3A_714 : memref<96x112xf32, #tpu.memory_space<vmem>>[vector<16xi32>, vector<16xi32>], vector<16xf32>,
        %parallel_loop3A_715 = arith.constant 96 : i32
        %parallel_loop3A_716 = vector.broadcast %parallel_loop3A_715 : i32 to vector<16xi32>
        %parallel_loop3A_717 = arith.addi %parallel_loop3A_716, %iota3A : vector<16xi32>
        %parallel_loop3A_718 = tpu.vector_load_idx %arg13[%parallel_loop3A_665, %parallel_loop3A_717] : memref<96x112xf32, #tpu.memory_space<vmem>>[vector<16xi32>, vector<16xi32>], vector<16xf32>,
        %parallel_loop3A_719 = arith.constant 96 : i32
        %parallel_loop3A_720 = vector.broadcast %parallel_loop3A_719 : i32 to vector<16xi32>
        %parallel_loop3A_721 = arith.addi %parallel_loop3A_720, %iota3A : vector<16xi32>
        %parallel_loop3A_722 = arith.mulf %parallel_loop3A_718, %parallel_loop3A_666 : vector<16xf32>
        tpu.vector_store_idx %arg13[%parallel_loop3A_665, %parallel_loop3A_721], %parallel_loop3A_722 : memref<96x112xf32, #tpu.memory_space<vmem>>[vector<16xi32>, vector<16xi32>], vector<16xf32>,
      } {sc.loop_unroll_factor = 4 : i64, sc.parallel_access}
      %dma_start3A_657 = arith.constant 0 : i32
      %dma_start3A_658 = tpu.memref_slice %arg9[%add3A_437, %dma_start3A_657] : memref<76x96xi32, #tpu.memory_space<vmem>> -> memref<1x96xi32, #tpu.memory_space<vmem>>
      %dma_start3A_659 = tpu.memref_squeeze %dma_start3A_658 : memref<1x96xi32, #tpu.memory_space<vmem>> -> memref<96xi32, #tpu.memory_space<vmem>>
      %dma_start3A_660 = arith.constant 0 : i32
      %dma_start3A_661 = arith.constant 0 : i32
      %dma_start3A_662 = tpu.memref_slice %arg14[%dma_start3A_660, %dma_start3A_661] : memref<10112x112xf32, #tpu.memory_space<vmem_shared>> -> memref<10112x112xf32, #tpu.memory_space<vmem_shared>>
      tpu.enqueue_indirect_dma source(%arg13 : memref<96x112xf32, #tpu.memory_space<vmem>>) target(%dma_start3A_662 : memref<10112x112xf32, #tpu.memory_space<vmem_shared>>) offsets(%dma_start3A_659 : memref<96xi32, #tpu.memory_space<vmem>>) semaphore(%arg18 : memref<!tpu.dma_semaphore, #tpu.memory_space<semaphore_mem>>) {add = true}
      %while3A_663 = arith.constant 0 : i32
      scf.yield %while3A_663 : i32
    }
    %sub3A_197 = arith.constant 1 : i32
    %sub3A_198 = arith.subi %select_n3A_162, %sub3A_197 : i32
    %dma_wait3A = arith.constant 0 : i32
    %dma_wait3A_199 = tpu.memref_slice %arg9[%sub3A_198, %dma_wait3A] : memref<76x96xi32, #tpu.memory_space<vmem>> -> memref<1x96xi32, #tpu.memory_space<vmem>>
    %dma_wait3A_200 = tpu.memref_squeeze %dma_wait3A_199 : memref<1x96xi32, #tpu.memory_space<vmem>> -> memref<96xi32, #tpu.memory_space<vmem>>
    %dma_wait3A_201 = arith.constant 0 : i32
    %dma_wait3A_202 = arith.constant 0 : i32
    %dma_wait3A_203 = tpu.memref_slice %arg14[%dma_wait3A_201, %dma_wait3A_202] : memref<10112x112xf32, #tpu.memory_space<vmem_shared>> -> memref<10112x112xf32, #tpu.memory_space<vmem_shared>>
    tpu.wait_indirect_dma semaphore(%arg18 : memref<!tpu.dma_semaphore, #tpu.memory_space<semaphore_mem>>) src(%arg13 : memref<96x112xf32, #tpu.memory_space<vmem>>) dst(%dma_wait3A_203 : memref<10112x112xf32, #tpu.memory_space<vmem_shared>>)
    %barrier3A_204 = arith.constant 0 : index
    tpu.barrier barrier_id(%barrier3A_204)
    %mul3A_205 = arith.constant 632 : i32
    %mul3A_206 = arith.muli %arg1, %mul3A_205 : i32
    %mul3A_207 = arith.constant 632 : i32
    %mul3A_208 = arith.muli %arg1, %mul3A_207 : i32
    "tpu.region"() ({
      %run_scoped3A = tpu.sem_alloc : memref<!tpu.dma_semaphore, #tpu.memory_space<semaphore_mem>>
      %dma_start3A_209 = arith.constant 0 : i32
      %dma_start3A_210 = tpu.memref_slice %arg7[%arg0, %mul3A_208, %dma_start3A_209] : memref<2x10112x112xf32, #tpu.memory_space<hbm>> -> memref<1x632x112xf32, #tpu.memory_space<hbm>>
      %dma_start3A_211 = tpu.memref_squeeze %dma_start3A_210 : memref<1x632x112xf32, #tpu.memory_space<hbm>> -> memref<632x112xf32, #tpu.memory_space<hbm>>
      %dma_start3A_212 = arith.constant 0 : i32
      %dma_start3A_213 = tpu.memref_slice %arg14[%mul3A_206, %dma_start3A_212] : memref<10112x112xf32, #tpu.memory_space<vmem_shared>> -> memref<632x112xf32, #tpu.memory_space<vmem_shared>>
      tpu.enqueue_dma source(%dma_start3A_213 : memref<632x112xf32, #tpu.memory_space<vmem_shared>>) target(%dma_start3A_211 : memref<632x112xf32, #tpu.memory_space<hbm>>) target_semaphore(%run_scoped3A : memref<!tpu.dma_semaphore, #tpu.memory_space<semaphore_mem>>)
      %dma_wait3A_214 = arith.constant 0 : i32
      %dma_wait3A_215 = tpu.memref_slice %arg7[%arg0, %mul3A_208, %dma_wait3A_214] : memref<2x10112x112xf32, #tpu.memory_space<hbm>> -> memref<1x632x112xf32, #tpu.memory_space<hbm>>
      %dma_wait3A_216 = tpu.memref_squeeze %dma_wait3A_215 : memref<1x632x112xf32, #tpu.memory_space<hbm>> -> memref<632x112xf32, #tpu.memory_space<hbm>>
      %dma_wait3A_217 = arith.constant 0 : i32
      %dma_wait3A_218 = tpu.memref_slice %arg14[%mul3A_206, %dma_wait3A_217] : memref<10112x112xf32, #tpu.memory_space<vmem_shared>> -> memref<632x112xf32, #tpu.memory_space<vmem_shared>>
      tpu.wait_dma2 semaphore(%run_scoped3A : memref<!tpu.dma_semaphore, #tpu.memory_space<semaphore_mem>>) src(%dma_wait3A_218 : memref<632x112xf32, #tpu.memory_space<vmem_shared>>) dst(%dma_wait3A_216 : memref<632x112xf32, #tpu.memory_space<hbm>>)
      tpu.yield
    }) : () -> ()
    return
  }
}

#map = affine_map<(d0, d1) -> (0, 0)>
#map1 = affine_map<(d0, d1) -> (0, 0, 0)>
module attributes {stable_mosaic.version = 14 : i64} {
  func.func @edge_pass(%arg0: i32, %arg1: i32, %arg2: memref<10000x80xf32, #tpu.memory_space<hbm>>, %arg3: memref<32x76x96xi32, #tpu.memory_space<hbm>>, %arg4: memref<32x76x96xi32, #tpu.memory_space<hbm>>, %arg5: memref<2x10000xf32, #tpu.memory_space<hbm>>, %arg6: memref<10112x80xf32, #tpu.memory_space<hbm>>, %arg7: memref<2x10112x80xf32, #tpu.memory_space<hbm>>, %arg8: memref<76x96xi32, #tpu.memory_space<vmem>>, %arg9: memref<76x96xi32, #tpu.memory_space<vmem>>, %arg10: memref<2x10000xf32, #tpu.memory_space<vmem>>, %arg11: memref<96xf32, #tpu.memory_space<vmem>>, %arg12: memref<96x80xf32, #tpu.memory_space<vmem>>, %arg13: memref<96x80xf32, #tpu.memory_space<vmem>>, %arg14: memref<10112x80xf32, #tpu.memory_space<vmem_shared>>, %arg15: memref<!tpu.dma_semaphore, #tpu.memory_space<semaphore_mem>>, %arg16: memref<!tpu.dma_semaphore, #tpu.memory_space<semaphore_mem>>, %arg17: memref<!tpu.dma_semaphore, #tpu.memory_space<semaphore_mem>>, %arg18: memref<!tpu.dma_semaphore, #tpu.memory_space<semaphore_mem>>) attributes {dimension_semantics = [#tpu.dimension_semantics<core_parallel>, #tpu.dimension_semantics<subcore_parallel>], iteration_bounds = array<i64: 2, 16>, scalar_prefetch = 0 : i64, scratch_operands = 11 : i64, tpu.core_type = #tpu.core_type<sc_vector_subcore>, window_params = [{transform_indices = #map}, {transform_indices = #map1}, {transform_indices = #map1}, {transform_indices = #map}, {transform_indices = #map}, {transform_indices = #map1}]} {
    %eq3A = arith.constant 0 : i32
    %eq3A_0 = arith.cmpi eq, %arg0, %eq3A : i32
    %add3A = arith.constant 16 : i32
    %add3A_1 = arith.addi %add3A, %arg1 : i32
    %select_n3A = arith.select %eq3A_0, %arg1, %add3A_1 : i32
    "tpu.region"() ({
      %run_scoped3A = tpu.sem_alloc : memref<!tpu.dma_semaphore, #tpu.memory_space<semaphore_mem>>
      tpu.enqueue_dma source(%arg5 : memref<2x10000xf32, #tpu.memory_space<hbm>>) target(%arg10 : memref<2x10000xf32, #tpu.memory_space<vmem>>) target_semaphore(%run_scoped3A : memref<!tpu.dma_semaphore, #tpu.memory_space<semaphore_mem>>)
      tpu.wait_dma2 semaphore(%run_scoped3A : memref<!tpu.dma_semaphore, #tpu.memory_space<semaphore_mem>>) src(%arg5 : memref<2x10000xf32, #tpu.memory_space<hbm>>) dst(%arg10 : memref<2x10000xf32, #tpu.memory_space<vmem>>)
      tpu.yield
    }) : () -> ()
    "tpu.region"() ({
      %run_scoped3A = tpu.sem_alloc : memref<!tpu.dma_semaphore, #tpu.memory_space<semaphore_mem>>
      %dma_start3A_209 = arith.constant 0 : i32
      %dma_start3A_210 = arith.constant 0 : i32
      %dma_start3A_211 = tpu.memref_slice %arg3[%select_n3A, %dma_start3A_209, %dma_start3A_210] : memref<32x76x96xi32, #tpu.memory_space<hbm>> -> memref<1x76x96xi32, #tpu.memory_space<hbm>>
      %dma_start3A_212 = tpu.memref_squeeze %dma_start3A_211 : memref<1x76x96xi32, #tpu.memory_space<hbm>> -> memref<76x96xi32, #tpu.memory_space<hbm>>
      %dma_start3A_213 = arith.constant 0 : i32
      %dma_start3A_214 = arith.constant 0 : i32
      %dma_start3A_215 = tpu.memref_slice %arg3[%select_n3A, %dma_start3A_213, %dma_start3A_214] : memref<32x76x96xi32, #tpu.memory_space<hbm>> -> memref<1x76x96xi32, #tpu.memory_space<hbm>>
      %dma_start3A_216 = tpu.memref_squeeze %dma_start3A_215 : memref<1x76x96xi32, #tpu.memory_space<hbm>> -> memref<76x96xi32, #tpu.memory_space<hbm>>
      tpu.enqueue_dma source(%dma_start3A_216 : memref<76x96xi32, #tpu.memory_space<hbm>>) target(%arg8 : memref<76x96xi32, #tpu.memory_space<vmem>>) target_semaphore(%run_scoped3A : memref<!tpu.dma_semaphore, #tpu.memory_space<semaphore_mem>>)
      %dma_wait3A_217 = arith.constant 0 : i32
      %dma_wait3A_218 = arith.constant 0 : i32
      %dma_wait3A_219 = tpu.memref_slice %arg3[%select_n3A, %dma_wait3A_217, %dma_wait3A_218] : memref<32x76x96xi32, #tpu.memory_space<hbm>> -> memref<1x76x96xi32, #tpu.memory_space<hbm>>
      %dma_wait3A_220 = tpu.memref_squeeze %dma_wait3A_219 : memref<1x76x96xi32, #tpu.memory_space<hbm>> -> memref<76x96xi32, #tpu.memory_space<hbm>>
      %dma_wait3A_221 = arith.constant 0 : i32
      %dma_wait3A_222 = arith.constant 0 : i32
      %dma_wait3A_223 = tpu.memref_slice %arg3[%select_n3A, %dma_wait3A_221, %dma_wait3A_222] : memref<32x76x96xi32, #tpu.memory_space<hbm>> -> memref<1x76x96xi32, #tpu.memory_space<hbm>>
      %dma_wait3A_224 = tpu.memref_squeeze %dma_wait3A_223 : memref<1x76x96xi32, #tpu.memory_space<hbm>> -> memref<76x96xi32, #tpu.memory_space<hbm>>
      tpu.wait_dma2 semaphore(%run_scoped3A : memref<!tpu.dma_semaphore, #tpu.memory_space<semaphore_mem>>) src(%dma_wait3A_224 : memref<76x96xi32, #tpu.memory_space<hbm>>) dst(%arg8 : memref<76x96xi32, #tpu.memory_space<vmem>>)
      tpu.yield
    }) : () -> ()
    "tpu.region"() ({
      %run_scoped3A = tpu.sem_alloc : memref<!tpu.dma_semaphore, #tpu.memory_space<semaphore_mem>>
      %dma_start3A_209 = arith.constant 0 : i32
      %dma_start3A_210 = arith.constant 0 : i32
      %dma_start3A_211 = tpu.memref_slice %arg4[%select_n3A, %dma_start3A_209, %dma_start3A_210] : memref<32x76x96xi32, #tpu.memory_space<hbm>> -> memref<1x76x96xi32, #tpu.memory_space<hbm>>
      %dma_start3A_212 = tpu.memref_squeeze %dma_start3A_211 : memref<1x76x96xi32, #tpu.memory_space<hbm>> -> memref<76x96xi32, #tpu.memory_space<hbm>>
      %dma_start3A_213 = arith.constant 0 : i32
      %dma_start3A_214 = arith.constant 0 : i32
      %dma_start3A_215 = tpu.memref_slice %arg4[%select_n3A, %dma_start3A_213, %dma_start3A_214] : memref<32x76x96xi32, #tpu.memory_space<hbm>> -> memref<1x76x96xi32, #tpu.memory_space<hbm>>
      %dma_start3A_216 = tpu.memref_squeeze %dma_start3A_215 : memref<1x76x96xi32, #tpu.memory_space<hbm>> -> memref<76x96xi32, #tpu.memory_space<hbm>>
      tpu.enqueue_dma source(%dma_start3A_216 : memref<76x96xi32, #tpu.memory_space<hbm>>) target(%arg9 : memref<76x96xi32, #tpu.memory_space<vmem>>) target_semaphore(%run_scoped3A : memref<!tpu.dma_semaphore, #tpu.memory_space<semaphore_mem>>)
      %dma_wait3A_217 = arith.constant 0 : i32
      %dma_wait3A_218 = arith.constant 0 : i32
      %dma_wait3A_219 = tpu.memref_slice %arg4[%select_n3A, %dma_wait3A_217, %dma_wait3A_218] : memref<32x76x96xi32, #tpu.memory_space<hbm>> -> memref<1x76x96xi32, #tpu.memory_space<hbm>>
      %dma_wait3A_220 = tpu.memref_squeeze %dma_wait3A_219 : memref<1x76x96xi32, #tpu.memory_space<hbm>> -> memref<76x96xi32, #tpu.memory_space<hbm>>
      %dma_wait3A_221 = arith.constant 0 : i32
      %dma_wait3A_222 = arith.constant 0 : i32
      %dma_wait3A_223 = tpu.memref_slice %arg4[%select_n3A, %dma_wait3A_221, %dma_wait3A_222] : memref<32x76x96xi32, #tpu.memory_space<hbm>> -> memref<1x76x96xi32, #tpu.memory_space<hbm>>
      %dma_wait3A_224 = tpu.memref_squeeze %dma_wait3A_223 : memref<1x76x96xi32, #tpu.memory_space<hbm>> -> memref<76x96xi32, #tpu.memory_space<hbm>>
      tpu.wait_dma2 semaphore(%run_scoped3A : memref<!tpu.dma_semaphore, #tpu.memory_space<semaphore_mem>>) src(%dma_wait3A_224 : memref<76x96xi32, #tpu.memory_space<hbm>>) dst(%arg9 : memref<76x96xi32, #tpu.memory_space<vmem>>)
      tpu.yield
    }) : () -> ()
    %mul3A = arith.constant 632 : i32
    %mul3A_2 = arith.muli %arg1, %mul3A : i32
    %mul3A_3 = arith.constant 632 : i32
    %mul3A_4 = arith.muli %arg1, %mul3A_3 : i32
    "tpu.region"() ({
      %run_scoped3A = tpu.sem_alloc : memref<!tpu.dma_semaphore, #tpu.memory_space<semaphore_mem>>
      %dma_start3A_209 = arith.constant 0 : i32
      %dma_start3A_210 = tpu.memref_slice %arg14[%mul3A_4, %dma_start3A_209] : memref<10112x80xf32, #tpu.memory_space<vmem_shared>> -> memref<632x80xf32, #tpu.memory_space<vmem_shared>>
      %dma_start3A_211 = arith.constant 0 : i32
      %dma_start3A_212 = tpu.memref_slice %arg6[%mul3A_2, %dma_start3A_211] : memref<10112x80xf32, #tpu.memory_space<hbm>> -> memref<632x80xf32, #tpu.memory_space<hbm>>
      tpu.enqueue_dma source(%dma_start3A_212 : memref<632x80xf32, #tpu.memory_space<hbm>>) target(%dma_start3A_210 : memref<632x80xf32, #tpu.memory_space<vmem_shared>>) target_semaphore(%run_scoped3A : memref<!tpu.dma_semaphore, #tpu.memory_space<semaphore_mem>>)
      %dma_wait3A_213 = arith.constant 0 : i32
      %dma_wait3A_214 = tpu.memref_slice %arg14[%mul3A_4, %dma_wait3A_213] : memref<10112x80xf32, #tpu.memory_space<vmem_shared>> -> memref<632x80xf32, #tpu.memory_space<vmem_shared>>
      %dma_wait3A_215 = arith.constant 0 : i32
      %dma_wait3A_216 = tpu.memref_slice %arg6[%mul3A_2, %dma_wait3A_215] : memref<10112x80xf32, #tpu.memory_space<hbm>> -> memref<632x80xf32, #tpu.memory_space<hbm>>
      tpu.wait_dma2 semaphore(%run_scoped3A : memref<!tpu.dma_semaphore, #tpu.memory_space<semaphore_mem>>) src(%dma_wait3A_216 : memref<632x80xf32, #tpu.memory_space<hbm>>) dst(%dma_wait3A_214 : memref<632x80xf32, #tpu.memory_space<vmem_shared>>)
      tpu.yield
    }) : () -> ()
    %iota3A = tpu.iota {dimensions = array<i32: 0>} : vector<16xi32>
    %broadcast_in_dim3A = arith.constant 0 : i32
    %broadcast_in_dim3A_5 = vector.broadcast %broadcast_in_dim3A : i32 to vector<16xi32>
    %broadcast_in_dim3A_6 = arith.constant 1 : i32
    %broadcast_in_dim3A_7 = vector.broadcast %broadcast_in_dim3A_6 : i32 to vector<16xi32>
    %broadcast_in_dim3A_8 = arith.constant 0xFF800000 : f32
    %broadcast_in_dim3A_9 = vector.broadcast %broadcast_in_dim3A_8 : f32 to vector<16xf32>
    %scan3A = arith.constant 0 : i32
    %scan3A_10 = arith.constant 625 : i32
    %scan3A_11 = arith.addi %scan3A, %scan3A_10 : i32
    %scan3A_12 = arith.constant 1 : i32
    %scan3A_13:2 = scf.for %scan3A_209 = %scan3A to %scan3A_11 step %scan3A_12 iter_args(%scan3A_210 = %broadcast_in_dim3A_9, %scan3A_211 = %broadcast_in_dim3A_9) -> (vector<16xf32>, vector<16xf32>)  : i32 {
      %mul3A_212 = arith.constant 16 : i32
      %mul3A_213 = arith.muli %scan3A_209, %mul3A_212 : i32
      %add3A_214 = vector.broadcast %mul3A_213 : i32 to vector<16xi32>
      %add3A_215 = arith.addi %add3A_214, %iota3A : vector<16xi32>
      %gather3A_216 = tpu.vector_load_idx %arg10[%broadcast_in_dim3A_5, %add3A_215] : memref<2x10000xf32, #tpu.memory_space<vmem>>[vector<16xi32>, vector<16xi32>], vector<16xf32>,
      %max3A_217 = arith.maximumf %scan3A_210, %gather3A_216 : vector<16xf32>
      %gather3A_218 = tpu.vector_load_idx %arg10[%broadcast_in_dim3A_7, %add3A_215] : memref<2x10000xf32, #tpu.memory_space<vmem>>[vector<16xi32>, vector<16xi32>], vector<16xf32>,
      %max3A_219 = arith.maximumf %scan3A_211, %gather3A_218 : vector<16xf32>
      scf.yield %max3A_217, %max3A_219 : vector<16xf32>, vector<16xf32>
    }
    %scan3A_14 = arith.constant 625 : i32
    tpu.vector_store_idx %arg11[%iota3A], %scan3A_13#0 : memref<96xf32, #tpu.memory_space<vmem>>[vector<16xi32>], vector<16xf32>,
    %add3A_15 = arith.constant 16 : i32
    %add3A_16 = vector.broadcast %add3A_15 : i32 to vector<16xi32>
    %add3A_17 = arith.addi %add3A_16, %iota3A : vector<16xi32>
    tpu.vector_store_idx %arg11[%add3A_17], %scan3A_13#1 : memref<96xf32, #tpu.memory_space<vmem>>[vector<16xi32>], vector<16xf32>,
    %broadcast_in_dim3A_18 = arith.constant 0 : i32
    %broadcast_in_dim3A_19 = vector.broadcast %broadcast_in_dim3A_18 : i32 to vector<16xi32>
    %gather3A = tpu.vector_load_idx %arg11[%broadcast_in_dim3A_19] : memref<96xf32, #tpu.memory_space<vmem>>[vector<16xi32>], vector<16xf32>,
    %max3A = arith.maximumf %broadcast_in_dim3A_9, %gather3A : vector<16xf32>
    %broadcast_in_dim3A_20 = arith.constant 16 : i32
    %broadcast_in_dim3A_21 = vector.broadcast %broadcast_in_dim3A_20 : i32 to vector<16xi32>
    %gather3A_22 = tpu.vector_load_idx %arg11[%broadcast_in_dim3A_21] : memref<96xf32, #tpu.memory_space<vmem>>[vector<16xi32>], vector<16xf32>,
    %max3A_23 = arith.maximumf %broadcast_in_dim3A_9, %gather3A_22 : vector<16xf32>
    %broadcast_in_dim3A_24 = arith.constant 1 : i32
    %broadcast_in_dim3A_25 = vector.broadcast %broadcast_in_dim3A_24 : i32 to vector<16xi32>
    %gather3A_26 = tpu.vector_load_idx %arg11[%broadcast_in_dim3A_25] : memref<96xf32, #tpu.memory_space<vmem>>[vector<16xi32>], vector<16xf32>,
    %max3A_27 = arith.maximumf %max3A, %gather3A_26 : vector<16xf32>
    %broadcast_in_dim3A_28 = arith.constant 17 : i32
    %broadcast_in_dim3A_29 = vector.broadcast %broadcast_in_dim3A_28 : i32 to vector<16xi32>
    %gather3A_30 = tpu.vector_load_idx %arg11[%broadcast_in_dim3A_29] : memref<96xf32, #tpu.memory_space<vmem>>[vector<16xi32>], vector<16xf32>,
    %max3A_31 = arith.maximumf %max3A_23, %gather3A_30 : vector<16xf32>
    %broadcast_in_dim3A_32 = arith.constant 2 : i32
    %broadcast_in_dim3A_33 = vector.broadcast %broadcast_in_dim3A_32 : i32 to vector<16xi32>
    %gather3A_34 = tpu.vector_load_idx %arg11[%broadcast_in_dim3A_33] : memref<96xf32, #tpu.memory_space<vmem>>[vector<16xi32>], vector<16xf32>,
    %max3A_35 = arith.maximumf %max3A_27, %gather3A_34 : vector<16xf32>
    %broadcast_in_dim3A_36 = arith.constant 18 : i32
    %broadcast_in_dim3A_37 = vector.broadcast %broadcast_in_dim3A_36 : i32 to vector<16xi32>
    %gather3A_38 = tpu.vector_load_idx %arg11[%broadcast_in_dim3A_37] : memref<96xf32, #tpu.memory_space<vmem>>[vector<16xi32>], vector<16xf32>,
    %max3A_39 = arith.maximumf %max3A_31, %gather3A_38 : vector<16xf32>
    %broadcast_in_dim3A_40 = arith.constant 3 : i32
    %broadcast_in_dim3A_41 = vector.broadcast %broadcast_in_dim3A_40 : i32 to vector<16xi32>
    %gather3A_42 = tpu.vector_load_idx %arg11[%broadcast_in_dim3A_41] : memref<96xf32, #tpu.memory_space<vmem>>[vector<16xi32>], vector<16xf32>,
    %max3A_43 = arith.maximumf %max3A_35, %gather3A_42 : vector<16xf32>
    %broadcast_in_dim3A_44 = arith.constant 19 : i32
    %broadcast_in_dim3A_45 = vector.broadcast %broadcast_in_dim3A_44 : i32 to vector<16xi32>
    %gather3A_46 = tpu.vector_load_idx %arg11[%broadcast_in_dim3A_45] : memref<96xf32, #tpu.memory_space<vmem>>[vector<16xi32>], vector<16xf32>,
    %max3A_47 = arith.maximumf %max3A_39, %gather3A_46 : vector<16xf32>
    %broadcast_in_dim3A_48 = arith.constant 4 : i32
    %broadcast_in_dim3A_49 = vector.broadcast %broadcast_in_dim3A_48 : i32 to vector<16xi32>
    %gather3A_50 = tpu.vector_load_idx %arg11[%broadcast_in_dim3A_49] : memref<96xf32, #tpu.memory_space<vmem>>[vector<16xi32>], vector<16xf32>,
    %max3A_51 = arith.maximumf %max3A_43, %gather3A_50 : vector<16xf32>
    %broadcast_in_dim3A_52 = arith.constant 20 : i32
    %broadcast_in_dim3A_53 = vector.broadcast %broadcast_in_dim3A_52 : i32 to vector<16xi32>
    %gather3A_54 = tpu.vector_load_idx %arg11[%broadcast_in_dim3A_53] : memref<96xf32, #tpu.memory_space<vmem>>[vector<16xi32>], vector<16xf32>,
    %max3A_55 = arith.maximumf %max3A_47, %gather3A_54 : vector<16xf32>
    %broadcast_in_dim3A_56 = arith.constant 5 : i32
    %broadcast_in_dim3A_57 = vector.broadcast %broadcast_in_dim3A_56 : i32 to vector<16xi32>
    %gather3A_58 = tpu.vector_load_idx %arg11[%broadcast_in_dim3A_57] : memref<96xf32, #tpu.memory_space<vmem>>[vector<16xi32>], vector<16xf32>,
    %max3A_59 = arith.maximumf %max3A_51, %gather3A_58 : vector<16xf32>
    %broadcast_in_dim3A_60 = arith.constant 21 : i32
    %broadcast_in_dim3A_61 = vector.broadcast %broadcast_in_dim3A_60 : i32 to vector<16xi32>
    %gather3A_62 = tpu.vector_load_idx %arg11[%broadcast_in_dim3A_61] : memref<96xf32, #tpu.memory_space<vmem>>[vector<16xi32>], vector<16xf32>,
    %max3A_63 = arith.maximumf %max3A_55, %gather3A_62 : vector<16xf32>
    %broadcast_in_dim3A_64 = arith.constant 6 : i32
    %broadcast_in_dim3A_65 = vector.broadcast %broadcast_in_dim3A_64 : i32 to vector<16xi32>
    %gather3A_66 = tpu.vector_load_idx %arg11[%broadcast_in_dim3A_65] : memref<96xf32, #tpu.memory_space<vmem>>[vector<16xi32>], vector<16xf32>,
    %max3A_67 = arith.maximumf %max3A_59, %gather3A_66 : vector<16xf32>
    %broadcast_in_dim3A_68 = arith.constant 22 : i32
    %broadcast_in_dim3A_69 = vector.broadcast %broadcast_in_dim3A_68 : i32 to vector<16xi32>
    %gather3A_70 = tpu.vector_load_idx %arg11[%broadcast_in_dim3A_69] : memref<96xf32, #tpu.memory_space<vmem>>[vector<16xi32>], vector<16xf32>,
    %max3A_71 = arith.maximumf %max3A_63, %gather3A_70 : vector<16xf32>
    %broadcast_in_dim3A_72 = arith.constant 7 : i32
    %broadcast_in_dim3A_73 = vector.broadcast %broadcast_in_dim3A_72 : i32 to vector<16xi32>
    %gather3A_74 = tpu.vector_load_idx %arg11[%broadcast_in_dim3A_73] : memref<96xf32, #tpu.memory_space<vmem>>[vector<16xi32>], vector<16xf32>,
    %max3A_75 = arith.maximumf %max3A_67, %gather3A_74 : vector<16xf32>
    %broadcast_in_dim3A_76 = arith.constant 23 : i32
    %broadcast_in_dim3A_77 = vector.broadcast %broadcast_in_dim3A_76 : i32 to vector<16xi32>
    %gather3A_78 = tpu.vector_load_idx %arg11[%broadcast_in_dim3A_77] : memref<96xf32, #tpu.memory_space<vmem>>[vector<16xi32>], vector<16xf32>,
    %max3A_79 = arith.maximumf %max3A_71, %gather3A_78 : vector<16xf32>
    %broadcast_in_dim3A_80 = arith.constant 8 : i32
    %broadcast_in_dim3A_81 = vector.broadcast %broadcast_in_dim3A_80 : i32 to vector<16xi32>
    %gather3A_82 = tpu.vector_load_idx %arg11[%broadcast_in_dim3A_81] : memref<96xf32, #tpu.memory_space<vmem>>[vector<16xi32>], vector<16xf32>,
    %max3A_83 = arith.maximumf %max3A_75, %gather3A_82 : vector<16xf32>
    %broadcast_in_dim3A_84 = arith.constant 24 : i32
    %broadcast_in_dim3A_85 = vector.broadcast %broadcast_in_dim3A_84 : i32 to vector<16xi32>
    %gather3A_86 = tpu.vector_load_idx %arg11[%broadcast_in_dim3A_85] : memref<96xf32, #tpu.memory_space<vmem>>[vector<16xi32>], vector<16xf32>,
    %max3A_87 = arith.maximumf %max3A_79, %gather3A_86 : vector<16xf32>
    %broadcast_in_dim3A_88 = arith.constant 9 : i32
    %broadcast_in_dim3A_89 = vector.broadcast %broadcast_in_dim3A_88 : i32 to vector<16xi32>
    %gather3A_90 = tpu.vector_load_idx %arg11[%broadcast_in_dim3A_89] : memref<96xf32, #tpu.memory_space<vmem>>[vector<16xi32>], vector<16xf32>,
    %max3A_91 = arith.maximumf %max3A_83, %gather3A_90 : vector<16xf32>
    %broadcast_in_dim3A_92 = arith.constant 25 : i32
    %broadcast_in_dim3A_93 = vector.broadcast %broadcast_in_dim3A_92 : i32 to vector<16xi32>
    %gather3A_94 = tpu.vector_load_idx %arg11[%broadcast_in_dim3A_93] : memref<96xf32, #tpu.memory_space<vmem>>[vector<16xi32>], vector<16xf32>,
    %max3A_95 = arith.maximumf %max3A_87, %gather3A_94 : vector<16xf32>
    %broadcast_in_dim3A_96 = arith.constant 10 : i32
    %broadcast_in_dim3A_97 = vector.broadcast %broadcast_in_dim3A_96 : i32 to vector<16xi32>
    %gather3A_98 = tpu.vector_load_idx %arg11[%broadcast_in_dim3A_97] : memref<96xf32, #tpu.memory_space<vmem>>[vector<16xi32>], vector<16xf32>,
    %max3A_99 = arith.maximumf %max3A_91, %gather3A_98 : vector<16xf32>
    %broadcast_in_dim3A_100 = arith.constant 26 : i32
    %broadcast_in_dim3A_101 = vector.broadcast %broadcast_in_dim3A_100 : i32 to vector<16xi32>
    %gather3A_102 = tpu.vector_load_idx %arg11[%broadcast_in_dim3A_101] : memref<96xf32, #tpu.memory_space<vmem>>[vector<16xi32>], vector<16xf32>,
    %max3A_103 = arith.maximumf %max3A_95, %gather3A_102 : vector<16xf32>
    %broadcast_in_dim3A_104 = arith.constant 11 : i32
    %broadcast_in_dim3A_105 = vector.broadcast %broadcast_in_dim3A_104 : i32 to vector<16xi32>
    %gather3A_106 = tpu.vector_load_idx %arg11[%broadcast_in_dim3A_105] : memref<96xf32, #tpu.memory_space<vmem>>[vector<16xi32>], vector<16xf32>,
    %max3A_107 = arith.maximumf %max3A_99, %gather3A_106 : vector<16xf32>
    %broadcast_in_dim3A_108 = arith.constant 27 : i32
    %broadcast_in_dim3A_109 = vector.broadcast %broadcast_in_dim3A_108 : i32 to vector<16xi32>
    %gather3A_110 = tpu.vector_load_idx %arg11[%broadcast_in_dim3A_109] : memref<96xf32, #tpu.memory_space<vmem>>[vector<16xi32>], vector<16xf32>,
    %max3A_111 = arith.maximumf %max3A_103, %gather3A_110 : vector<16xf32>
    %broadcast_in_dim3A_112 = arith.constant 12 : i32
    %broadcast_in_dim3A_113 = vector.broadcast %broadcast_in_dim3A_112 : i32 to vector<16xi32>
    %gather3A_114 = tpu.vector_load_idx %arg11[%broadcast_in_dim3A_113] : memref<96xf32, #tpu.memory_space<vmem>>[vector<16xi32>], vector<16xf32>,
    %max3A_115 = arith.maximumf %max3A_107, %gather3A_114 : vector<16xf32>
    %broadcast_in_dim3A_116 = arith.constant 28 : i32
    %broadcast_in_dim3A_117 = vector.broadcast %broadcast_in_dim3A_116 : i32 to vector<16xi32>
    %gather3A_118 = tpu.vector_load_idx %arg11[%broadcast_in_dim3A_117] : memref<96xf32, #tpu.memory_space<vmem>>[vector<16xi32>], vector<16xf32>,
    %max3A_119 = arith.maximumf %max3A_111, %gather3A_118 : vector<16xf32>
    %broadcast_in_dim3A_120 = arith.constant 13 : i32
    %broadcast_in_dim3A_121 = vector.broadcast %broadcast_in_dim3A_120 : i32 to vector<16xi32>
    %gather3A_122 = tpu.vector_load_idx %arg11[%broadcast_in_dim3A_121] : memref<96xf32, #tpu.memory_space<vmem>>[vector<16xi32>], vector<16xf32>,
    %max3A_123 = arith.maximumf %max3A_115, %gather3A_122 : vector<16xf32>
    %broadcast_in_dim3A_124 = arith.constant 29 : i32
    %broadcast_in_dim3A_125 = vector.broadcast %broadcast_in_dim3A_124 : i32 to vector<16xi32>
    %gather3A_126 = tpu.vector_load_idx %arg11[%broadcast_in_dim3A_125] : memref<96xf32, #tpu.memory_space<vmem>>[vector<16xi32>], vector<16xf32>,
    %max3A_127 = arith.maximumf %max3A_119, %gather3A_126 : vector<16xf32>
    %broadcast_in_dim3A_128 = arith.constant 14 : i32
    %broadcast_in_dim3A_129 = vector.broadcast %broadcast_in_dim3A_128 : i32 to vector<16xi32>
    %gather3A_130 = tpu.vector_load_idx %arg11[%broadcast_in_dim3A_129] : memref<96xf32, #tpu.memory_space<vmem>>[vector<16xi32>], vector<16xf32>,
    %max3A_131 = arith.maximumf %max3A_123, %gather3A_130 : vector<16xf32>
    %broadcast_in_dim3A_132 = arith.constant 30 : i32
    %broadcast_in_dim3A_133 = vector.broadcast %broadcast_in_dim3A_132 : i32 to vector<16xi32>
    %gather3A_134 = tpu.vector_load_idx %arg11[%broadcast_in_dim3A_133] : memref<96xf32, #tpu.memory_space<vmem>>[vector<16xi32>], vector<16xf32>,
    %max3A_135 = arith.maximumf %max3A_127, %gather3A_134 : vector<16xf32>
    %broadcast_in_dim3A_136 = arith.constant 15 : i32
    %broadcast_in_dim3A_137 = vector.broadcast %broadcast_in_dim3A_136 : i32 to vector<16xi32>
    %gather3A_138 = tpu.vector_load_idx %arg11[%broadcast_in_dim3A_137] : memref<96xf32, #tpu.memory_space<vmem>>[vector<16xi32>], vector<16xf32>,
    %max3A_139 = arith.maximumf %max3A_131, %gather3A_138 : vector<16xf32>
    %broadcast_in_dim3A_140 = arith.constant 31 : i32
    %broadcast_in_dim3A_141 = vector.broadcast %broadcast_in_dim3A_140 : i32 to vector<16xi32>
    %gather3A_142 = tpu.vector_load_idx %arg11[%broadcast_in_dim3A_141] : memref<96xf32, #tpu.memory_space<vmem>>[vector<16xi32>], vector<16xf32>,
    %max3A_143 = arith.maximumf %max3A_135, %gather3A_142 : vector<16xf32>
    %add3A_144 = arith.addf %max3A_139, %max3A_143 : vector<16xf32>
    %mul3A_145 = arith.constant 2.000000e-01 : f32
    %mul3A_146 = vector.broadcast %mul3A_145 : f32 to vector<16xf32>
    %mul3A_147 = arith.mulf %mul3A_146, %add3A_144 : vector<16xf32>
    %max3A_148 = arith.maximumf %add3A_144, %mul3A_147 : vector<16xf32>
    %barrier3A = arith.constant 0 : index
    tpu.barrier barrier_id(%barrier3A)
    %eq3A_149 = arith.constant 0 : i32
    %eq3A_150 = arith.cmpi eq, %arg0, %eq3A_149 : i32
    %mul3A_151 = arith.constant 7296 : i32
    %mul3A_152 = arith.muli %arg1, %mul3A_151 : i32
    %mul3A_153 = arith.constant 3456 : i32
    %mul3A_154 = arith.muli %arg1, %mul3A_153 : i32
    %add3A_155 = arith.constant 116736 : i32
    %add3A_156 = arith.addi %add3A_155, %mul3A_154 : i32
    %select_n3A_157 = arith.select %eq3A_150, %mul3A_152, %add3A_156 : i32
    %eq3A_158 = arith.constant 0 : i32
    %eq3A_159 = arith.cmpi eq, %arg0, %eq3A_158 : i32
    %select_n3A_160 = arith.constant 36 : i32
    %select_n3A_161 = arith.constant 76 : i32
    %select_n3A_162 = arith.select %eq3A_159, %select_n3A_161, %select_n3A_160 : i32
    %dma_start3A = arith.constant 0 : i32
    %dma_start3A_163 = arith.constant 0 : i32
    %dma_start3A_164 = tpu.memref_slice %arg8[%dma_start3A, %dma_start3A_163] : memref<76x96xi32, #tpu.memory_space<vmem>> -> memref<1x96xi32, #tpu.memory_space<vmem>>
    %dma_start3A_165 = tpu.memref_squeeze %dma_start3A_164 : memref<1x96xi32, #tpu.memory_space<vmem>> -> memref<96xi32, #tpu.memory_space<vmem>>
    %dma_start3A_166 = arith.constant 0 : i32
    %dma_start3A_167 = arith.constant 0 : i32
    %dma_start3A_168 = tpu.memref_slice %arg2[%dma_start3A_166, %dma_start3A_167] : memref<10000x80xf32, #tpu.memory_space<hbm>> -> memref<10000x80xf32, #tpu.memory_space<hbm>>
    tpu.enqueue_indirect_dma source(%dma_start3A_168 : memref<10000x80xf32, #tpu.memory_space<hbm>>) target(%arg12 : memref<96x80xf32, #tpu.memory_space<vmem>>) offsets(%dma_start3A_165 : memref<96xi32, #tpu.memory_space<vmem>>) semaphore(%arg15 : memref<!tpu.dma_semaphore, #tpu.memory_space<semaphore_mem>>)
    %jit3A = arith.constant 2 : i32
    %div3A = arith.divsi %select_n3A_162, %jit3A : i32
    %sign3A = arith.constant 0 : i32
    %sign3A_169 = arith.cmpi sgt, %select_n3A_162, %sign3A : i32
    %sign3A_170 = arith.extui %sign3A_169 : i1 to i32
    %sign3A_171 = arith.constant 0 : i32
    %sign3A_172 = arith.cmpi slt, %select_n3A_162, %sign3A_171 : i32
    %sign3A_173 = arith.extui %sign3A_172 : i1 to i32
    %sign3A_174 = arith.subi %sign3A_170, %sign3A_173 : i32
    %sign3A_175 = arith.constant 0 : i32
    %sign3A_176 = arith.cmpi sgt, %jit3A, %sign3A_175 : i32
    %sign3A_177 = arith.extui %sign3A_176 : i1 to i32
    %sign3A_178 = arith.constant 0 : i32
    %sign3A_179 = arith.cmpi slt, %jit3A, %sign3A_178 : i32
    %sign3A_180 = arith.extui %sign3A_179 : i1 to i32
    %sign3A_181 = arith.subi %sign3A_177, %sign3A_180 : i32
    %ne3A = arith.cmpi ne, %sign3A_174, %sign3A_181 : i32
    %rem3A = arith.remsi %select_n3A_162, %jit3A : i32
    %ne3A_182 = arith.constant 0 : i32
    %ne3A_183 = arith.cmpi ne, %rem3A, %ne3A_182 : i32
    %and3A = arith.andi %ne3A, %ne3A_183 : i1
    %sub3A = arith.constant 1 : i32
    %sub3A_184 = arith.subi %div3A, %sub3A : i32
    %select_n3A_185 = arith.select %and3A, %sub3A_184, %div3A : i32
    %while3A = arith.constant 0 : i32
    %while3A_186 = arith.constant 0 : i32
    %while3A_187 = arith.subi %select_n3A_185, %while3A : i32
    %while3A_188 = arith.addi %while3A, %while3A_187 : i32
    %while3A_189 = arith.constant 1 : i32
    %while3A_190 = arith.divsi %while3A_187, %while3A_189 : i32
    %while3A_191 = arith.muli %while3A_190, %while3A_189 : i32
    %while3A_192 = arith.addi %while3A, %while3A_191 : i32
    %while3A_193 = arith.constant 1 : i32
    %while3A_194 = scf.for %while3A_209 = %while3A to %while3A_192 step %while3A_193 iter_args(%while3A_210 = %while3A_186) -> (i32)  : i32 {
      %mul3A_211 = arith.constant 2 : i32
      %mul3A_212 = arith.muli %mul3A_211, %while3A_209 : i32
      %add3A_213 = arith.constant 0 : i32
      %add3A_214 = arith.addi %mul3A_212, %add3A_213 : i32
      %broadcast_in_dim3A_215 = vector.broadcast %add3A_214 : i32 to vector<16xi32>
      %add3A_216 = arith.constant 0 : i32
      %add3A_217 = vector.broadcast %add3A_216 : i32 to vector<16xi32>
      %add3A_218 = arith.addi %add3A_217, %iota3A : vector<16xi32>
      %gather3A_219 = tpu.vector_load_idx %arg8[%broadcast_in_dim3A_215, %add3A_218] : memref<76x96xi32, #tpu.memory_space<vmem>>[vector<16xi32>, vector<16xi32>], vector<16xi32>,
      %add3A_220 = arith.constant 0 : i32
      %add3A_221 = vector.broadcast %add3A_220 : i32 to vector<16xi32>
      %add3A_222 = arith.addi %add3A_221, %iota3A : vector<16xi32>
      %gather3A_223 = tpu.vector_load_idx %arg9[%broadcast_in_dim3A_215, %add3A_222] : memref<76x96xi32, #tpu.memory_space<vmem>>[vector<16xi32>, vector<16xi32>], vector<16xi32>,
      %gather3A_224 = tpu.vector_load_idx %arg10[%broadcast_in_dim3A_5, %gather3A_219] : memref<2x10000xf32, #tpu.memory_space<vmem>>[vector<16xi32>, vector<16xi32>], vector<16xf32>,
      %gather3A_225 = tpu.vector_load_idx %arg10[%broadcast_in_dim3A_7, %gather3A_223] : memref<2x10000xf32, #tpu.memory_space<vmem>>[vector<16xi32>, vector<16xi32>], vector<16xf32>,
      %add3A_226 = arith.addf %gather3A_224, %gather3A_225 : vector<16xf32>
      %mul3A_227 = arith.constant 2.000000e-01 : f32
      %mul3A_228 = vector.broadcast %mul3A_227 : f32 to vector<16xf32>
      %mul3A_229 = arith.mulf %mul3A_228, %add3A_226 : vector<16xf32>
      %max3A_230 = arith.maximumf %add3A_226, %mul3A_229 : vector<16xf32>
      %sub3A_231 = arith.subf %max3A_230, %max3A_148 : vector<16xf32>
      %exp3A = math.exp %sub3A_231 : vector<16xf32>
      %mul3A_232 = arith.constant 96 : i32
      %mul3A_233 = arith.muli %add3A_214, %mul3A_232 : i32
      %add3A_234 = arith.addi %select_n3A_157, %mul3A_233 : i32
      %add3A_235 = arith.constant 0 : i32
      %add3A_236 = arith.addi %add3A_234, %add3A_235 : i32
      %add3A_237 = vector.broadcast %add3A_236 : i32 to vector<16xi32>
      %add3A_238 = arith.addi %add3A_237, %iota3A : vector<16xi32>
      %add3A_239 = arith.constant 0 : i32
      %add3A_240 = vector.broadcast %add3A_239 : i32 to vector<16xi32>
      %add3A_241 = arith.addi %add3A_240, %iota3A : vector<16xi32>
      %lt3A = arith.constant 170000 : i32
      %lt3A_242 = vector.broadcast %lt3A : i32 to vector<16xi32>
      %lt3A_243 = arith.cmpi slt, %add3A_238, %lt3A_242 : vector<16xi32>
      %jit3A_244 = arith.constant 0.000000e+00 : f32
      %broadcast_in_dim3A_245 = vector.broadcast %jit3A_244 : f32 to vector<16xf32>
      %select_n3A_246 = arith.select %lt3A_243, %exp3A, %broadcast_in_dim3A_245 : vector<16xi1>, vector<16xf32>
      tpu.vector_store_idx %arg11[%add3A_241], %select_n3A_246 : memref<96xf32, #tpu.memory_space<vmem>>[vector<16xi32>], vector<16xf32>,
      %add3A_247 = arith.constant 16 : i32
      %add3A_248 = vector.broadcast %add3A_247 : i32 to vector<16xi32>
      %add3A_249 = arith.addi %add3A_248, %iota3A : vector<16xi32>
      %gather3A_250 = tpu.vector_load_idx %arg8[%broadcast_in_dim3A_215, %add3A_249] : memref<76x96xi32, #tpu.memory_space<vmem>>[vector<16xi32>, vector<16xi32>], vector<16xi32>,
      %add3A_251 = arith.constant 16 : i32
      %add3A_252 = vector.broadcast %add3A_251 : i32 to vector<16xi32>
      %add3A_253 = arith.addi %add3A_252, %iota3A : vector<16xi32>
      %gather3A_254 = tpu.vector_load_idx %arg9[%broadcast_in_dim3A_215, %add3A_253] : memref<76x96xi32, #tpu.memory_space<vmem>>[vector<16xi32>, vector<16xi32>], vector<16xi32>,
      %gather3A_255 = tpu.vector_load_idx %arg10[%broadcast_in_dim3A_5, %gather3A_250] : memref<2x10000xf32, #tpu.memory_space<vmem>>[vector<16xi32>, vector<16xi32>], vector<16xf32>,
      %gather3A_256 = tpu.vector_load_idx %arg10[%broadcast_in_dim3A_7, %gather3A_254] : memref<2x10000xf32, #tpu.memory_space<vmem>>[vector<16xi32>, vector<16xi32>], vector<16xf32>,
      %add3A_257 = arith.addf %gather3A_255, %gather3A_256 : vector<16xf32>
      %mul3A_258 = arith.constant 2.000000e-01 : f32
      %mul3A_259 = vector.broadcast %mul3A_258 : f32 to vector<16xf32>
      %mul3A_260 = arith.mulf %mul3A_259, %add3A_257 : vector<16xf32>
      %max3A_261 = arith.maximumf %add3A_257, %mul3A_260 : vector<16xf32>
      %sub3A_262 = arith.subf %max3A_261, %max3A_148 : vector<16xf32>
      %exp3A_263 = math.exp %sub3A_262 : vector<16xf32>
      %mul3A_264 = arith.constant 96 : i32
      %mul3A_265 = arith.muli %add3A_214, %mul3A_264 : i32
      %add3A_266 = arith.addi %select_n3A_157, %mul3A_265 : i32
      %add3A_267 = arith.constant 16 : i32
      %add3A_268 = arith.addi %add3A_266, %add3A_267 : i32
      %add3A_269 = vector.broadcast %add3A_268 : i32 to vector<16xi32>
      %add3A_270 = arith.addi %add3A_269, %iota3A : vector<16xi32>
      %add3A_271 = arith.constant 16 : i32
      %add3A_272 = vector.broadcast %add3A_271 : i32 to vector<16xi32>
      %add3A_273 = arith.addi %add3A_272, %iota3A : vector<16xi32>
      %lt3A_274 = arith.constant 170000 : i32
      %lt3A_275 = vector.broadcast %lt3A_274 : i32 to vector<16xi32>
      %lt3A_276 = arith.cmpi slt, %add3A_270, %lt3A_275 : vector<16xi32>
      %jit3A_277 = arith.constant 0.000000e+00 : f32
      %broadcast_in_dim3A_278 = vector.broadcast %jit3A_277 : f32 to vector<16xf32>
      %select_n3A_279 = arith.select %lt3A_276, %exp3A_263, %broadcast_in_dim3A_278 : vector<16xi1>, vector<16xf32>
      tpu.vector_store_idx %arg11[%add3A_273], %select_n3A_279 : memref<96xf32, #tpu.memory_space<vmem>>[vector<16xi32>], vector<16xf32>,
      %add3A_280 = arith.constant 32 : i32
      %add3A_281 = vector.broadcast %add3A_280 : i32 to vector<16xi32>
      %add3A_282 = arith.addi %add3A_281, %iota3A : vector<16xi32>
      %gather3A_283 = tpu.vector_load_idx %arg8[%broadcast_in_dim3A_215, %add3A_282] : memref<76x96xi32, #tpu.memory_space<vmem>>[vector<16xi32>, vector<16xi32>], vector<16xi32>,
      %add3A_284 = arith.constant 32 : i32
      %add3A_285 = vector.broadcast %add3A_284 : i32 to vector<16xi32>
      %add3A_286 = arith.addi %add3A_285, %iota3A : vector<16xi32>
      %gather3A_287 = tpu.vector_load_idx %arg9[%broadcast_in_dim3A_215, %add3A_286] : memref<76x96xi32, #tpu.memory_space<vmem>>[vector<16xi32>, vector<16xi32>], vector<16xi32>,
      %gather3A_288 = tpu.vector_load_idx %arg10[%broadcast_in_dim3A_5, %gather3A_283] : memref<2x10000xf32, #tpu.memory_space<vmem>>[vector<16xi32>, vector<16xi32>], vector<16xf32>,
      %gather3A_289 = tpu.vector_load_idx %arg10[%broadcast_in_dim3A_7, %gather3A_287] : memref<2x10000xf32, #tpu.memory_space<vmem>>[vector<16xi32>, vector<16xi32>], vector<16xf32>,
      %add3A_290 = arith.addf %gather3A_288, %gather3A_289 : vector<16xf32>
      %mul3A_291 = arith.constant 2.000000e-01 : f32
      %mul3A_292 = vector.broadcast %mul3A_291 : f32 to vector<16xf32>
      %mul3A_293 = arith.mulf %mul3A_292, %add3A_290 : vector<16xf32>
      %max3A_294 = arith.maximumf %add3A_290, %mul3A_293 : vector<16xf32>
      %sub3A_295 = arith.subf %max3A_294, %max3A_148 : vector<16xf32>
      %exp3A_296 = math.exp %sub3A_295 : vector<16xf32>
      %mul3A_297 = arith.constant 96 : i32
      %mul3A_298 = arith.muli %add3A_214, %mul3A_297 : i32
      %add3A_299 = arith.addi %select_n3A_157, %mul3A_298 : i32
      %add3A_300 = arith.constant 32 : i32
      %add3A_301 = arith.addi %add3A_299, %add3A_300 : i32
      %add3A_302 = vector.broadcast %add3A_301 : i32 to vector<16xi32>
      %add3A_303 = arith.addi %add3A_302, %iota3A : vector<16xi32>
      %add3A_304 = arith.constant 32 : i32
      %add3A_305 = vector.broadcast %add3A_304 : i32 to vector<16xi32>
      %add3A_306 = arith.addi %add3A_305, %iota3A : vector<16xi32>
      %lt3A_307 = arith.constant 170000 : i32
      %lt3A_308 = vector.broadcast %lt3A_307 : i32 to vector<16xi32>
      %lt3A_309 = arith.cmpi slt, %add3A_303, %lt3A_308 : vector<16xi32>
      %jit3A_310 = arith.constant 0.000000e+00 : f32
      %broadcast_in_dim3A_311 = vector.broadcast %jit3A_310 : f32 to vector<16xf32>
      %select_n3A_312 = arith.select %lt3A_309, %exp3A_296, %broadcast_in_dim3A_311 : vector<16xi1>, vector<16xf32>
      tpu.vector_store_idx %arg11[%add3A_306], %select_n3A_312 : memref<96xf32, #tpu.memory_space<vmem>>[vector<16xi32>], vector<16xf32>,
      %add3A_313 = arith.constant 48 : i32
      %add3A_314 = vector.broadcast %add3A_313 : i32 to vector<16xi32>
      %add3A_315 = arith.addi %add3A_314, %iota3A : vector<16xi32>
      %gather3A_316 = tpu.vector_load_idx %arg8[%broadcast_in_dim3A_215, %add3A_315] : memref<76x96xi32, #tpu.memory_space<vmem>>[vector<16xi32>, vector<16xi32>], vector<16xi32>,
      %add3A_317 = arith.constant 48 : i32
      %add3A_318 = vector.broadcast %add3A_317 : i32 to vector<16xi32>
      %add3A_319 = arith.addi %add3A_318, %iota3A : vector<16xi32>
      %gather3A_320 = tpu.vector_load_idx %arg9[%broadcast_in_dim3A_215, %add3A_319] : memref<76x96xi32, #tpu.memory_space<vmem>>[vector<16xi32>, vector<16xi32>], vector<16xi32>,
      %gather3A_321 = tpu.vector_load_idx %arg10[%broadcast_in_dim3A_5, %gather3A_316] : memref<2x10000xf32, #tpu.memory_space<vmem>>[vector<16xi32>, vector<16xi32>], vector<16xf32>,
      %gather3A_322 = tpu.vector_load_idx %arg10[%broadcast_in_dim3A_7, %gather3A_320] : memref<2x10000xf32, #tpu.memory_space<vmem>>[vector<16xi32>, vector<16xi32>], vector<16xf32>,
      %add3A_323 = arith.addf %gather3A_321, %gather3A_322 : vector<16xf32>
      %mul3A_324 = arith.constant 2.000000e-01 : f32
      %mul3A_325 = vector.broadcast %mul3A_324 : f32 to vector<16xf32>
      %mul3A_326 = arith.mulf %mul3A_325, %add3A_323 : vector<16xf32>
      %max3A_327 = arith.maximumf %add3A_323, %mul3A_326 : vector<16xf32>
      %sub3A_328 = arith.subf %max3A_327, %max3A_148 : vector<16xf32>
      %exp3A_329 = math.exp %sub3A_328 : vector<16xf32>
      %mul3A_330 = arith.constant 96 : i32
      %mul3A_331 = arith.muli %add3A_214, %mul3A_330 : i32
      %add3A_332 = arith.addi %select_n3A_157, %mul3A_331 : i32
      %add3A_333 = arith.constant 48 : i32
      %add3A_334 = arith.addi %add3A_332, %add3A_333 : i32
      %add3A_335 = vector.broadcast %add3A_334 : i32 to vector<16xi32>
      %add3A_336 = arith.addi %add3A_335, %iota3A : vector<16xi32>
      %add3A_337 = arith.constant 48 : i32
      %add3A_338 = vector.broadcast %add3A_337 : i32 to vector<16xi32>
      %add3A_339 = arith.addi %add3A_338, %iota3A : vector<16xi32>
      %lt3A_340 = arith.constant 170000 : i32
      %lt3A_341 = vector.broadcast %lt3A_340 : i32 to vector<16xi32>
      %lt3A_342 = arith.cmpi slt, %add3A_336, %lt3A_341 : vector<16xi32>
      %jit3A_343 = arith.constant 0.000000e+00 : f32
      %broadcast_in_dim3A_344 = vector.broadcast %jit3A_343 : f32 to vector<16xf32>
      %select_n3A_345 = arith.select %lt3A_342, %exp3A_329, %broadcast_in_dim3A_344 : vector<16xi1>, vector<16xf32>
      tpu.vector_store_idx %arg11[%add3A_339], %select_n3A_345 : memref<96xf32, #tpu.memory_space<vmem>>[vector<16xi32>], vector<16xf32>,
      %add3A_346 = arith.constant 64 : i32
      %add3A_347 = vector.broadcast %add3A_346 : i32 to vector<16xi32>
      %add3A_348 = arith.addi %add3A_347, %iota3A : vector<16xi32>
      %gather3A_349 = tpu.vector_load_idx %arg8[%broadcast_in_dim3A_215, %add3A_348] : memref<76x96xi32, #tpu.memory_space<vmem>>[vector<16xi32>, vector<16xi32>], vector<16xi32>,
      %add3A_350 = arith.constant 64 : i32
      %add3A_351 = vector.broadcast %add3A_350 : i32 to vector<16xi32>
      %add3A_352 = arith.addi %add3A_351, %iota3A : vector<16xi32>
      %gather3A_353 = tpu.vector_load_idx %arg9[%broadcast_in_dim3A_215, %add3A_352] : memref<76x96xi32, #tpu.memory_space<vmem>>[vector<16xi32>, vector<16xi32>], vector<16xi32>,
      %gather3A_354 = tpu.vector_load_idx %arg10[%broadcast_in_dim3A_5, %gather3A_349] : memref<2x10000xf32, #tpu.memory_space<vmem>>[vector<16xi32>, vector<16xi32>], vector<16xf32>,
      %gather3A_355 = tpu.vector_load_idx %arg10[%broadcast_in_dim3A_7, %gather3A_353] : memref<2x10000xf32, #tpu.memory_space<vmem>>[vector<16xi32>, vector<16xi32>], vector<16xf32>,
      %add3A_356 = arith.addf %gather3A_354, %gather3A_355 : vector<16xf32>
      %mul3A_357 = arith.constant 2.000000e-01 : f32
      %mul3A_358 = vector.broadcast %mul3A_357 : f32 to vector<16xf32>
      %mul3A_359 = arith.mulf %mul3A_358, %add3A_356 : vector<16xf32>
      %max3A_360 = arith.maximumf %add3A_356, %mul3A_359 : vector<16xf32>
      %sub3A_361 = arith.subf %max3A_360, %max3A_148 : vector<16xf32>
      %exp3A_362 = math.exp %sub3A_361 : vector<16xf32>
      %mul3A_363 = arith.constant 96 : i32
      %mul3A_364 = arith.muli %add3A_214, %mul3A_363 : i32
      %add3A_365 = arith.addi %select_n3A_157, %mul3A_364 : i32
      %add3A_366 = arith.constant 64 : i32
      %add3A_367 = arith.addi %add3A_365, %add3A_366 : i32
      %add3A_368 = vector.broadcast %add3A_367 : i32 to vector<16xi32>
      %add3A_369 = arith.addi %add3A_368, %iota3A : vector<16xi32>
      %add3A_370 = arith.constant 64 : i32
      %add3A_371 = vector.broadcast %add3A_370 : i32 to vector<16xi32>
      %add3A_372 = arith.addi %add3A_371, %iota3A : vector<16xi32>
      %lt3A_373 = arith.constant 170000 : i32
      %lt3A_374 = vector.broadcast %lt3A_373 : i32 to vector<16xi32>
      %lt3A_375 = arith.cmpi slt, %add3A_369, %lt3A_374 : vector<16xi32>
      %jit3A_376 = arith.constant 0.000000e+00 : f32
      %broadcast_in_dim3A_377 = vector.broadcast %jit3A_376 : f32 to vector<16xf32>
      %select_n3A_378 = arith.select %lt3A_375, %exp3A_362, %broadcast_in_dim3A_377 : vector<16xi1>, vector<16xf32>
      tpu.vector_store_idx %arg11[%add3A_372], %select_n3A_378 : memref<96xf32, #tpu.memory_space<vmem>>[vector<16xi32>], vector<16xf32>,
      %add3A_379 = arith.constant 80 : i32
      %add3A_380 = vector.broadcast %add3A_379 : i32 to vector<16xi32>
      %add3A_381 = arith.addi %add3A_380, %iota3A : vector<16xi32>
      %gather3A_382 = tpu.vector_load_idx %arg8[%broadcast_in_dim3A_215, %add3A_381] : memref<76x96xi32, #tpu.memory_space<vmem>>[vector<16xi32>, vector<16xi32>], vector<16xi32>,
      %add3A_383 = arith.constant 80 : i32
      %add3A_384 = vector.broadcast %add3A_383 : i32 to vector<16xi32>
      %add3A_385 = arith.addi %add3A_384, %iota3A : vector<16xi32>
      %gather3A_386 = tpu.vector_load_idx %arg9[%broadcast_in_dim3A_215, %add3A_385] : memref<76x96xi32, #tpu.memory_space<vmem>>[vector<16xi32>, vector<16xi32>], vector<16xi32>,
      %gather3A_387 = tpu.vector_load_idx %arg10[%broadcast_in_dim3A_5, %gather3A_382] : memref<2x10000xf32, #tpu.memory_space<vmem>>[vector<16xi32>, vector<16xi32>], vector<16xf32>,
      %gather3A_388 = tpu.vector_load_idx %arg10[%broadcast_in_dim3A_7, %gather3A_386] : memref<2x10000xf32, #tpu.memory_space<vmem>>[vector<16xi32>, vector<16xi32>], vector<16xf32>,
      %add3A_389 = arith.addf %gather3A_387, %gather3A_388 : vector<16xf32>
      %mul3A_390 = arith.constant 2.000000e-01 : f32
      %mul3A_391 = vector.broadcast %mul3A_390 : f32 to vector<16xf32>
      %mul3A_392 = arith.mulf %mul3A_391, %add3A_389 : vector<16xf32>
      %max3A_393 = arith.maximumf %add3A_389, %mul3A_392 : vector<16xf32>
      %sub3A_394 = arith.subf %max3A_393, %max3A_148 : vector<16xf32>
      %exp3A_395 = math.exp %sub3A_394 : vector<16xf32>
      %mul3A_396 = arith.constant 96 : i32
      %mul3A_397 = arith.muli %add3A_214, %mul3A_396 : i32
      %add3A_398 = arith.addi %select_n3A_157, %mul3A_397 : i32
      %add3A_399 = arith.constant 80 : i32
      %add3A_400 = arith.addi %add3A_398, %add3A_399 : i32
      %add3A_401 = vector.broadcast %add3A_400 : i32 to vector<16xi32>
      %add3A_402 = arith.addi %add3A_401, %iota3A : vector<16xi32>
      %add3A_403 = arith.constant 80 : i32
      %add3A_404 = vector.broadcast %add3A_403 : i32 to vector<16xi32>
      %add3A_405 = arith.addi %add3A_404, %iota3A : vector<16xi32>
      %lt3A_406 = arith.constant 170000 : i32
      %lt3A_407 = vector.broadcast %lt3A_406 : i32 to vector<16xi32>
      %lt3A_408 = arith.cmpi slt, %add3A_402, %lt3A_407 : vector<16xi32>
      %jit3A_409 = arith.constant 0.000000e+00 : f32
      %broadcast_in_dim3A_410 = vector.broadcast %jit3A_409 : f32 to vector<16xf32>
      %select_n3A_411 = arith.select %lt3A_408, %exp3A_395, %broadcast_in_dim3A_410 : vector<16xi1>, vector<16xf32>
      tpu.vector_store_idx %arg11[%add3A_405], %select_n3A_411 : memref<96xf32, #tpu.memory_space<vmem>>[vector<16xi32>], vector<16xf32>,
      %ge3A = arith.constant 1 : i32
      %ge3A_412 = arith.cmpi sge, %add3A_214, %ge3A : i32
      %convert_element_type3A = arith.extui %ge3A_412 : i1 to i32
      %cond3A = arith.constant 0 : i32
      %cond3A_413 = arith.cmpi ne, %convert_element_type3A, %cond3A : i32
      scf.if %cond3A_413 {
        %sub3A_664 = arith.constant 1 : i32
        %sub3A_665 = arith.subi %add3A_214, %sub3A_664 : i32
        %dma_wait3A_666 = arith.constant 0 : i32
        %dma_wait3A_667 = tpu.memref_slice %arg9[%sub3A_665, %dma_wait3A_666] : memref<76x96xi32, #tpu.memory_space<vmem>> -> memref<1x96xi32, #tpu.memory_space<vmem>>
        %dma_wait3A_668 = tpu.memref_squeeze %dma_wait3A_667 : memref<1x96xi32, #tpu.memory_space<vmem>> -> memref<96xi32, #tpu.memory_space<vmem>>
        %dma_wait3A_669 = arith.constant 0 : i32
        %dma_wait3A_670 = arith.constant 0 : i32
        %dma_wait3A_671 = tpu.memref_slice %arg14[%dma_wait3A_669, %dma_wait3A_670] : memref<10112x80xf32, #tpu.memory_space<vmem_shared>> -> memref<10112x80xf32, #tpu.memory_space<vmem_shared>>
        tpu.wait_indirect_dma semaphore(%arg18 : memref<!tpu.dma_semaphore, #tpu.memory_space<semaphore_mem>>) src(%arg13 : memref<96x80xf32, #tpu.memory_space<vmem>>) dst(%dma_wait3A_671 : memref<10112x80xf32, #tpu.memory_space<vmem_shared>>)
      } else {
      }
      %add3A_414 = arith.constant 1 : i32
      %add3A_415 = arith.addi %add3A_214, %add3A_414 : i32
      %lt3A_416 = arith.cmpi slt, %add3A_415, %select_n3A_162 : i32
      %convert_element_type3A_417 = arith.extui %lt3A_416 : i1 to i32
      %cond3A_418 = arith.constant 0 : i32
      %cond3A_419 = arith.cmpi ne, %convert_element_type3A_417, %cond3A_418 : i32
      scf.if %cond3A_419 {
        %add3A_664 = arith.constant 1 : i32
        %add3A_665 = arith.addi %add3A_214, %add3A_664 : i32
        %dma_start3A_666 = arith.constant 0 : i32
        %dma_start3A_667 = tpu.memref_slice %arg8[%add3A_665, %dma_start3A_666] : memref<76x96xi32, #tpu.memory_space<vmem>> -> memref<1x96xi32, #tpu.memory_space<vmem>>
        %dma_start3A_668 = tpu.memref_squeeze %dma_start3A_667 : memref<1x96xi32, #tpu.memory_space<vmem>> -> memref<96xi32, #tpu.memory_space<vmem>>
        %dma_start3A_669 = arith.constant 0 : i32
        %dma_start3A_670 = arith.constant 0 : i32
        %dma_start3A_671 = tpu.memref_slice %arg2[%dma_start3A_669, %dma_start3A_670] : memref<10000x80xf32, #tpu.memory_space<hbm>> -> memref<10000x80xf32, #tpu.memory_space<hbm>>
        tpu.enqueue_indirect_dma source(%dma_start3A_671 : memref<10000x80xf32, #tpu.memory_space<hbm>>) target(%arg13 : memref<96x80xf32, #tpu.memory_space<vmem>>) offsets(%dma_start3A_668 : memref<96xi32, #tpu.memory_space<vmem>>) semaphore(%arg16 : memref<!tpu.dma_semaphore, #tpu.memory_space<semaphore_mem>>)
      } else {
      }
      %dma_wait3A_420 = arith.constant 0 : i32
      %dma_wait3A_421 = tpu.memref_slice %arg8[%add3A_214, %dma_wait3A_420] : memref<76x96xi32, #tpu.memory_space<vmem>> -> memref<1x96xi32, #tpu.memory_space<vmem>>
      %dma_wait3A_422 = tpu.memref_squeeze %dma_wait3A_421 : memref<1x96xi32, #tpu.memory_space<vmem>> -> memref<96xi32, #tpu.memory_space<vmem>>
      %dma_wait3A_423 = arith.constant 0 : i32
      %dma_wait3A_424 = arith.constant 0 : i32
      %dma_wait3A_425 = tpu.memref_slice %arg2[%dma_wait3A_423, %dma_wait3A_424] : memref<10000x80xf32, #tpu.memory_space<hbm>> -> memref<10000x80xf32, #tpu.memory_space<hbm>>
      tpu.wait_indirect_dma semaphore(%arg15 : memref<!tpu.dma_semaphore, #tpu.memory_space<semaphore_mem>>) src(%dma_wait3A_425 : memref<10000x80xf32, #tpu.memory_space<hbm>>) dst(%arg12 : memref<96x80xf32, #tpu.memory_space<vmem>>)
      %parallel_loop3A = arith.constant 0 : i32
      %parallel_loop3A_426 = arith.constant 96 : i32
      %parallel_loop3A_427 = arith.constant 1 : i32
      scf.for %parallel_loop3A_664 = %parallel_loop3A to %parallel_loop3A_426 step %parallel_loop3A_427  : i32 {
        %parallel_loop3A_665 = vector.broadcast %parallel_loop3A_664 : i32 to vector<16xi32>
        %parallel_loop3A_666 = tpu.vector_load_idx %arg11[%parallel_loop3A_665] : memref<96xf32, #tpu.memory_space<vmem>>[vector<16xi32>], vector<16xf32>,
        %parallel_loop3A_667 = arith.constant 0 : i32
        %parallel_loop3A_668 = vector.broadcast %parallel_loop3A_667 : i32 to vector<16xi32>
        %parallel_loop3A_669 = arith.addi %parallel_loop3A_668, %iota3A : vector<16xi32>
        %parallel_loop3A_670 = tpu.vector_load_idx %arg12[%parallel_loop3A_665, %parallel_loop3A_669] : memref<96x80xf32, #tpu.memory_space<vmem>>[vector<16xi32>, vector<16xi32>], vector<16xf32>,
        %parallel_loop3A_671 = arith.constant 0 : i32
        %parallel_loop3A_672 = vector.broadcast %parallel_loop3A_671 : i32 to vector<16xi32>
        %parallel_loop3A_673 = arith.addi %parallel_loop3A_672, %iota3A : vector<16xi32>
        %parallel_loop3A_674 = arith.mulf %parallel_loop3A_670, %parallel_loop3A_666 : vector<16xf32>
        tpu.vector_store_idx %arg12[%parallel_loop3A_665, %parallel_loop3A_673], %parallel_loop3A_674 : memref<96x80xf32, #tpu.memory_space<vmem>>[vector<16xi32>, vector<16xi32>], vector<16xf32>,
        %parallel_loop3A_675 = arith.constant 16 : i32
        %parallel_loop3A_676 = vector.broadcast %parallel_loop3A_675 : i32 to vector<16xi32>
        %parallel_loop3A_677 = arith.addi %parallel_loop3A_676, %iota3A : vector<16xi32>
        %parallel_loop3A_678 = tpu.vector_load_idx %arg12[%parallel_loop3A_665, %parallel_loop3A_677] : memref<96x80xf32, #tpu.memory_space<vmem>>[vector<16xi32>, vector<16xi32>], vector<16xf32>,
        %parallel_loop3A_679 = arith.constant 16 : i32
        %parallel_loop3A_680 = vector.broadcast %parallel_loop3A_679 : i32 to vector<16xi32>
        %parallel_loop3A_681 = arith.addi %parallel_loop3A_680, %iota3A : vector<16xi32>
        %parallel_loop3A_682 = arith.mulf %parallel_loop3A_678, %parallel_loop3A_666 : vector<16xf32>
        tpu.vector_store_idx %arg12[%parallel_loop3A_665, %parallel_loop3A_681], %parallel_loop3A_682 : memref<96x80xf32, #tpu.memory_space<vmem>>[vector<16xi32>, vector<16xi32>], vector<16xf32>,
        %parallel_loop3A_683 = arith.constant 32 : i32
        %parallel_loop3A_684 = vector.broadcast %parallel_loop3A_683 : i32 to vector<16xi32>
        %parallel_loop3A_685 = arith.addi %parallel_loop3A_684, %iota3A : vector<16xi32>
        %parallel_loop3A_686 = tpu.vector_load_idx %arg12[%parallel_loop3A_665, %parallel_loop3A_685] : memref<96x80xf32, #tpu.memory_space<vmem>>[vector<16xi32>, vector<16xi32>], vector<16xf32>,
        %parallel_loop3A_687 = arith.constant 32 : i32
        %parallel_loop3A_688 = vector.broadcast %parallel_loop3A_687 : i32 to vector<16xi32>
        %parallel_loop3A_689 = arith.addi %parallel_loop3A_688, %iota3A : vector<16xi32>
        %parallel_loop3A_690 = arith.mulf %parallel_loop3A_686, %parallel_loop3A_666 : vector<16xf32>
        tpu.vector_store_idx %arg12[%parallel_loop3A_665, %parallel_loop3A_689], %parallel_loop3A_690 : memref<96x80xf32, #tpu.memory_space<vmem>>[vector<16xi32>, vector<16xi32>], vector<16xf32>,
        %parallel_loop3A_691 = arith.constant 48 : i32
        %parallel_loop3A_692 = vector.broadcast %parallel_loop3A_691 : i32 to vector<16xi32>
        %parallel_loop3A_693 = arith.addi %parallel_loop3A_692, %iota3A : vector<16xi32>
        %parallel_loop3A_694 = tpu.vector_load_idx %arg12[%parallel_loop3A_665, %parallel_loop3A_693] : memref<96x80xf32, #tpu.memory_space<vmem>>[vector<16xi32>, vector<16xi32>], vector<16xf32>,
        %parallel_loop3A_695 = arith.constant 48 : i32
        %parallel_loop3A_696 = vector.broadcast %parallel_loop3A_695 : i32 to vector<16xi32>
        %parallel_loop3A_697 = arith.addi %parallel_loop3A_696, %iota3A : vector<16xi32>
        %parallel_loop3A_698 = arith.mulf %parallel_loop3A_694, %parallel_loop3A_666 : vector<16xf32>
        tpu.vector_store_idx %arg12[%parallel_loop3A_665, %parallel_loop3A_697], %parallel_loop3A_698 : memref<96x80xf32, #tpu.memory_space<vmem>>[vector<16xi32>, vector<16xi32>], vector<16xf32>,
        %parallel_loop3A_699 = arith.constant 64 : i32
        %parallel_loop3A_700 = vector.broadcast %parallel_loop3A_699 : i32 to vector<16xi32>
        %parallel_loop3A_701 = arith.addi %parallel_loop3A_700, %iota3A : vector<16xi32>
        %parallel_loop3A_702 = tpu.vector_load_idx %arg12[%parallel_loop3A_665, %parallel_loop3A_701] : memref<96x80xf32, #tpu.memory_space<vmem>>[vector<16xi32>, vector<16xi32>], vector<16xf32>,
        %parallel_loop3A_703 = arith.constant 64 : i32
        %parallel_loop3A_704 = vector.broadcast %parallel_loop3A_703 : i32 to vector<16xi32>
        %parallel_loop3A_705 = arith.addi %parallel_loop3A_704, %iota3A : vector<16xi32>
        %parallel_loop3A_706 = arith.mulf %parallel_loop3A_702, %parallel_loop3A_666 : vector<16xf32>
        tpu.vector_store_idx %arg12[%parallel_loop3A_665, %parallel_loop3A_705], %parallel_loop3A_706 : memref<96x80xf32, #tpu.memory_space<vmem>>[vector<16xi32>, vector<16xi32>], vector<16xf32>,
      } {sc.loop_unroll_factor = 4 : i64, sc.parallel_access}
      %dma_start3A_428 = arith.constant 0 : i32
      %dma_start3A_429 = tpu.memref_slice %arg9[%add3A_214, %dma_start3A_428] : memref<76x96xi32, #tpu.memory_space<vmem>> -> memref<1x96xi32, #tpu.memory_space<vmem>>
      %dma_start3A_430 = tpu.memref_squeeze %dma_start3A_429 : memref<1x96xi32, #tpu.memory_space<vmem>> -> memref<96xi32, #tpu.memory_space<vmem>>
      %dma_start3A_431 = arith.constant 0 : i32
      %dma_start3A_432 = arith.constant 0 : i32
      %dma_start3A_433 = tpu.memref_slice %arg14[%dma_start3A_431, %dma_start3A_432] : memref<10112x80xf32, #tpu.memory_space<vmem_shared>> -> memref<10112x80xf32, #tpu.memory_space<vmem_shared>>
      tpu.enqueue_indirect_dma source(%arg12 : memref<96x80xf32, #tpu.memory_space<vmem>>) target(%dma_start3A_433 : memref<10112x80xf32, #tpu.memory_space<vmem_shared>>) offsets(%dma_start3A_430 : memref<96xi32, #tpu.memory_space<vmem>>) semaphore(%arg17 : memref<!tpu.dma_semaphore, #tpu.memory_space<semaphore_mem>>) {add = true}
      %mul3A_434 = arith.constant 2 : i32
      %mul3A_435 = arith.muli %mul3A_434, %while3A_209 : i32
      %add3A_436 = arith.constant 1 : i32
      %add3A_437 = arith.addi %mul3A_435, %add3A_436 : i32
      %broadcast_in_dim3A_438 = vector.broadcast %add3A_437 : i32 to vector<16xi32>
      %add3A_439 = arith.constant 0 : i32
      %add3A_440 = vector.broadcast %add3A_439 : i32 to vector<16xi32>
      %add3A_441 = arith.addi %add3A_440, %iota3A : vector<16xi32>
      %gather3A_442 = tpu.vector_load_idx %arg8[%broadcast_in_dim3A_438, %add3A_441] : memref<76x96xi32, #tpu.memory_space<vmem>>[vector<16xi32>, vector<16xi32>], vector<16xi32>,
      %add3A_443 = arith.constant 0 : i32
      %add3A_444 = vector.broadcast %add3A_443 : i32 to vector<16xi32>
      %add3A_445 = arith.addi %add3A_444, %iota3A : vector<16xi32>
      %gather3A_446 = tpu.vector_load_idx %arg9[%broadcast_in_dim3A_438, %add3A_445] : memref<76x96xi32, #tpu.memory_space<vmem>>[vector<16xi32>, vector<16xi32>], vector<16xi32>,
      %gather3A_447 = tpu.vector_load_idx %arg10[%broadcast_in_dim3A_5, %gather3A_442] : memref<2x10000xf32, #tpu.memory_space<vmem>>[vector<16xi32>, vector<16xi32>], vector<16xf32>,
      %gather3A_448 = tpu.vector_load_idx %arg10[%broadcast_in_dim3A_7, %gather3A_446] : memref<2x10000xf32, #tpu.memory_space<vmem>>[vector<16xi32>, vector<16xi32>], vector<16xf32>,
      %add3A_449 = arith.addf %gather3A_447, %gather3A_448 : vector<16xf32>
      %mul3A_450 = arith.constant 2.000000e-01 : f32
      %mul3A_451 = vector.broadcast %mul3A_450 : f32 to vector<16xf32>
      %mul3A_452 = arith.mulf %mul3A_451, %add3A_449 : vector<16xf32>
      %max3A_453 = arith.maximumf %add3A_449, %mul3A_452 : vector<16xf32>
      %sub3A_454 = arith.subf %max3A_453, %max3A_148 : vector<16xf32>
      %exp3A_455 = math.exp %sub3A_454 : vector<16xf32>
      %mul3A_456 = arith.constant 96 : i32
      %mul3A_457 = arith.muli %add3A_437, %mul3A_456 : i32
      %add3A_458 = arith.addi %select_n3A_157, %mul3A_457 : i32
      %add3A_459 = arith.constant 0 : i32
      %add3A_460 = arith.addi %add3A_458, %add3A_459 : i32
      %add3A_461 = vector.broadcast %add3A_460 : i32 to vector<16xi32>
      %add3A_462 = arith.addi %add3A_461, %iota3A : vector<16xi32>
      %add3A_463 = arith.constant 0 : i32
      %add3A_464 = vector.broadcast %add3A_463 : i32 to vector<16xi32>
      %add3A_465 = arith.addi %add3A_464, %iota3A : vector<16xi32>
      %lt3A_466 = arith.constant 170000 : i32
      %lt3A_467 = vector.broadcast %lt3A_466 : i32 to vector<16xi32>
      %lt3A_468 = arith.cmpi slt, %add3A_462, %lt3A_467 : vector<16xi32>
      %jit3A_469 = arith.constant 0.000000e+00 : f32
      %broadcast_in_dim3A_470 = vector.broadcast %jit3A_469 : f32 to vector<16xf32>
      %select_n3A_471 = arith.select %lt3A_468, %exp3A_455, %broadcast_in_dim3A_470 : vector<16xi1>, vector<16xf32>
      tpu.vector_store_idx %arg11[%add3A_465], %select_n3A_471 : memref<96xf32, #tpu.memory_space<vmem>>[vector<16xi32>], vector<16xf32>,
      %add3A_472 = arith.constant 16 : i32
      %add3A_473 = vector.broadcast %add3A_472 : i32 to vector<16xi32>
      %add3A_474 = arith.addi %add3A_473, %iota3A : vector<16xi32>
      %gather3A_475 = tpu.vector_load_idx %arg8[%broadcast_in_dim3A_438, %add3A_474] : memref<76x96xi32, #tpu.memory_space<vmem>>[vector<16xi32>, vector<16xi32>], vector<16xi32>,
      %add3A_476 = arith.constant 16 : i32
      %add3A_477 = vector.broadcast %add3A_476 : i32 to vector<16xi32>
      %add3A_478 = arith.addi %add3A_477, %iota3A : vector<16xi32>
      %gather3A_479 = tpu.vector_load_idx %arg9[%broadcast_in_dim3A_438, %add3A_478] : memref<76x96xi32, #tpu.memory_space<vmem>>[vector<16xi32>, vector<16xi32>], vector<16xi32>,
      %gather3A_480 = tpu.vector_load_idx %arg10[%broadcast_in_dim3A_5, %gather3A_475] : memref<2x10000xf32, #tpu.memory_space<vmem>>[vector<16xi32>, vector<16xi32>], vector<16xf32>,
      %gather3A_481 = tpu.vector_load_idx %arg10[%broadcast_in_dim3A_7, %gather3A_479] : memref<2x10000xf32, #tpu.memory_space<vmem>>[vector<16xi32>, vector<16xi32>], vector<16xf32>,
      %add3A_482 = arith.addf %gather3A_480, %gather3A_481 : vector<16xf32>
      %mul3A_483 = arith.constant 2.000000e-01 : f32
      %mul3A_484 = vector.broadcast %mul3A_483 : f32 to vector<16xf32>
      %mul3A_485 = arith.mulf %mul3A_484, %add3A_482 : vector<16xf32>
      %max3A_486 = arith.maximumf %add3A_482, %mul3A_485 : vector<16xf32>
      %sub3A_487 = arith.subf %max3A_486, %max3A_148 : vector<16xf32>
      %exp3A_488 = math.exp %sub3A_487 : vector<16xf32>
      %mul3A_489 = arith.constant 96 : i32
      %mul3A_490 = arith.muli %add3A_437, %mul3A_489 : i32
      %add3A_491 = arith.addi %select_n3A_157, %mul3A_490 : i32
      %add3A_492 = arith.constant 16 : i32
      %add3A_493 = arith.addi %add3A_491, %add3A_492 : i32
      %add3A_494 = vector.broadcast %add3A_493 : i32 to vector<16xi32>
      %add3A_495 = arith.addi %add3A_494, %iota3A : vector<16xi32>
      %add3A_496 = arith.constant 16 : i32
      %add3A_497 = vector.broadcast %add3A_496 : i32 to vector<16xi32>
      %add3A_498 = arith.addi %add3A_497, %iota3A : vector<16xi32>
      %lt3A_499 = arith.constant 170000 : i32
      %lt3A_500 = vector.broadcast %lt3A_499 : i32 to vector<16xi32>
      %lt3A_501 = arith.cmpi slt, %add3A_495, %lt3A_500 : vector<16xi32>
      %jit3A_502 = arith.constant 0.000000e+00 : f32
      %broadcast_in_dim3A_503 = vector.broadcast %jit3A_502 : f32 to vector<16xf32>
      %select_n3A_504 = arith.select %lt3A_501, %exp3A_488, %broadcast_in_dim3A_503 : vector<16xi1>, vector<16xf32>
      tpu.vector_store_idx %arg11[%add3A_498], %select_n3A_504 : memref<96xf32, #tpu.memory_space<vmem>>[vector<16xi32>], vector<16xf32>,
      %add3A_505 = arith.constant 32 : i32
      %add3A_506 = vector.broadcast %add3A_505 : i32 to vector<16xi32>
      %add3A_507 = arith.addi %add3A_506, %iota3A : vector<16xi32>
      %gather3A_508 = tpu.vector_load_idx %arg8[%broadcast_in_dim3A_438, %add3A_507] : memref<76x96xi32, #tpu.memory_space<vmem>>[vector<16xi32>, vector<16xi32>], vector<16xi32>,
      %add3A_509 = arith.constant 32 : i32
      %add3A_510 = vector.broadcast %add3A_509 : i32 to vector<16xi32>
      %add3A_511 = arith.addi %add3A_510, %iota3A : vector<16xi32>
      %gather3A_512 = tpu.vector_load_idx %arg9[%broadcast_in_dim3A_438, %add3A_511] : memref<76x96xi32, #tpu.memory_space<vmem>>[vector<16xi32>, vector<16xi32>], vector<16xi32>,
      %gather3A_513 = tpu.vector_load_idx %arg10[%broadcast_in_dim3A_5, %gather3A_508] : memref<2x10000xf32, #tpu.memory_space<vmem>>[vector<16xi32>, vector<16xi32>], vector<16xf32>,
      %gather3A_514 = tpu.vector_load_idx %arg10[%broadcast_in_dim3A_7, %gather3A_512] : memref<2x10000xf32, #tpu.memory_space<vmem>>[vector<16xi32>, vector<16xi32>], vector<16xf32>,
      %add3A_515 = arith.addf %gather3A_513, %gather3A_514 : vector<16xf32>
      %mul3A_516 = arith.constant 2.000000e-01 : f32
      %mul3A_517 = vector.broadcast %mul3A_516 : f32 to vector<16xf32>
      %mul3A_518 = arith.mulf %mul3A_517, %add3A_515 : vector<16xf32>
      %max3A_519 = arith.maximumf %add3A_515, %mul3A_518 : vector<16xf32>
      %sub3A_520 = arith.subf %max3A_519, %max3A_148 : vector<16xf32>
      %exp3A_521 = math.exp %sub3A_520 : vector<16xf32>
      %mul3A_522 = arith.constant 96 : i32
      %mul3A_523 = arith.muli %add3A_437, %mul3A_522 : i32
      %add3A_524 = arith.addi %select_n3A_157, %mul3A_523 : i32
      %add3A_525 = arith.constant 32 : i32
      %add3A_526 = arith.addi %add3A_524, %add3A_525 : i32
      %add3A_527 = vector.broadcast %add3A_526 : i32 to vector<16xi32>
      %add3A_528 = arith.addi %add3A_527, %iota3A : vector<16xi32>
      %add3A_529 = arith.constant 32 : i32
      %add3A_530 = vector.broadcast %add3A_529 : i32 to vector<16xi32>
      %add3A_531 = arith.addi %add3A_530, %iota3A : vector<16xi32>
      %lt3A_532 = arith.constant 170000 : i32
      %lt3A_533 = vector.broadcast %lt3A_532 : i32 to vector<16xi32>
      %lt3A_534 = arith.cmpi slt, %add3A_528, %lt3A_533 : vector<16xi32>
      %jit3A_535 = arith.constant 0.000000e+00 : f32
      %broadcast_in_dim3A_536 = vector.broadcast %jit3A_535 : f32 to vector<16xf32>
      %select_n3A_537 = arith.select %lt3A_534, %exp3A_521, %broadcast_in_dim3A_536 : vector<16xi1>, vector<16xf32>
      tpu.vector_store_idx %arg11[%add3A_531], %select_n3A_537 : memref<96xf32, #tpu.memory_space<vmem>>[vector<16xi32>], vector<16xf32>,
      %add3A_538 = arith.constant 48 : i32
      %add3A_539 = vector.broadcast %add3A_538 : i32 to vector<16xi32>
      %add3A_540 = arith.addi %add3A_539, %iota3A : vector<16xi32>
      %gather3A_541 = tpu.vector_load_idx %arg8[%broadcast_in_dim3A_438, %add3A_540] : memref<76x96xi32, #tpu.memory_space<vmem>>[vector<16xi32>, vector<16xi32>], vector<16xi32>,
      %add3A_542 = arith.constant 48 : i32
      %add3A_543 = vector.broadcast %add3A_542 : i32 to vector<16xi32>
      %add3A_544 = arith.addi %add3A_543, %iota3A : vector<16xi32>
      %gather3A_545 = tpu.vector_load_idx %arg9[%broadcast_in_dim3A_438, %add3A_544] : memref<76x96xi32, #tpu.memory_space<vmem>>[vector<16xi32>, vector<16xi32>], vector<16xi32>,
      %gather3A_546 = tpu.vector_load_idx %arg10[%broadcast_in_dim3A_5, %gather3A_541] : memref<2x10000xf32, #tpu.memory_space<vmem>>[vector<16xi32>, vector<16xi32>], vector<16xf32>,
      %gather3A_547 = tpu.vector_load_idx %arg10[%broadcast_in_dim3A_7, %gather3A_545] : memref<2x10000xf32, #tpu.memory_space<vmem>>[vector<16xi32>, vector<16xi32>], vector<16xf32>,
      %add3A_548 = arith.addf %gather3A_546, %gather3A_547 : vector<16xf32>
      %mul3A_549 = arith.constant 2.000000e-01 : f32
      %mul3A_550 = vector.broadcast %mul3A_549 : f32 to vector<16xf32>
      %mul3A_551 = arith.mulf %mul3A_550, %add3A_548 : vector<16xf32>
      %max3A_552 = arith.maximumf %add3A_548, %mul3A_551 : vector<16xf32>
      %sub3A_553 = arith.subf %max3A_552, %max3A_148 : vector<16xf32>
      %exp3A_554 = math.exp %sub3A_553 : vector<16xf32>
      %mul3A_555 = arith.constant 96 : i32
      %mul3A_556 = arith.muli %add3A_437, %mul3A_555 : i32
      %add3A_557 = arith.addi %select_n3A_157, %mul3A_556 : i32
      %add3A_558 = arith.constant 48 : i32
      %add3A_559 = arith.addi %add3A_557, %add3A_558 : i32
      %add3A_560 = vector.broadcast %add3A_559 : i32 to vector<16xi32>
      %add3A_561 = arith.addi %add3A_560, %iota3A : vector<16xi32>
      %add3A_562 = arith.constant 48 : i32
      %add3A_563 = vector.broadcast %add3A_562 : i32 to vector<16xi32>
      %add3A_564 = arith.addi %add3A_563, %iota3A : vector<16xi32>
      %lt3A_565 = arith.constant 170000 : i32
      %lt3A_566 = vector.broadcast %lt3A_565 : i32 to vector<16xi32>
      %lt3A_567 = arith.cmpi slt, %add3A_561, %lt3A_566 : vector<16xi32>
      %jit3A_568 = arith.constant 0.000000e+00 : f32
      %broadcast_in_dim3A_569 = vector.broadcast %jit3A_568 : f32 to vector<16xf32>
      %select_n3A_570 = arith.select %lt3A_567, %exp3A_554, %broadcast_in_dim3A_569 : vector<16xi1>, vector<16xf32>
      tpu.vector_store_idx %arg11[%add3A_564], %select_n3A_570 : memref<96xf32, #tpu.memory_space<vmem>>[vector<16xi32>], vector<16xf32>,
      %add3A_571 = arith.constant 64 : i32
      %add3A_572 = vector.broadcast %add3A_571 : i32 to vector<16xi32>
      %add3A_573 = arith.addi %add3A_572, %iota3A : vector<16xi32>
      %gather3A_574 = tpu.vector_load_idx %arg8[%broadcast_in_dim3A_438, %add3A_573] : memref<76x96xi32, #tpu.memory_space<vmem>>[vector<16xi32>, vector<16xi32>], vector<16xi32>,
      %add3A_575 = arith.constant 64 : i32
      %add3A_576 = vector.broadcast %add3A_575 : i32 to vector<16xi32>
      %add3A_577 = arith.addi %add3A_576, %iota3A : vector<16xi32>
      %gather3A_578 = tpu.vector_load_idx %arg9[%broadcast_in_dim3A_438, %add3A_577] : memref<76x96xi32, #tpu.memory_space<vmem>>[vector<16xi32>, vector<16xi32>], vector<16xi32>,
      %gather3A_579 = tpu.vector_load_idx %arg10[%broadcast_in_dim3A_5, %gather3A_574] : memref<2x10000xf32, #tpu.memory_space<vmem>>[vector<16xi32>, vector<16xi32>], vector<16xf32>,
      %gather3A_580 = tpu.vector_load_idx %arg10[%broadcast_in_dim3A_7, %gather3A_578] : memref<2x10000xf32, #tpu.memory_space<vmem>>[vector<16xi32>, vector<16xi32>], vector<16xf32>,
      %add3A_581 = arith.addf %gather3A_579, %gather3A_580 : vector<16xf32>
      %mul3A_582 = arith.constant 2.000000e-01 : f32
      %mul3A_583 = vector.broadcast %mul3A_582 : f32 to vector<16xf32>
      %mul3A_584 = arith.mulf %mul3A_583, %add3A_581 : vector<16xf32>
      %max3A_585 = arith.maximumf %add3A_581, %mul3A_584 : vector<16xf32>
      %sub3A_586 = arith.subf %max3A_585, %max3A_148 : vector<16xf32>
      %exp3A_587 = math.exp %sub3A_586 : vector<16xf32>
      %mul3A_588 = arith.constant 96 : i32
      %mul3A_589 = arith.muli %add3A_437, %mul3A_588 : i32
      %add3A_590 = arith.addi %select_n3A_157, %mul3A_589 : i32
      %add3A_591 = arith.constant 64 : i32
      %add3A_592 = arith.addi %add3A_590, %add3A_591 : i32
      %add3A_593 = vector.broadcast %add3A_592 : i32 to vector<16xi32>
      %add3A_594 = arith.addi %add3A_593, %iota3A : vector<16xi32>
      %add3A_595 = arith.constant 64 : i32
      %add3A_596 = vector.broadcast %add3A_595 : i32 to vector<16xi32>
      %add3A_597 = arith.addi %add3A_596, %iota3A : vector<16xi32>
      %lt3A_598 = arith.constant 170000 : i32
      %lt3A_599 = vector.broadcast %lt3A_598 : i32 to vector<16xi32>
      %lt3A_600 = arith.cmpi slt, %add3A_594, %lt3A_599 : vector<16xi32>
      %jit3A_601 = arith.constant 0.000000e+00 : f32
      %broadcast_in_dim3A_602 = vector.broadcast %jit3A_601 : f32 to vector<16xf32>
      %select_n3A_603 = arith.select %lt3A_600, %exp3A_587, %broadcast_in_dim3A_602 : vector<16xi1>, vector<16xf32>
      tpu.vector_store_idx %arg11[%add3A_597], %select_n3A_603 : memref<96xf32, #tpu.memory_space<vmem>>[vector<16xi32>], vector<16xf32>,
      %add3A_604 = arith.constant 80 : i32
      %add3A_605 = vector.broadcast %add3A_604 : i32 to vector<16xi32>
      %add3A_606 = arith.addi %add3A_605, %iota3A : vector<16xi32>
      %gather3A_607 = tpu.vector_load_idx %arg8[%broadcast_in_dim3A_438, %add3A_606] : memref<76x96xi32, #tpu.memory_space<vmem>>[vector<16xi32>, vector<16xi32>], vector<16xi32>,
      %add3A_608 = arith.constant 80 : i32
      %add3A_609 = vector.broadcast %add3A_608 : i32 to vector<16xi32>
      %add3A_610 = arith.addi %add3A_609, %iota3A : vector<16xi32>
      %gather3A_611 = tpu.vector_load_idx %arg9[%broadcast_in_dim3A_438, %add3A_610] : memref<76x96xi32, #tpu.memory_space<vmem>>[vector<16xi32>, vector<16xi32>], vector<16xi32>,
      %gather3A_612 = tpu.vector_load_idx %arg10[%broadcast_in_dim3A_5, %gather3A_607] : memref<2x10000xf32, #tpu.memory_space<vmem>>[vector<16xi32>, vector<16xi32>], vector<16xf32>,
      %gather3A_613 = tpu.vector_load_idx %arg10[%broadcast_in_dim3A_7, %gather3A_611] : memref<2x10000xf32, #tpu.memory_space<vmem>>[vector<16xi32>, vector<16xi32>], vector<16xf32>,
      %add3A_614 = arith.addf %gather3A_612, %gather3A_613 : vector<16xf32>
      %mul3A_615 = arith.constant 2.000000e-01 : f32
      %mul3A_616 = vector.broadcast %mul3A_615 : f32 to vector<16xf32>
      %mul3A_617 = arith.mulf %mul3A_616, %add3A_614 : vector<16xf32>
      %max3A_618 = arith.maximumf %add3A_614, %mul3A_617 : vector<16xf32>
      %sub3A_619 = arith.subf %max3A_618, %max3A_148 : vector<16xf32>
      %exp3A_620 = math.exp %sub3A_619 : vector<16xf32>
      %mul3A_621 = arith.constant 96 : i32
      %mul3A_622 = arith.muli %add3A_437, %mul3A_621 : i32
      %add3A_623 = arith.addi %select_n3A_157, %mul3A_622 : i32
      %add3A_624 = arith.constant 80 : i32
      %add3A_625 = arith.addi %add3A_623, %add3A_624 : i32
      %add3A_626 = vector.broadcast %add3A_625 : i32 to vector<16xi32>
      %add3A_627 = arith.addi %add3A_626, %iota3A : vector<16xi32>
      %add3A_628 = arith.constant 80 : i32
      %add3A_629 = vector.broadcast %add3A_628 : i32 to vector<16xi32>
      %add3A_630 = arith.addi %add3A_629, %iota3A : vector<16xi32>
      %lt3A_631 = arith.constant 170000 : i32
      %lt3A_632 = vector.broadcast %lt3A_631 : i32 to vector<16xi32>
      %lt3A_633 = arith.cmpi slt, %add3A_627, %lt3A_632 : vector<16xi32>
      %jit3A_634 = arith.constant 0.000000e+00 : f32
      %broadcast_in_dim3A_635 = vector.broadcast %jit3A_634 : f32 to vector<16xf32>
      %select_n3A_636 = arith.select %lt3A_633, %exp3A_620, %broadcast_in_dim3A_635 : vector<16xi1>, vector<16xf32>
      tpu.vector_store_idx %arg11[%add3A_630], %select_n3A_636 : memref<96xf32, #tpu.memory_space<vmem>>[vector<16xi32>], vector<16xf32>,
      %ge3A_637 = arith.constant 1 : i32
      %ge3A_638 = arith.cmpi sge, %add3A_437, %ge3A_637 : i32
      %convert_element_type3A_639 = arith.extui %ge3A_638 : i1 to i32
      %cond3A_640 = arith.constant 0 : i32
      %cond3A_641 = arith.cmpi ne, %convert_element_type3A_639, %cond3A_640 : i32
      scf.if %cond3A_641 {
        %sub3A_664 = arith.constant 1 : i32
        %sub3A_665 = arith.subi %add3A_437, %sub3A_664 : i32
        %dma_wait3A_666 = arith.constant 0 : i32
        %dma_wait3A_667 = tpu.memref_slice %arg9[%sub3A_665, %dma_wait3A_666] : memref<76x96xi32, #tpu.memory_space<vmem>> -> memref<1x96xi32, #tpu.memory_space<vmem>>
        %dma_wait3A_668 = tpu.memref_squeeze %dma_wait3A_667 : memref<1x96xi32, #tpu.memory_space<vmem>> -> memref<96xi32, #tpu.memory_space<vmem>>
        %dma_wait3A_669 = arith.constant 0 : i32
        %dma_wait3A_670 = arith.constant 0 : i32
        %dma_wait3A_671 = tpu.memref_slice %arg14[%dma_wait3A_669, %dma_wait3A_670] : memref<10112x80xf32, #tpu.memory_space<vmem_shared>> -> memref<10112x80xf32, #tpu.memory_space<vmem_shared>>
        tpu.wait_indirect_dma semaphore(%arg17 : memref<!tpu.dma_semaphore, #tpu.memory_space<semaphore_mem>>) src(%arg12 : memref<96x80xf32, #tpu.memory_space<vmem>>) dst(%dma_wait3A_671 : memref<10112x80xf32, #tpu.memory_space<vmem_shared>>)
      } else {
      }
      %add3A_642 = arith.constant 1 : i32
      %add3A_643 = arith.addi %add3A_437, %add3A_642 : i32
      %lt3A_644 = arith.cmpi slt, %add3A_643, %select_n3A_162 : i32
      %convert_element_type3A_645 = arith.extui %lt3A_644 : i1 to i32
      %cond3A_646 = arith.constant 0 : i32
      %cond3A_647 = arith.cmpi ne, %convert_element_type3A_645, %cond3A_646 : i32
      scf.if %cond3A_647 {
        %add3A_664 = arith.constant 1 : i32
        %add3A_665 = arith.addi %add3A_437, %add3A_664 : i32
        %dma_start3A_666 = arith.constant 0 : i32
        %dma_start3A_667 = tpu.memref_slice %arg8[%add3A_665, %dma_start3A_666] : memref<76x96xi32, #tpu.memory_space<vmem>> -> memref<1x96xi32, #tpu.memory_space<vmem>>
        %dma_start3A_668 = tpu.memref_squeeze %dma_start3A_667 : memref<1x96xi32, #tpu.memory_space<vmem>> -> memref<96xi32, #tpu.memory_space<vmem>>
        %dma_start3A_669 = arith.constant 0 : i32
        %dma_start3A_670 = arith.constant 0 : i32
        %dma_start3A_671 = tpu.memref_slice %arg2[%dma_start3A_669, %dma_start3A_670] : memref<10000x80xf32, #tpu.memory_space<hbm>> -> memref<10000x80xf32, #tpu.memory_space<hbm>>
        tpu.enqueue_indirect_dma source(%dma_start3A_671 : memref<10000x80xf32, #tpu.memory_space<hbm>>) target(%arg12 : memref<96x80xf32, #tpu.memory_space<vmem>>) offsets(%dma_start3A_668 : memref<96xi32, #tpu.memory_space<vmem>>) semaphore(%arg15 : memref<!tpu.dma_semaphore, #tpu.memory_space<semaphore_mem>>)
      } else {
      }
      %dma_wait3A_648 = arith.constant 0 : i32
      %dma_wait3A_649 = tpu.memref_slice %arg8[%add3A_437, %dma_wait3A_648] : memref<76x96xi32, #tpu.memory_space<vmem>> -> memref<1x96xi32, #tpu.memory_space<vmem>>
      %dma_wait3A_650 = tpu.memref_squeeze %dma_wait3A_649 : memref<1x96xi32, #tpu.memory_space<vmem>> -> memref<96xi32, #tpu.memory_space<vmem>>
      %dma_wait3A_651 = arith.constant 0 : i32
      %dma_wait3A_652 = arith.constant 0 : i32
      %dma_wait3A_653 = tpu.memref_slice %arg2[%dma_wait3A_651, %dma_wait3A_652] : memref<10000x80xf32, #tpu.memory_space<hbm>> -> memref<10000x80xf32, #tpu.memory_space<hbm>>
      tpu.wait_indirect_dma semaphore(%arg16 : memref<!tpu.dma_semaphore, #tpu.memory_space<semaphore_mem>>) src(%dma_wait3A_653 : memref<10000x80xf32, #tpu.memory_space<hbm>>) dst(%arg13 : memref<96x80xf32, #tpu.memory_space<vmem>>)
      %parallel_loop3A_654 = arith.constant 0 : i32
      %parallel_loop3A_655 = arith.constant 96 : i32
      %parallel_loop3A_656 = arith.constant 1 : i32
      scf.for %parallel_loop3A_664 = %parallel_loop3A_654 to %parallel_loop3A_655 step %parallel_loop3A_656  : i32 {
        %parallel_loop3A_665 = vector.broadcast %parallel_loop3A_664 : i32 to vector<16xi32>
        %parallel_loop3A_666 = tpu.vector_load_idx %arg11[%parallel_loop3A_665] : memref<96xf32, #tpu.memory_space<vmem>>[vector<16xi32>], vector<16xf32>,
        %parallel_loop3A_667 = arith.constant 0 : i32
        %parallel_loop3A_668 = vector.broadcast %parallel_loop3A_667 : i32 to vector<16xi32>
        %parallel_loop3A_669 = arith.addi %parallel_loop3A_668, %iota3A : vector<16xi32>
        %parallel_loop3A_670 = tpu.vector_load_idx %arg13[%parallel_loop3A_665, %parallel_loop3A_669] : memref<96x80xf32, #tpu.memory_space<vmem>>[vector<16xi32>, vector<16xi32>], vector<16xf32>,
        %parallel_loop3A_671 = arith.constant 0 : i32
        %parallel_loop3A_672 = vector.broadcast %parallel_loop3A_671 : i32 to vector<16xi32>
        %parallel_loop3A_673 = arith.addi %parallel_loop3A_672, %iota3A : vector<16xi32>
        %parallel_loop3A_674 = arith.mulf %parallel_loop3A_670, %parallel_loop3A_666 : vector<16xf32>
        tpu.vector_store_idx %arg13[%parallel_loop3A_665, %parallel_loop3A_673], %parallel_loop3A_674 : memref<96x80xf32, #tpu.memory_space<vmem>>[vector<16xi32>, vector<16xi32>], vector<16xf32>,
        %parallel_loop3A_675 = arith.constant 16 : i32
        %parallel_loop3A_676 = vector.broadcast %parallel_loop3A_675 : i32 to vector<16xi32>
        %parallel_loop3A_677 = arith.addi %parallel_loop3A_676, %iota3A : vector<16xi32>
        %parallel_loop3A_678 = tpu.vector_load_idx %arg13[%parallel_loop3A_665, %parallel_loop3A_677] : memref<96x80xf32, #tpu.memory_space<vmem>>[vector<16xi32>, vector<16xi32>], vector<16xf32>,
        %parallel_loop3A_679 = arith.constant 16 : i32
        %parallel_loop3A_680 = vector.broadcast %parallel_loop3A_679 : i32 to vector<16xi32>
        %parallel_loop3A_681 = arith.addi %parallel_loop3A_680, %iota3A : vector<16xi32>
        %parallel_loop3A_682 = arith.mulf %parallel_loop3A_678, %parallel_loop3A_666 : vector<16xf32>
        tpu.vector_store_idx %arg13[%parallel_loop3A_665, %parallel_loop3A_681], %parallel_loop3A_682 : memref<96x80xf32, #tpu.memory_space<vmem>>[vector<16xi32>, vector<16xi32>], vector<16xf32>,
        %parallel_loop3A_683 = arith.constant 32 : i32
        %parallel_loop3A_684 = vector.broadcast %parallel_loop3A_683 : i32 to vector<16xi32>
        %parallel_loop3A_685 = arith.addi %parallel_loop3A_684, %iota3A : vector<16xi32>
        %parallel_loop3A_686 = tpu.vector_load_idx %arg13[%parallel_loop3A_665, %parallel_loop3A_685] : memref<96x80xf32, #tpu.memory_space<vmem>>[vector<16xi32>, vector<16xi32>], vector<16xf32>,
        %parallel_loop3A_687 = arith.constant 32 : i32
        %parallel_loop3A_688 = vector.broadcast %parallel_loop3A_687 : i32 to vector<16xi32>
        %parallel_loop3A_689 = arith.addi %parallel_loop3A_688, %iota3A : vector<16xi32>
        %parallel_loop3A_690 = arith.mulf %parallel_loop3A_686, %parallel_loop3A_666 : vector<16xf32>
        tpu.vector_store_idx %arg13[%parallel_loop3A_665, %parallel_loop3A_689], %parallel_loop3A_690 : memref<96x80xf32, #tpu.memory_space<vmem>>[vector<16xi32>, vector<16xi32>], vector<16xf32>,
        %parallel_loop3A_691 = arith.constant 48 : i32
        %parallel_loop3A_692 = vector.broadcast %parallel_loop3A_691 : i32 to vector<16xi32>
        %parallel_loop3A_693 = arith.addi %parallel_loop3A_692, %iota3A : vector<16xi32>
        %parallel_loop3A_694 = tpu.vector_load_idx %arg13[%parallel_loop3A_665, %parallel_loop3A_693] : memref<96x80xf32, #tpu.memory_space<vmem>>[vector<16xi32>, vector<16xi32>], vector<16xf32>,
        %parallel_loop3A_695 = arith.constant 48 : i32
        %parallel_loop3A_696 = vector.broadcast %parallel_loop3A_695 : i32 to vector<16xi32>
        %parallel_loop3A_697 = arith.addi %parallel_loop3A_696, %iota3A : vector<16xi32>
        %parallel_loop3A_698 = arith.mulf %parallel_loop3A_694, %parallel_loop3A_666 : vector<16xf32>
        tpu.vector_store_idx %arg13[%parallel_loop3A_665, %parallel_loop3A_697], %parallel_loop3A_698 : memref<96x80xf32, #tpu.memory_space<vmem>>[vector<16xi32>, vector<16xi32>], vector<16xf32>,
        %parallel_loop3A_699 = arith.constant 64 : i32
        %parallel_loop3A_700 = vector.broadcast %parallel_loop3A_699 : i32 to vector<16xi32>
        %parallel_loop3A_701 = arith.addi %parallel_loop3A_700, %iota3A : vector<16xi32>
        %parallel_loop3A_702 = tpu.vector_load_idx %arg13[%parallel_loop3A_665, %parallel_loop3A_701] : memref<96x80xf32, #tpu.memory_space<vmem>>[vector<16xi32>, vector<16xi32>], vector<16xf32>,
        %parallel_loop3A_703 = arith.constant 64 : i32
        %parallel_loop3A_704 = vector.broadcast %parallel_loop3A_703 : i32 to vector<16xi32>
        %parallel_loop3A_705 = arith.addi %parallel_loop3A_704, %iota3A : vector<16xi32>
        %parallel_loop3A_706 = arith.mulf %parallel_loop3A_702, %parallel_loop3A_666 : vector<16xf32>
        tpu.vector_store_idx %arg13[%parallel_loop3A_665, %parallel_loop3A_705], %parallel_loop3A_706 : memref<96x80xf32, #tpu.memory_space<vmem>>[vector<16xi32>, vector<16xi32>], vector<16xf32>,
      } {sc.loop_unroll_factor = 4 : i64, sc.parallel_access}
      %dma_start3A_657 = arith.constant 0 : i32
      %dma_start3A_658 = tpu.memref_slice %arg9[%add3A_437, %dma_start3A_657] : memref<76x96xi32, #tpu.memory_space<vmem>> -> memref<1x96xi32, #tpu.memory_space<vmem>>
      %dma_start3A_659 = tpu.memref_squeeze %dma_start3A_658 : memref<1x96xi32, #tpu.memory_space<vmem>> -> memref<96xi32, #tpu.memory_space<vmem>>
      %dma_start3A_660 = arith.constant 0 : i32
      %dma_start3A_661 = arith.constant 0 : i32
      %dma_start3A_662 = tpu.memref_slice %arg14[%dma_start3A_660, %dma_start3A_661] : memref<10112x80xf32, #tpu.memory_space<vmem_shared>> -> memref<10112x80xf32, #tpu.memory_space<vmem_shared>>
      tpu.enqueue_indirect_dma source(%arg13 : memref<96x80xf32, #tpu.memory_space<vmem>>) target(%dma_start3A_662 : memref<10112x80xf32, #tpu.memory_space<vmem_shared>>) offsets(%dma_start3A_659 : memref<96xi32, #tpu.memory_space<vmem>>) semaphore(%arg18 : memref<!tpu.dma_semaphore, #tpu.memory_space<semaphore_mem>>) {add = true}
      %while3A_663 = arith.constant 0 : i32
      scf.yield %while3A_663 : i32
    }
    %while3A_195 = arith.constant 1 : i32
    %while3A_196 = scf.for %while3A_209 = %while3A_192 to %while3A_188 step %while3A_195 iter_args(%while3A_210 = %while3A_194) -> (i32)  : i32 {
      %mul3A_211 = arith.constant 2 : i32
      %mul3A_212 = arith.muli %mul3A_211, %while3A_209 : i32
      %add3A_213 = arith.constant 0 : i32
      %add3A_214 = arith.addi %mul3A_212, %add3A_213 : i32
      %broadcast_in_dim3A_215 = vector.broadcast %add3A_214 : i32 to vector<16xi32>
      %add3A_216 = arith.constant 0 : i32
      %add3A_217 = vector.broadcast %add3A_216 : i32 to vector<16xi32>
      %add3A_218 = arith.addi %add3A_217, %iota3A : vector<16xi32>
      %gather3A_219 = tpu.vector_load_idx %arg8[%broadcast_in_dim3A_215, %add3A_218] : memref<76x96xi32, #tpu.memory_space<vmem>>[vector<16xi32>, vector<16xi32>], vector<16xi32>,
      %add3A_220 = arith.constant 0 : i32
      %add3A_221 = vector.broadcast %add3A_220 : i32 to vector<16xi32>
      %add3A_222 = arith.addi %add3A_221, %iota3A : vector<16xi32>
      %gather3A_223 = tpu.vector_load_idx %arg9[%broadcast_in_dim3A_215, %add3A_222] : memref<76x96xi32, #tpu.memory_space<vmem>>[vector<16xi32>, vector<16xi32>], vector<16xi32>,
      %gather3A_224 = tpu.vector_load_idx %arg10[%broadcast_in_dim3A_5, %gather3A_219] : memref<2x10000xf32, #tpu.memory_space<vmem>>[vector<16xi32>, vector<16xi32>], vector<16xf32>,
      %gather3A_225 = tpu.vector_load_idx %arg10[%broadcast_in_dim3A_7, %gather3A_223] : memref<2x10000xf32, #tpu.memory_space<vmem>>[vector<16xi32>, vector<16xi32>], vector<16xf32>,
      %add3A_226 = arith.addf %gather3A_224, %gather3A_225 : vector<16xf32>
      %mul3A_227 = arith.constant 2.000000e-01 : f32
      %mul3A_228 = vector.broadcast %mul3A_227 : f32 to vector<16xf32>
      %mul3A_229 = arith.mulf %mul3A_228, %add3A_226 : vector<16xf32>
      %max3A_230 = arith.maximumf %add3A_226, %mul3A_229 : vector<16xf32>
      %sub3A_231 = arith.subf %max3A_230, %max3A_148 : vector<16xf32>
      %exp3A = math.exp %sub3A_231 : vector<16xf32>
      %mul3A_232 = arith.constant 96 : i32
      %mul3A_233 = arith.muli %add3A_214, %mul3A_232 : i32
      %add3A_234 = arith.addi %select_n3A_157, %mul3A_233 : i32
      %add3A_235 = arith.constant 0 : i32
      %add3A_236 = arith.addi %add3A_234, %add3A_235 : i32
      %add3A_237 = vector.broadcast %add3A_236 : i32 to vector<16xi32>
      %add3A_238 = arith.addi %add3A_237, %iota3A : vector<16xi32>
      %add3A_239 = arith.constant 0 : i32
      %add3A_240 = vector.broadcast %add3A_239 : i32 to vector<16xi32>
      %add3A_241 = arith.addi %add3A_240, %iota3A : vector<16xi32>
      %lt3A = arith.constant 170000 : i32
      %lt3A_242 = vector.broadcast %lt3A : i32 to vector<16xi32>
      %lt3A_243 = arith.cmpi slt, %add3A_238, %lt3A_242 : vector<16xi32>
      %jit3A_244 = arith.constant 0.000000e+00 : f32
      %broadcast_in_dim3A_245 = vector.broadcast %jit3A_244 : f32 to vector<16xf32>
      %select_n3A_246 = arith.select %lt3A_243, %exp3A, %broadcast_in_dim3A_245 : vector<16xi1>, vector<16xf32>
      tpu.vector_store_idx %arg11[%add3A_241], %select_n3A_246 : memref<96xf32, #tpu.memory_space<vmem>>[vector<16xi32>], vector<16xf32>,
      %add3A_247 = arith.constant 16 : i32
      %add3A_248 = vector.broadcast %add3A_247 : i32 to vector<16xi32>
      %add3A_249 = arith.addi %add3A_248, %iota3A : vector<16xi32>
      %gather3A_250 = tpu.vector_load_idx %arg8[%broadcast_in_dim3A_215, %add3A_249] : memref<76x96xi32, #tpu.memory_space<vmem>>[vector<16xi32>, vector<16xi32>], vector<16xi32>,
      %add3A_251 = arith.constant 16 : i32
      %add3A_252 = vector.broadcast %add3A_251 : i32 to vector<16xi32>
      %add3A_253 = arith.addi %add3A_252, %iota3A : vector<16xi32>
      %gather3A_254 = tpu.vector_load_idx %arg9[%broadcast_in_dim3A_215, %add3A_253] : memref<76x96xi32, #tpu.memory_space<vmem>>[vector<16xi32>, vector<16xi32>], vector<16xi32>,
      %gather3A_255 = tpu.vector_load_idx %arg10[%broadcast_in_dim3A_5, %gather3A_250] : memref<2x10000xf32, #tpu.memory_space<vmem>>[vector<16xi32>, vector<16xi32>], vector<16xf32>,
      %gather3A_256 = tpu.vector_load_idx %arg10[%broadcast_in_dim3A_7, %gather3A_254] : memref<2x10000xf32, #tpu.memory_space<vmem>>[vector<16xi32>, vector<16xi32>], vector<16xf32>,
      %add3A_257 = arith.addf %gather3A_255, %gather3A_256 : vector<16xf32>
      %mul3A_258 = arith.constant 2.000000e-01 : f32
      %mul3A_259 = vector.broadcast %mul3A_258 : f32 to vector<16xf32>
      %mul3A_260 = arith.mulf %mul3A_259, %add3A_257 : vector<16xf32>
      %max3A_261 = arith.maximumf %add3A_257, %mul3A_260 : vector<16xf32>
      %sub3A_262 = arith.subf %max3A_261, %max3A_148 : vector<16xf32>
      %exp3A_263 = math.exp %sub3A_262 : vector<16xf32>
      %mul3A_264 = arith.constant 96 : i32
      %mul3A_265 = arith.muli %add3A_214, %mul3A_264 : i32
      %add3A_266 = arith.addi %select_n3A_157, %mul3A_265 : i32
      %add3A_267 = arith.constant 16 : i32
      %add3A_268 = arith.addi %add3A_266, %add3A_267 : i32
      %add3A_269 = vector.broadcast %add3A_268 : i32 to vector<16xi32>
      %add3A_270 = arith.addi %add3A_269, %iota3A : vector<16xi32>
      %add3A_271 = arith.constant 16 : i32
      %add3A_272 = vector.broadcast %add3A_271 : i32 to vector<16xi32>
      %add3A_273 = arith.addi %add3A_272, %iota3A : vector<16xi32>
      %lt3A_274 = arith.constant 170000 : i32
      %lt3A_275 = vector.broadcast %lt3A_274 : i32 to vector<16xi32>
      %lt3A_276 = arith.cmpi slt, %add3A_270, %lt3A_275 : vector<16xi32>
      %jit3A_277 = arith.constant 0.000000e+00 : f32
      %broadcast_in_dim3A_278 = vector.broadcast %jit3A_277 : f32 to vector<16xf32>
      %select_n3A_279 = arith.select %lt3A_276, %exp3A_263, %broadcast_in_dim3A_278 : vector<16xi1>, vector<16xf32>
      tpu.vector_store_idx %arg11[%add3A_273], %select_n3A_279 : memref<96xf32, #tpu.memory_space<vmem>>[vector<16xi32>], vector<16xf32>,
      %add3A_280 = arith.constant 32 : i32
      %add3A_281 = vector.broadcast %add3A_280 : i32 to vector<16xi32>
      %add3A_282 = arith.addi %add3A_281, %iota3A : vector<16xi32>
      %gather3A_283 = tpu.vector_load_idx %arg8[%broadcast_in_dim3A_215, %add3A_282] : memref<76x96xi32, #tpu.memory_space<vmem>>[vector<16xi32>, vector<16xi32>], vector<16xi32>,
      %add3A_284 = arith.constant 32 : i32
      %add3A_285 = vector.broadcast %add3A_284 : i32 to vector<16xi32>
      %add3A_286 = arith.addi %add3A_285, %iota3A : vector<16xi32>
      %gather3A_287 = tpu.vector_load_idx %arg9[%broadcast_in_dim3A_215, %add3A_286] : memref<76x96xi32, #tpu.memory_space<vmem>>[vector<16xi32>, vector<16xi32>], vector<16xi32>,
      %gather3A_288 = tpu.vector_load_idx %arg10[%broadcast_in_dim3A_5, %gather3A_283] : memref<2x10000xf32, #tpu.memory_space<vmem>>[vector<16xi32>, vector<16xi32>], vector<16xf32>,
      %gather3A_289 = tpu.vector_load_idx %arg10[%broadcast_in_dim3A_7, %gather3A_287] : memref<2x10000xf32, #tpu.memory_space<vmem>>[vector<16xi32>, vector<16xi32>], vector<16xf32>,
      %add3A_290 = arith.addf %gather3A_288, %gather3A_289 : vector<16xf32>
      %mul3A_291 = arith.constant 2.000000e-01 : f32
      %mul3A_292 = vector.broadcast %mul3A_291 : f32 to vector<16xf32>
      %mul3A_293 = arith.mulf %mul3A_292, %add3A_290 : vector<16xf32>
      %max3A_294 = arith.maximumf %add3A_290, %mul3A_293 : vector<16xf32>
      %sub3A_295 = arith.subf %max3A_294, %max3A_148 : vector<16xf32>
      %exp3A_296 = math.exp %sub3A_295 : vector<16xf32>
      %mul3A_297 = arith.constant 96 : i32
      %mul3A_298 = arith.muli %add3A_214, %mul3A_297 : i32
      %add3A_299 = arith.addi %select_n3A_157, %mul3A_298 : i32
      %add3A_300 = arith.constant 32 : i32
      %add3A_301 = arith.addi %add3A_299, %add3A_300 : i32
      %add3A_302 = vector.broadcast %add3A_301 : i32 to vector<16xi32>
      %add3A_303 = arith.addi %add3A_302, %iota3A : vector<16xi32>
      %add3A_304 = arith.constant 32 : i32
      %add3A_305 = vector.broadcast %add3A_304 : i32 to vector<16xi32>
      %add3A_306 = arith.addi %add3A_305, %iota3A : vector<16xi32>
      %lt3A_307 = arith.constant 170000 : i32
      %lt3A_308 = vector.broadcast %lt3A_307 : i32 to vector<16xi32>
      %lt3A_309 = arith.cmpi slt, %add3A_303, %lt3A_308 : vector<16xi32>
      %jit3A_310 = arith.constant 0.000000e+00 : f32
      %broadcast_in_dim3A_311 = vector.broadcast %jit3A_310 : f32 to vector<16xf32>
      %select_n3A_312 = arith.select %lt3A_309, %exp3A_296, %broadcast_in_dim3A_311 : vector<16xi1>, vector<16xf32>
      tpu.vector_store_idx %arg11[%add3A_306], %select_n3A_312 : memref<96xf32, #tpu.memory_space<vmem>>[vector<16xi32>], vector<16xf32>,
      %add3A_313 = arith.constant 48 : i32
      %add3A_314 = vector.broadcast %add3A_313 : i32 to vector<16xi32>
      %add3A_315 = arith.addi %add3A_314, %iota3A : vector<16xi32>
      %gather3A_316 = tpu.vector_load_idx %arg8[%broadcast_in_dim3A_215, %add3A_315] : memref<76x96xi32, #tpu.memory_space<vmem>>[vector<16xi32>, vector<16xi32>], vector<16xi32>,
      %add3A_317 = arith.constant 48 : i32
      %add3A_318 = vector.broadcast %add3A_317 : i32 to vector<16xi32>
      %add3A_319 = arith.addi %add3A_318, %iota3A : vector<16xi32>
      %gather3A_320 = tpu.vector_load_idx %arg9[%broadcast_in_dim3A_215, %add3A_319] : memref<76x96xi32, #tpu.memory_space<vmem>>[vector<16xi32>, vector<16xi32>], vector<16xi32>,
      %gather3A_321 = tpu.vector_load_idx %arg10[%broadcast_in_dim3A_5, %gather3A_316] : memref<2x10000xf32, #tpu.memory_space<vmem>>[vector<16xi32>, vector<16xi32>], vector<16xf32>,
      %gather3A_322 = tpu.vector_load_idx %arg10[%broadcast_in_dim3A_7, %gather3A_320] : memref<2x10000xf32, #tpu.memory_space<vmem>>[vector<16xi32>, vector<16xi32>], vector<16xf32>,
      %add3A_323 = arith.addf %gather3A_321, %gather3A_322 : vector<16xf32>
      %mul3A_324 = arith.constant 2.000000e-01 : f32
      %mul3A_325 = vector.broadcast %mul3A_324 : f32 to vector<16xf32>
      %mul3A_326 = arith.mulf %mul3A_325, %add3A_323 : vector<16xf32>
      %max3A_327 = arith.maximumf %add3A_323, %mul3A_326 : vector<16xf32>
      %sub3A_328 = arith.subf %max3A_327, %max3A_148 : vector<16xf32>
      %exp3A_329 = math.exp %sub3A_328 : vector<16xf32>
      %mul3A_330 = arith.constant 96 : i32
      %mul3A_331 = arith.muli %add3A_214, %mul3A_330 : i32
      %add3A_332 = arith.addi %select_n3A_157, %mul3A_331 : i32
      %add3A_333 = arith.constant 48 : i32
      %add3A_334 = arith.addi %add3A_332, %add3A_333 : i32
      %add3A_335 = vector.broadcast %add3A_334 : i32 to vector<16xi32>
      %add3A_336 = arith.addi %add3A_335, %iota3A : vector<16xi32>
      %add3A_337 = arith.constant 48 : i32
      %add3A_338 = vector.broadcast %add3A_337 : i32 to vector<16xi32>
      %add3A_339 = arith.addi %add3A_338, %iota3A : vector<16xi32>
      %lt3A_340 = arith.constant 170000 : i32
      %lt3A_341 = vector.broadcast %lt3A_340 : i32 to vector<16xi32>
      %lt3A_342 = arith.cmpi slt, %add3A_336, %lt3A_341 : vector<16xi32>
      %jit3A_343 = arith.constant 0.000000e+00 : f32
      %broadcast_in_dim3A_344 = vector.broadcast %jit3A_343 : f32 to vector<16xf32>
      %select_n3A_345 = arith.select %lt3A_342, %exp3A_329, %broadcast_in_dim3A_344 : vector<16xi1>, vector<16xf32>
      tpu.vector_store_idx %arg11[%add3A_339], %select_n3A_345 : memref<96xf32, #tpu.memory_space<vmem>>[vector<16xi32>], vector<16xf32>,
      %add3A_346 = arith.constant 64 : i32
      %add3A_347 = vector.broadcast %add3A_346 : i32 to vector<16xi32>
      %add3A_348 = arith.addi %add3A_347, %iota3A : vector<16xi32>
      %gather3A_349 = tpu.vector_load_idx %arg8[%broadcast_in_dim3A_215, %add3A_348] : memref<76x96xi32, #tpu.memory_space<vmem>>[vector<16xi32>, vector<16xi32>], vector<16xi32>,
      %add3A_350 = arith.constant 64 : i32
      %add3A_351 = vector.broadcast %add3A_350 : i32 to vector<16xi32>
      %add3A_352 = arith.addi %add3A_351, %iota3A : vector<16xi32>
      %gather3A_353 = tpu.vector_load_idx %arg9[%broadcast_in_dim3A_215, %add3A_352] : memref<76x96xi32, #tpu.memory_space<vmem>>[vector<16xi32>, vector<16xi32>], vector<16xi32>,
      %gather3A_354 = tpu.vector_load_idx %arg10[%broadcast_in_dim3A_5, %gather3A_349] : memref<2x10000xf32, #tpu.memory_space<vmem>>[vector<16xi32>, vector<16xi32>], vector<16xf32>,
      %gather3A_355 = tpu.vector_load_idx %arg10[%broadcast_in_dim3A_7, %gather3A_353] : memref<2x10000xf32, #tpu.memory_space<vmem>>[vector<16xi32>, vector<16xi32>], vector<16xf32>,
      %add3A_356 = arith.addf %gather3A_354, %gather3A_355 : vector<16xf32>
      %mul3A_357 = arith.constant 2.000000e-01 : f32
      %mul3A_358 = vector.broadcast %mul3A_357 : f32 to vector<16xf32>
      %mul3A_359 = arith.mulf %mul3A_358, %add3A_356 : vector<16xf32>
      %max3A_360 = arith.maximumf %add3A_356, %mul3A_359 : vector<16xf32>
      %sub3A_361 = arith.subf %max3A_360, %max3A_148 : vector<16xf32>
      %exp3A_362 = math.exp %sub3A_361 : vector<16xf32>
      %mul3A_363 = arith.constant 96 : i32
      %mul3A_364 = arith.muli %add3A_214, %mul3A_363 : i32
      %add3A_365 = arith.addi %select_n3A_157, %mul3A_364 : i32
      %add3A_366 = arith.constant 64 : i32
      %add3A_367 = arith.addi %add3A_365, %add3A_366 : i32
      %add3A_368 = vector.broadcast %add3A_367 : i32 to vector<16xi32>
      %add3A_369 = arith.addi %add3A_368, %iota3A : vector<16xi32>
      %add3A_370 = arith.constant 64 : i32
      %add3A_371 = vector.broadcast %add3A_370 : i32 to vector<16xi32>
      %add3A_372 = arith.addi %add3A_371, %iota3A : vector<16xi32>
      %lt3A_373 = arith.constant 170000 : i32
      %lt3A_374 = vector.broadcast %lt3A_373 : i32 to vector<16xi32>
      %lt3A_375 = arith.cmpi slt, %add3A_369, %lt3A_374 : vector<16xi32>
      %jit3A_376 = arith.constant 0.000000e+00 : f32
      %broadcast_in_dim3A_377 = vector.broadcast %jit3A_376 : f32 to vector<16xf32>
      %select_n3A_378 = arith.select %lt3A_375, %exp3A_362, %broadcast_in_dim3A_377 : vector<16xi1>, vector<16xf32>
      tpu.vector_store_idx %arg11[%add3A_372], %select_n3A_378 : memref<96xf32, #tpu.memory_space<vmem>>[vector<16xi32>], vector<16xf32>,
      %add3A_379 = arith.constant 80 : i32
      %add3A_380 = vector.broadcast %add3A_379 : i32 to vector<16xi32>
      %add3A_381 = arith.addi %add3A_380, %iota3A : vector<16xi32>
      %gather3A_382 = tpu.vector_load_idx %arg8[%broadcast_in_dim3A_215, %add3A_381] : memref<76x96xi32, #tpu.memory_space<vmem>>[vector<16xi32>, vector<16xi32>], vector<16xi32>,
      %add3A_383 = arith.constant 80 : i32
      %add3A_384 = vector.broadcast %add3A_383 : i32 to vector<16xi32>
      %add3A_385 = arith.addi %add3A_384, %iota3A : vector<16xi32>
      %gather3A_386 = tpu.vector_load_idx %arg9[%broadcast_in_dim3A_215, %add3A_385] : memref<76x96xi32, #tpu.memory_space<vmem>>[vector<16xi32>, vector<16xi32>], vector<16xi32>,
      %gather3A_387 = tpu.vector_load_idx %arg10[%broadcast_in_dim3A_5, %gather3A_382] : memref<2x10000xf32, #tpu.memory_space<vmem>>[vector<16xi32>, vector<16xi32>], vector<16xf32>,
      %gather3A_388 = tpu.vector_load_idx %arg10[%broadcast_in_dim3A_7, %gather3A_386] : memref<2x10000xf32, #tpu.memory_space<vmem>>[vector<16xi32>, vector<16xi32>], vector<16xf32>,
      %add3A_389 = arith.addf %gather3A_387, %gather3A_388 : vector<16xf32>
      %mul3A_390 = arith.constant 2.000000e-01 : f32
      %mul3A_391 = vector.broadcast %mul3A_390 : f32 to vector<16xf32>
      %mul3A_392 = arith.mulf %mul3A_391, %add3A_389 : vector<16xf32>
      %max3A_393 = arith.maximumf %add3A_389, %mul3A_392 : vector<16xf32>
      %sub3A_394 = arith.subf %max3A_393, %max3A_148 : vector<16xf32>
      %exp3A_395 = math.exp %sub3A_394 : vector<16xf32>
      %mul3A_396 = arith.constant 96 : i32
      %mul3A_397 = arith.muli %add3A_214, %mul3A_396 : i32
      %add3A_398 = arith.addi %select_n3A_157, %mul3A_397 : i32
      %add3A_399 = arith.constant 80 : i32
      %add3A_400 = arith.addi %add3A_398, %add3A_399 : i32
      %add3A_401 = vector.broadcast %add3A_400 : i32 to vector<16xi32>
      %add3A_402 = arith.addi %add3A_401, %iota3A : vector<16xi32>
      %add3A_403 = arith.constant 80 : i32
      %add3A_404 = vector.broadcast %add3A_403 : i32 to vector<16xi32>
      %add3A_405 = arith.addi %add3A_404, %iota3A : vector<16xi32>
      %lt3A_406 = arith.constant 170000 : i32
      %lt3A_407 = vector.broadcast %lt3A_406 : i32 to vector<16xi32>
      %lt3A_408 = arith.cmpi slt, %add3A_402, %lt3A_407 : vector<16xi32>
      %jit3A_409 = arith.constant 0.000000e+00 : f32
      %broadcast_in_dim3A_410 = vector.broadcast %jit3A_409 : f32 to vector<16xf32>
      %select_n3A_411 = arith.select %lt3A_408, %exp3A_395, %broadcast_in_dim3A_410 : vector<16xi1>, vector<16xf32>
      tpu.vector_store_idx %arg11[%add3A_405], %select_n3A_411 : memref<96xf32, #tpu.memory_space<vmem>>[vector<16xi32>], vector<16xf32>,
      %ge3A = arith.constant 1 : i32
      %ge3A_412 = arith.cmpi sge, %add3A_214, %ge3A : i32
      %convert_element_type3A = arith.extui %ge3A_412 : i1 to i32
      %cond3A = arith.constant 0 : i32
      %cond3A_413 = arith.cmpi ne, %convert_element_type3A, %cond3A : i32
      scf.if %cond3A_413 {
        %sub3A_664 = arith.constant 1 : i32
        %sub3A_665 = arith.subi %add3A_214, %sub3A_664 : i32
        %dma_wait3A_666 = arith.constant 0 : i32
        %dma_wait3A_667 = tpu.memref_slice %arg9[%sub3A_665, %dma_wait3A_666] : memref<76x96xi32, #tpu.memory_space<vmem>> -> memref<1x96xi32, #tpu.memory_space<vmem>>
        %dma_wait3A_668 = tpu.memref_squeeze %dma_wait3A_667 : memref<1x96xi32, #tpu.memory_space<vmem>> -> memref<96xi32, #tpu.memory_space<vmem>>
        %dma_wait3A_669 = arith.constant 0 : i32
        %dma_wait3A_670 = arith.constant 0 : i32
        %dma_wait3A_671 = tpu.memref_slice %arg14[%dma_wait3A_669, %dma_wait3A_670] : memref<10112x80xf32, #tpu.memory_space<vmem_shared>> -> memref<10112x80xf32, #tpu.memory_space<vmem_shared>>
        tpu.wait_indirect_dma semaphore(%arg18 : memref<!tpu.dma_semaphore, #tpu.memory_space<semaphore_mem>>) src(%arg13 : memref<96x80xf32, #tpu.memory_space<vmem>>) dst(%dma_wait3A_671 : memref<10112x80xf32, #tpu.memory_space<vmem_shared>>)
      } else {
      }
      %add3A_414 = arith.constant 1 : i32
      %add3A_415 = arith.addi %add3A_214, %add3A_414 : i32
      %lt3A_416 = arith.cmpi slt, %add3A_415, %select_n3A_162 : i32
      %convert_element_type3A_417 = arith.extui %lt3A_416 : i1 to i32
      %cond3A_418 = arith.constant 0 : i32
      %cond3A_419 = arith.cmpi ne, %convert_element_type3A_417, %cond3A_418 : i32
      scf.if %cond3A_419 {
        %add3A_664 = arith.constant 1 : i32
        %add3A_665 = arith.addi %add3A_214, %add3A_664 : i32
        %dma_start3A_666 = arith.constant 0 : i32
        %dma_start3A_667 = tpu.memref_slice %arg8[%add3A_665, %dma_start3A_666] : memref<76x96xi32, #tpu.memory_space<vmem>> -> memref<1x96xi32, #tpu.memory_space<vmem>>
        %dma_start3A_668 = tpu.memref_squeeze %dma_start3A_667 : memref<1x96xi32, #tpu.memory_space<vmem>> -> memref<96xi32, #tpu.memory_space<vmem>>
        %dma_start3A_669 = arith.constant 0 : i32
        %dma_start3A_670 = arith.constant 0 : i32
        %dma_start3A_671 = tpu.memref_slice %arg2[%dma_start3A_669, %dma_start3A_670] : memref<10000x80xf32, #tpu.memory_space<hbm>> -> memref<10000x80xf32, #tpu.memory_space<hbm>>
        tpu.enqueue_indirect_dma source(%dma_start3A_671 : memref<10000x80xf32, #tpu.memory_space<hbm>>) target(%arg13 : memref<96x80xf32, #tpu.memory_space<vmem>>) offsets(%dma_start3A_668 : memref<96xi32, #tpu.memory_space<vmem>>) semaphore(%arg16 : memref<!tpu.dma_semaphore, #tpu.memory_space<semaphore_mem>>)
      } else {
      }
      %dma_wait3A_420 = arith.constant 0 : i32
      %dma_wait3A_421 = tpu.memref_slice %arg8[%add3A_214, %dma_wait3A_420] : memref<76x96xi32, #tpu.memory_space<vmem>> -> memref<1x96xi32, #tpu.memory_space<vmem>>
      %dma_wait3A_422 = tpu.memref_squeeze %dma_wait3A_421 : memref<1x96xi32, #tpu.memory_space<vmem>> -> memref<96xi32, #tpu.memory_space<vmem>>
      %dma_wait3A_423 = arith.constant 0 : i32
      %dma_wait3A_424 = arith.constant 0 : i32
      %dma_wait3A_425 = tpu.memref_slice %arg2[%dma_wait3A_423, %dma_wait3A_424] : memref<10000x80xf32, #tpu.memory_space<hbm>> -> memref<10000x80xf32, #tpu.memory_space<hbm>>
      tpu.wait_indirect_dma semaphore(%arg15 : memref<!tpu.dma_semaphore, #tpu.memory_space<semaphore_mem>>) src(%dma_wait3A_425 : memref<10000x80xf32, #tpu.memory_space<hbm>>) dst(%arg12 : memref<96x80xf32, #tpu.memory_space<vmem>>)
      %parallel_loop3A = arith.constant 0 : i32
      %parallel_loop3A_426 = arith.constant 96 : i32
      %parallel_loop3A_427 = arith.constant 1 : i32
      scf.for %parallel_loop3A_664 = %parallel_loop3A to %parallel_loop3A_426 step %parallel_loop3A_427  : i32 {
        %parallel_loop3A_665 = vector.broadcast %parallel_loop3A_664 : i32 to vector<16xi32>
        %parallel_loop3A_666 = tpu.vector_load_idx %arg11[%parallel_loop3A_665] : memref<96xf32, #tpu.memory_space<vmem>>[vector<16xi32>], vector<16xf32>,
        %parallel_loop3A_667 = arith.constant 0 : i32
        %parallel_loop3A_668 = vector.broadcast %parallel_loop3A_667 : i32 to vector<16xi32>
        %parallel_loop3A_669 = arith.addi %parallel_loop3A_668, %iota3A : vector<16xi32>
        %parallel_loop3A_670 = tpu.vector_load_idx %arg12[%parallel_loop3A_665, %parallel_loop3A_669] : memref<96x80xf32, #tpu.memory_space<vmem>>[vector<16xi32>, vector<16xi32>], vector<16xf32>,
        %parallel_loop3A_671 = arith.constant 0 : i32
        %parallel_loop3A_672 = vector.broadcast %parallel_loop3A_671 : i32 to vector<16xi32>
        %parallel_loop3A_673 = arith.addi %parallel_loop3A_672, %iota3A : vector<16xi32>
        %parallel_loop3A_674 = arith.mulf %parallel_loop3A_670, %parallel_loop3A_666 : vector<16xf32>
        tpu.vector_store_idx %arg12[%parallel_loop3A_665, %parallel_loop3A_673], %parallel_loop3A_674 : memref<96x80xf32, #tpu.memory_space<vmem>>[vector<16xi32>, vector<16xi32>], vector<16xf32>,
        %parallel_loop3A_675 = arith.constant 16 : i32
        %parallel_loop3A_676 = vector.broadcast %parallel_loop3A_675 : i32 to vector<16xi32>
        %parallel_loop3A_677 = arith.addi %parallel_loop3A_676, %iota3A : vector<16xi32>
        %parallel_loop3A_678 = tpu.vector_load_idx %arg12[%parallel_loop3A_665, %parallel_loop3A_677] : memref<96x80xf32, #tpu.memory_space<vmem>>[vector<16xi32>, vector<16xi32>], vector<16xf32>,
        %parallel_loop3A_679 = arith.constant 16 : i32
        %parallel_loop3A_680 = vector.broadcast %parallel_loop3A_679 : i32 to vector<16xi32>
        %parallel_loop3A_681 = arith.addi %parallel_loop3A_680, %iota3A : vector<16xi32>
        %parallel_loop3A_682 = arith.mulf %parallel_loop3A_678, %parallel_loop3A_666 : vector<16xf32>
        tpu.vector_store_idx %arg12[%parallel_loop3A_665, %parallel_loop3A_681], %parallel_loop3A_682 : memref<96x80xf32, #tpu.memory_space<vmem>>[vector<16xi32>, vector<16xi32>], vector<16xf32>,
        %parallel_loop3A_683 = arith.constant 32 : i32
        %parallel_loop3A_684 = vector.broadcast %parallel_loop3A_683 : i32 to vector<16xi32>
        %parallel_loop3A_685 = arith.addi %parallel_loop3A_684, %iota3A : vector<16xi32>
        %parallel_loop3A_686 = tpu.vector_load_idx %arg12[%parallel_loop3A_665, %parallel_loop3A_685] : memref<96x80xf32, #tpu.memory_space<vmem>>[vector<16xi32>, vector<16xi32>], vector<16xf32>,
        %parallel_loop3A_687 = arith.constant 32 : i32
        %parallel_loop3A_688 = vector.broadcast %parallel_loop3A_687 : i32 to vector<16xi32>
        %parallel_loop3A_689 = arith.addi %parallel_loop3A_688, %iota3A : vector<16xi32>
        %parallel_loop3A_690 = arith.mulf %parallel_loop3A_686, %parallel_loop3A_666 : vector<16xf32>
        tpu.vector_store_idx %arg12[%parallel_loop3A_665, %parallel_loop3A_689], %parallel_loop3A_690 : memref<96x80xf32, #tpu.memory_space<vmem>>[vector<16xi32>, vector<16xi32>], vector<16xf32>,
        %parallel_loop3A_691 = arith.constant 48 : i32
        %parallel_loop3A_692 = vector.broadcast %parallel_loop3A_691 : i32 to vector<16xi32>
        %parallel_loop3A_693 = arith.addi %parallel_loop3A_692, %iota3A : vector<16xi32>
        %parallel_loop3A_694 = tpu.vector_load_idx %arg12[%parallel_loop3A_665, %parallel_loop3A_693] : memref<96x80xf32, #tpu.memory_space<vmem>>[vector<16xi32>, vector<16xi32>], vector<16xf32>,
        %parallel_loop3A_695 = arith.constant 48 : i32
        %parallel_loop3A_696 = vector.broadcast %parallel_loop3A_695 : i32 to vector<16xi32>
        %parallel_loop3A_697 = arith.addi %parallel_loop3A_696, %iota3A : vector<16xi32>
        %parallel_loop3A_698 = arith.mulf %parallel_loop3A_694, %parallel_loop3A_666 : vector<16xf32>
        tpu.vector_store_idx %arg12[%parallel_loop3A_665, %parallel_loop3A_697], %parallel_loop3A_698 : memref<96x80xf32, #tpu.memory_space<vmem>>[vector<16xi32>, vector<16xi32>], vector<16xf32>,
        %parallel_loop3A_699 = arith.constant 64 : i32
        %parallel_loop3A_700 = vector.broadcast %parallel_loop3A_699 : i32 to vector<16xi32>
        %parallel_loop3A_701 = arith.addi %parallel_loop3A_700, %iota3A : vector<16xi32>
        %parallel_loop3A_702 = tpu.vector_load_idx %arg12[%parallel_loop3A_665, %parallel_loop3A_701] : memref<96x80xf32, #tpu.memory_space<vmem>>[vector<16xi32>, vector<16xi32>], vector<16xf32>,
        %parallel_loop3A_703 = arith.constant 64 : i32
        %parallel_loop3A_704 = vector.broadcast %parallel_loop3A_703 : i32 to vector<16xi32>
        %parallel_loop3A_705 = arith.addi %parallel_loop3A_704, %iota3A : vector<16xi32>
        %parallel_loop3A_706 = arith.mulf %parallel_loop3A_702, %parallel_loop3A_666 : vector<16xf32>
        tpu.vector_store_idx %arg12[%parallel_loop3A_665, %parallel_loop3A_705], %parallel_loop3A_706 : memref<96x80xf32, #tpu.memory_space<vmem>>[vector<16xi32>, vector<16xi32>], vector<16xf32>,
      } {sc.loop_unroll_factor = 4 : i64, sc.parallel_access}
      %dma_start3A_428 = arith.constant 0 : i32
      %dma_start3A_429 = tpu.memref_slice %arg9[%add3A_214, %dma_start3A_428] : memref<76x96xi32, #tpu.memory_space<vmem>> -> memref<1x96xi32, #tpu.memory_space<vmem>>
      %dma_start3A_430 = tpu.memref_squeeze %dma_start3A_429 : memref<1x96xi32, #tpu.memory_space<vmem>> -> memref<96xi32, #tpu.memory_space<vmem>>
      %dma_start3A_431 = arith.constant 0 : i32
      %dma_start3A_432 = arith.constant 0 : i32
      %dma_start3A_433 = tpu.memref_slice %arg14[%dma_start3A_431, %dma_start3A_432] : memref<10112x80xf32, #tpu.memory_space<vmem_shared>> -> memref<10112x80xf32, #tpu.memory_space<vmem_shared>>
      tpu.enqueue_indirect_dma source(%arg12 : memref<96x80xf32, #tpu.memory_space<vmem>>) target(%dma_start3A_433 : memref<10112x80xf32, #tpu.memory_space<vmem_shared>>) offsets(%dma_start3A_430 : memref<96xi32, #tpu.memory_space<vmem>>) semaphore(%arg17 : memref<!tpu.dma_semaphore, #tpu.memory_space<semaphore_mem>>) {add = true}
      %mul3A_434 = arith.constant 2 : i32
      %mul3A_435 = arith.muli %mul3A_434, %while3A_209 : i32
      %add3A_436 = arith.constant 1 : i32
      %add3A_437 = arith.addi %mul3A_435, %add3A_436 : i32
      %broadcast_in_dim3A_438 = vector.broadcast %add3A_437 : i32 to vector<16xi32>
      %add3A_439 = arith.constant 0 : i32
      %add3A_440 = vector.broadcast %add3A_439 : i32 to vector<16xi32>
      %add3A_441 = arith.addi %add3A_440, %iota3A : vector<16xi32>
      %gather3A_442 = tpu.vector_load_idx %arg8[%broadcast_in_dim3A_438, %add3A_441] : memref<76x96xi32, #tpu.memory_space<vmem>>[vector<16xi32>, vector<16xi32>], vector<16xi32>,
      %add3A_443 = arith.constant 0 : i32
      %add3A_444 = vector.broadcast %add3A_443 : i32 to vector<16xi32>
      %add3A_445 = arith.addi %add3A_444, %iota3A : vector<16xi32>
      %gather3A_446 = tpu.vector_load_idx %arg9[%broadcast_in_dim3A_438, %add3A_445] : memref<76x96xi32, #tpu.memory_space<vmem>>[vector<16xi32>, vector<16xi32>], vector<16xi32>,
      %gather3A_447 = tpu.vector_load_idx %arg10[%broadcast_in_dim3A_5, %gather3A_442] : memref<2x10000xf32, #tpu.memory_space<vmem>>[vector<16xi32>, vector<16xi32>], vector<16xf32>,
      %gather3A_448 = tpu.vector_load_idx %arg10[%broadcast_in_dim3A_7, %gather3A_446] : memref<2x10000xf32, #tpu.memory_space<vmem>>[vector<16xi32>, vector<16xi32>], vector<16xf32>,
      %add3A_449 = arith.addf %gather3A_447, %gather3A_448 : vector<16xf32>
      %mul3A_450 = arith.constant 2.000000e-01 : f32
      %mul3A_451 = vector.broadcast %mul3A_450 : f32 to vector<16xf32>
      %mul3A_452 = arith.mulf %mul3A_451, %add3A_449 : vector<16xf32>
      %max3A_453 = arith.maximumf %add3A_449, %mul3A_452 : vector<16xf32>
      %sub3A_454 = arith.subf %max3A_453, %max3A_148 : vector<16xf32>
      %exp3A_455 = math.exp %sub3A_454 : vector<16xf32>
      %mul3A_456 = arith.constant 96 : i32
      %mul3A_457 = arith.muli %add3A_437, %mul3A_456 : i32
      %add3A_458 = arith.addi %select_n3A_157, %mul3A_457 : i32
      %add3A_459 = arith.constant 0 : i32
      %add3A_460 = arith.addi %add3A_458, %add3A_459 : i32
      %add3A_461 = vector.broadcast %add3A_460 : i32 to vector<16xi32>
      %add3A_462 = arith.addi %add3A_461, %iota3A : vector<16xi32>
      %add3A_463 = arith.constant 0 : i32
      %add3A_464 = vector.broadcast %add3A_463 : i32 to vector<16xi32>
      %add3A_465 = arith.addi %add3A_464, %iota3A : vector<16xi32>
      %lt3A_466 = arith.constant 170000 : i32
      %lt3A_467 = vector.broadcast %lt3A_466 : i32 to vector<16xi32>
      %lt3A_468 = arith.cmpi slt, %add3A_462, %lt3A_467 : vector<16xi32>
      %jit3A_469 = arith.constant 0.000000e+00 : f32
      %broadcast_in_dim3A_470 = vector.broadcast %jit3A_469 : f32 to vector<16xf32>
      %select_n3A_471 = arith.select %lt3A_468, %exp3A_455, %broadcast_in_dim3A_470 : vector<16xi1>, vector<16xf32>
      tpu.vector_store_idx %arg11[%add3A_465], %select_n3A_471 : memref<96xf32, #tpu.memory_space<vmem>>[vector<16xi32>], vector<16xf32>,
      %add3A_472 = arith.constant 16 : i32
      %add3A_473 = vector.broadcast %add3A_472 : i32 to vector<16xi32>
      %add3A_474 = arith.addi %add3A_473, %iota3A : vector<16xi32>
      %gather3A_475 = tpu.vector_load_idx %arg8[%broadcast_in_dim3A_438, %add3A_474] : memref<76x96xi32, #tpu.memory_space<vmem>>[vector<16xi32>, vector<16xi32>], vector<16xi32>,
      %add3A_476 = arith.constant 16 : i32
      %add3A_477 = vector.broadcast %add3A_476 : i32 to vector<16xi32>
      %add3A_478 = arith.addi %add3A_477, %iota3A : vector<16xi32>
      %gather3A_479 = tpu.vector_load_idx %arg9[%broadcast_in_dim3A_438, %add3A_478] : memref<76x96xi32, #tpu.memory_space<vmem>>[vector<16xi32>, vector<16xi32>], vector<16xi32>,
      %gather3A_480 = tpu.vector_load_idx %arg10[%broadcast_in_dim3A_5, %gather3A_475] : memref<2x10000xf32, #tpu.memory_space<vmem>>[vector<16xi32>, vector<16xi32>], vector<16xf32>,
      %gather3A_481 = tpu.vector_load_idx %arg10[%broadcast_in_dim3A_7, %gather3A_479] : memref<2x10000xf32, #tpu.memory_space<vmem>>[vector<16xi32>, vector<16xi32>], vector<16xf32>,
      %add3A_482 = arith.addf %gather3A_480, %gather3A_481 : vector<16xf32>
      %mul3A_483 = arith.constant 2.000000e-01 : f32
      %mul3A_484 = vector.broadcast %mul3A_483 : f32 to vector<16xf32>
      %mul3A_485 = arith.mulf %mul3A_484, %add3A_482 : vector<16xf32>
      %max3A_486 = arith.maximumf %add3A_482, %mul3A_485 : vector<16xf32>
      %sub3A_487 = arith.subf %max3A_486, %max3A_148 : vector<16xf32>
      %exp3A_488 = math.exp %sub3A_487 : vector<16xf32>
      %mul3A_489 = arith.constant 96 : i32
      %mul3A_490 = arith.muli %add3A_437, %mul3A_489 : i32
      %add3A_491 = arith.addi %select_n3A_157, %mul3A_490 : i32
      %add3A_492 = arith.constant 16 : i32
      %add3A_493 = arith.addi %add3A_491, %add3A_492 : i32
      %add3A_494 = vector.broadcast %add3A_493 : i32 to vector<16xi32>
      %add3A_495 = arith.addi %add3A_494, %iota3A : vector<16xi32>
      %add3A_496 = arith.constant 16 : i32
      %add3A_497 = vector.broadcast %add3A_496 : i32 to vector<16xi32>
      %add3A_498 = arith.addi %add3A_497, %iota3A : vector<16xi32>
      %lt3A_499 = arith.constant 170000 : i32
      %lt3A_500 = vector.broadcast %lt3A_499 : i32 to vector<16xi32>
      %lt3A_501 = arith.cmpi slt, %add3A_495, %lt3A_500 : vector<16xi32>
      %jit3A_502 = arith.constant 0.000000e+00 : f32
      %broadcast_in_dim3A_503 = vector.broadcast %jit3A_502 : f32 to vector<16xf32>
      %select_n3A_504 = arith.select %lt3A_501, %exp3A_488, %broadcast_in_dim3A_503 : vector<16xi1>, vector<16xf32>
      tpu.vector_store_idx %arg11[%add3A_498], %select_n3A_504 : memref<96xf32, #tpu.memory_space<vmem>>[vector<16xi32>], vector<16xf32>,
      %add3A_505 = arith.constant 32 : i32
      %add3A_506 = vector.broadcast %add3A_505 : i32 to vector<16xi32>
      %add3A_507 = arith.addi %add3A_506, %iota3A : vector<16xi32>
      %gather3A_508 = tpu.vector_load_idx %arg8[%broadcast_in_dim3A_438, %add3A_507] : memref<76x96xi32, #tpu.memory_space<vmem>>[vector<16xi32>, vector<16xi32>], vector<16xi32>,
      %add3A_509 = arith.constant 32 : i32
      %add3A_510 = vector.broadcast %add3A_509 : i32 to vector<16xi32>
      %add3A_511 = arith.addi %add3A_510, %iota3A : vector<16xi32>
      %gather3A_512 = tpu.vector_load_idx %arg9[%broadcast_in_dim3A_438, %add3A_511] : memref<76x96xi32, #tpu.memory_space<vmem>>[vector<16xi32>, vector<16xi32>], vector<16xi32>,
      %gather3A_513 = tpu.vector_load_idx %arg10[%broadcast_in_dim3A_5, %gather3A_508] : memref<2x10000xf32, #tpu.memory_space<vmem>>[vector<16xi32>, vector<16xi32>], vector<16xf32>,
      %gather3A_514 = tpu.vector_load_idx %arg10[%broadcast_in_dim3A_7, %gather3A_512] : memref<2x10000xf32, #tpu.memory_space<vmem>>[vector<16xi32>, vector<16xi32>], vector<16xf32>,
      %add3A_515 = arith.addf %gather3A_513, %gather3A_514 : vector<16xf32>
      %mul3A_516 = arith.constant 2.000000e-01 : f32
      %mul3A_517 = vector.broadcast %mul3A_516 : f32 to vector<16xf32>
      %mul3A_518 = arith.mulf %mul3A_517, %add3A_515 : vector<16xf32>
      %max3A_519 = arith.maximumf %add3A_515, %mul3A_518 : vector<16xf32>
      %sub3A_520 = arith.subf %max3A_519, %max3A_148 : vector<16xf32>
      %exp3A_521 = math.exp %sub3A_520 : vector<16xf32>
      %mul3A_522 = arith.constant 96 : i32
      %mul3A_523 = arith.muli %add3A_437, %mul3A_522 : i32
      %add3A_524 = arith.addi %select_n3A_157, %mul3A_523 : i32
      %add3A_525 = arith.constant 32 : i32
      %add3A_526 = arith.addi %add3A_524, %add3A_525 : i32
      %add3A_527 = vector.broadcast %add3A_526 : i32 to vector<16xi32>
      %add3A_528 = arith.addi %add3A_527, %iota3A : vector<16xi32>
      %add3A_529 = arith.constant 32 : i32
      %add3A_530 = vector.broadcast %add3A_529 : i32 to vector<16xi32>
      %add3A_531 = arith.addi %add3A_530, %iota3A : vector<16xi32>
      %lt3A_532 = arith.constant 170000 : i32
      %lt3A_533 = vector.broadcast %lt3A_532 : i32 to vector<16xi32>
      %lt3A_534 = arith.cmpi slt, %add3A_528, %lt3A_533 : vector<16xi32>
      %jit3A_535 = arith.constant 0.000000e+00 : f32
      %broadcast_in_dim3A_536 = vector.broadcast %jit3A_535 : f32 to vector<16xf32>
      %select_n3A_537 = arith.select %lt3A_534, %exp3A_521, %broadcast_in_dim3A_536 : vector<16xi1>, vector<16xf32>
      tpu.vector_store_idx %arg11[%add3A_531], %select_n3A_537 : memref<96xf32, #tpu.memory_space<vmem>>[vector<16xi32>], vector<16xf32>,
      %add3A_538 = arith.constant 48 : i32
      %add3A_539 = vector.broadcast %add3A_538 : i32 to vector<16xi32>
      %add3A_540 = arith.addi %add3A_539, %iota3A : vector<16xi32>
      %gather3A_541 = tpu.vector_load_idx %arg8[%broadcast_in_dim3A_438, %add3A_540] : memref<76x96xi32, #tpu.memory_space<vmem>>[vector<16xi32>, vector<16xi32>], vector<16xi32>,
      %add3A_542 = arith.constant 48 : i32
      %add3A_543 = vector.broadcast %add3A_542 : i32 to vector<16xi32>
      %add3A_544 = arith.addi %add3A_543, %iota3A : vector<16xi32>
      %gather3A_545 = tpu.vector_load_idx %arg9[%broadcast_in_dim3A_438, %add3A_544] : memref<76x96xi32, #tpu.memory_space<vmem>>[vector<16xi32>, vector<16xi32>], vector<16xi32>,
      %gather3A_546 = tpu.vector_load_idx %arg10[%broadcast_in_dim3A_5, %gather3A_541] : memref<2x10000xf32, #tpu.memory_space<vmem>>[vector<16xi32>, vector<16xi32>], vector<16xf32>,
      %gather3A_547 = tpu.vector_load_idx %arg10[%broadcast_in_dim3A_7, %gather3A_545] : memref<2x10000xf32, #tpu.memory_space<vmem>>[vector<16xi32>, vector<16xi32>], vector<16xf32>,
      %add3A_548 = arith.addf %gather3A_546, %gather3A_547 : vector<16xf32>
      %mul3A_549 = arith.constant 2.000000e-01 : f32
      %mul3A_550 = vector.broadcast %mul3A_549 : f32 to vector<16xf32>
      %mul3A_551 = arith.mulf %mul3A_550, %add3A_548 : vector<16xf32>
      %max3A_552 = arith.maximumf %add3A_548, %mul3A_551 : vector<16xf32>
      %sub3A_553 = arith.subf %max3A_552, %max3A_148 : vector<16xf32>
      %exp3A_554 = math.exp %sub3A_553 : vector<16xf32>
      %mul3A_555 = arith.constant 96 : i32
      %mul3A_556 = arith.muli %add3A_437, %mul3A_555 : i32
      %add3A_557 = arith.addi %select_n3A_157, %mul3A_556 : i32
      %add3A_558 = arith.constant 48 : i32
      %add3A_559 = arith.addi %add3A_557, %add3A_558 : i32
      %add3A_560 = vector.broadcast %add3A_559 : i32 to vector<16xi32>
      %add3A_561 = arith.addi %add3A_560, %iota3A : vector<16xi32>
      %add3A_562 = arith.constant 48 : i32
      %add3A_563 = vector.broadcast %add3A_562 : i32 to vector<16xi32>
      %add3A_564 = arith.addi %add3A_563, %iota3A : vector<16xi32>
      %lt3A_565 = arith.constant 170000 : i32
      %lt3A_566 = vector.broadcast %lt3A_565 : i32 to vector<16xi32>
      %lt3A_567 = arith.cmpi slt, %add3A_561, %lt3A_566 : vector<16xi32>
      %jit3A_568 = arith.constant 0.000000e+00 : f32
      %broadcast_in_dim3A_569 = vector.broadcast %jit3A_568 : f32 to vector<16xf32>
      %select_n3A_570 = arith.select %lt3A_567, %exp3A_554, %broadcast_in_dim3A_569 : vector<16xi1>, vector<16xf32>
      tpu.vector_store_idx %arg11[%add3A_564], %select_n3A_570 : memref<96xf32, #tpu.memory_space<vmem>>[vector<16xi32>], vector<16xf32>,
      %add3A_571 = arith.constant 64 : i32
      %add3A_572 = vector.broadcast %add3A_571 : i32 to vector<16xi32>
      %add3A_573 = arith.addi %add3A_572, %iota3A : vector<16xi32>
      %gather3A_574 = tpu.vector_load_idx %arg8[%broadcast_in_dim3A_438, %add3A_573] : memref<76x96xi32, #tpu.memory_space<vmem>>[vector<16xi32>, vector<16xi32>], vector<16xi32>,
      %add3A_575 = arith.constant 64 : i32
      %add3A_576 = vector.broadcast %add3A_575 : i32 to vector<16xi32>
      %add3A_577 = arith.addi %add3A_576, %iota3A : vector<16xi32>
      %gather3A_578 = tpu.vector_load_idx %arg9[%broadcast_in_dim3A_438, %add3A_577] : memref<76x96xi32, #tpu.memory_space<vmem>>[vector<16xi32>, vector<16xi32>], vector<16xi32>,
      %gather3A_579 = tpu.vector_load_idx %arg10[%broadcast_in_dim3A_5, %gather3A_574] : memref<2x10000xf32, #tpu.memory_space<vmem>>[vector<16xi32>, vector<16xi32>], vector<16xf32>,
      %gather3A_580 = tpu.vector_load_idx %arg10[%broadcast_in_dim3A_7, %gather3A_578] : memref<2x10000xf32, #tpu.memory_space<vmem>>[vector<16xi32>, vector<16xi32>], vector<16xf32>,
      %add3A_581 = arith.addf %gather3A_579, %gather3A_580 : vector<16xf32>
      %mul3A_582 = arith.constant 2.000000e-01 : f32
      %mul3A_583 = vector.broadcast %mul3A_582 : f32 to vector<16xf32>
      %mul3A_584 = arith.mulf %mul3A_583, %add3A_581 : vector<16xf32>
      %max3A_585 = arith.maximumf %add3A_581, %mul3A_584 : vector<16xf32>
      %sub3A_586 = arith.subf %max3A_585, %max3A_148 : vector<16xf32>
      %exp3A_587 = math.exp %sub3A_586 : vector<16xf32>
      %mul3A_588 = arith.constant 96 : i32
      %mul3A_589 = arith.muli %add3A_437, %mul3A_588 : i32
      %add3A_590 = arith.addi %select_n3A_157, %mul3A_589 : i32
      %add3A_591 = arith.constant 64 : i32
      %add3A_592 = arith.addi %add3A_590, %add3A_591 : i32
      %add3A_593 = vector.broadcast %add3A_592 : i32 to vector<16xi32>
      %add3A_594 = arith.addi %add3A_593, %iota3A : vector<16xi32>
      %add3A_595 = arith.constant 64 : i32
      %add3A_596 = vector.broadcast %add3A_595 : i32 to vector<16xi32>
      %add3A_597 = arith.addi %add3A_596, %iota3A : vector<16xi32>
      %lt3A_598 = arith.constant 170000 : i32
      %lt3A_599 = vector.broadcast %lt3A_598 : i32 to vector<16xi32>
      %lt3A_600 = arith.cmpi slt, %add3A_594, %lt3A_599 : vector<16xi32>
      %jit3A_601 = arith.constant 0.000000e+00 : f32
      %broadcast_in_dim3A_602 = vector.broadcast %jit3A_601 : f32 to vector<16xf32>
      %select_n3A_603 = arith.select %lt3A_600, %exp3A_587, %broadcast_in_dim3A_602 : vector<16xi1>, vector<16xf32>
      tpu.vector_store_idx %arg11[%add3A_597], %select_n3A_603 : memref<96xf32, #tpu.memory_space<vmem>>[vector<16xi32>], vector<16xf32>,
      %add3A_604 = arith.constant 80 : i32
      %add3A_605 = vector.broadcast %add3A_604 : i32 to vector<16xi32>
      %add3A_606 = arith.addi %add3A_605, %iota3A : vector<16xi32>
      %gather3A_607 = tpu.vector_load_idx %arg8[%broadcast_in_dim3A_438, %add3A_606] : memref<76x96xi32, #tpu.memory_space<vmem>>[vector<16xi32>, vector<16xi32>], vector<16xi32>,
      %add3A_608 = arith.constant 80 : i32
      %add3A_609 = vector.broadcast %add3A_608 : i32 to vector<16xi32>
      %add3A_610 = arith.addi %add3A_609, %iota3A : vector<16xi32>
      %gather3A_611 = tpu.vector_load_idx %arg9[%broadcast_in_dim3A_438, %add3A_610] : memref<76x96xi32, #tpu.memory_space<vmem>>[vector<16xi32>, vector<16xi32>], vector<16xi32>,
      %gather3A_612 = tpu.vector_load_idx %arg10[%broadcast_in_dim3A_5, %gather3A_607] : memref<2x10000xf32, #tpu.memory_space<vmem>>[vector<16xi32>, vector<16xi32>], vector<16xf32>,
      %gather3A_613 = tpu.vector_load_idx %arg10[%broadcast_in_dim3A_7, %gather3A_611] : memref<2x10000xf32, #tpu.memory_space<vmem>>[vector<16xi32>, vector<16xi32>], vector<16xf32>,
      %add3A_614 = arith.addf %gather3A_612, %gather3A_613 : vector<16xf32>
      %mul3A_615 = arith.constant 2.000000e-01 : f32
      %mul3A_616 = vector.broadcast %mul3A_615 : f32 to vector<16xf32>
      %mul3A_617 = arith.mulf %mul3A_616, %add3A_614 : vector<16xf32>
      %max3A_618 = arith.maximumf %add3A_614, %mul3A_617 : vector<16xf32>
      %sub3A_619 = arith.subf %max3A_618, %max3A_148 : vector<16xf32>
      %exp3A_620 = math.exp %sub3A_619 : vector<16xf32>
      %mul3A_621 = arith.constant 96 : i32
      %mul3A_622 = arith.muli %add3A_437, %mul3A_621 : i32
      %add3A_623 = arith.addi %select_n3A_157, %mul3A_622 : i32
      %add3A_624 = arith.constant 80 : i32
      %add3A_625 = arith.addi %add3A_623, %add3A_624 : i32
      %add3A_626 = vector.broadcast %add3A_625 : i32 to vector<16xi32>
      %add3A_627 = arith.addi %add3A_626, %iota3A : vector<16xi32>
      %add3A_628 = arith.constant 80 : i32
      %add3A_629 = vector.broadcast %add3A_628 : i32 to vector<16xi32>
      %add3A_630 = arith.addi %add3A_629, %iota3A : vector<16xi32>
      %lt3A_631 = arith.constant 170000 : i32
      %lt3A_632 = vector.broadcast %lt3A_631 : i32 to vector<16xi32>
      %lt3A_633 = arith.cmpi slt, %add3A_627, %lt3A_632 : vector<16xi32>
      %jit3A_634 = arith.constant 0.000000e+00 : f32
      %broadcast_in_dim3A_635 = vector.broadcast %jit3A_634 : f32 to vector<16xf32>
      %select_n3A_636 = arith.select %lt3A_633, %exp3A_620, %broadcast_in_dim3A_635 : vector<16xi1>, vector<16xf32>
      tpu.vector_store_idx %arg11[%add3A_630], %select_n3A_636 : memref<96xf32, #tpu.memory_space<vmem>>[vector<16xi32>], vector<16xf32>,
      %ge3A_637 = arith.constant 1 : i32
      %ge3A_638 = arith.cmpi sge, %add3A_437, %ge3A_637 : i32
      %convert_element_type3A_639 = arith.extui %ge3A_638 : i1 to i32
      %cond3A_640 = arith.constant 0 : i32
      %cond3A_641 = arith.cmpi ne, %convert_element_type3A_639, %cond3A_640 : i32
      scf.if %cond3A_641 {
        %sub3A_664 = arith.constant 1 : i32
        %sub3A_665 = arith.subi %add3A_437, %sub3A_664 : i32
        %dma_wait3A_666 = arith.constant 0 : i32
        %dma_wait3A_667 = tpu.memref_slice %arg9[%sub3A_665, %dma_wait3A_666] : memref<76x96xi32, #tpu.memory_space<vmem>> -> memref<1x96xi32, #tpu.memory_space<vmem>>
        %dma_wait3A_668 = tpu.memref_squeeze %dma_wait3A_667 : memref<1x96xi32, #tpu.memory_space<vmem>> -> memref<96xi32, #tpu.memory_space<vmem>>
        %dma_wait3A_669 = arith.constant 0 : i32
        %dma_wait3A_670 = arith.constant 0 : i32
        %dma_wait3A_671 = tpu.memref_slice %arg14[%dma_wait3A_669, %dma_wait3A_670] : memref<10112x80xf32, #tpu.memory_space<vmem_shared>> -> memref<10112x80xf32, #tpu.memory_space<vmem_shared>>
        tpu.wait_indirect_dma semaphore(%arg17 : memref<!tpu.dma_semaphore, #tpu.memory_space<semaphore_mem>>) src(%arg12 : memref<96x80xf32, #tpu.memory_space<vmem>>) dst(%dma_wait3A_671 : memref<10112x80xf32, #tpu.memory_space<vmem_shared>>)
      } else {
      }
      %add3A_642 = arith.constant 1 : i32
      %add3A_643 = arith.addi %add3A_437, %add3A_642 : i32
      %lt3A_644 = arith.cmpi slt, %add3A_643, %select_n3A_162 : i32
      %convert_element_type3A_645 = arith.extui %lt3A_644 : i1 to i32
      %cond3A_646 = arith.constant 0 : i32
      %cond3A_647 = arith.cmpi ne, %convert_element_type3A_645, %cond3A_646 : i32
      scf.if %cond3A_647 {
        %add3A_664 = arith.constant 1 : i32
        %add3A_665 = arith.addi %add3A_437, %add3A_664 : i32
        %dma_start3A_666 = arith.constant 0 : i32
        %dma_start3A_667 = tpu.memref_slice %arg8[%add3A_665, %dma_start3A_666] : memref<76x96xi32, #tpu.memory_space<vmem>> -> memref<1x96xi32, #tpu.memory_space<vmem>>
        %dma_start3A_668 = tpu.memref_squeeze %dma_start3A_667 : memref<1x96xi32, #tpu.memory_space<vmem>> -> memref<96xi32, #tpu.memory_space<vmem>>
        %dma_start3A_669 = arith.constant 0 : i32
        %dma_start3A_670 = arith.constant 0 : i32
        %dma_start3A_671 = tpu.memref_slice %arg2[%dma_start3A_669, %dma_start3A_670] : memref<10000x80xf32, #tpu.memory_space<hbm>> -> memref<10000x80xf32, #tpu.memory_space<hbm>>
        tpu.enqueue_indirect_dma source(%dma_start3A_671 : memref<10000x80xf32, #tpu.memory_space<hbm>>) target(%arg12 : memref<96x80xf32, #tpu.memory_space<vmem>>) offsets(%dma_start3A_668 : memref<96xi32, #tpu.memory_space<vmem>>) semaphore(%arg15 : memref<!tpu.dma_semaphore, #tpu.memory_space<semaphore_mem>>)
      } else {
      }
      %dma_wait3A_648 = arith.constant 0 : i32
      %dma_wait3A_649 = tpu.memref_slice %arg8[%add3A_437, %dma_wait3A_648] : memref<76x96xi32, #tpu.memory_space<vmem>> -> memref<1x96xi32, #tpu.memory_space<vmem>>
      %dma_wait3A_650 = tpu.memref_squeeze %dma_wait3A_649 : memref<1x96xi32, #tpu.memory_space<vmem>> -> memref<96xi32, #tpu.memory_space<vmem>>
      %dma_wait3A_651 = arith.constant 0 : i32
      %dma_wait3A_652 = arith.constant 0 : i32
      %dma_wait3A_653 = tpu.memref_slice %arg2[%dma_wait3A_651, %dma_wait3A_652] : memref<10000x80xf32, #tpu.memory_space<hbm>> -> memref<10000x80xf32, #tpu.memory_space<hbm>>
      tpu.wait_indirect_dma semaphore(%arg16 : memref<!tpu.dma_semaphore, #tpu.memory_space<semaphore_mem>>) src(%dma_wait3A_653 : memref<10000x80xf32, #tpu.memory_space<hbm>>) dst(%arg13 : memref<96x80xf32, #tpu.memory_space<vmem>>)
      %parallel_loop3A_654 = arith.constant 0 : i32
      %parallel_loop3A_655 = arith.constant 96 : i32
      %parallel_loop3A_656 = arith.constant 1 : i32
      scf.for %parallel_loop3A_664 = %parallel_loop3A_654 to %parallel_loop3A_655 step %parallel_loop3A_656  : i32 {
        %parallel_loop3A_665 = vector.broadcast %parallel_loop3A_664 : i32 to vector<16xi32>
        %parallel_loop3A_666 = tpu.vector_load_idx %arg11[%parallel_loop3A_665] : memref<96xf32, #tpu.memory_space<vmem>>[vector<16xi32>], vector<16xf32>,
        %parallel_loop3A_667 = arith.constant 0 : i32
        %parallel_loop3A_668 = vector.broadcast %parallel_loop3A_667 : i32 to vector<16xi32>
        %parallel_loop3A_669 = arith.addi %parallel_loop3A_668, %iota3A : vector<16xi32>
        %parallel_loop3A_670 = tpu.vector_load_idx %arg13[%parallel_loop3A_665, %parallel_loop3A_669] : memref<96x80xf32, #tpu.memory_space<vmem>>[vector<16xi32>, vector<16xi32>], vector<16xf32>,
        %parallel_loop3A_671 = arith.constant 0 : i32
        %parallel_loop3A_672 = vector.broadcast %parallel_loop3A_671 : i32 to vector<16xi32>
        %parallel_loop3A_673 = arith.addi %parallel_loop3A_672, %iota3A : vector<16xi32>
        %parallel_loop3A_674 = arith.mulf %parallel_loop3A_670, %parallel_loop3A_666 : vector<16xf32>
        tpu.vector_store_idx %arg13[%parallel_loop3A_665, %parallel_loop3A_673], %parallel_loop3A_674 : memref<96x80xf32, #tpu.memory_space<vmem>>[vector<16xi32>, vector<16xi32>], vector<16xf32>,
        %parallel_loop3A_675 = arith.constant 16 : i32
        %parallel_loop3A_676 = vector.broadcast %parallel_loop3A_675 : i32 to vector<16xi32>
        %parallel_loop3A_677 = arith.addi %parallel_loop3A_676, %iota3A : vector<16xi32>
        %parallel_loop3A_678 = tpu.vector_load_idx %arg13[%parallel_loop3A_665, %parallel_loop3A_677] : memref<96x80xf32, #tpu.memory_space<vmem>>[vector<16xi32>, vector<16xi32>], vector<16xf32>,
        %parallel_loop3A_679 = arith.constant 16 : i32
        %parallel_loop3A_680 = vector.broadcast %parallel_loop3A_679 : i32 to vector<16xi32>
        %parallel_loop3A_681 = arith.addi %parallel_loop3A_680, %iota3A : vector<16xi32>
        %parallel_loop3A_682 = arith.mulf %parallel_loop3A_678, %parallel_loop3A_666 : vector<16xf32>
        tpu.vector_store_idx %arg13[%parallel_loop3A_665, %parallel_loop3A_681], %parallel_loop3A_682 : memref<96x80xf32, #tpu.memory_space<vmem>>[vector<16xi32>, vector<16xi32>], vector<16xf32>,
        %parallel_loop3A_683 = arith.constant 32 : i32
        %parallel_loop3A_684 = vector.broadcast %parallel_loop3A_683 : i32 to vector<16xi32>
        %parallel_loop3A_685 = arith.addi %parallel_loop3A_684, %iota3A : vector<16xi32>
        %parallel_loop3A_686 = tpu.vector_load_idx %arg13[%parallel_loop3A_665, %parallel_loop3A_685] : memref<96x80xf32, #tpu.memory_space<vmem>>[vector<16xi32>, vector<16xi32>], vector<16xf32>,
        %parallel_loop3A_687 = arith.constant 32 : i32
        %parallel_loop3A_688 = vector.broadcast %parallel_loop3A_687 : i32 to vector<16xi32>
        %parallel_loop3A_689 = arith.addi %parallel_loop3A_688, %iota3A : vector<16xi32>
        %parallel_loop3A_690 = arith.mulf %parallel_loop3A_686, %parallel_loop3A_666 : vector<16xf32>
        tpu.vector_store_idx %arg13[%parallel_loop3A_665, %parallel_loop3A_689], %parallel_loop3A_690 : memref<96x80xf32, #tpu.memory_space<vmem>>[vector<16xi32>, vector<16xi32>], vector<16xf32>,
        %parallel_loop3A_691 = arith.constant 48 : i32
        %parallel_loop3A_692 = vector.broadcast %parallel_loop3A_691 : i32 to vector<16xi32>
        %parallel_loop3A_693 = arith.addi %parallel_loop3A_692, %iota3A : vector<16xi32>
        %parallel_loop3A_694 = tpu.vector_load_idx %arg13[%parallel_loop3A_665, %parallel_loop3A_693] : memref<96x80xf32, #tpu.memory_space<vmem>>[vector<16xi32>, vector<16xi32>], vector<16xf32>,
        %parallel_loop3A_695 = arith.constant 48 : i32
        %parallel_loop3A_696 = vector.broadcast %parallel_loop3A_695 : i32 to vector<16xi32>
        %parallel_loop3A_697 = arith.addi %parallel_loop3A_696, %iota3A : vector<16xi32>
        %parallel_loop3A_698 = arith.mulf %parallel_loop3A_694, %parallel_loop3A_666 : vector<16xf32>
        tpu.vector_store_idx %arg13[%parallel_loop3A_665, %parallel_loop3A_697], %parallel_loop3A_698 : memref<96x80xf32, #tpu.memory_space<vmem>>[vector<16xi32>, vector<16xi32>], vector<16xf32>,
        %parallel_loop3A_699 = arith.constant 64 : i32
        %parallel_loop3A_700 = vector.broadcast %parallel_loop3A_699 : i32 to vector<16xi32>
        %parallel_loop3A_701 = arith.addi %parallel_loop3A_700, %iota3A : vector<16xi32>
        %parallel_loop3A_702 = tpu.vector_load_idx %arg13[%parallel_loop3A_665, %parallel_loop3A_701] : memref<96x80xf32, #tpu.memory_space<vmem>>[vector<16xi32>, vector<16xi32>], vector<16xf32>,
        %parallel_loop3A_703 = arith.constant 64 : i32
        %parallel_loop3A_704 = vector.broadcast %parallel_loop3A_703 : i32 to vector<16xi32>
        %parallel_loop3A_705 = arith.addi %parallel_loop3A_704, %iota3A : vector<16xi32>
        %parallel_loop3A_706 = arith.mulf %parallel_loop3A_702, %parallel_loop3A_666 : vector<16xf32>
        tpu.vector_store_idx %arg13[%parallel_loop3A_665, %parallel_loop3A_705], %parallel_loop3A_706 : memref<96x80xf32, #tpu.memory_space<vmem>>[vector<16xi32>, vector<16xi32>], vector<16xf32>,
      } {sc.loop_unroll_factor = 4 : i64, sc.parallel_access}
      %dma_start3A_657 = arith.constant 0 : i32
      %dma_start3A_658 = tpu.memref_slice %arg9[%add3A_437, %dma_start3A_657] : memref<76x96xi32, #tpu.memory_space<vmem>> -> memref<1x96xi32, #tpu.memory_space<vmem>>
      %dma_start3A_659 = tpu.memref_squeeze %dma_start3A_658 : memref<1x96xi32, #tpu.memory_space<vmem>> -> memref<96xi32, #tpu.memory_space<vmem>>
      %dma_start3A_660 = arith.constant 0 : i32
      %dma_start3A_661 = arith.constant 0 : i32
      %dma_start3A_662 = tpu.memref_slice %arg14[%dma_start3A_660, %dma_start3A_661] : memref<10112x80xf32, #tpu.memory_space<vmem_shared>> -> memref<10112x80xf32, #tpu.memory_space<vmem_shared>>
      tpu.enqueue_indirect_dma source(%arg13 : memref<96x80xf32, #tpu.memory_space<vmem>>) target(%dma_start3A_662 : memref<10112x80xf32, #tpu.memory_space<vmem_shared>>) offsets(%dma_start3A_659 : memref<96xi32, #tpu.memory_space<vmem>>) semaphore(%arg18 : memref<!tpu.dma_semaphore, #tpu.memory_space<semaphore_mem>>) {add = true}
      %while3A_663 = arith.constant 0 : i32
      scf.yield %while3A_663 : i32
    }
    %sub3A_197 = arith.constant 1 : i32
    %sub3A_198 = arith.subi %select_n3A_162, %sub3A_197 : i32
    %dma_wait3A = arith.constant 0 : i32
    %dma_wait3A_199 = tpu.memref_slice %arg9[%sub3A_198, %dma_wait3A] : memref<76x96xi32, #tpu.memory_space<vmem>> -> memref<1x96xi32, #tpu.memory_space<vmem>>
    %dma_wait3A_200 = tpu.memref_squeeze %dma_wait3A_199 : memref<1x96xi32, #tpu.memory_space<vmem>> -> memref<96xi32, #tpu.memory_space<vmem>>
    %dma_wait3A_201 = arith.constant 0 : i32
    %dma_wait3A_202 = arith.constant 0 : i32
    %dma_wait3A_203 = tpu.memref_slice %arg14[%dma_wait3A_201, %dma_wait3A_202] : memref<10112x80xf32, #tpu.memory_space<vmem_shared>> -> memref<10112x80xf32, #tpu.memory_space<vmem_shared>>
    tpu.wait_indirect_dma semaphore(%arg18 : memref<!tpu.dma_semaphore, #tpu.memory_space<semaphore_mem>>) src(%arg13 : memref<96x80xf32, #tpu.memory_space<vmem>>) dst(%dma_wait3A_203 : memref<10112x80xf32, #tpu.memory_space<vmem_shared>>)
    %barrier3A_204 = arith.constant 0 : index
    tpu.barrier barrier_id(%barrier3A_204)
    %mul3A_205 = arith.constant 632 : i32
    %mul3A_206 = arith.muli %arg1, %mul3A_205 : i32
    %mul3A_207 = arith.constant 632 : i32
    %mul3A_208 = arith.muli %arg1, %mul3A_207 : i32
    "tpu.region"() ({
      %run_scoped3A = tpu.sem_alloc : memref<!tpu.dma_semaphore, #tpu.memory_space<semaphore_mem>>
      %dma_start3A_209 = arith.constant 0 : i32
      %dma_start3A_210 = tpu.memref_slice %arg7[%arg0, %mul3A_208, %dma_start3A_209] : memref<2x10112x80xf32, #tpu.memory_space<hbm>> -> memref<1x632x80xf32, #tpu.memory_space<hbm>>
      %dma_start3A_211 = tpu.memref_squeeze %dma_start3A_210 : memref<1x632x80xf32, #tpu.memory_space<hbm>> -> memref<632x80xf32, #tpu.memory_space<hbm>>
      %dma_start3A_212 = arith.constant 0 : i32
      %dma_start3A_213 = tpu.memref_slice %arg14[%mul3A_206, %dma_start3A_212] : memref<10112x80xf32, #tpu.memory_space<vmem_shared>> -> memref<632x80xf32, #tpu.memory_space<vmem_shared>>
      tpu.enqueue_dma source(%dma_start3A_213 : memref<632x80xf32, #tpu.memory_space<vmem_shared>>) target(%dma_start3A_211 : memref<632x80xf32, #tpu.memory_space<hbm>>) target_semaphore(%run_scoped3A : memref<!tpu.dma_semaphore, #tpu.memory_space<semaphore_mem>>)
      %dma_wait3A_214 = arith.constant 0 : i32
      %dma_wait3A_215 = tpu.memref_slice %arg7[%arg0, %mul3A_208, %dma_wait3A_214] : memref<2x10112x80xf32, #tpu.memory_space<hbm>> -> memref<1x632x80xf32, #tpu.memory_space<hbm>>
      %dma_wait3A_216 = tpu.memref_squeeze %dma_wait3A_215 : memref<1x632x80xf32, #tpu.memory_space<hbm>> -> memref<632x80xf32, #tpu.memory_space<hbm>>
      %dma_wait3A_217 = arith.constant 0 : i32
      %dma_wait3A_218 = tpu.memref_slice %arg14[%mul3A_206, %dma_wait3A_217] : memref<10112x80xf32, #tpu.memory_space<vmem_shared>> -> memref<632x80xf32, #tpu.memory_space<vmem_shared>>
      tpu.wait_dma2 semaphore(%run_scoped3A : memref<!tpu.dma_semaphore, #tpu.memory_space<semaphore_mem>>) src(%dma_wait3A_218 : memref<632x80xf32, #tpu.memory_space<vmem_shared>>) dst(%dma_wait3A_216 : memref<632x80xf32, #tpu.memory_space<hbm>>)
      tpu.yield
    }) : () -> ()
    return
  }
}

module attributes {stable_mosaic.version = 14 : i64} {
  func.func @_tc_prep_body(%arg0: memref<10000x7xf32, #tpu.memory_space<vmem>>, %arg1: memref<7x66xf32, #tpu.memory_space<vmem>>, %arg2: memref<1x66xf32, #tpu.memory_space<vmem>>, %arg3: memref<1x66xf32, #tpu.memory_space<vmem>>, %arg4: memref<10000x80xf32, #tpu.memory_space<vmem>>, %arg5: memref<2x10000xf32, #tpu.memory_space<vmem>>) attributes {dimension_semantics = [], scalar_prefetch = 0 : i64, scratch_operands = 0 : i64, tpu.core_type = #tpu.core_type<tc>} {
    %get3A = arith.constant 0 : index
    %get3A_0 = arith.constant 0 : index
    %get3A_1 = vector.load %arg0[%get3A, %get3A_0] : memref<10000x7xf32, #tpu.memory_space<vmem>>, vector<10000x7xf32>
    %get3A_2 = arith.constant 0 : index
    %get3A_3 = arith.constant 0 : index
    %get3A_4 = vector.load %arg1[%get3A_2, %get3A_3] : memref<7x66xf32, #tpu.memory_space<vmem>>, vector<7x66xf32>
    %dot_general3A = arith.constant dense<0.000000e+00> : vector<10000x66xf32>
    %dot_general3A_5 = tpu.matmul %get3A_1, %get3A_4, %dot_general3A {dimension_numbers = #tpu.dot_dimension_numbers<[1], [0], [0], [1], [0, 0, 1, 1], [], []>, transpose_lhs_hint = false} : vector<10000x7xf32>, vector<7x66xf32>, vector<10000x66xf32> -> vector<10000x66xf32>
    %get3A_6 = arith.constant 0 : index
    %get3A_7 = arith.constant 0 : index
    %get3A_8 = vector.load %arg2[%get3A_6, %get3A_7] : memref<1x66xf32, #tpu.memory_space<vmem>>, vector<1x66xf32>
    %mul3A = vector.broadcast %get3A_8 : vector<1x66xf32> to vector<10000x66xf32>
    %mul3A_9 = arith.mulf %dot_general3A_5, %mul3A : vector<10000x66xf32>
    %reduce_sum3A = arith.constant dense<0.000000e+00> : vector<10000xf32>
    %reduce_sum3A_10 = vector.multi_reduction <add>, %mul3A_9, %reduce_sum3A [1] : vector<10000x66xf32> to vector<10000xf32>
    %get3A_11 = arith.constant 0 : index
    %get3A_12 = arith.constant 0 : index
    %get3A_13 = vector.load %arg3[%get3A_11, %get3A_12] : memref<1x66xf32, #tpu.memory_space<vmem>>, vector<1x66xf32>
    %mul3A_14 = vector.broadcast %get3A_13 : vector<1x66xf32> to vector<10000x66xf32>
    %mul3A_15 = arith.mulf %dot_general3A_5, %mul3A_14 : vector<10000x66xf32>
    %reduce_sum3A_16 = arith.constant dense<0.000000e+00> : vector<10000xf32>
    %reduce_sum3A_17 = vector.multi_reduction <add>, %mul3A_15, %reduce_sum3A_16 [1] : vector<10000x66xf32> to vector<10000xf32>
    %broadcast_in_dim3A = arith.constant 1.000000e+00 : f32
    %broadcast_in_dim3A_18 = vector.broadcast %broadcast_in_dim3A : f32 to vector<10000x1xf32>
    %broadcast_in_dim3A_19 = arith.constant 0.000000e+00 : f32
    %broadcast_in_dim3A_20 = vector.broadcast %broadcast_in_dim3A_19 : f32 to vector<10000x13xf32>
    %concatenate3A = tpu.concatenate %dot_general3A_5, %broadcast_in_dim3A_18, %broadcast_in_dim3A_20 in 1 : vector<10000x66xf32>, vector<10000x1xf32>, vector<10000x13xf32> -> vector<10000x80xf32>
    %swap3A = arith.constant 0 : index
    %swap3A_21 = arith.constant 0 : index
    %swap3A_22 = vector.load %arg4[%swap3A, %swap3A_21] : memref<10000x80xf32, #tpu.memory_space<vmem>>, vector<10000x80xf32>
    tpu.vector_store %arg4[%swap3A, %swap3A_21], %concatenate3A {strides = array<i32>} : memref<10000x80xf32, #tpu.memory_space<vmem>>, vector<10000x80xf32>,
    %stack3A = vector.shape_cast %reduce_sum3A_10 : vector<10000xf32> to vector<1x10000xf32>
    %stack3A_23 = vector.shape_cast %reduce_sum3A_17 : vector<10000xf32> to vector<1x10000xf32>
    %stack3A_24 = tpu.concatenate %stack3A, %stack3A_23 in 0 : vector<1x10000xf32>, vector<1x10000xf32> -> vector<2x10000xf32>
    %swap3A_25 = arith.constant 0 : index
    %swap3A_26 = arith.constant 0 : index
    %swap3A_27 = vector.load %arg5[%swap3A_25, %swap3A_26] : memref<2x10000xf32, #tpu.memory_space<vmem>>, vector<2x10000xf32>
    tpu.vector_store %arg5[%swap3A_25, %swap3A_26], %stack3A_24 {strides = array<i32>} : memref<2x10000xf32, #tpu.memory_space<vmem>>, vector<2x10000xf32>,
    return
  }
}

module attributes {stable_mosaic.version = 14 : i64} {
  func.func @_tc_mid_body(%arg0: memref<2x10112x80xf32, #tpu.memory_space<vmem>>, %arg1: memref<1x66xf32, #tpu.memory_space<vmem>>, %arg2: memref<66x100xf32, #tpu.memory_space<vmem>>, %arg3: memref<1x100xf32, #tpu.memory_space<vmem>>, %arg4: memref<1x100xf32, #tpu.memory_space<vmem>>, %arg5: memref<10000x112xf32, #tpu.memory_space<vmem>>, %arg6: memref<2x10000xf32, #tpu.memory_space<vmem>>) attributes {dimension_semantics = [], scalar_prefetch = 0 : i64, scratch_operands = 0 : i64, tpu.core_type = #tpu.core_type<tc>} {
    %get3A = arith.constant 0 : index
    %get3A_0 = arith.constant 0 : index
    %get3A_1 = arith.constant 0 : index
    %get3A_2 = vector.load %arg0[%get3A, %get3A_0, %get3A_1] : memref<2x10112x80xf32, #tpu.memory_space<vmem>>, vector<1x10000x80xf32>
    %get3A_3 = vector.shape_cast %get3A_2 : vector<1x10000x80xf32> to vector<10000x80xf32>
    %get3A_4 = arith.constant 1 : index
    %get3A_5 = arith.constant 0 : index
    %get3A_6 = arith.constant 0 : index
    %get3A_7 = vector.load %arg0[%get3A_4, %get3A_5, %get3A_6] : memref<2x10112x80xf32, #tpu.memory_space<vmem>>, vector<1x10000x80xf32>
    %get3A_8 = vector.shape_cast %get3A_7 : vector<1x10000x80xf32> to vector<10000x80xf32>
    %slice3A = vector.extract_strided_slice %get3A_3 {offsets = [0, 0], sizes = [10000, 66], strides = [1, 1]} : vector<10000x80xf32> to vector<10000x66xf32>
    %slice3A_9 = vector.extract_strided_slice %get3A_8 {offsets = [0, 0], sizes = [10000, 66], strides = [1, 1]} : vector<10000x80xf32> to vector<10000x66xf32>
    %add3A = arith.addf %slice3A, %slice3A_9 : vector<10000x66xf32>
    %slice3A_10 = vector.extract_strided_slice %get3A_3 {offsets = [0, 66], sizes = [10000, 1], strides = [1, 1]} : vector<10000x80xf32> to vector<10000x1xf32>
    %slice3A_11 = vector.extract_strided_slice %get3A_8 {offsets = [0, 66], sizes = [10000, 1], strides = [1, 1]} : vector<10000x80xf32> to vector<10000x1xf32>
    %add3A_12 = arith.addf %slice3A_10, %slice3A_11 : vector<10000x1xf32>
    %add3A_13 = arith.constant 1.000000e-16 : f32
    %add3A_14 = vector.broadcast %add3A_13 : f32 to vector<10000x1xf32>
    %add3A_15 = arith.addf %add3A_12, %add3A_14 : vector<10000x1xf32>
    %div3A = vector.broadcast %add3A_15 : vector<10000x1xf32> to vector<10000x66xf32>
    %div3A_16 = arith.divf %add3A, %div3A : vector<10000x66xf32>
    %get3A_17 = arith.constant 0 : index
    %get3A_18 = arith.constant 0 : index
    %get3A_19 = vector.load %arg1[%get3A_17, %get3A_18] : memref<1x66xf32, #tpu.memory_space<vmem>>, vector<1x66xf32>
    %add3A_20 = vector.broadcast %get3A_19 : vector<1x66xf32> to vector<10000x66xf32>
    %add3A_21 = arith.addf %div3A_16, %add3A_20 : vector<10000x66xf32>
    %min3A = arith.constant 0.000000e+00 : f32
    %min3A_22 = vector.broadcast %min3A : f32 to vector<10000x66xf32>
    %min3A_23 = arith.minimumf %add3A_21, %min3A_22 : vector<10000x66xf32>
    %exp3A = math.exp %min3A_23 : vector<10000x66xf32>
    %sub3A = arith.constant 1.000000e+00 : f32
    %sub3A_24 = vector.broadcast %sub3A : f32 to vector<10000x66xf32>
    %sub3A_25 = arith.subf %exp3A, %sub3A_24 : vector<10000x66xf32>
    %mul3A = arith.constant 1.67326319 : f32
    %mul3A_26 = vector.broadcast %mul3A : f32 to vector<10000x66xf32>
    %mul3A_27 = arith.mulf %mul3A_26, %sub3A_25 : vector<10000x66xf32>
    %gt3A = arith.constant 0.000000e+00 : f32
    %gt3A_28 = vector.broadcast %gt3A : f32 to vector<10000x66xf32>
    %gt3A_29 = arith.cmpf ogt, %add3A_21, %gt3A_28 : vector<10000x66xf32>
    %select_n3A = arith.select %gt3A_29, %add3A_21, %mul3A_27 : vector<10000x66xi1>, vector<10000x66xf32>
    %mul3A_30 = arith.constant 1.05070102 : f32
    %mul3A_31 = vector.broadcast %mul3A_30 : f32 to vector<10000x66xf32>
    %mul3A_32 = arith.mulf %mul3A_31, %select_n3A : vector<10000x66xf32>
    %get3A_33 = arith.constant 0 : index
    %get3A_34 = arith.constant 0 : index
    %get3A_35 = vector.load %arg2[%get3A_33, %get3A_34] : memref<66x100xf32, #tpu.memory_space<vmem>>, vector<66x100xf32>
    %dot_general3A = arith.constant dense<0.000000e+00> : vector<10000x100xf32>
    %dot_general3A_36 = tpu.matmul %mul3A_32, %get3A_35, %dot_general3A {dimension_numbers = #tpu.dot_dimension_numbers<[1], [0], [0], [1], [0, 0, 1, 1], [], []>, transpose_lhs_hint = false} : vector<10000x66xf32>, vector<66x100xf32>, vector<10000x100xf32> -> vector<10000x100xf32>
    %get3A_37 = arith.constant 0 : index
    %get3A_38 = arith.constant 0 : index
    %get3A_39 = vector.load %arg3[%get3A_37, %get3A_38] : memref<1x100xf32, #tpu.memory_space<vmem>>, vector<1x100xf32>
    %mul3A_40 = vector.broadcast %get3A_39 : vector<1x100xf32> to vector<10000x100xf32>
    %mul3A_41 = arith.mulf %dot_general3A_36, %mul3A_40 : vector<10000x100xf32>
    %reduce_sum3A = arith.constant dense<0.000000e+00> : vector<10000xf32>
    %reduce_sum3A_42 = vector.multi_reduction <add>, %mul3A_41, %reduce_sum3A [1] : vector<10000x100xf32> to vector<10000xf32>
    %get3A_43 = arith.constant 0 : index
    %get3A_44 = arith.constant 0 : index
    %get3A_45 = vector.load %arg4[%get3A_43, %get3A_44] : memref<1x100xf32, #tpu.memory_space<vmem>>, vector<1x100xf32>
    %mul3A_46 = vector.broadcast %get3A_45 : vector<1x100xf32> to vector<10000x100xf32>
    %mul3A_47 = arith.mulf %dot_general3A_36, %mul3A_46 : vector<10000x100xf32>
    %reduce_sum3A_48 = arith.constant dense<0.000000e+00> : vector<10000xf32>
    %reduce_sum3A_49 = vector.multi_reduction <add>, %mul3A_47, %reduce_sum3A_48 [1] : vector<10000x100xf32> to vector<10000xf32>
    %broadcast_in_dim3A = arith.constant 1.000000e+00 : f32
    %broadcast_in_dim3A_50 = vector.broadcast %broadcast_in_dim3A : f32 to vector<10000x1xf32>
    %broadcast_in_dim3A_51 = arith.constant 0.000000e+00 : f32
    %broadcast_in_dim3A_52 = vector.broadcast %broadcast_in_dim3A_51 : f32 to vector<10000x11xf32>
    %concatenate3A = tpu.concatenate %dot_general3A_36, %broadcast_in_dim3A_50, %broadcast_in_dim3A_52 in 1 : vector<10000x100xf32>, vector<10000x1xf32>, vector<10000x11xf32> -> vector<10000x112xf32>
    %swap3A = arith.constant 0 : index
    %swap3A_53 = arith.constant 0 : index
    %swap3A_54 = vector.load %arg5[%swap3A, %swap3A_53] : memref<10000x112xf32, #tpu.memory_space<vmem>>, vector<10000x112xf32>
    tpu.vector_store %arg5[%swap3A, %swap3A_53], %concatenate3A {strides = array<i32>} : memref<10000x112xf32, #tpu.memory_space<vmem>>, vector<10000x112xf32>,
    %stack3A = vector.shape_cast %reduce_sum3A_42 : vector<10000xf32> to vector<1x10000xf32>
    %stack3A_55 = vector.shape_cast %reduce_sum3A_49 : vector<10000xf32> to vector<1x10000xf32>
    %stack3A_56 = tpu.concatenate %stack3A, %stack3A_55 in 0 : vector<1x10000xf32>, vector<1x10000xf32> -> vector<2x10000xf32>
    %swap3A_57 = arith.constant 0 : index
    %swap3A_58 = arith.constant 0 : index
    %swap3A_59 = vector.load %arg6[%swap3A_57, %swap3A_58] : memref<2x10000xf32, #tpu.memory_space<vmem>>, vector<2x10000xf32>
    tpu.vector_store %arg6[%swap3A_57, %swap3A_58], %stack3A_56 {strides = array<i32>} : memref<2x10000xf32, #tpu.memory_space<vmem>>, vector<2x10000xf32>,
    return
  }
}

module attributes {stable_mosaic.version = 14 : i64} {
  func.func @_tc_fina_body(%arg0: memref<2x10112x112xf32, #tpu.memory_space<vmem>>, %arg1: memref<1x100xf32, #tpu.memory_space<vmem>>, %arg2: memref<10000x100xf32, #tpu.memory_space<vmem>>) attributes {dimension_semantics = [], scalar_prefetch = 0 : i64, scratch_operands = 0 : i64, tpu.core_type = #tpu.core_type<tc>} {
    %get3A = arith.constant 0 : index
    %get3A_0 = arith.constant 0 : index
    %get3A_1 = arith.constant 0 : index
    %get3A_2 = vector.load %arg0[%get3A, %get3A_0, %get3A_1] : memref<2x10112x112xf32, #tpu.memory_space<vmem>>, vector<1x10000x112xf32>
    %get3A_3 = vector.shape_cast %get3A_2 : vector<1x10000x112xf32> to vector<10000x112xf32>
    %get3A_4 = arith.constant 1 : index
    %get3A_5 = arith.constant 0 : index
    %get3A_6 = arith.constant 0 : index
    %get3A_7 = vector.load %arg0[%get3A_4, %get3A_5, %get3A_6] : memref<2x10112x112xf32, #tpu.memory_space<vmem>>, vector<1x10000x112xf32>
    %get3A_8 = vector.shape_cast %get3A_7 : vector<1x10000x112xf32> to vector<10000x112xf32>
    %slice3A = vector.extract_strided_slice %get3A_3 {offsets = [0, 0], sizes = [10000, 100], strides = [1, 1]} : vector<10000x112xf32> to vector<10000x100xf32>
    %slice3A_9 = vector.extract_strided_slice %get3A_8 {offsets = [0, 0], sizes = [10000, 100], strides = [1, 1]} : vector<10000x112xf32> to vector<10000x100xf32>
    %add3A = arith.addf %slice3A, %slice3A_9 : vector<10000x100xf32>
    %slice3A_10 = vector.extract_strided_slice %get3A_3 {offsets = [0, 100], sizes = [10000, 1], strides = [1, 1]} : vector<10000x112xf32> to vector<10000x1xf32>
    %slice3A_11 = vector.extract_strided_slice %get3A_8 {offsets = [0, 100], sizes = [10000, 1], strides = [1, 1]} : vector<10000x112xf32> to vector<10000x1xf32>
    %add3A_12 = arith.addf %slice3A_10, %slice3A_11 : vector<10000x1xf32>
    %add3A_13 = arith.constant 1.000000e-16 : f32
    %add3A_14 = vector.broadcast %add3A_13 : f32 to vector<10000x1xf32>
    %add3A_15 = arith.addf %add3A_12, %add3A_14 : vector<10000x1xf32>
    %div3A = vector.broadcast %add3A_15 : vector<10000x1xf32> to vector<10000x100xf32>
    %div3A_16 = arith.divf %add3A, %div3A : vector<10000x100xf32>
    %get3A_17 = arith.constant 0 : index
    %get3A_18 = arith.constant 0 : index
    %get3A_19 = vector.load %arg1[%get3A_17, %get3A_18] : memref<1x100xf32, #tpu.memory_space<vmem>>, vector<1x100xf32>
    %add3A_20 = vector.broadcast %get3A_19 : vector<1x100xf32> to vector<10000x100xf32>
    %add3A_21 = arith.addf %div3A_16, %add3A_20 : vector<10000x100xf32>
    %min3A = arith.constant 0.000000e+00 : f32
    %min3A_22 = vector.broadcast %min3A : f32 to vector<10000x100xf32>
    %min3A_23 = arith.minimumf %add3A_21, %min3A_22 : vector<10000x100xf32>
    %exp3A = math.exp %min3A_23 : vector<10000x100xf32>
    %sub3A = arith.constant 1.000000e+00 : f32
    %sub3A_24 = vector.broadcast %sub3A : f32 to vector<10000x100xf32>
    %sub3A_25 = arith.subf %exp3A, %sub3A_24 : vector<10000x100xf32>
    %mul3A = arith.constant 1.67326319 : f32
    %mul3A_26 = vector.broadcast %mul3A : f32 to vector<10000x100xf32>
    %mul3A_27 = arith.mulf %mul3A_26, %sub3A_25 : vector<10000x100xf32>
    %gt3A = arith.constant 0.000000e+00 : f32
    %gt3A_28 = vector.broadcast %gt3A : f32 to vector<10000x100xf32>
    %gt3A_29 = arith.cmpf ogt, %add3A_21, %gt3A_28 : vector<10000x100xf32>
    %select_n3A = arith.select %gt3A_29, %add3A_21, %mul3A_27 : vector<10000x100xi1>, vector<10000x100xf32>
    %mul3A_30 = arith.constant 1.05070102 : f32
    %mul3A_31 = vector.broadcast %mul3A_30 : f32 to vector<10000x100xf32>
    %mul3A_32 = arith.mulf %mul3A_31, %select_n3A : vector<10000x100xf32>
    %swap3A = arith.constant 0 : index
    %swap3A_33 = arith.constant 0 : index
    %swap3A_34 = vector.load %arg2[%swap3A, %swap3A_33] : memref<10000x100xf32, #tpu.memory_space<vmem>>, vector<10000x100xf32>
    tpu.vector_store %arg2[%swap3A, %swap3A_33], %mul3A_32 {strides = array<i32>} : memref<10000x100xf32, #tpu.memory_space<vmem>>, vector<10000x100xf32>,
    return
  }
}

module attributes {stable_mosaic.version = 14 : i64} {
  func.func @_tc_finb_body(%arg0: memref<50x20000xf32, #tpu.memory_space<vmem>>, %arg1: memref<200x20000xf32, #tpu.memory_space<vmem>>, %arg2: memref<1x200xf32, #tpu.memory_space<vmem>>, %arg3: memref<200x200xf32, #tpu.memory_space<vmem>>, %arg4: memref<1x200xf32, #tpu.memory_space<vmem>>, %arg5: memref<50x200xi32, #tpu.memory_space<vmem>>, %arg6: memref<50x200xf32, #tpu.memory_space<vmem>>) attributes {dimension_semantics = [], scalar_prefetch = 0 : i64, scratch_operands = 0 : i64, tpu.core_type = #tpu.core_type<tc>} {
    %get3A = arith.constant 0 : index
    %get3A_0 = arith.constant 0 : index
    %get3A_1 = vector.load %arg0[%get3A, %get3A_0] : memref<50x20000xf32, #tpu.memory_space<vmem>>, vector<50x20000xf32>
    %get3A_2 = arith.constant 0 : index
    %get3A_3 = arith.constant 0 : index
    %get3A_4 = vector.load %arg1[%get3A_2, %get3A_3] : memref<200x20000xf32, #tpu.memory_space<vmem>>, vector<200x20000xf32>
    %dot_general3A = arith.constant dense<0.000000e+00> : vector<50x200xf32>
    %dot_general3A_5 = tpu.matmul %get3A_1, %get3A_4, %dot_general3A {dimension_numbers = #tpu.dot_dimension_numbers<[1], [1], [0], [0], [0, 0, 1, 0], [], []>, transpose_lhs_hint = false} : vector<50x20000xf32>, vector<200x20000xf32>, vector<50x200xf32> -> vector<50x200xf32>
    %get3A_6 = arith.constant 0 : index
    %get3A_7 = arith.constant 0 : index
    %get3A_8 = vector.load %arg2[%get3A_6, %get3A_7] : memref<1x200xf32, #tpu.memory_space<vmem>>, vector<1x200xf32>
    %add3A = vector.broadcast %get3A_8 : vector<1x200xf32> to vector<50x200xf32>
    %add3A_9 = arith.addf %dot_general3A_5, %add3A : vector<50x200xf32>
    %min3A = arith.constant 0.000000e+00 : f32
    %min3A_10 = vector.broadcast %min3A : f32 to vector<50x200xf32>
    %min3A_11 = arith.minimumf %add3A_9, %min3A_10 : vector<50x200xf32>
    %exp3A = math.exp %min3A_11 : vector<50x200xf32>
    %sub3A = arith.constant 1.000000e+00 : f32
    %sub3A_12 = vector.broadcast %sub3A : f32 to vector<50x200xf32>
    %sub3A_13 = arith.subf %exp3A, %sub3A_12 : vector<50x200xf32>
    %mul3A = arith.constant 1.67326319 : f32
    %mul3A_14 = vector.broadcast %mul3A : f32 to vector<50x200xf32>
    %mul3A_15 = arith.mulf %mul3A_14, %sub3A_13 : vector<50x200xf32>
    %gt3A = arith.constant 0.000000e+00 : f32
    %gt3A_16 = vector.broadcast %gt3A : f32 to vector<50x200xf32>
    %gt3A_17 = arith.cmpf ogt, %add3A_9, %gt3A_16 : vector<50x200xf32>
    %select_n3A = arith.select %gt3A_17, %add3A_9, %mul3A_15 : vector<50x200xi1>, vector<50x200xf32>
    %mul3A_18 = arith.constant 1.05070102 : f32
    %mul3A_19 = vector.broadcast %mul3A_18 : f32 to vector<50x200xf32>
    %mul3A_20 = arith.mulf %mul3A_19, %select_n3A : vector<50x200xf32>
    %get3A_21 = arith.constant 0 : index
    %get3A_22 = arith.constant 0 : index
    %get3A_23 = vector.load %arg3[%get3A_21, %get3A_22] : memref<200x200xf32, #tpu.memory_space<vmem>>, vector<200x200xf32>
    %dot_general3A_24 = arith.constant dense<0.000000e+00> : vector<50x200xf32>
    %dot_general3A_25 = tpu.matmul %mul3A_20, %get3A_23, %dot_general3A_24 {dimension_numbers = #tpu.dot_dimension_numbers<[1], [1], [0], [0], [0, 0, 1, 0], [], []>, transpose_lhs_hint = false} : vector<50x200xf32>, vector<200x200xf32>, vector<50x200xf32> -> vector<50x200xf32>
    %get3A_26 = arith.constant 0 : index
    %get3A_27 = arith.constant 0 : index
    %get3A_28 = vector.load %arg4[%get3A_26, %get3A_27] : memref<1x200xf32, #tpu.memory_space<vmem>>, vector<1x200xf32>
    %add3A_29 = vector.broadcast %get3A_28 : vector<1x200xf32> to vector<50x200xf32>
    %add3A_30 = arith.addf %dot_general3A_25, %add3A_29 : vector<50x200xf32>
    %get3A_31 = arith.constant 0 : index
    %get3A_32 = arith.constant 0 : index
    %get3A_33 = vector.load %arg5[%get3A_31, %get3A_32] : memref<50x200xi32, #tpu.memory_space<vmem>>, vector<50x200xi32>
    %get3A_34 = arith.constant dense<0> : vector<50x200xi32>
    %get3A_35 = arith.cmpi ne, %get3A_33, %get3A_34 : vector<50x200xi32>
    %jit3A = arith.constant 0xFF800000 : f32
    %broadcast_in_dim3A = vector.broadcast %jit3A : f32 to vector<50x200xf32>
    %select_n3A_36 = arith.select %get3A_35, %add3A_30, %broadcast_in_dim3A : vector<50x200xi1>, vector<50x200xf32>
    %swap3A = arith.constant 0 : index
    %swap3A_37 = arith.constant 0 : index
    %swap3A_38 = vector.load %arg6[%swap3A, %swap3A_37] : memref<50x200xf32, #tpu.memory_space<vmem>>, vector<50x200xf32>
    tpu.vector_store %arg6[%swap3A, %swap3A_37], %select_n3A_36 {strides = array<i32>} : memref<50x200xf32, #tpu.memory_space<vmem>>, vector<50x200xf32>,
    return
  }
}

</mosaic_0001>

<sc_bundles>
// kernel: kernel.11.cloned.1.call-start
scs
__scs_entry_jumppad:
0x0: {  	(pc) =	sbr.rel $0x88, $3  }
0x1: {  	(tag) =	ssettag $0x0;
	lr =	simm.s32 $0x1  }
0x2: {  	[smem:$0x3F92] =	sst lr;
	_ =	strace $0xD0000000  }
0x3: {  	_ = 	snop  }
0x4: {  	_ = 	snop  }
0x5: {  	_ = 	snop  }
0x6: {  	_ = 	snop  }
0x7: {  	_ = 	snop  }
__scs_overlays_trampoline_lowered:
0x8: {  	[smem:$0x3FA1] =	sst s0  }
0x9: {  	[smem:$0x3FA2] =	sst s1  }
0xa: {  	[smem:$0x3FA3] =	sst s2  }
0xb: {  	[smem:$0x3FA4] =	sst s3  }
0xc: {  	[smem:$0x3FA5] =	sst s4  }
0xd: {  	[smem:$0x3FA6] =	sst s5  }
0xe: {  	[smem:$0x3FA7] =	sst s6  }
0xf: {  	[smem:$0x3FA8] =	sst s7  }
0x10: {  	[smem:$0x3FA9] =	sst s8  }
0x11: {  	[smem:$0x3FAA] =	sst s9;
	s0 =	simm.s32 @!p0 $0x0  }
0x12: {  	s1 =	sld [smem:$0x3F90];
	s0 =	simm.s32 @p0 $0x1  }
0x13: {  	[smem:$0x3FAB] =	sst s0;
	s0 =	simm.s32 @!p1 $0x0  }
0x14: {  	s2 =	sld [smem:$0x3F8F];
	s0 =	simm.s32 @p1 $0x1  }
0x15: {  	[smem:$0x3FAC] =	sst s0;
	s0 =	simm.s32 @!p2 $0x0  }
0x16: {  	s3 =	sld [smem:$0x3FDB];
	s0 =	simm.s32 @p2 $0x1  }
0x17: {  	s4 =	simm.s32 $0x1BF5;
	[smem:$0x3FAE] =	sst s0  }
0x18: {  	s0 =	sld [smem:$0x3F91];
	_ =	swait.ge [sflag:s4], $0x0  }
0x19: {  	s7 =	sld [smem:$0x3F92]  }
0x1a: {  	s8 =	sadd.s32 $0xFFFFE003, lr  }
0x1b: {  	s9 =	sadd.s32 $0xFFFFFEF7, lr;
	s5 =	simm.s32 $0xFFFFFFFF;
	p2 =	slt.u32 s8, $0xFFFFF086  }
0x1c: {  	p1 =	slt.u32 s9, $0xF7A;
	s5 =	simm.s32 @!p2 $0x0  }
0x1d: {  	s5 =	simm.s32 @p1 $0x1;
	p0 =	seq.s32 s7, s2  }
0x1e: {  	s7 =	smul.u32 @!p0 $0xF7A, s2;
	p2 =	seq.s32 @!p0 s5, $0x0  }
0x1f: {  	s9 =	smul.u32 $0xF7A, s1;
	s8 =	simm.s32 @!p0 $0x1BF5;
	p2 =	por !p2, p0  }
0x20: {  	[sflag:s8] =	ssyncset.s32 @!p0 $0xFFFFF086;
	s6 =	sadd.s32 @!p0 s3, s7;
	s7 =	simm.s32 @!p0 $0x108  }
0x21: {  	s3 =	sadd.s32 s3, s9;
	s6 =	sadd.s32 @!p0 $0x88, s6;
	s7 =	simm.s32 @p2 $0x1082  }
0x22: {  	[simem:s7], [sflag:s8] =	dma.local @!p0 [hbm:s6], $0xF7A  }
0x23: {  	s9 =	sor.u32 $0xD0000000, s2;
	s6 =	simm.s32 $0x108;
	_ =	swait.ge @!p0 [sflag:s8], $0x0  }
0x24: {  	s3 =	sadd.s32 $0x88, s3;
	s6 =	simm.s32 @!p1 $0x1082;
	[sflag:s4] =	ssyncset.s32 $0xFFFFF086  }
0x25: {  	[simem:s6], [sflag:s4] =	dma.local [hbm:s3], $0xF7A  }
0x26: {  	[smem:$0x3F92] =	sst s1;
	(tag) =	ssettag s2;
	_ =	strace s9  }
0x27: {  	s1 =	sld [smem:$0x3FA2]  }
0x28: {  	s2 =	sld [smem:$0x3FA3]  }
0x29: {  	s4 =	sld [smem:$0x3FA5]  }
0x2a: {  	p0 =	seq.s32 s5, $0x0;
	s5 =	sld [smem:$0x3FA6]  }
0x2b: {  	s6 =	sld [smem:$0x3FA7]  }
0x2c: {  	s7 =	sld [smem:$0x3FA8]  }
0x2d: {  	s3 =	simm.s32 $0x108;
	s8 =	sld [smem:$0x3FA9]  }
0x2e: {  	s3 =	simm.s32 @!p0 $0x1082;
	s9 =	sld [smem:$0x3FAA]  }
0x2f: {  	lr =	sadd.s32 s0, s3;
	s0 =	sld [smem:$0x3FA1]  }
0x30: {  	s3 =	sld [smem:$0x3FA4]  }
0x31: {  	[smem:$0x3FAD] =	sst s10  }
0x32: {  	s10 =	sld [smem:$0x3FAB];
	_ =	sdelay $0x3  }
0x33: {  	p0 =	seq.s32 s10, $0x1;
	s10 =	sld [smem:$0x3FAD];
	_ =	sdelay $0x3  }
0x34: {  	[smem:$0x3FAD] =	sst s10  }
0x35: {  	s10 =	sld [smem:$0x3FAC];
	_ =	sdelay $0x3  }
0x36: {  	p1 =	seq.s32 s10, $0x1;
	s10 =	sld [smem:$0x3FAD];
	_ =	sdelay $0x3  }
0x37: {  	[smem:$0x3FAD] =	sst s10  }
0x38: {  	s10 =	sld [smem:$0x3FAE]  }
0x39: {  	_ = 	snop;
	(pc) =	sbr.ind lr, $3  }
0x3a: {  	_ = 	snop  }
0x3b: {  	_ = 	snop  }
0x3c: {  	p2 =	seq.s32 s10, $0x1;
	s10 =	sld [smem:$0x3FAD]  }
0x3d: {  	_ =	shalt  }
0x3e: {  	_ =	shalt  }
0x3f: {  	_ =	shalt  }
0x40: {  	_ =	shalt  }
0x41: {  	_ =	shalt  }
0x42: {  	_ =	shalt  }
0x43: {  	_ =	shalt  }
0x44: {  	_ =	shalt  }
0x45: {  	_ =	shalt  }
0x46: {  	_ =	shalt  }
0x47: {  	_ =	shalt  }
0x48: {  	_ =	shalt  }
0x49: {  	_ =	shalt  }
0x4a: {  	_ =	shalt  }
0x4b: {  	_ =	shalt  }
0x4c: {  	_ =	shalt  }
0x4d: {  	_ =	shalt  }
0x4e: {  	_ =	shalt  }
0x4f: {  	_ =	shalt  }
0x50: {  	_ =	shalt  }
0x51: {  	_ =	shalt  }
0x52: {  	_ =	shalt  }
0x53: {  	_ =	shalt  }
0x54: {  	_ =	shalt  }
0x55: {  	_ =	shalt  }
0x56: {  	_ =	shalt  }
0x57: {  	_ =	shalt  }
0x58: {  	_ =	shalt  }
0x59: {  	_ =	shalt  }
0x5a: {  	_ =	shalt  }
0x5b: {  	_ =	shalt  }
0x5c: {  	_ =	shalt  }
0x5d: {  	_ =	shalt  }
0x5e: {  	_ =	shalt  }
0x5f: {  	_ =	shalt  }
0x60: {  	_ =	shalt  }
0x61: {  	_ =	shalt  }
0x62: {  	_ =	shalt  }
0x63: {  	_ =	shalt  }
0x64: {  	_ =	shalt  }
0x65: {  	_ =	shalt  }
0x66: {  	_ =	shalt  }
0x67: {  	_ =	shalt  }
0x68: {  	_ =	shalt  }
0x69: {  	_ =	shalt  }
0x6a: {  	_ =	shalt  }
0x6b: {  	_ =	shalt  }
0x6c: {  	_ =	shalt  }
0x6d: {  	_ =	shalt  }
0x6e: {  	_ =	shalt  }
0x6f: {  	_ =	shalt  }
0x70: {  	_ =	shalt  }
0x71: {  	_ =	shalt  }
0x72: {  	_ =	shalt  }
0x73: {  	_ =	shalt  }
0x74: {  	_ =	shalt  }
0x75: {  	_ =	shalt  }
0x76: {  	_ =	shalt  }
0x77: {  	_ =	shalt  }
0x78: {  	_ =	shalt  }
0x79: {  	_ =	shalt  }
0x7a: {  	_ =	shalt  }
0x7b: {  	_ =	shalt  }
0x7c: {  	_ =	shalt  }
0x7d: {  	_ =	shalt  }
0x7e: {  	_ =	shalt  }
0x7f: {  	_ =	shalt  }
0x80: {  	_ =	shalt  }
0x81: {  	_ =	shalt  }
0x82: {  	_ =	shalt  }
0x83: {  	_ =	shalt  }
0x84: {  	_ =	shalt  }
0x85: {  	_ =	shalt  }
0x86: {  	_ =	shalt  }
0x87: {  	_ =	shalt  }
.Lfunc_end0:
.L_simem_size_0:
called_computation.1_lowered:
.L_overlay_start_0:
0x88: {  	s2 =	sld [smem:$0x3FD9]  }
0x89: {  	s3 =	sld [smem:$0x3FFE];
	_ =	sdelay $0x1  }
0x8a: {  	s1 =	srdreg.scid  }
0x8b: {  	s0 =	sand.u32 $0x1, s1  }
0x8c: {  	s16 =	sshll.u32 s0, $0xA;
	s2 =	sadd.s32 s3, s2  }
0x8d: {  	s2 =	sadd.s32 s2, s16  }
0x8e: {  	[smem:$0x3FB9] =	sst s2  }
0x8f: {  	_ = 	snop  }
0x90: {  	(tm) =	ssettm $0x1  }
0x91: {  	s17 =	sld [smem:$0x3FFB];
	_ =	sdelay $0x3  }
0x92: {  	_ =	strace s17  }
0x93: {  	s2 =	sld [smem:$0x3FFC];
	_ =	sdelay $0x3  }
0x94: {  	_ =	strace s2  }
0x95: {  	s2 =	sld [smem:$0x3FFD];
	_ =	sdelay $0x3  }
0x96: {  	_ =	strace s2  }
0x97: {  	_ =	strace $0x8FFFFFFF  }
0x98: {  	s18 =	sld [smem:$0x3FDB];
	_ =	sdelay $0x1  }
0x99: {  	s19 =	simm.s32 $_scs_section_size  }
0x9a: {  	s4 =	simm.s32 $_size__tile_overlayer_lowered;
	s5 =	simm.s32 $_tile_overlayer_lowered  }
0x9b: {  	s22 =	simm.s32 $0x1BFF;
	s21 =	sshll.u32 s5, $0x1;
	s2 =	sadd.s32 s19, s18  }
0x9c: {  	s6 =	simm.s32 $0x0;
	s20 =	sshll.u32 s4, $0x1;
	s4 =	sadd.s32 s21, s2  }
0x9d: {  	[timem:s6], [sflag:s22] =	dma.local [hbm:s4], s20  }
0x9e: {  	_ =	swait.ge [sflag:s22], s20  }
0x9f: {  	s3 =	ssub.s32 $0x0, s20;
	[sflag:s22] =	ssyncset.done $0x0  }
0xa0: {  	[sflag:s22] =	ssyncadd.s32 s3;
	_ =	sdelay $0x1  }
0xa1: {  	s23 =	simm.s32 $0x1B8B  }
0xa2: {  	_ =	swait.ge [sflag:s23], $0x1  }
0xa3: {  	[sflag:s23] =	ssyncset.done $0x0  }
0xa4: {  	s25 =	simm.s32 $0x1B8E;
	s24 =	sld [smem:$0x3FFE];
	[sflag:s23] =	ssyncadd.s32 $0xFFFFFFFF  }
0xa5: {  	s26 =	simm.s32 $execute0_lowered;
	[smem:$0x3FD2] =	sst s25  }
0xa6: {  	s4 =	sshll.u32 s26, $0x1;
	_ =	strace $0x80000049;
	[dreg:$0x1] =	wrdreg $0xFFFFFFFF  }
0xa7: {  	s28 =	simm.s32 $_size_execute0_lowered;
	s2 =	sadd.s32 s2, s4;
	[dreg:$0x0] =	wrdreg $0x0  }
0xa8: {  	s4 =	sshll.u32 s28, $0x1;
	[dreg:$0x2] =	wrdreg s2  }
0xa9: {  	[dreg:$0x3] =	wrdreg s4  }
0xaa: {  	[dreg:$0x4] =	wrdreg $0xC0  }
0xab: {  	_ =	task [dreg:s6], $0x5FFFF  }
0xac: {  	[dreg:$0x1] =	wrdreg $0xFFFFFFFF  }
0xad: {  	[dreg:$0x0] =	wrdreg $0x60  }
0xae: {  	[dreg:$0x2] =	wrdreg s24  }
0xaf: {  	[dreg:$0x3] =	wrdreg $0xDB800  }
0xb0: {  	[dreg:$0x4] =	wrdreg $0x9  }
0xb1: {  	_ =	task.clear_ibuf [dreg:s6], $0x5FFFF;
	_ =	strace $0x90000049  }
0xb2: {  	s29 =	simm.s32 $0x9;
	_ =	strace $0x8000004B  }
0xb3: {  	_ =	swait.ge [sflag:s29], $0x1  }
0xb4: {  	[sflag:s29] =	ssyncadd.s32 $0xFFFFFFFF  }
0xb5: {  	_ =	strace $0x9000004B  }
0xb6: {  	_ =	sfence  }
0xb7: {  	s30 =	sld [smem:$0x0];
	_ =	sdelay $0x2  }
0xb8: {  	s31 =	sshll.u32 s1, $0xD;
	s1 =	sshrl.u32 s1, $0x2  }
0xb9: {  	s3 =	sand.u32 $0x4000, s31;
	s1 =	sadd.s32 s1, s30  }
0xba: {  	s0 =	sor.u32 s3, s0;
	s1 =	sshll.u32 s1, $0x11  }
0xbb: {  	s0 =	sor.u32 s1, s0  }
0xbc: {  	s0 =	sadd.s32 $0x8F2B, s0  }
0xbd: {  	[sflag:s0] =	ssyncadd.remote.s32 $0x1  }
0xbe: {  	_ =	sfence.sel $0xFFFF  }
0xbf: {  	[dreg:$0x0] =	wrdreg $0xFFFFFFFF;
	(pc) =	sbr.abs _section_cstart, $3  }
0xc0: {  	[dreg:$0x1] =	wrdreg $0xFFFFFFFF  }
0xc1: {  	_ =	task.clear_ibuf [dreg:s6], $0x2FFFF;
	_ =	strace $0x9FFFFFFF  }
0xc2: {  	(tm) =	ssettm $0x7FFFFFFF  }
0xc3: {  	_ =	shalt  }
tec
execute0_lowered:
.L_overlay_start_1:
0x0: {  	(tag) =	ssettag $0x1  }
0x1: {  	s0 =	srdreg.scid;
	s5 =	rddreg [dreg:$0x0]  }
0x2: {  	s16 =	stileid.u32;
	s2 =	rddreg [dreg:$0x1]  }
0x3: {  	s3 =	simm.s32 $0x0;
	s14 =	simm.s32 $0x3900;
	s15 =	simm.s32 $0x5  }
0x4: {  	s19 =	simm.s32 $0x8720;
	s20 =	simm.s32 $0x60;
	s21 =	simm.s32 $0x8780  }
0x5: {  	s22 =	simm.s32 $0x1;
	s28 =	simm.s32 $0x0;
	s29 =	simm.s32 $0x0  }
0x6: {  	s0 =	sand.u32 $0x1, s0;
	s8 =	smul.u32 $0x11480, s16;
	[smem:$0x7FF] =	sst s3  }
0x7: {  	s4 =	sadd.s32 $0xFA00, s5;
	s7 =	sadd.s32 $0x31E00, s5;
	s25 =	smul.u32 $0xD80, s16  }
0x8: {  	s31 =	sshll.u32 s16, $0x6;
	s1 =	sshll.u32 s0, $0x4;
	s6 =	smul.u32 $0x114800, s0  }
0x9: {  	_ =	strace $0x8000004A;
	[dreg:$0x3] =	wrdreg s7;
	s9 =	ssub.s32 $0x2, s0  }
0xa: {  	p0 =	seq.s32 s0, $0x0;
	s17 =	sor.u32 $0x1C05, s31;
	s1 =	sor.u32 s16, s1  }
0xb: {  	s23 =	sshrl.u32 s8, $0x3;
	s24 =	sshrl.u32 s9, $0x1;
	s18 =	sadd.s32 s8, s2  }
0xc: {  	s1 =	smul.u32 $0x390, s1;
	s6 =	sadd.s32 s8, s6;
	s10 =	sadd.s32 s23, s5  }
0xd: {  	s13 =	ssub.s32 s9, s24;
	s8 =	sadd.s32 $0x1C800, s25;
	s9 =	simm.s32 $0x4C  }
0xe: {  	s18 =	sshrl.u32 s18, $0x3;
	s23 =	simm.s32 $0x3;
	s24 =	simm.s32 $0x2  }
0xf: {  	s25 =	simm.s32 $0xB180;
	s6 =	sshrl.u32 s6, $0x3;
	s30 =	sadd.s32 $0x32800, s10  }
0x10: {  	v0 =	vlaneseq.u32;
	s9 =	simm.s32 @!p0 $0x24;
	s13 =	smax.u32 s13, $0x1;
	s1 =	sadd.s32 s1, s5  }
0x11: {  	v3 =	vmul.u32 $0xFFFFFFFF, v0;
	[dreg:$0x6] =	wrdreg s30;
	s26 =	sadd.s32 $0x1600, s1;
	s1 =	sadd.s32 $0x8800, s1  }
0x12: {  	v1 =	vor.u32 $0x2710, v0;
	v2 =	vor.u32 $0x10, v0;
	s5 =	sadd.s32 s6, s5;
	[dreg:$0x5] =	wrdreg s1;
	s1 =	smul.u32 $0x1C80, s16  }
0x13: {  	v35 =	vor.u32 $0x20, v0;
	v36 =	vor.u32 $0x30, v0;
	[tilespmem:$0x1FFF0] =	vst v1;
	v3 =	vadd.s32 $0x29810, v3;
	s11 =	sshrl.u32 s9, $0x1;
	s12 =	sadd.s32 $0x55200, s5;
	[dreg:$0x4] =	wrdreg s26  }
0x14: {  	v37 =	vor.u32 $0x40, v0;
	v38 =	vor.u32 $0x50, v0;
	v39 =	vor.u32 $0x60, v0;
	[tilespmem:$0x1FFE0] =	vst v3;
	s16 =	simm.s32 $0x1C80;
	s26 =	simm.s32 $0x4;
	s8 =	smov.u32 @p0 s1  }
.LBB2_1:
0x15: {  	s0 =	rddreg [dreg:$0x3]  }
0x16: {  	[tilespmem:s14], [sflag:$0x5] =	stream.linear.gather [hbm4b:s0+s3], $0x4E20, $0x38;
	[tilespmem:$0x1F000] =	vst v63  }
0x17: {  	_ =	swait.ge [sflag:s15], $0x4E20  }
0x18: {  	[sflag:s15] =	ssyncset.done $0x0  }
0x19: {  	s7 =	rddreg [dreg:$0x4];
	[sflag:s15] =	ssyncadd.s32 $0xFFFFB1E0  }
0x1a: {  	[tilespmem:s3], [sflag:$0x5] =	stream.linear.gather [hbm4b:s7+s3], $0x1C80, $0x38;
	[tilespmem:$0x1F000] =	vst v63  }
0x1b: {  	_ =	swait.ge [sflag:s15], $0x1C80  }
0x1c: {  	[sflag:s15] =	ssyncset.done $0x0  }
0x1d: {  	s10 =	rddreg [dreg:$0x5];
	[sflag:s15] =	ssyncadd.s32 $0xFFFFE380  }
0x1e: {  	[tilespmem:s16], [sflag:$0x5] =	stream.linear.gather [hbm4b:s10+s3], $0x1C80, $0x38;
	[tilespmem:$0x1F000] =	vst v63  }
0x1f: {  	_ =	swait.ge [sflag:s15], $0x1C80  }
0x20: {  	[sflag:s15] =	ssyncset.done $0x0  }
0x21: {  	v3 =	vadd.s32 s3, v1;
	s30 =	rddreg [dreg:$0x6];
	[sflag:s15] =	ssyncadd.s32 $0xFFFFE380  }
0x22: {  	v4 =	vor.u32 s3, v0;
	[spmem:s18], [sflag:s17] =	dma.local [hbm:s30], $0x2290  }
0x23: {  	_ =	swait.ge [sflag:s15], $0x2290  }
0x24: {  	[sflag:s15] =	ssyncset.done $0x0  }
0x25: {  	s31 =	simm.s32 $0x10;
	[sflag:s15] =	ssyncadd.s32 $0xFFFFDD70  }
0x26: {  	v5 =	vadd.s32 s31, v1;
	v8 =	vld.idx.msk [tilespmem:v3+s14+$0x0], $0xffff  }
0x27: {  	v7 =	vor.u32 s31, v0;
	v4 =	vld.idx.msk [tilespmem:v4+s14+$0x0], $0xffff;
	_ =	sdelay $0x3  }
0x28: {  	v6 =	vimm.f32 $-Inf;
	s0 =	simm.s32 $0x20;
	v3 =	vimm.f32 $-Inf;
	v5 =	vld.idx.msk [tilespmem:v5+s14+$0x0], $0xffff  }
.LBB2_2:
0x29: {  	v9 =	vadd.s32 s0, v1;
	v3 =	vmax.f32 v3, v4;
	v4 =	vld.idx.msk [tilespmem:v7+s14+$0x0], $0xffff;
	v6 =	vmax.f32 v6, v8;
	p0 =	sne.s32 s0, $0x2700  }
.Ltmp0:
0x2a: {  	v7 =	vor.u32 s0, v0;
	s0 =	sadd.s32 $0x10, s0;
	(pc) =	sbr.rel @p0 .LBB2_2-.Ltmp0, $2  }
0x2b: {  	_ =	sdelay $0x2  }
0x2c: {  	v8 =	vmov v5;
	v5 =	vld.idx.msk [tilespmem:v9+s14+$0x0], $0xffff  }
0x2d: {  	_ =	sdelay $0x3  }
0x2e: {  	v7 =	vld.idx.msk [tilespmem:v7+s14+$0x0], $0xffff;
	_ =	sdelay $0x2  }
0x2f: {  	v1 =	vimm.s32 $0x10  }
0x30: {  	v3 =	vmax.f32 v3, v4  }
0x31: {  	v49 =	vmax.f32 v6, v8;
	v3 =	vmax.f32 v3, v7  }
0x32: {  	v4 =	vmax.f32 v49, v5;
	[tilespmem:v0+s19+$0x0] =	vst.idx.msk $0xffff, v3  }
0x33: {  	[tilespmem:v2+s19+$0x0] =	vst.idx.msk $0xffff, v4  }
0x34: {  	v4 =	vld.idx.msk [tilespmem:v1+s19+$0x0], $0xffff;
	v1 =	vimm.s32 $0x1;
	_ =	sdelay $0x4  }
0x35: {  	v50 =	vld.idx.msk [tilespmem:v1+s19+$0x0], $0xffff;
	v1 =	vimm.s32 $0x11;
	_ =	sdelay $0x4  }
0x36: {  	v51 =	vld.idx.msk [tilespmem:v1+s19+$0x0], $0xffff;
	v1 =	vimm.s32 $0x2;
	_ =	sdelay $0x4  }
0x37: {  	v52 =	vld.idx.msk [tilespmem:v1+s19+$0x0], $0xffff;
	v1 =	vimm.s32 $0x12;
	_ =	sdelay $0x4  }
0x38: {  	v53 =	vld.idx.msk [tilespmem:v1+s19+$0x0], $0xffff;
	v1 =	vimm.s32 $0x3;
	_ =	sdelay $0x4  }
0x39: {  	v9 =	vld.idx.msk [tilespmem:v1+s19+$0x0], $0xffff;
	v1 =	vimm.s32 $0x13;
	_ =	sdelay $0x4  }
0x3a: {  	v10 =	vld.idx.msk [tilespmem:v1+s19+$0x0], $0xffff;
	v1 =	vimm.s32 $0x4;
	_ =	sdelay $0x4  }
0x3b: {  	v11 =	vld.idx.msk [tilespmem:v1+s19+$0x0], $0xffff;
	v1 =	vimm.s32 $0x14;
	_ =	sdelay $0x4  }
0x3c: {  	v12 =	vld.idx.msk [tilespmem:v1+s19+$0x0], $0xffff;
	v1 =	vimm.s32 $0x5;
	_ =	sdelay $0x4  }
0x3d: {  	v13 =	vld.idx.msk [tilespmem:v1+s19+$0x0], $0xffff;
	v1 =	vimm.s32 $0x15;
	_ =	sdelay $0x4  }
0x3e: {  	v14 =	vld.idx.msk [tilespmem:v1+s19+$0x0], $0xffff;
	v1 =	vimm.s32 $0x6;
	_ =	sdelay $0x4  }
0x3f: {  	v15 =	vld.idx.msk [tilespmem:v1+s19+$0x0], $0xffff;
	v1 =	vimm.s32 $0x16;
	_ =	sdelay $0x4  }
0x40: {  	v16 =	vld.idx.msk [tilespmem:v1+s19+$0x0], $0xffff;
	v1 =	vimm.s32 $0x7;
	_ =	sdelay $0x4  }
0x41: {  	v17 =	vld.idx.msk [tilespmem:v1+s19+$0x0], $0xffff;
	v1 =	vimm.s32 $0x17;
	_ =	sdelay $0x4  }
0x42: {  	v18 =	vld.idx.msk [tilespmem:v1+s19+$0x0], $0xffff;
	v1 =	vimm.s32 $0x8;
	_ =	sdelay $0x4  }
0x43: {  	v19 =	vld.idx.msk [tilespmem:v1+s19+$0x0], $0xffff;
	v1 =	vimm.s32 $0x18;
	_ =	sdelay $0x4  }
0x44: {  	v20 =	vld.idx.msk [tilespmem:v1+s19+$0x0], $0xffff;
	v1 =	vimm.s32 $0x9;
	_ =	sdelay $0x4  }
0x45: {  	v21 =	vld.idx.msk [tilespmem:v1+s19+$0x0], $0xffff;
	v1 =	vimm.s32 $0x19;
	_ =	sdelay $0x4  }
0x46: {  	v22 =	vld.idx.msk [tilespmem:v1+s19+$0x0], $0xffff;
	v1 =	vimm.s32 $0xA;
	_ =	sdelay $0x4  }
0x47: {  	v23 =	vld.idx.msk [tilespmem:v1+s19+$0x0], $0xffff;
	v1 =	vimm.s32 $0x1A;
	_ =	sdelay $0x4  }
0x48: {  	v24 =	vld.idx.msk [tilespmem:v1+s19+$0x0], $0xffff;
	v1 =	vimm.s32 $0xB;
	_ =	sdelay $0x4  }
0x49: {  	v54 =	vld.idx.msk [tilespmem:v1+s19+$0x0], $0xffff;
	v1 =	vimm.s32 $0x1B;
	_ =	sdelay $0x4  }
0x4a: {  	v55 =	vld.idx.msk [tilespmem:v1+s19+$0x0], $0xffff;
	v1 =	vimm.s32 $0xC;
	_ =	sdelay $0x4  }
0x4b: {  	v56 =	vld.idx.msk [tilespmem:v1+s19+$0x0], $0xffff;
	v1 =	vimm.s32 $0x1C;
	_ =	sdelay $0x4  }
0x4c: {  	v57 =	vld.idx.msk [tilespmem:v1+s19+$0x0], $0xffff;
	v1 =	vimm.s32 $0xD;
	_ =	sdelay $0x4  }
0x4d: {  	v58 =	vld.idx.msk [tilespmem:v1+s19+$0x0], $0xffff;
	v1 =	vimm.s32 $0x1D;
	_ =	sdelay $0x4  }
0x4e: {  	v59 =	vld.idx.msk [tilespmem:v1+s19+$0x0], $0xffff;
	v1 =	vimm.s32 $0xE;
	_ =	sdelay $0x4  }
0x4f: {  	v60 =	vld.idx.msk [tilespmem:v1+s19+$0x0], $0xffff;
	v1 =	vimm.s32 $0x1E  }
0x50: {  	v3 =	vld.msk [tilespmem:s19+$0x0], $0xffff;
	_ =	sdelay $0x3  }
0x51: {  	v61 =	vld.idx.msk [tilespmem:v1+s19+$0x0], $0xffff;
	v1 =	vimm.s32 $0xF  }
0x52: {  	v3 =	vmax.f32 v3, v50;
	v4 =	vmax.f32 v4, v51  }
0x53: {  	v3 =	vmax.f32 v3, v52;
	v4 =	vmax.f32 v4, v53  }
0x54: {  	v3 =	vmax.f32 v3, v9;
	v4 =	vmax.f32 v4, v10  }
0x55: {  	v3 =	vmax.f32 v3, v11;
	v4 =	vmax.f32 v4, v12  }
0x56: {  	v3 =	vmax.f32 v3, v13;
	v4 =	vmax.f32 v4, v14;
	v62 =	vld.idx.msk [tilespmem:v1+s19+$0x0], $0xffff;
	v1 =	vimm.s32 $0x1F  }
0x57: {  	v3 =	vmax.f32 v3, v15;
	v4 =	vmax.f32 v4, v16  }
0x58: {  	v3 =	vmax.f32 v3, v17;
	v4 =	vmax.f32 v4, v18  }
0x59: {  	v3 =	vmax.f32 v3, v19;
	v4 =	vmax.f32 v4, v20  }
0x5a: {  	v3 =	vmax.f32 v3, v21;
	v4 =	vmax.f32 v4, v22  }
0x5b: {  	v3 =	vmax.f32 v3, v23;
	v4 =	vmax.f32 v4, v24;
	v63 =	vld.idx.msk [tilespmem:v1+s19+$0x0], $0xffff  }
0x5c: {  	v3 =	vmax.f32 v3, v54;
	v4 =	vmax.f32 v4, v55  }
0x5d: {  	v3 =	vmax.f32 v3, v56;
	v4 =	vmax.f32 v4, v57  }
0x5e: {  	v3 =	vmax.f32 v3, v58;
	v4 =	vmax.f32 v4, v59  }
0x5f: {  	v3 =	vmax.f32 v3, v60;
	v4 =	vmax.f32 v4, v61  }
0x60: {  	v3 =	vmax.f32 v3, v62;
	v4 =	vmax.f32 v4, v63  }
0x61: {  	v3 =	vadd.f32 v4, v3;
	_ =	sdelay $0x1  }
0x62: {  	v4 =	vmul.f32 $2.000000030e-01, v3  }
0x63: {  	[bflag:$0x0] =	sbarrier.arrive $0xFFFF  }
0x64: {  	[tilespmem:s21], [sflag:$0x1] =	stream.indirect.gather [hbm4b:s4+s20], $0x70, s29, s20, $0xb8;
	v1 =	vmax.f32 v3, v4;
	[tilespmem:$0x1F000] =	vst v63  }
0x65: {  	s30 =	simm.s32 $0x0;
	[tilespmem:$0x1FFD0] =	vst v1  }
.LBB2_4:
0x66: {  	s31 =	sshll.u32 s30, $0x1  }
0x67: {  	v3 =	vmov s31  }
0x68: {  	v3 =	vmul.u32 $0x60, v3;
	_ =	sdelay $0x1  }
0x69: {  	v3 =	vbroadcast v3, $0x0;
	_ =	sdelay $0x1  }
0x6a: {  	v4 =	vor.u32 v0, v3;
	_ =	sdelay $0x4  }
0x6b: {  	v5 =	vld.idx.msk [tilespmem:v4+s16+$0x0], $0xffff  }
0x6c: {  	v4 =	vld.idx.msk [tilespmem:v4+s3+$0x0], $0xffff;
	_ =	sdelay $0x3  }
0x6d: {  	v5 =	vadd.s32 $0x2710, v5;
	_ =	sdelay $0x3  }
0x6e: {  	v4 =	vld.idx.msk [tilespmem:v4+s14+$0x0], $0xffff  }
0x6f: {  	v5 =	vld.idx.msk [tilespmem:v5+s14+$0x0], $0xffff;
	_ =	sdelay $0x4  }
0x70: {  	v7 =	vld [tilespmem:$0x1FFD0];
	v4 =	vadd.f32 v5, v4;
	_ =	sdelay $0x1  }
0x71: {  	v5 =	vmul.f32 $2.000000030e-01, v4;
	_ =	sdelay $0x1  }
0x72: {  	v4 =	vmax.f32 v4, v5  }
0x73: {  	v4 =	vsub.f32 v4, v7;
	_ =	sdelay $0x1  }
0x74: {  	v4 =	vmul.f32 $1.442695020e+00, v4;
	_ =	sdelay $0x1  }
0x75: {  	(erf) = vpow2.f32 v4;
	_ =	sdelay $0x3  }
0x76: {  	v1 =	vld [tilespmem:$0x1FFE0]  }
0x77: {  	s0 =	smul.u32 $0xC0, s30;
	_ =	sdelay $0x1  }
0x78: {  	s0 =	sadd.s32 s8, s0;
	v4 =	vor.u32 v2, v3  }
0x79: {  	v5 =	vmov s0  }
0x7a: {  	vm0 =	vlt.u32 v5, v1;
	v6 =	vpop (erf)  }
0x7b: {  	v5 =	vnsel vm0, $0x0, v6  }
0x7c: {  	[tilespmem:v0+s19+$0x0] =	vst.idx.msk $0xffff, v5  }
0x7d: {  	v5 =	vld.idx.msk [tilespmem:v4+s16+$0x0], $0xffff  }
0x7e: {  	v4 =	vld.idx.msk [tilespmem:v4+s3+$0x0], $0xffff;
	_ =	sdelay $0x3  }
0x7f: {  	v5 =	vadd.s32 $0x2710, v5;
	_ =	sdelay $0x3  }
0x80: {  	v4 =	vld.idx.msk [tilespmem:v4+s14+$0x0], $0xffff  }
0x81: {  	v5 =	vld.idx.msk [tilespmem:v5+s14+$0x0], $0xffff;
	_ =	sdelay $0x4  }
0x82: {  	v4 =	vadd.f32 v5, v4;
	_ =	sdelay $0x1  }
0x83: {  	v5 =	vmul.f32 $2.000000030e-01, v4;
	_ =	sdelay $0x1  }
0x84: {  	v4 =	vmax.f32 v4, v5  }
0x85: {  	v4 =	vsub.f32 v4, v7;
	_ =	sdelay $0x1  }
0x86: {  	v4 =	vmul.f32 $1.442695020e+00, v4;
	_ =	sdelay $0x1  }
0x87: {  	(erf) = vpow2.f32 v4;
	_ =	sdelay $0x6  }
0x88: {  	s1 =	sor.u32 $0x10, s0;
	v4 =	vor.u32 v35, v3  }
0x89: {  	v5 =	vmov s1  }
0x8a: {  	vm11 =	vlt.u32 v5, v1;
	v6 =	vpop (erf)  }
0x8b: {  	v5 =	vnsel vm11, $0x0, v6  }
0x8c: {  	[tilespmem:v2+s19+$0x0] =	vst.idx.msk $0xffff, v5  }
0x8d: {  	v5 =	vld.idx.msk [tilespmem:v4+s16+$0x0], $0xffff  }
0x8e: {  	v4 =	vld.idx.msk [tilespmem:v4+s3+$0x0], $0xffff;
	_ =	sdelay $0x3  }
0x8f: {  	v5 =	vadd.s32 $0x2710, v5;
	_ =	sdelay $0x3  }
0x90: {  	v4 =	vld.idx.msk [tilespmem:v4+s14+$0x0], $0xffff  }
0x91: {  	v5 =	vld.idx.msk [tilespmem:v5+s14+$0x0], $0xffff;
	_ =	sdelay $0x4  }
0x92: {  	v4 =	vadd.f32 v5, v4;
	_ =	sdelay $0x1  }
0x93: {  	v5 =	vmul.f32 $2.000000030e-01, v4;
	_ =	sdelay $0x1  }
0x94: {  	v4 =	vmax.f32 v4, v5  }
0x95: {  	v4 =	vsub.f32 v4, v7;
	_ =	sdelay $0x1  }
0x96: {  	v4 =	vmul.f32 $1.442695020e+00, v4;
	_ =	sdelay $0x1  }
0x97: {  	(erf) = vpow2.f32 v4;
	_ =	sdelay $0x6  }
0x98: {  	s10 =	sor.u32 $0x20, s0;
	v4 =	vor.u32 v36, v3  }
0x99: {  	v5 =	vmov s10  }
0x9a: {  	vm12 =	vlt.u32 v5, v1;
	v6 =	vpop (erf)  }
0x9b: {  	v5 =	vnsel vm12, $0x0, v6  }
0x9c: {  	[tilespmem:v35+s19+$0x0] =	vst.idx.msk $0xffff, v5  }
0x9d: {  	v5 =	vld.idx.msk [tilespmem:v4+s16+$0x0], $0xffff  }
0x9e: {  	v4 =	vld.idx.msk [tilespmem:v4+s3+$0x0], $0xffff;
	_ =	sdelay $0x3  }
0x9f: {  	v5 =	vadd.s32 $0x2710, v5;
	_ =	sdelay $0x3  }
0xa0: {  	v4 =	vld.idx.msk [tilespmem:v4+s14+$0x0], $0xffff  }
0xa1: {  	v5 =	vld.idx.msk [tilespmem:v5+s14+$0x0], $0xffff;
	_ =	sdelay $0x4  }
0xa2: {  	v4 =	vadd.f32 v5, v4;
	_ =	sdelay $0x1  }
0xa3: {  	v5 =	vmul.f32 $2.000000030e-01, v4;
	_ =	sdelay $0x1  }
0xa4: {  	v4 =	vmax.f32 v4, v5  }
0xa5: {  	v4 =	vsub.f32 v4, v7;
	_ =	sdelay $0x1  }
0xa6: {  	v4 =	vmul.f32 $1.442695020e+00, v4;
	_ =	sdelay $0x1  }
0xa7: {  	(erf) = vpow2.f32 v4;
	_ =	sdelay $0x6  }
0xa8: {  	s5 =	sor.u32 $0x30, s0;
	v4 =	vadd.s32 v37, v3  }
0xa9: {  	v5 =	vmov s5  }
0xaa: {  	vm13 =	vlt.u32 v5, v1;
	v6 =	vpop (erf)  }
0xab: {  	v5 =	vnsel vm13, $0x0, v6  }
0xac: {  	[tilespmem:v36+s19+$0x0] =	vst.idx.msk $0xffff, v5  }
0xad: {  	v5 =	vld.idx.msk [tilespmem:v4+s16+$0x0], $0xffff  }
0xae: {  	v4 =	vld.idx.msk [tilespmem:v4+s3+$0x0], $0xffff;
	_ =	sdelay $0x3  }
0xaf: {  	v5 =	vadd.s32 $0x2710, v5;
	_ =	sdelay $0x3  }
0xb0: {  	v4 =	vld.idx.msk [tilespmem:v4+s14+$0x0], $0xffff  }
0xb1: {  	v5 =	vld.idx.msk [tilespmem:v5+s14+$0x0], $0xffff;
	_ =	sdelay $0x4  }
0xb2: {  	v4 =	vadd.f32 v5, v4;
	_ =	sdelay $0x1  }
0xb3: {  	v5 =	vmul.f32 $2.000000030e-01, v4;
	_ =	sdelay $0x1  }
0xb4: {  	v4 =	vmax.f32 v4, v5  }
0xb5: {  	v4 =	vsub.f32 v4, v7;
	_ =	sdelay $0x1  }
0xb6: {  	v4 =	vmul.f32 $1.442695020e+00, v4;
	_ =	sdelay $0x1  }
0xb7: {  	(erf) = vpow2.f32 v4;
	_ =	sdelay $0x6  }
0xb8: {  	s6 =	sadd.s32 $0x40, s0;
	v3 =	vadd.s32 v38, v3  }
0xb9: {  	v4 =	vmov s6  }
0xba: {  	vm14 =	vlt.u32 v4, v1;
	v5 =	vpop (erf)  }
0xbb: {  	v4 =	vnsel vm14, $0x0, v5  }
0xbc: {  	[tilespmem:v37+s19+$0x0] =	vst.idx.msk $0xffff, v4  }
0xbd: {  	v4 =	vld.idx.msk [tilespmem:v3+s16+$0x0], $0xffff  }
0xbe: {  	v3 =	vld.idx.msk [tilespmem:v3+s3+$0x0], $0xffff;
	_ =	sdelay $0x3  }
0xbf: {  	v4 =	vadd.s32 $0x2710, v4;
	_ =	sdelay $0x3  }
0xc0: {  	v3 =	vld.idx.msk [tilespmem:v3+s14+$0x0], $0xffff  }
0xc1: {  	v4 =	vld.idx.msk [tilespmem:v4+s14+$0x0], $0xffff;
	_ =	sdelay $0x4  }
0xc2: {  	v3 =	vadd.f32 v4, v3;
	_ =	sdelay $0x1  }
0xc3: {  	v4 =	vmul.f32 $2.000000030e-01, v3;
	_ =	sdelay $0x1  }
0xc4: {  	v3 =	vmax.f32 v3, v4  }
0xc5: {  	v3 =	vsub.f32 v3, v7;
	_ =	sdelay $0x1  }
0xc6: {  	v3 =	vmul.f32 $1.442695020e+00, v3;
	_ =	sdelay $0x1  }
0xc7: {  	(erf) = vpow2.f32 v3;
	_ =	sdelay $0x6  }
0xc8: {  	s0 =	sadd.s32 $0x50, s0  }
0xc9: {  	v3 =	vmov s0  }
0xca: {  	vm15 =	vlt.u32 v3, v1;
	v4 =	vpop (erf)  }
0xcb: {  	p0 =	seq.s32 s30, $0x0;
	s1 =	sor.u32 $0x1, s31;
	v3 =	vnsel vm15, $0x0, v4  }
0xcc: {  	p1 =	sge.u32 s1, s9;
	s5 =	simm.s32 $0x3;
	s0 =	simm.s32 @!p0 $0x4;
	[tilespmem:v38+s19+$0x0] =	vst.idx.msk $0xffff, v3  }
0xcd: {  	s7 =	simm.s32 $0x1;
	s6 =	smul.u32 @!p1 $0x180, s1;
	v4 =	vmov s5;
	_ =	swait.ge @!p0 [sflag:s0], $0x2A00  }
0xce: {  	v5 =	vmov s7;
	s5 =	simm.s32 @!p1 $0x60;
	v3 =	vmul.u32 $0x70, v4;
	[sflag:s0] =	ssyncset.done @!p0 $0x0  }
0xcf: {  	v7 =	vmul.u32 $0x70, v5;
	[sflag:s0] =	ssyncadd.s32 @!p0 $0xFFFFD600;
	s0 =	sshra.s32 @!p1 s6, $0x2;
	s6 =	simm.s32 @!p1 $0xB180  }
0xd0: {  	v8 =	vor.u32 v0, v3;
	[tilespmem:s6], [sflag:$0x2] =	stream.indirect.gather @!p1 [hbm4b:s4+s5], $0x70, s0, s5, $0xb8;
	[tilespmem:$0x1F000] =	vst v63  }
0xd1: {  	v9 =	vor.u32 v0, v7;
	_ =	swait.ge [sflag:s22], $0x2A00  }
0xd2: {  	[sflag:s22] =	ssyncset.done $0x0  }
0xd3: {  	[sflag:s22] =	ssyncadd.s32 $0xFFFFD600  }
0xd4: {  	v10 =	vmov s29;
	s10 =	simm.s32 $0x2;
	v49 =	vld.idx.msk [tilespmem:v4+s19+$0x0], $0xffff  }
0xd5: {  	v11 =	vmov s10;
	v6 =	vmul.u32 $0x70, v10;
	v4 =	vld.idx.msk [tilespmem:v8+s21+$0x0], $0xffff  }
0xd6: {  	v62 =	vmul.u32 $0x70, v11;
	v12 =	vld.idx.msk [tilespmem:v9+s21+$0x0], $0xffff  }
0xd7: {  	v13 =	vor.u32 v0, v6;
	v5 =	vld.idx.msk [tilespmem:v5+s19+$0x0], $0xffff  }
0xd8: {  	v15 =	vor.u32 v0, v62  }
0xd9: {  	v14 =	vadd.s32 v2, v3  }
0xda: {  	v51 =	vld.idx.msk [tilespmem:v10+s19+$0x0], $0xffff;
	v10 =	vadd.s32 v2, v7  }
0xdb: {  	v46 =	vld.idx.msk [tilespmem:v11+s19+$0x0], $0xffff;
	v4 =	vmul.f32 v4, v49  }
0xdc: {  	v11 =	vld.idx.msk [tilespmem:v13+s21+$0x0], $0xffff;
	v12 =	vmul.f32 v12, v5  }
0xdd: {  	[tilespmem:v8+s21+$0x0] =	vst.idx.msk $0xffff, v4;
	v8 =	vld.idx.msk [tilespmem:v15+s21+$0x0], $0xffff  }
0xde: {  	s7 =	simm.s32 $0x7;
	[tilespmem:v9+s21+$0x0] =	vst.idx.msk $0xffff, v12;
	v4 =	vld.idx.msk [tilespmem:v14+s21+$0x0], $0xffff  }
0xdf: {  	v20 =	vmov s7;
	v12 =	vld.idx.msk [tilespmem:v10+s21+$0x0], $0xffff  }
0xe0: {  	v9 =	vor.u32 v2, v6  }
0xe1: {  	v17 =	vor.u32 v2, v62;
	v11 =	vmul.f32 v11, v51  }
0xe2: {  	v16 =	vor.u32 v35, v3;
	s5 =	simm.s32 $0x4;
	v8 =	vmul.f32 v8, v46  }
0xe3: {  	s6 =	simm.s32 $0x5;
	v19 =	vmov s5;
	[tilespmem:v13+s21+$0x0] =	vst.idx.msk $0xffff, v11;
	v4 =	vmul.f32 v4, v49  }
0xe4: {  	v44 =	vmul.u32 $0x70, v19;
	v41 =	vld.idx.msk [tilespmem:v20+s19+$0x0], $0xffff;
	v11 =	vmov s6;
	v12 =	vmul.f32 v12, v5;
	[tilespmem:v15+s21+$0x0] =	vst.idx.msk $0xffff, v8  }
0xe5: {  	v18 =	vadd.s32 v35, v7;
	v47 =	vmul.u32 $0x70, v11;
	v13 =	vld.idx.msk [tilespmem:v9+s21+$0x0], $0xffff;
	[tilespmem:v14+s21+$0x0] =	vst.idx.msk $0xffff, v4  }
0xe6: {  	v45 =	vmul.u32 $0x70, v20;
	v4 =	vor.u32 v0, v44;
	[tilespmem:v10+s21+$0x0] =	vst.idx.msk $0xffff, v12;
	v10 =	vld.idx.msk [tilespmem:v17+s21+$0x0], $0xffff  }
0xe7: {  	v8 =	vor.u32 v0, v47;
	v14 =	vld.idx.msk [tilespmem:v16+s21+$0x0], $0xffff  }
0xe8: {  	v42 =	vld.idx.msk [tilespmem:v19+s19+$0x0], $0xffff;
	v15 =	vor.u32 v0, v45  }
0xe9: {  	v19 =	vadd.s32 v35, v62;
	v48 =	vld.idx.msk [tilespmem:v11+s19+$0x0], $0xffff  }
0xea: {  	v23 =	vadd.s32 v36, v3;
	v12 =	vld.idx.msk [tilespmem:v18+s21+$0x0], $0xffff;
	v13 =	vmul.f32 v13, v51  }
0xeb: {  	s10 =	simm.s32 $0x6;
	v20 =	vor.u32 v35, v6;
	v21 =	vld.idx.msk [tilespmem:v4+s21+$0x0], $0xffff;
	v10 =	vmul.f32 v10, v46  }
0xec: {  	v24 =	vmov s10;
	v22 =	vld.idx.msk [tilespmem:v8+s21+$0x0], $0xffff;
	[tilespmem:v9+s21+$0x0] =	vst.idx.msk $0xffff, v13;
	v14 =	vmul.f32 v14, v49  }
0xed: {  	v25 =	vld.idx.msk [tilespmem:v15+s21+$0x0], $0xffff;
	v9 =	vadd.s32 v36, v7;
	[tilespmem:v17+s21+$0x0] =	vst.idx.msk $0xffff, v10  }
0xee: {  	v26 =	vor.u32 v2, v44;
	v10 =	vld.idx.msk [tilespmem:v19+s21+$0x0], $0xffff;
	[tilespmem:v16+s21+$0x0] =	vst.idx.msk $0xffff, v14  }
0xef: {  	v12 =	vmul.f32 v12, v5;
	v16 =	vadd.s32 v2, v47;
	v17 =	vld.idx.msk [tilespmem:v23+s21+$0x0], $0xffff  }
0xf0: {  	v13 =	vadd.s32 v2, v45;
	v11 =	vld.idx.msk [tilespmem:v20+s21+$0x0], $0xffff;
	v14 =	vmul.f32 v21, v42  }
0xf1: {  	v50 =	vmul.u32 $0x70, v24;
	v43 =	vld.idx.msk [tilespmem:v24+s19+$0x0], $0xffff;
	[tilespmem:v18+s21+$0x0] =	vst.idx.msk $0xffff, v12;
	v22 =	vmul.f32 v22, v48  }
0xf2: {  	v12 =	vld.idx.msk [tilespmem:v9+s21+$0x0], $0xffff;
	v21 =	vmul.f32 v25, v41;
	[tilespmem:v4+s21+$0x0] =	vst.idx.msk $0xffff, v14;
	v4 =	vadd.s32 v36, v62  }
0xf3: {  	v25 =	vor.u32 v36, v6;
	[tilespmem:v8+s21+$0x0] =	vst.idx.msk $0xffff, v22;
	v14 =	vor.u32 v0, v50;
	v24 =	vld.idx.msk [tilespmem:v26+s21+$0x0], $0xffff  }
0xf4: {  	[tilespmem:v15+s21+$0x0] =	vst.idx.msk $0xffff, v21;
	v18 =	vmul.f32 v10, v46;
	v8 =	vmul.f32 v17, v49;
	v17 =	vld.idx.msk [tilespmem:v16+s21+$0x0], $0xffff  }
0xf5: {  	v11 =	vmul.f32 v11, v51;
	v15 =	vadd.s32 v37, v3;
	v21 =	vld.idx.msk [tilespmem:v13+s21+$0x0], $0xffff  }
0xf6: {  	v10 =	vor.u32 v35, v44;
	[tilespmem:v19+s21+$0x0] =	vst.idx.msk $0xffff, v18  }
0xf7: {  	[tilespmem:v20+s21+$0x0] =	vst.idx.msk $0xffff, v11;
	v12 =	vmul.f32 v12, v5;
	v19 =	vadd.s32 v37, v7;
	v18 =	vld.idx.msk [tilespmem:v4+s21+$0x0], $0xffff  }
0xf8: {  	v20 =	vadd.s32 v35, v47;
	v27 =	vld.idx.msk [tilespmem:v25+s21+$0x0], $0xffff;
	[tilespmem:v23+s21+$0x0] =	vst.idx.msk $0xffff, v8;
	v8 =	vmul.f32 v24, v42  }
0xf9: {  	v23 =	vor.u32 v35, v45;
	[tilespmem:v9+s21+$0x0] =	vst.idx.msk $0xffff, v12;
	v22 =	vld.idx.msk [tilespmem:v14+s21+$0x0], $0xffff;
	v17 =	vmul.f32 v17, v48  }
0xfa: {  	s5 =	simm.s32 $0x8;
	v11 =	vld.idx.msk [tilespmem:v15+s21+$0x0], $0xffff;
	v24 =	vadd.s32 v37, v62;
	[tilespmem:v26+s21+$0x0] =	vst.idx.msk $0xffff, v8;
	v8 =	vmul.f32 v21, v41  }
0xfb: {  	v21 =	vmov s5;
	v26 =	vld.idx.msk [tilespmem:v10+s21+$0x0], $0xffff;
	[tilespmem:v16+s21+$0x0] =	vst.idx.msk $0xffff, v17  }
0xfc: {  	v12 =	vor.u32 v2, v50;
	[tilespmem:v13+s21+$0x0] =	vst.idx.msk $0xffff, v8;
	v8 =	vld.idx.msk [tilespmem:v19+s21+$0x0], $0xffff;
	v9 =	vmul.f32 v18, v46  }
0xfd: {  	s7 =	simm.s32 $0xA;
	v13 =	vadd.s32 v37, v6;
	v28 =	vld.idx.msk [tilespmem:v20+s21+$0x0], $0xffff  }
0xfe: {  	s6 =	simm.s32 $0x9;
	v17 =	vmul.f32 v22, v43;
	v22 =	vmov s7;
	v16 =	vld.idx.msk [tilespmem:v23+s21+$0x0], $0xffff;
	[tilespmem:v4+s21+$0x0] =	vst.idx.msk $0xffff, v9  }
0xff: {  	s10 =	simm.s32 $0xB;
	v18 =	vmov s6;
	v9 =	vmul.f32 v27, v51;
	v27 =	vld.idx.msk [tilespmem:v24+s21+$0x0], $0xffff  }
0x100: {  	v55 =	vmul.u32 $0x70, v18;
	v4 =	vmov s10;
	[tilespmem:v14+s21+$0x0] =	vst.idx.msk $0xffff, v17;
	v53 =	vld.idx.msk [tilespmem:v21+s19+$0x0], $0xffff  }
0x101: {  	v63 =	vadd.s32 v38, v3;
	v14 =	vld.idx.msk [tilespmem:v12+s21+$0x0], $0xffff;
	[tilespmem:v25+s21+$0x0] =	vst.idx.msk $0xffff, v9  }
0x102: {  	v56 =	vmul.u32 $0x70, v21;
	v17 =	vor.u32 v0, v55;
	v9 =	vmul.f32 v11, v49;
	v11 =	vld.idx.msk [tilespmem:v13+s21+$0x0], $0xffff  }
0x103: {  	v58 =	vmul.u32 $0x70, v4;
	v21 =	vadd.s32 v38, v7;
	v52 =	vld.idx.msk [tilespmem:v22+s19+$0x0], $0xffff  }
0x104: {  	v34 =	vadd.s32 v38, v62;
	v57 =	vmul.u32 $0x70, v22;
	v25 =	vor.u32 v0, v56;
	v60 =	vld.idx.msk [tilespmem:v18+s19+$0x0], $0xffff  }
0x105: {  	v22 =	vor.u32 v0, v58;
	v8 =	vmul.f32 v8, v5;
	[tilespmem:v15+s21+$0x0] =	vst.idx.msk $0xffff, v9;
	v54 =	vld.idx.msk [tilespmem:v4+s19+$0x0], $0xffff  }
0x106: {  	v61 =	vadd.s32 v37, v50;
	v32 =	vadd.s32 v35, v50;
	v15 =	vmul.f32 v16, v41;
	v9 =	vld.idx.msk [tilespmem:v63+s21+$0x0], $0xffff  }
0x107: {  	[tilespmem:v19+s21+$0x0] =	vst.idx.msk $0xffff, v8;
	v4 =	vor.u32 v0, v57;
	v19 =	vld.idx.msk [tilespmem:v17+s21+$0x0], $0xffff;
	v16 =	vmul.f32 v27, v46  }
0x108: {  	v29 =	vadd.s32 v38, v6;
	v33 =	vadd.s32 v36, v45;
	v27 =	vld.idx.msk [tilespmem:v21+s21+$0x0], $0xffff;
	v14 =	vmul.f32 v14, v43  }
0x109: {  	v3 =	vadd.s32 v39, v3;
	v30 =	vor.u32 v2, v56;
	v31 =	vld.idx.msk [tilespmem:v25+s21+$0x0], $0xffff;
	[tilespmem:v24+s21+$0x0] =	vst.idx.msk $0xffff, v16  }
0x10a: {  	v59 =	vadd.s32 v37, v57;
	v11 =	vmul.f32 v11, v51;
	v16 =	vld.idx.msk [tilespmem:v22+s21+$0x0], $0xffff;
	[tilespmem:v12+s21+$0x0] =	vst.idx.msk $0xffff, v14  }
0x10b: {  	v18 =	vmul.f32 v28, v48;
	[tilespmem:v23+s21+$0x0] =	vst.idx.msk $0xffff, v15;
	v15 =	vadd.s32 v39, v7;
	v24 =	vld.idx.msk [tilespmem:v32+s21+$0x0], $0xffff  }
0x10c: {  	v8 =	vadd.s32 v2, v55;
	[tilespmem:v13+s21+$0x0] =	vst.idx.msk $0xffff, v11;
	v7 =	vmul.f32 v9, v49;
	v23 =	vld.idx.msk [tilespmem:v4+s21+$0x0], $0xffff  }
0x10d: {  	[tilespmem:v20+s21+$0x0] =	vst.idx.msk $0xffff, v18;
	v9 =	vadd.s32 v2, v58;
	v11 =	vld.idx.msk [tilespmem:v29+s21+$0x0], $0xffff;
	v12 =	vmul.f32 v27, v5  }
0x10e: {  	v13 =	vadd.s32 v36, v47;
	v27 =	vld.idx.msk [tilespmem:v33+s21+$0x0], $0xffff;
	v19 =	vmul.f32 v19, v60;
	[tilespmem:v63+s21+$0x0] =	vst.idx.msk $0xffff, v7  }
0x10f: {  	v14 =	vmul.f32 v31, v53;
	v7 =	vadd.s32 v39, v6;
	v6 =	vld.idx.msk [tilespmem:v34+s21+$0x0], $0xffff;
	[tilespmem:v21+s21+$0x0] =	vst.idx.msk $0xffff, v12  }
0x110: {  	v18 =	vadd.s32 v36, v50;
	v16 =	vmul.f32 v16, v54;
	[tilespmem:v17+s21+$0x0] =	vst.idx.msk $0xffff, v19;
	v21 =	vld.idx.msk [tilespmem:v15+s21+$0x0], $0xffff  }
0x111: {  	v63 =	vadd.s32 v39, v62;
	v19 =	vmul.f32 v26, v42;
	[tilespmem:v25+s21+$0x0] =	vst.idx.msk $0xffff, v14;
	v25 =	vld.idx.msk [tilespmem:v8+s21+$0x0], $0xffff  }
0x112: {  	v12 =	vor.u32 v36, v44;
	v28 =	vld.idx.msk [tilespmem:v30+s21+$0x0], $0xffff;
	[tilespmem:v22+s21+$0x0] =	vst.idx.msk $0xffff, v16;
	v11 =	vmul.f32 v11, v51  }
0x113: {  	v14 =	vadd.s32 v37, v45;
	v31 =	vld.idx.msk [tilespmem:v13+s21+$0x0], $0xffff;
	v16 =	vmul.f32 v24, v43;
	[tilespmem:v10+s21+$0x0] =	vst.idx.msk $0xffff, v19  }
0x114: {  	v62 =	vadd.s32 v38, v45;
	v20 =	vmul.f32 v23, v52;
	v40 =	vld.idx.msk [tilespmem:v9+s21+$0x0], $0xffff;
	[tilespmem:v29+s21+$0x0] =	vst.idx.msk $0xffff, v11  }
0x115: {  	v17 =	vmul.f32 v27, v41;
	[tilespmem:v32+s21+$0x0] =	vst.idx.msk $0xffff, v16;
	v11 =	vor.u32 v35, v56;
	v23 =	vld.idx.msk [tilespmem:v7+s21+$0x0], $0xffff  }
0x116: {  	v10 =	vadd.s32 v37, v47;
	v27 =	vmul.f32 v6, v46;
	v6 =	vadd.s32 v37, v44;
	v24 =	vld.idx.msk [tilespmem:v18+s21+$0x0], $0xffff  }
0x117: {  	v16 =	vor.u32 v35, v58;
	[tilespmem:v33+s21+$0x0] =	vst.idx.msk $0xffff, v17;
	v22 =	vld.idx.msk [tilespmem:v12+s21+$0x0], $0xffff;
	v17 =	vmul.f32 v28, v53  }
0x118: {  	v26 =	vmul.f32 v21, v5;
	v21 =	vld.idx.msk [tilespmem:v14+s21+$0x0], $0xffff;
	v5 =	vadd.s32 v35, v55;
	[tilespmem:v34+s21+$0x0] =	vst.idx.msk $0xffff, v27  }
0x119: {  	s0 =	simm.s32 $0xC;
	v27 =	vmul.f32 v31, v48;
	v19 =	vld.idx.msk [tilespmem:v63+s21+$0x0], $0xffff;
	v28 =	vmul.f32 v40, v54;
	[tilespmem:v30+s21+$0x0] =	vst.idx.msk $0xffff, v17  }
.LBB2_5:
0x11a: {  	v29 =	vmov s0;
	s6 =	sadd.s32 $0x1, s0;
	v17 =	vld.idx.msk [tilespmem:v11+s21+$0x0], $0xffff;
	v30 =	vor.u32 v2, v57;
	v23 =	vmul.f32 v23, v51  }
0x11b: {  	s7 =	sadd.s32 $0x2, s0;
	[tilespmem:v15+s21+$0x0] =	vst.idx.msk $0xffff, v26;
	v26 =	vmovc v44;
	v44 =	vmovc v56;
	v31 =	vmov v45;
	v45 =	vmov v58;
	v32 =	vmov v50;
	s10 =	smov.u32 s0;
	s5 =	sadd.s32 $0x4, s0  }
0x11c: {  	p0 =	slt.u32 s0, $0x5C;
	v25 =	vmul.f32 v25, v60;
	v50 =	vmovc v57;
	v56 =	vmul.u32 $0x70, v29;
	v15 =	vmov s6;
	s6 =	sadd.s32 $0x3, s10;
	[tilespmem:v13+s21+$0x0] =	vst.idx.msk $0xffff, v27;
	v13 =	vld.idx.msk [tilespmem:v3+s21+$0x0], $0xffff  }
0x11d: {  	v51 =	vmovc v42;
	v24 =	vmul.f32 v24, v43;
	v27 =	vmul.u32 $0x70, v15;
	v33 =	vmov s6;
	[tilespmem:v9+s21+$0x0] =	vst.idx.msk $0xffff, v28;
	v9 =	vld.idx.msk [tilespmem:v10+s21+$0x0], $0xffff  }
0x11e: {  	v42 =	vmov v53;
	v28 =	vor.u32 v0, v56;
	v58 =	vmul.u32 $0x70, v33;
	[tilespmem:v8+s21+$0x0] =	vst.idx.msk $0xffff, v25;
	v8 =	vld.idx.msk [tilespmem:v16+s21+$0x0], $0xffff  }
0x11f: {  	v34 =	vmov s7;
	v25 =	vor.u32 v0, v27;
	v40 =	vld.idx.msk [tilespmem:v5+s21+$0x0], $0xffff;
	[tilespmem:v18+s21+$0x0] =	vst.idx.msk $0xffff, v24;
	v18 =	vmul.f32 v21, v41  }
0x120: {  	v57 =	vmul.u32 $0x70, v34;
	v21 =	vmov v48;
	[tilespmem:v4+s21+$0x0] =	vst.idx.msk $0xffff, v20;
	v4 =	vmul.f32 v22, v51;
	v20 =	vld.idx.msk [tilespmem:v61+s21+$0x0], $0xffff  }
0x121: {  	v22 =	vor.u32 v0, v58;
	v53 =	vld.idx.msk [tilespmem:v29+s19+$0x0], $0xffff;
	[tilespmem:v14+s21+$0x0] =	vst.idx.msk $0xffff, v18;
	v14 =	vmul.f32 v19, v46  }
0x122: {  	v18 =	vadd.s32 v37, v57;
	v19 =	vld.idx.msk [tilespmem:v30+s21+$0x0], $0xffff;
	[tilespmem:v12+s21+$0x0] =	vst.idx.msk $0xffff, v4;
	v4 =	vmul.f32 v13, v49  }
0x123: {  	v24 =	vadd.s32 v38, v47;
	v9 =	vmul.f32 v9, v21;
	v12 =	vld.idx.msk [tilespmem:v6+s21+$0x0], $0xffff;
	[tilespmem:v7+s21+$0x0] =	vst.idx.msk $0xffff, v23  }
0x124: {  	v46 =	vmov v43;
	v43 =	vmov v52;
	v7 =	vmul.f32 v8, v54;
	[tilespmem:v3+s21+$0x0] =	vst.idx.msk $0xffff, v4;
	v52 =	vld.idx.msk [tilespmem:v34+s19+$0x0], $0xffff  }
0x125: {  	v48 =	vmovc v60;
	v29 =	vmov v11;
	v49 =	vmov v41;
	v41 =	vmov v54;
	[tilespmem:v63+s21+$0x0] =	vst.idx.msk $0xffff, v14;
	v54 =	vld.idx.msk [tilespmem:v33+s19+$0x0], $0xffff  }
0x126: {  	v3 =	vmul.f32 v20, v46;
	[tilespmem:v10+s21+$0x0] =	vst.idx.msk $0xffff, v9;
	v10 =	vld.idx.msk [tilespmem:v62+s21+$0x0], $0xffff  }
0x127: {  	v23 =	vadd.s32 v38, v26;
	v33 =	vor.u32 v2, v56;
	v11 =	vld.idx.msk [tilespmem:v25+s21+$0x0], $0xffff  }
0x128: {  	v8 =	vadd.s32 v2, v27;
	v4 =	vor.u32 v0, v57;
	v14 =	vld.idx.msk [tilespmem:v24+s21+$0x0], $0xffff;
	[tilespmem:v61+s21+$0x0] =	vst.idx.msk $0xffff, v3  }
0x129: {  	v34 =	vadd.s32 v35, v50;
	v3 =	vmul.f32 v12, v51;
	v61 =	vmovc v59;
	v59 =	vmov v18;
	v20 =	vld.idx.msk [tilespmem:v28+s21+$0x0], $0xffff  }
0x12a: {  	v1 =	vadd.s32 v36, v45;
	v9 =	vadd.s32 v2, v58;
	v12 =	vld.idx.msk [tilespmem:v22+s21+$0x0], $0xffff  }
0x12b: {  	v13 =	vmul.f32 v19, v43;
	v19 =	vadd.s32 v38, v32;
	v60 =	vld.idx.msk [tilespmem:v15+s19+$0x0], $0xffff;
	[tilespmem:v6+s21+$0x0] =	vst.idx.msk $0xffff, v3  }
0x12c: {  	v15 =	vadd.s32 v39, v47;
	[tilespmem:v16+s21+$0x0] =	vst.idx.msk $0xffff, v7;
	v6 =	vld.idx.msk [tilespmem:v23+s21+$0x0], $0xffff;
	v7 =	vmul.f32 v10, v49  }
0x12d: {  	v3 =	vadd.s32 v39, v31;
	v47 =	vmov v55;
	v55 =	vmov v27;
	v10 =	vld.idx.msk [tilespmem:v4+s21+$0x0], $0xffff;
	[tilespmem:v30+s21+$0x0] =	vst.idx.msk $0xffff, v13  }
0x12e: {  	v13 =	vadd.s32 v36, v47;
	v14 =	vmul.f32 v14, v21;
	v16 =	vld.idx.msk [tilespmem:v34+s21+$0x0], $0xffff;
	[tilespmem:v62+s21+$0x0] =	vst.idx.msk $0xffff, v7  }
0x12f: {  	v63 =	vadd.s32 v39, v32;
	v18 =	vmul.f32 v20, v53;
	v20 =	vmul.f32 v40, v48;
	v27 =	vld.idx.msk [tilespmem:v1+s21+$0x0], $0xffff  }
0x130: {  	v7 =	vadd.s32 v39, v26;
	v12 =	vmul.f32 v12, v54;
	[tilespmem:v24+s21+$0x0] =	vst.idx.msk $0xffff, v14;
	v24 =	vld.idx.msk [tilespmem:v19+s21+$0x0], $0xffff  }
0x131: {  	v62 =	vadd.s32 v38, v45;
	v26 =	vmul.f32 v11, v60;
	[tilespmem:v28+s21+$0x0] =	vst.idx.msk $0xffff, v18;
	v28 =	vld.idx.msk [tilespmem:v15+s21+$0x0], $0xffff  }
0x132: {  	v18 =	vadd.s32 v36, v50;
	v30 =	vld.idx.msk [tilespmem:v33+s21+$0x0], $0xffff;
	[tilespmem:v5+s21+$0x0] =	vst.idx.msk $0xffff, v20;
	v5 =	vmul.f32 v6, v51  }
0x133: {  	v14 =	vadd.s32 v37, v45;
	v20 =	vmul.f32 v10, v52;
	[tilespmem:v22+s21+$0x0] =	vst.idx.msk $0xffff, v12;
	v31 =	vld.idx.msk [tilespmem:v13+s21+$0x0], $0xffff  }
0x134: {  	v12 =	vor.u32 v36, v44;
	v6 =	vmul.f32 v16, v43;
	v32 =	vld.idx.msk [tilespmem:v9+s21+$0x0], $0xffff;
	[tilespmem:v23+s21+$0x0] =	vst.idx.msk $0xffff, v5  }
0x135: {  	v11 =	vor.u32 v35, v56;
	v5 =	vmul.f32 v27, v41;
	[tilespmem:v25+s21+$0x0] =	vst.idx.msk $0xffff, v26;
	v23 =	vld.idx.msk [tilespmem:v7+s21+$0x0], $0xffff  }
.Ltmp1:
0x136: {  	v10 =	vmul.f32 v17, v42;
	v17 =	vmul.f32 v24, v46;
	v25 =	vld.idx.msk [tilespmem:v8+s21+$0x0], $0xffff;
	[tilespmem:v34+s21+$0x0] =	vst.idx.msk $0xffff, v6;
	(pc) =	sbr.rel @p0 .LBB2_5-.Ltmp1, $4  }
0x137: {  	v6 =	vadd.s32 v37, v44;
	v26 =	vmul.f32 v28, v21;
	v24 =	vld.idx.msk [tilespmem:v18+s21+$0x0], $0xffff;
	[tilespmem:v1+s21+$0x0] =	vst.idx.msk $0xffff, v5  }
0x138: {  	v1 =	vmul.f32 v30, v53;
	[tilespmem:v29+s21+$0x0] =	vst.idx.msk $0xffff, v10;
	v10 =	vadd.s32 v37, v47;
	v21 =	vld.idx.msk [tilespmem:v14+s21+$0x0], $0xffff  }
0x139: {  	v16 =	vor.u32 v35, v58;
	v5 =	vadd.s32 v35, v55;
	v22 =	vld.idx.msk [tilespmem:v12+s21+$0x0], $0xffff;
	[tilespmem:v19+s21+$0x0] =	vst.idx.msk $0xffff, v17  }
0x13a: {  	s0 =	smov.u32 s5;
	v27 =	vmul.f32 v31, v48;
	v28 =	vmul.f32 v32, v54;
	[tilespmem:v33+s21+$0x0] =	vst.idx.msk $0xffff, v1;
	v19 =	vld.idx.msk [tilespmem:v63+s21+$0x0], $0xffff  }
0x13b: {  	v1 =	vor.u32 v2, v57;
	_ =	sdelay $0x3  }
0x13c: {  	[tilespmem:v4+s21+$0x0] =	vst.idx.msk $0xffff, v20  }
0x13d: {  	v4 =	vld.idx.msk [tilespmem:v1+s21+$0x0], $0xffff;
	_ =	sdelay $0x1  }
0x13e: {  	v17 =	vmul.f32 v25, v60  }
0x13f: {  	v20 =	vadd.s32 v35, v57  }
0x140: {  	[tilespmem:v8+s21+$0x0] =	vst.idx.msk $0xffff, v17  }
0x141: {  	v8 =	vld.idx.msk [tilespmem:v5+s21+$0x0], $0xffff;
	v4 =	vmul.f32 v4, v52  }
0x142: {  	[tilespmem:v9+s21+$0x0] =	vst.idx.msk $0xffff, v28;
	v17 =	vld.idx.msk [tilespmem:v11+s21+$0x0], $0xffff  }
0x143: {  	v9 =	vld.idx.msk [tilespmem:v16+s21+$0x0], $0xffff;
	[tilespmem:v1+s21+$0x0] =	vst.idx.msk $0xffff, v4  }
0x144: {  	v1 =	vadd.s32 v36, v55;
	v4 =	vld.idx.msk [tilespmem:v20+s21+$0x0], $0xffff  }
0x145: {  	[tilespmem:v15+s21+$0x0] =	vst.idx.msk $0xffff, v26;
	v15 =	vmul.f32 v24, v43;
	v24 =	vor.u32 v36, v56  }
0x146: {  	[tilespmem:v13+s21+$0x0] =	vst.idx.msk $0xffff, v27;
	v13 =	vadd.s32 v36, v58;
	v8 =	vmul.f32 v8, v60  }
0x147: {  	[tilespmem:v18+s21+$0x0] =	vst.idx.msk $0xffff, v15;
	v15 =	vadd.s32 v36, v57;
	v17 =	vmul.f32 v17, v53  }
0x148: {  	v18 =	vld.idx.msk [tilespmem:v3+s21+$0x0], $0xffff;
	v9 =	vmul.f32 v9, v54;
	[tilespmem:v5+s21+$0x0] =	vst.idx.msk $0xffff, v8  }
0x149: {  	[tilespmem:v11+s21+$0x0] =	vst.idx.msk $0xffff, v17;
	v5 =	vld.idx.msk [tilespmem:v1+s21+$0x0], $0xffff;
	v4 =	vmul.f32 v4, v52  }
0x14a: {  	[tilespmem:v16+s21+$0x0] =	vst.idx.msk $0xffff, v9;
	v8 =	vmul.f32 v21, v41;
	v9 =	vld.idx.msk [tilespmem:v24+s21+$0x0], $0xffff  }
0x14b: {  	v11 =	vmul.f32 v22, v42;
	v16 =	vld.idx.msk [tilespmem:v13+s21+$0x0], $0xffff;
	[tilespmem:v20+s21+$0x0] =	vst.idx.msk $0xffff, v4  }
0x14c: {  	[tilespmem:v14+s21+$0x0] =	vst.idx.msk $0xffff, v8;
	v14 =	vadd.s32 v37, v55;
	v4 =	vmul.f32 v23, v51;
	v8 =	vld.idx.msk [tilespmem:v15+s21+$0x0], $0xffff  }
0x14d: {  	v17 =	vld.idx.msk [tilespmem:v10+s21+$0x0], $0xffff;
	[tilespmem:v12+s21+$0x0] =	vst.idx.msk $0xffff, v11;
	v11 =	vmul.f32 v18, v49;
	v12 =	vadd.s32 v37, v56  }
0x14e: {  	v18 =	vld.idx.msk [tilespmem:v6+s21+$0x0], $0xffff;
	[tilespmem:v7+s21+$0x0] =	vst.idx.msk $0xffff, v4;
	v4 =	vadd.s32 v37, v58;
	v5 =	vmul.f32 v5, v60  }
0x14f: {  	[tilespmem:v3+s21+$0x0] =	vst.idx.msk $0xffff, v11;
	v3 =	vmul.f32 v9, v53  }
0x150: {  	v9 =	vadd.s32 v38, v47;
	v11 =	vmul.f32 v16, v54;
	v7 =	vld.idx.msk [tilespmem:v61+s21+$0x0], $0xffff;
	[tilespmem:v1+s21+$0x0] =	vst.idx.msk $0xffff, v5  }
0x151: {  	[tilespmem:v24+s21+$0x0] =	vst.idx.msk $0xffff, v3;
	v1 =	vadd.s32 v38, v44;
	v5 =	vld.idx.msk [tilespmem:v14+s21+$0x0], $0xffff;
	v8 =	vmul.f32 v8, v52  }
0x152: {  	v3 =	vmul.f32 v17, v48;
	[tilespmem:v13+s21+$0x0] =	vst.idx.msk $0xffff, v11;
	v11 =	vld.idx.msk [tilespmem:v12+s21+$0x0], $0xffff  }
0x153: {  	v16 =	vadd.s32 v38, v50;
	v13 =	vmul.f32 v18, v42;
	v17 =	vld.idx.msk [tilespmem:v4+s21+$0x0], $0xffff;
	[tilespmem:v15+s21+$0x0] =	vst.idx.msk $0xffff, v8  }
0x154: {  	[tilespmem:v10+s21+$0x0] =	vst.idx.msk $0xffff, v3;
	v10 =	vadd.s32 v38, v55;
	v8 =	vmul.f32 v19, v46;
	v3 =	vld.idx.msk [tilespmem:v59+s21+$0x0], $0xffff  }
0x155: {  	[tilespmem:v6+s21+$0x0] =	vst.idx.msk $0xffff, v13;
	v6 =	vadd.s32 v38, v56;
	v7 =	vmul.f32 v7, v43;
	v15 =	vld.idx.msk [tilespmem:v9+s21+$0x0], $0xffff  }
0x156: {  	v13 =	vadd.s32 v38, v58;
	[tilespmem:v63+s21+$0x0] =	vst.idx.msk $0xffff, v8;
	v8 =	vld.idx.msk [tilespmem:v1+s21+$0x0], $0xffff;
	v5 =	vmul.f32 v5, v60  }
0x157: {  	v18 =	vld.idx.msk [tilespmem:v62+s21+$0x0], $0xffff;
	[tilespmem:v61+s21+$0x0] =	vst.idx.msk $0xffff, v7;
	v7 =	vmul.f32 v11, v53;
	v11 =	vadd.s32 v38, v57  }
0x158: {  	v19 =	vadd.s32 v39, v47;
	v20 =	vld.idx.msk [tilespmem:v16+s21+$0x0], $0xffff;
	v17 =	vmul.f32 v17, v54;
	[tilespmem:v14+s21+$0x0] =	vst.idx.msk $0xffff, v5  }
0x159: {  	[tilespmem:v12+s21+$0x0] =	vst.idx.msk $0xffff, v7;
	v5 =	vadd.s32 v39, v44;
	v14 =	vld.idx.msk [tilespmem:v10+s21+$0x0], $0xffff;
	v3 =	vmul.f32 v3, v52  }
0x15a: {  	v7 =	vadd.s32 v39, v45;
	v12 =	vmul.f32 v15, v48;
	[tilespmem:v4+s21+$0x0] =	vst.idx.msk $0xffff, v17;
	v4 =	vld.idx.msk [tilespmem:v6+s21+$0x0], $0xffff  }
0x15b: {  	v15 =	vadd.s32 v39, v50;
	v8 =	vmul.f32 v8, v42;
	v17 =	vld.idx.msk [tilespmem:v13+s21+$0x0], $0xffff;
	[tilespmem:v59+s21+$0x0] =	vst.idx.msk $0xffff, v3  }
0x15c: {  	[tilespmem:v9+s21+$0x0] =	vst.idx.msk $0xffff, v12;
	v9 =	vadd.s32 v39, v55;
	v3 =	vmul.f32 v18, v41;
	v12 =	vld.idx.msk [tilespmem:v11+s21+$0x0], $0xffff  }
0x15d: {  	v18 =	vld.idx.msk [tilespmem:v19+s21+$0x0], $0xffff;
	[tilespmem:v1+s21+$0x0] =	vst.idx.msk $0xffff, v8;
	v1 =	vmul.f32 v20, v43;
	v8 =	vadd.s32 v39, v56  }
0x15e: {  	v20 =	vadd.s32 v39, v58;
	[tilespmem:v62+s21+$0x0] =	vst.idx.msk $0xffff, v3;
	v3 =	vld.idx.msk [tilespmem:v5+s21+$0x0], $0xffff;
	v14 =	vmul.f32 v14, v60  }
0x15f: {  	[tilespmem:v16+s21+$0x0] =	vst.idx.msk $0xffff, v1;
	v1 =	vld.idx.msk [tilespmem:v7+s21+$0x0], $0xffff;
	v16 =	vadd.s32 v39, v57;
	v4 =	vmul.f32 v4, v53  }
0x160: {  	v21 =	vld.idx.msk [tilespmem:v15+s21+$0x0], $0xffff;
	v17 =	vmul.f32 v17, v54;
	[tilespmem:v10+s21+$0x0] =	vst.idx.msk $0xffff, v14  }
0x161: {  	v10 =	vld.idx.msk [tilespmem:v9+s21+$0x0], $0xffff;
	[tilespmem:v6+s21+$0x0] =	vst.idx.msk $0xffff, v4;
	v4 =	vmul.f32 v12, v52  }
0x162: {  	v6 =	vmul.f32 v18, v48;
	[tilespmem:v13+s21+$0x0] =	vst.idx.msk $0xffff, v17;
	v12 =	vld.idx.msk [tilespmem:v8+s21+$0x0], $0xffff  }
0x163: {  	v3 =	vmul.f32 v3, v42;
	[tilespmem:v11+s21+$0x0] =	vst.idx.msk $0xffff, v4;
	v4 =	vld.idx.msk [tilespmem:v20+s21+$0x0], $0xffff;
	v11 =	vmov s1  }
0x164: {  	[tilespmem:v19+s21+$0x0] =	vst.idx.msk $0xffff, v6;
	v1 =	vmul.f32 v1, v41;
	v6 =	vld.idx.msk [tilespmem:v16+s21+$0x0], $0xffff;
	v11 =	vmul.u32 $0x60, v11  }
0x165: {  	v13 =	vmul.f32 v21, v43;
	[tilespmem:v5+s21+$0x0] =	vst.idx.msk $0xffff, v3  }
0x166: {  	[tilespmem:v7+s21+$0x0] =	vst.idx.msk $0xffff, v1;
	v1 =	vmul.f32 v10, v60;
	v3 =	vbroadcast v11, $0x0  }
0x167: {  	[tilespmem:v15+s21+$0x0] =	vst.idx.msk $0xffff, v13;
	v5 =	vmul.f32 v12, v53  }
0x168: {  	s0 =	smul.u32 $0x300, s30;
	[tilespmem:v9+s21+$0x0] =	vst.idx.msk $0xffff, v1;
	v1 =	vmul.f32 v4, v54;
	v4 =	vor.u32 v0, v3  }
0x169: {  	[tilespmem:v8+s21+$0x0] =	vst.idx.msk $0xffff, v5;
	v6 =	vmul.f32 v6, v52  }
0x16a: {  	s0 =	sshra.s32 s0, $0x2;
	[tilespmem:v20+s21+$0x0] =	vst.idx.msk $0xffff, v1  }
0x16b: {  	s0 =	sadd.s32 $0x1C80, s0;
	[tilespmem:v16+s21+$0x0] =	vst.idx.msk $0xffff, v6  }
0x16c: {  	[spmem:s2] =	stream.indirect.scatter.add.f32 [tilespmem:s21], [sflag:$0x3], $0x70, s0, s20, $0xb8;
	[tilespmem:$0x1F000] =	vst v63  }
0x16d: {  	v1 =	vld.idx.msk [tilespmem:v4+s16+$0x0], $0xffff  }
0x16e: {  	v4 =	vld.idx.msk [tilespmem:v4+s3+$0x0], $0xffff;
	_ =	sdelay $0x3  }
0x16f: {  	v1 =	vadd.s32 $0x2710, v1;
	_ =	sdelay $0x3  }
0x170: {  	v4 =	vld.idx.msk [tilespmem:v4+s14+$0x0], $0xffff  }
0x171: {  	v1 =	vld.idx.msk [tilespmem:v1+s14+$0x0], $0xffff;
	_ =	sdelay $0x4  }
0x172: {  	v7 =	vld [tilespmem:$0x1FFD0];
	v1 =	vadd.f32 v1, v4;
	_ =	sdelay $0x1  }
0x173: {  	v4 =	vmul.f32 $2.000000030e-01, v1;
	_ =	sdelay $0x1  }
0x174: {  	v1 =	vmax.f32 v1, v4  }
0x175: {  	v1 =	vsub.f32 v1, v7;
	_ =	sdelay $0x1  }
0x176: {  	v1 =	vmul.f32 $1.442695020e+00, v1;
	_ =	sdelay $0x1  }
0x177: {  	(erf) = vpow2.f32 v1;
	_ =	sdelay $0x3  }
0x178: {  	v6 =	vld [tilespmem:$0x1FFE0]  }
0x179: {  	s1 =	smul.u32 $0x60, s1;
	_ =	sdelay $0x1  }
0x17a: {  	s0 =	sadd.s32 s8, s1;
	v1 =	vor.u32 v2, v3  }
0x17b: {  	v4 =	vmov s0  }
0x17c: {  	vm0 =	vlt.u32 v4, v6;
	v5 =	vpop (erf)  }
0x17d: {  	v4 =	vnsel vm0, $0x0, v5  }
0x17e: {  	[tilespmem:v0+s19+$0x0] =	vst.idx.msk $0xffff, v4  }
0x17f: {  	v4 =	vld.idx.msk [tilespmem:v1+s16+$0x0], $0xffff  }
0x180: {  	v1 =	vld.idx.msk [tilespmem:v1+s3+$0x0], $0xffff;
	_ =	sdelay $0x3  }
0x181: {  	v4 =	vadd.s32 $0x2710, v4;
	_ =	sdelay $0x3  }
0x182: {  	v1 =	vld.idx.msk [tilespmem:v1+s14+$0x0], $0xffff  }
0x183: {  	v4 =	vld.idx.msk [tilespmem:v4+s14+$0x0], $0xffff;
	_ =	sdelay $0x4  }
0x184: {  	v1 =	vadd.f32 v4, v1;
	_ =	sdelay $0x1  }
0x185: {  	v4 =	vmul.f32 $2.000000030e-01, v1;
	_ =	sdelay $0x1  }
0x186: {  	v1 =	vmax.f32 v1, v4  }
0x187: {  	v1 =	vsub.f32 v1, v7;
	_ =	sdelay $0x1  }
0x188: {  	v1 =	vmul.f32 $1.442695020e+00, v1;
	_ =	sdelay $0x1  }
0x189: {  	(erf) = vpow2.f32 v1;
	_ =	sdelay $0x6  }
0x18a: {  	s5 =	sor.u32 $0x10, s0;
	v1 =	vadd.s32 v35, v3  }
0x18b: {  	v4 =	vmov s5  }
0x18c: {  	vm11 =	vlt.u32 v4, v6;
	v5 =	vpop (erf)  }
0x18d: {  	v4 =	vnsel vm11, $0x0, v5  }
0x18e: {  	[tilespmem:v2+s19+$0x0] =	vst.idx.msk $0xffff, v4  }
0x18f: {  	v4 =	vld.idx.msk [tilespmem:v1+s16+$0x0], $0xffff  }
0x190: {  	v1 =	vld.idx.msk [tilespmem:v1+s3+$0x0], $0xffff;
	_ =	sdelay $0x3  }
0x191: {  	v4 =	vadd.s32 $0x2710, v4;
	_ =	sdelay $0x3  }
0x192: {  	v1 =	vld.idx.msk [tilespmem:v1+s14+$0x0], $0xffff  }
0x193: {  	v4 =	vld.idx.msk [tilespmem:v4+s14+$0x0], $0xffff;
	_ =	sdelay $0x4  }
0x194: {  	v1 =	vadd.f32 v4, v1;
	_ =	sdelay $0x1  }
0x195: {  	v4 =	vmul.f32 $2.000000030e-01, v1;
	_ =	sdelay $0x1  }
0x196: {  	v1 =	vmax.f32 v1, v4  }
0x197: {  	v1 =	vsub.f32 v1, v7;
	_ =	sdelay $0x1  }
0x198: {  	v1 =	vmul.f32 $1.442695020e+00, v1;
	_ =	sdelay $0x1  }
0x199: {  	(erf) = vpow2.f32 v1;
	_ =	sdelay $0x6  }
0x19a: {  	s6 =	sadd.s32 $0x20, s0;
	v1 =	vadd.s32 v36, v3  }
0x19b: {  	v4 =	vmov s6  }
0x19c: {  	vm12 =	vlt.u32 v4, v6;
	v5 =	vpop (erf)  }
0x19d: {  	v4 =	vnsel vm12, $0x0, v5  }
0x19e: {  	[tilespmem:v35+s19+$0x0] =	vst.idx.msk $0xffff, v4  }
0x19f: {  	v4 =	vld.idx.msk [tilespmem:v1+s16+$0x0], $0xffff  }
0x1a0: {  	v1 =	vld.idx.msk [tilespmem:v1+s3+$0x0], $0xffff;
	_ =	sdelay $0x3  }
0x1a1: {  	v4 =	vadd.s32 $0x2710, v4;
	_ =	sdelay $0x3  }
0x1a2: {  	v1 =	vld.idx.msk [tilespmem:v1+s14+$0x0], $0xffff  }
0x1a3: {  	v4 =	vld.idx.msk [tilespmem:v4+s14+$0x0], $0xffff;
	_ =	sdelay $0x4  }
0x1a4: {  	v1 =	vadd.f32 v4, v1;
	_ =	sdelay $0x1  }
0x1a5: {  	v4 =	vmul.f32 $2.000000030e-01, v1;
	_ =	sdelay $0x1  }
0x1a6: {  	v1 =	vmax.f32 v1, v4  }
0x1a7: {  	v1 =	vsub.f32 v1, v7;
	_ =	sdelay $0x1  }
0x1a8: {  	v1 =	vmul.f32 $1.442695020e+00, v1;
	_ =	sdelay $0x1  }
0x1a9: {  	(erf) = vpow2.f32 v1;
	_ =	sdelay $0x6  }
0x1aa: {  	s7 =	sadd.s32 $0x30, s0;
	v1 =	vadd.s32 v37, v3  }
0x1ab: {  	v4 =	vmov s7  }
0x1ac: {  	vm13 =	vlt.u32 v4, v6;
	v5 =	vpop (erf)  }
0x1ad: {  	v4 =	vnsel vm13, $0x0, v5  }
0x1ae: {  	[tilespmem:v36+s19+$0x0] =	vst.idx.msk $0xffff, v4  }
0x1af: {  	v4 =	vld.idx.msk [tilespmem:v1+s16+$0x0], $0xffff  }
0x1b0: {  	v1 =	vld.idx.msk [tilespmem:v1+s3+$0x0], $0xffff;
	_ =	sdelay $0x3  }
0x1b1: {  	v4 =	vadd.s32 $0x2710, v4;
	_ =	sdelay $0x3  }
0x1b2: {  	v1 =	vld.idx.msk [tilespmem:v1+s14+$0x0], $0xffff  }
0x1b3: {  	v4 =	vld.idx.msk [tilespmem:v4+s14+$0x0], $0xffff;
	_ =	sdelay $0x4  }
0x1b4: {  	v1 =	vadd.f32 v4, v1;
	_ =	sdelay $0x1  }
0x1b5: {  	v4 =	vmul.f32 $2.000000030e-01, v1;
	_ =	sdelay $0x1  }
0x1b6: {  	v1 =	vmax.f32 v1, v4  }
0x1b7: {  	v1 =	vsub.f32 v1, v7;
	_ =	sdelay $0x1  }
0x1b8: {  	v1 =	vmul.f32 $1.442695020e+00, v1;
	_ =	sdelay $0x1  }
0x1b9: {  	(erf) = vpow2.f32 v1;
	_ =	sdelay $0x6  }
0x1ba: {  	s10 =	sadd.s32 $0x40, s0;
	v1 =	vadd.s32 v38, v3  }
0x1bb: {  	v3 =	vmov s10  }
0x1bc: {  	vm14 =	vlt.u32 v3, v6;
	v4 =	vpop (erf)  }
0x1bd: {  	v3 =	vnsel vm14, $0x0, v4  }
0x1be: {  	[tilespmem:v37+s19+$0x0] =	vst.idx.msk $0xffff, v3  }
0x1bf: {  	v3 =	vld.idx.msk [tilespmem:v1+s16+$0x0], $0xffff  }
0x1c0: {  	v1 =	vld.idx.msk [tilespmem:v1+s3+$0x0], $0xffff;
	_ =	sdelay $0x3  }
0x1c1: {  	v3 =	vadd.s32 $0x2710, v3;
	_ =	sdelay $0x3  }
0x1c2: {  	v1 =	vld.idx.msk [tilespmem:v1+s14+$0x0], $0xffff  }
0x1c3: {  	v3 =	vld.idx.msk [tilespmem:v3+s14+$0x0], $0xffff;
	_ =	sdelay $0x4  }
0x1c4: {  	v1 =	vadd.f32 v3, v1;
	_ =	sdelay $0x1  }
0x1c5: {  	v3 =	vmul.f32 $2.000000030e-01, v1;
	_ =	sdelay $0x1  }
0x1c6: {  	v1 =	vmax.f32 v1, v3  }
0x1c7: {  	v1 =	vsub.f32 v1, v7;
	_ =	sdelay $0x1  }
0x1c8: {  	v1 =	vmul.f32 $1.442695020e+00, v1;
	_ =	sdelay $0x1  }
0x1c9: {  	(erf) = vpow2.f32 v1;
	_ =	sdelay $0x6  }
0x1ca: {  	s0 =	sadd.s32 $0x50, s0  }
0x1cb: {  	v1 =	vmov s0  }
0x1cc: {  	vm15 =	vlt.u32 v1, v6;
	v3 =	vpop (erf)  }
0x1cd: {  	s0 =	sadd.s32 $0x2, s31;
	v1 =	vnsel vm15, $0x0, v3  }
0x1ce: {  	s31 =	simm.s32 $0x3;
	p0 =	sge.u32 s0, s9;
	[tilespmem:v38+s19+$0x0] =	vst.idx.msk $0xffff, v1  }
0x1cf: {  	s6 =	simm.s32 $0x1;
	s0 =	smul.u32 @!p0 $0x180, s0;
	v1 =	vmov s31;
	_ =	swait.ge [sflag:s23], $0x2A00  }
0x1d0: {  	v4 =	vmov s6;
	s5 =	simm.s32 @!p0 $0x60;
	v3 =	vmul.u32 $0x70, v1;
	[sflag:s23] =	ssyncset.done $0x0  }
0x1d1: {  	v7 =	vmul.u32 $0x70, v4;
	s6 =	simm.s32 @!p0 $0x8780;
	s0 =	sshra.s32 @!p0 s0, $0x2;
	[sflag:s23] =	ssyncadd.s32 $0xFFFFD600  }
0x1d2: {  	v8 =	vor.u32 v0, v3;
	[tilespmem:s6], [sflag:$0x1] =	stream.indirect.gather @!p0 [hbm4b:s4+s5], $0x70, s0, s5, $0xb8;
	[tilespmem:$0x1F000] =	vst v63  }
0x1d3: {  	v9 =	vor.u32 v0, v7;
	_ =	swait.ge [sflag:s24], $0x2A00  }
0x1d4: {  	[sflag:s24] =	ssyncset.done $0x0  }
0x1d5: {  	s5 =	simm.s32 $0x0;
	[sflag:s24] =	ssyncadd.s32 $0xFFFFD600  }
0x1d6: {  	s6 =	simm.s32 $0x2;
	v10 =	vmov s5;
	v49 =	vld.idx.msk [tilespmem:v1+s19+$0x0], $0xffff  }
0x1d7: {  	v11 =	vmov s6;
	v6 =	vmul.u32 $0x70, v10;
	v1 =	vld.idx.msk [tilespmem:v8+s25+$0x0], $0xffff  }
0x1d8: {  	v62 =	vmul.u32 $0x70, v11;
	v12 =	vld.idx.msk [tilespmem:v9+s25+$0x0], $0xffff  }
0x1d9: {  	v13 =	vor.u32 v0, v6;
	v5 =	vld.idx.msk [tilespmem:v4+s19+$0x0], $0xffff  }
0x1da: {  	v14 =	vor.u32 v0, v62  }
0x1db: {  	v4 =	vadd.s32 v2, v3  }
0x1dc: {  	v51 =	vld.idx.msk [tilespmem:v10+s19+$0x0], $0xffff;
	v10 =	vadd.s32 v2, v7  }
0x1dd: {  	v46 =	vld.idx.msk [tilespmem:v11+s19+$0x0], $0xffff;
	v1 =	vmul.f32 v1, v49  }
0x1de: {  	v11 =	vld.idx.msk [tilespmem:v13+s25+$0x0], $0xffff;
	v12 =	vmul.f32 v12, v5  }
0x1df: {  	[tilespmem:v8+s25+$0x0] =	vst.idx.msk $0xffff, v1;
	v8 =	vld.idx.msk [tilespmem:v14+s25+$0x0], $0xffff  }
0x1e0: {  	s7 =	simm.s32 $0x4;
	[tilespmem:v9+s25+$0x0] =	vst.idx.msk $0xffff, v12;
	v1 =	vld.idx.msk [tilespmem:v4+s25+$0x0], $0xffff  }
0x1e1: {  	v18 =	vmov s7;
	v12 =	vld.idx.msk [tilespmem:v10+s25+$0x0], $0xffff  }
0x1e2: {  	v9 =	vor.u32 v2, v6  }
0x1e3: {  	v16 =	vor.u32 v2, v62;
	v11 =	vmul.f32 v11, v51  }
0x1e4: {  	s31 =	simm.s32 $0x7;
	v15 =	vor.u32 v35, v3;
	v8 =	vmul.f32 v8, v46  }
0x1e5: {  	v43 =	vmul.u32 $0x70, v18;
	s10 =	simm.s32 $0x5;
	v19 =	vmov s31;
	[tilespmem:v13+s25+$0x0] =	vst.idx.msk $0xffff, v11;
	v1 =	vmul.f32 v1, v49  }
0x1e6: {  	v17 =	vadd.s32 v35, v7;
	v42 =	vld.idx.msk [tilespmem:v18+s19+$0x0], $0xffff;
	v11 =	vmov s10;
	v12 =	vmul.f32 v12, v5;
	[tilespmem:v14+s25+$0x0] =	vst.idx.msk $0xffff, v8  }
0x1e7: {  	v13 =	vld.idx.msk [tilespmem:v9+s25+$0x0], $0xffff;
	v47 =	vmul.u32 $0x70, v11;
	[tilespmem:v4+s25+$0x0] =	vst.idx.msk $0xffff, v1  }
0x1e8: {  	v45 =	vmul.u32 $0x70, v19;
	v1 =	vor.u32 v0, v43;
	[tilespmem:v10+s25+$0x0] =	vst.idx.msk $0xffff, v12;
	v10 =	vld.idx.msk [tilespmem:v16+s25+$0x0], $0xffff  }
0x1e9: {  	v8 =	vor.u32 v0, v47;
	v4 =	vld.idx.msk [tilespmem:v15+s25+$0x0], $0xffff  }
0x1ea: {  	v41 =	vld.idx.msk [tilespmem:v19+s19+$0x0], $0xffff;
	v14 =	vor.u32 v0, v45  }
0x1eb: {  	v18 =	vadd.s32 v35, v62;
	v12 =	vld.idx.msk [tilespmem:v17+s25+$0x0], $0xffff  }
0x1ec: {  	v22 =	vadd.s32 v36, v3;
	v48 =	vld.idx.msk [tilespmem:v11+s19+$0x0], $0xffff;
	v13 =	vmul.f32 v13, v51  }
0x1ed: {  	s5 =	simm.s32 $0x6;
	v19 =	vor.u32 v35, v6;
	v20 =	vld.idx.msk [tilespmem:v1+s25+$0x0], $0xffff;
	v10 =	vmul.f32 v10, v46  }
0x1ee: {  	v23 =	vmov s5;
	v21 =	vld.idx.msk [tilespmem:v8+s25+$0x0], $0xffff;
	[tilespmem:v9+s25+$0x0] =	vst.idx.msk $0xffff, v13;
	v4 =	vmul.f32 v4, v49  }
0x1ef: {  	v24 =	vld.idx.msk [tilespmem:v14+s25+$0x0], $0xffff;
	v9 =	vadd.s32 v36, v7;
	[tilespmem:v16+s25+$0x0] =	vst.idx.msk $0xffff, v10  }
0x1f0: {  	v25 =	vor.u32 v2, v43;
	v10 =	vld.idx.msk [tilespmem:v18+s25+$0x0], $0xffff;
	[tilespmem:v15+s25+$0x0] =	vst.idx.msk $0xffff, v4  }
0x1f1: {  	v12 =	vmul.f32 v12, v5;
	v15 =	vadd.s32 v2, v47;
	v16 =	vld.idx.msk [tilespmem:v22+s25+$0x0], $0xffff  }
0x1f2: {  	v13 =	vadd.s32 v2, v45;
	v11 =	vld.idx.msk [tilespmem:v19+s25+$0x0], $0xffff;
	v4 =	vmul.f32 v20, v42  }
0x1f3: {  	v50 =	vmul.u32 $0x70, v23;
	v44 =	vld.idx.msk [tilespmem:v23+s19+$0x0], $0xffff;
	[tilespmem:v17+s25+$0x0] =	vst.idx.msk $0xffff, v12;
	v21 =	vmul.f32 v21, v48  }
0x1f4: {  	v20 =	vmul.f32 v24, v41;
	v12 =	vld.idx.msk [tilespmem:v9+s25+$0x0], $0xffff;
	[tilespmem:v1+s25+$0x0] =	vst.idx.msk $0xffff, v4;
	v1 =	vadd.s32 v36, v62  }
0x1f5: {  	v24 =	vor.u32 v36, v6;
	v4 =	vor.u32 v0, v50;
	[tilespmem:v8+s25+$0x0] =	vst.idx.msk $0xffff, v21;
	v23 =	vld.idx.msk [tilespmem:v25+s25+$0x0], $0xffff  }
0x1f6: {  	[tilespmem:v14+s25+$0x0] =	vst.idx.msk $0xffff, v20;
	v17 =	vmul.f32 v10, v46;
	v8 =	vmul.f32 v16, v49;
	v16 =	vld.idx.msk [tilespmem:v15+s25+$0x0], $0xffff  }
0x1f7: {  	v11 =	vmul.f32 v11, v51;
	v14 =	vadd.s32 v37, v3;
	v20 =	vld.idx.msk [tilespmem:v13+s25+$0x0], $0xffff  }
0x1f8: {  	v10 =	vor.u32 v35, v43;
	[tilespmem:v18+s25+$0x0] =	vst.idx.msk $0xffff, v17  }
0x1f9: {  	[tilespmem:v19+s25+$0x0] =	vst.idx.msk $0xffff, v11;
	v18 =	vadd.s32 v37, v7;
	v12 =	vmul.f32 v12, v5;
	v17 =	vld.idx.msk [tilespmem:v1+s25+$0x0], $0xffff  }
0x1fa: {  	v19 =	vadd.s32 v35, v47;
	v26 =	vld.idx.msk [tilespmem:v24+s25+$0x0], $0xffff;
	[tilespmem:v22+s25+$0x0] =	vst.idx.msk $0xffff, v8;
	v8 =	vmul.f32 v23, v42  }
0x1fb: {  	v22 =	vor.u32 v35, v45;
	v21 =	vld.idx.msk [tilespmem:v4+s25+$0x0], $0xffff;
	[tilespmem:v9+s25+$0x0] =	vst.idx.msk $0xffff, v12;
	v16 =	vmul.f32 v16, v48  }
0x1fc: {  	s6 =	simm.s32 $0x8;
	v11 =	vld.idx.msk [tilespmem:v14+s25+$0x0], $0xffff;
	v23 =	vadd.s32 v37, v62;
	[tilespmem:v25+s25+$0x0] =	vst.idx.msk $0xffff, v8;
	v8 =	vmul.f32 v20, v41  }
0x1fd: {  	v20 =	vmov s6;
	v27 =	vld.idx.msk [tilespmem:v10+s25+$0x0], $0xffff;
	[tilespmem:v15+s25+$0x0] =	vst.idx.msk $0xffff, v16  }
0x1fe: {  	v12 =	vor.u32 v2, v50;
	[tilespmem:v13+s25+$0x0] =	vst.idx.msk $0xffff, v8;
	v8 =	vld.idx.msk [tilespmem:v18+s25+$0x0], $0xffff;
	v9 =	vmul.f32 v17, v46  }
0x1ff: {  	s10 =	simm.s32 $0xA;
	v13 =	vadd.s32 v37, v6;
	v25 =	vld.idx.msk [tilespmem:v19+s25+$0x0], $0xffff  }
0x200: {  	s7 =	simm.s32 $0x9;
	v16 =	vmul.f32 v21, v44;
	v21 =	vmov s10;
	v15 =	vld.idx.msk [tilespmem:v22+s25+$0x0], $0xffff;
	[tilespmem:v1+s25+$0x0] =	vst.idx.msk $0xffff, v9  }
0x201: {  	s31 =	simm.s32 $0xB;
	v17 =	vmov s7;
	v9 =	vmul.f32 v26, v51;
	v26 =	vld.idx.msk [tilespmem:v23+s25+$0x0], $0xffff  }
0x202: {  	v55 =	vmul.u32 $0x70, v17;
	v1 =	vmov s31;
	[tilespmem:v4+s25+$0x0] =	vst.idx.msk $0xffff, v16;
	v53 =	vld.idx.msk [tilespmem:v20+s19+$0x0], $0xffff  }
0x203: {  	v28 =	vadd.s32 v38, v3;
	v56 =	vmul.u32 $0x70, v20;
	v20 =	vld.idx.msk [tilespmem:v12+s25+$0x0], $0xffff;
	[tilespmem:v24+s25+$0x0] =	vst.idx.msk $0xffff, v9  }
0x204: {  	v16 =	vor.u32 v0, v55;
	v9 =	vld.idx.msk [tilespmem:v13+s25+$0x0], $0xffff  }
0x205: {  	v4 =	vmul.f32 v11, v49;
	v11 =	vadd.s32 v38, v7;
	v58 =	vmul.u32 $0x70, v1;
	v52 =	vld.idx.msk [tilespmem:v21+s19+$0x0], $0xffff  }
0x206: {  	v33 =	vadd.s32 v36, v45;
	v57 =	vmul.u32 $0x70, v21;
	v24 =	vor.u32 v0, v56;
	v60 =	vld.idx.msk [tilespmem:v17+s19+$0x0], $0xffff  }
0x207: {  	[tilespmem:v14+s25+$0x0] =	vst.idx.msk $0xffff, v4;
	v21 =	vor.u32 v0, v58;
	v4 =	vmul.f32 v8, v5;
	v54 =	vld.idx.msk [tilespmem:v1+s19+$0x0], $0xffff  }
0x208: {  	v29 =	vadd.s32 v38, v6;
	v34 =	vadd.s32 v38, v62;
	v63 =	vadd.s32 v39, v62;
	v1 =	vld.idx.msk [tilespmem:v28+s25+$0x0], $0xffff  }
0x209: {  	v32 =	vadd.s32 v35, v50;
	v15 =	vmul.f32 v15, v41;
	[tilespmem:v18+s25+$0x0] =	vst.idx.msk $0xffff, v4;
	v14 =	vld.idx.msk [tilespmem:v16+s25+$0x0], $0xffff  }
0x20a: {  	v61 =	vadd.s32 v37, v50;
	v3 =	vadd.s32 v39, v3;
	v18 =	vmul.f32 v26, v46;
	v26 =	vld.idx.msk [tilespmem:v11+s25+$0x0], $0xffff  }
0x20b: {  	v30 =	vor.u32 v2, v56;
	v17 =	vmul.f32 v20, v44;
	[tilespmem:v22+s25+$0x0] =	vst.idx.msk $0xffff, v15;
	v31 =	vld.idx.msk [tilespmem:v24+s25+$0x0], $0xffff  }
0x20c: {  	v4 =	vor.u32 v0, v57;
	v9 =	vmul.f32 v9, v51;
	[tilespmem:v23+s25+$0x0] =	vst.idx.msk $0xffff, v18;
	v18 =	vld.idx.msk [tilespmem:v21+s25+$0x0], $0xffff  }
0x20d: {  	v15 =	vadd.s32 v39, v7;
	[tilespmem:v12+s25+$0x0] =	vst.idx.msk $0xffff, v17;
	v23 =	vmul.f32 v25, v48;
	v25 =	vld.idx.msk [tilespmem:v33+s25+$0x0], $0xffff  }
0x20e: {  	v7 =	vadd.s32 v39, v6;
	v17 =	vld.idx.msk [tilespmem:v32+s25+$0x0], $0xffff;
	[tilespmem:v13+s25+$0x0] =	vst.idx.msk $0xffff, v9;
	v1 =	vmul.f32 v1, v49  }
0x20f: {  	v13 =	vadd.s32 v36, v47;
	[tilespmem:v19+s25+$0x0] =	vst.idx.msk $0xffff, v23;
	v20 =	vld.idx.msk [tilespmem:v29+s25+$0x0], $0xffff;
	v12 =	vmul.f32 v26, v5  }
0x210: {  	v6 =	vld.idx.msk [tilespmem:v34+s25+$0x0], $0xffff;
	v9 =	vadd.s32 v2, v58;
	[tilespmem:v28+s25+$0x0] =	vst.idx.msk $0xffff, v1;
	v1 =	vmul.f32 v31, v53  }
0x211: {  	v8 =	vadd.s32 v2, v55;
	v22 =	vld.idx.msk [tilespmem:v4+s25+$0x0], $0xffff;
	v26 =	vmul.f32 v18, v54;
	[tilespmem:v11+s25+$0x0] =	vst.idx.msk $0xffff, v12  }
0x212: {  	v62 =	vadd.s32 v38, v45;
	[tilespmem:v24+s25+$0x0] =	vst.idx.msk $0xffff, v1;
	v1 =	vmul.f32 v14, v60;
	v28 =	vld.idx.msk [tilespmem:v15+s25+$0x0], $0xffff  }
0x213: {  	v18 =	vadd.s32 v36, v50;
	v17 =	vmul.f32 v17, v44;
	v31 =	vld.idx.msk [tilespmem:v30+s25+$0x0], $0xffff;
	[tilespmem:v21+s25+$0x0] =	vst.idx.msk $0xffff, v26  }
0x214: {  	v14 =	vadd.s32 v37, v45;
	v19 =	vld.idx.msk [tilespmem:v13+s25+$0x0], $0xffff;
	v11 =	vmul.f32 v20, v51;
	[tilespmem:v16+s25+$0x0] =	vst.idx.msk $0xffff, v1  }
0x215: {  	v12 =	vor.u32 v36, v43;
	v40 =	vld.idx.msk [tilespmem:v9+s25+$0x0], $0xffff;
	v1 =	vmul.f32 v25, v41;
	[tilespmem:v32+s25+$0x0] =	vst.idx.msk $0xffff, v17  }
0x216: {  	v59 =	vadd.s32 v37, v57;
	v16 =	vmul.f32 v27, v42;
	v25 =	vld.idx.msk [tilespmem:v8+s25+$0x0], $0xffff;
	[tilespmem:v29+s25+$0x0] =	vst.idx.msk $0xffff, v11  }
0x217: {  	v20 =	vmul.f32 v22, v52;
	v11 =	vor.u32 v35, v56;
	[tilespmem:v33+s25+$0x0] =	vst.idx.msk $0xffff, v1;
	v23 =	vld.idx.msk [tilespmem:v7+s25+$0x0], $0xffff  }
0x218: {  	v17 =	vmul.f32 v6, v46;
	v6 =	vadd.s32 v37, v43;
	v24 =	vld.idx.msk [tilespmem:v18+s25+$0x0], $0xffff;
	[tilespmem:v10+s25+$0x0] =	vst.idx.msk $0xffff, v16  }
0x219: {  	v10 =	vadd.s32 v37, v47;
	v16 =	vor.u32 v35, v58;
	v21 =	vld.idx.msk [tilespmem:v14+s25+$0x0], $0xffff;
	v1 =	vmul.f32 v31, v53  }
0x21a: {  	[tilespmem:v34+s25+$0x0] =	vst.idx.msk $0xffff, v17;
	v26 =	vmul.f32 v28, v5;
	v5 =	vadd.s32 v35, v55;
	v22 =	vld.idx.msk [tilespmem:v12+s25+$0x0], $0xffff  }
0x21b: {  	s5 =	simm.s32 $0xC;
	v27 =	vmul.f32 v19, v48;
	v19 =	vld.idx.msk [tilespmem:v63+s25+$0x0], $0xffff;
	v28 =	vmul.f32 v40, v54;
	[tilespmem:v30+s25+$0x0] =	vst.idx.msk $0xffff, v1  }
.LBB2_7:
0x21c: {  	v1 =	vmov s5;
	s6 =	sadd.s32 $0x1, s5;
	v17 =	vld.idx.msk [tilespmem:v11+s25+$0x0], $0xffff;
	v29 =	vor.u32 v2, v57;
	v23 =	vmul.f32 v23, v51  }
0x21d: {  	s7 =	sadd.s32 $0x2, s5;
	[tilespmem:v15+s25+$0x0] =	vst.idx.msk $0xffff, v26;
	v26 =	vmovc v43;
	v43 =	vmovc v56;
	v30 =	vmov v45;
	v45 =	vmov v58;
	v31 =	vmov v50;
	s10 =	smov.u32 s5;
	s0 =	sadd.s32 $0x4, s5  }
0x21e: {  	p0 =	slt.u32 s5, $0x5C;
	v25 =	vmul.f32 v25, v60;
	v50 =	vmovc v57;
	v56 =	vmul.u32 $0x70, v1;
	v15 =	vmov s6;
	s6 =	sadd.s32 $0x3, s10;
	[tilespmem:v13+s25+$0x0] =	vst.idx.msk $0xffff, v27;
	v13 =	vld.idx.msk [tilespmem:v3+s25+$0x0], $0xffff  }
0x21f: {  	v51 =	vmovc v42;
	v24 =	vmul.f32 v24, v44;
	v27 =	vmul.u32 $0x70, v15;
	v32 =	vmov s6;
	[tilespmem:v9+s25+$0x0] =	vst.idx.msk $0xffff, v28;
	v9 =	vld.idx.msk [tilespmem:v10+s25+$0x0], $0xffff  }
0x220: {  	v42 =	vmov v53;
	v28 =	vor.u32 v0, v56;
	v58 =	vmul.u32 $0x70, v32;
	[tilespmem:v8+s25+$0x0] =	vst.idx.msk $0xffff, v25;
	v8 =	vld.idx.msk [tilespmem:v16+s25+$0x0], $0xffff  }
0x221: {  	v33 =	vmov s7;
	v25 =	vor.u32 v0, v27;
	v34 =	vld.idx.msk [tilespmem:v5+s25+$0x0], $0xffff;
	[tilespmem:v18+s25+$0x0] =	vst.idx.msk $0xffff, v24;
	v18 =	vmul.f32 v21, v41  }
0x222: {  	v57 =	vmul.u32 $0x70, v33;
	v21 =	vmov v48;
	[tilespmem:v4+s25+$0x0] =	vst.idx.msk $0xffff, v20;
	v4 =	vmul.f32 v22, v51;
	v20 =	vld.idx.msk [tilespmem:v61+s25+$0x0], $0xffff  }
0x223: {  	v53 =	vld.idx.msk [tilespmem:v1+s19+$0x0], $0xffff;
	v1 =	vor.u32 v0, v58;
	[tilespmem:v14+s25+$0x0] =	vst.idx.msk $0xffff, v18;
	v14 =	vmul.f32 v19, v46  }
0x224: {  	v18 =	vadd.s32 v37, v57;
	v19 =	vld.idx.msk [tilespmem:v29+s25+$0x0], $0xffff;
	[tilespmem:v12+s25+$0x0] =	vst.idx.msk $0xffff, v4;
	v4 =	vmul.f32 v13, v49  }
0x225: {  	v22 =	vadd.s32 v38, v47;
	v9 =	vmul.f32 v9, v21;
	v12 =	vld.idx.msk [tilespmem:v6+s25+$0x0], $0xffff;
	[tilespmem:v7+s25+$0x0] =	vst.idx.msk $0xffff, v23  }
0x226: {  	v46 =	vmov v44;
	v44 =	vmov v52;
	v7 =	vmul.f32 v8, v54;
	[tilespmem:v3+s25+$0x0] =	vst.idx.msk $0xffff, v4;
	v52 =	vld.idx.msk [tilespmem:v33+s19+$0x0], $0xffff  }
0x227: {  	v48 =	vmovc v60;
	v49 =	vmov v41;
	v41 =	vmov v54;
	[tilespmem:v63+s25+$0x0] =	vst.idx.msk $0xffff, v14;
	v54 =	vld.idx.msk [tilespmem:v32+s19+$0x0], $0xffff;
	v32 =	vmov v11  }
0x228: {  	v3 =	vmul.f32 v20, v46;
	[tilespmem:v10+s25+$0x0] =	vst.idx.msk $0xffff, v9;
	v10 =	vld.idx.msk [tilespmem:v62+s25+$0x0], $0xffff  }
0x229: {  	v23 =	vadd.s32 v38, v26;
	v33 =	vor.u32 v2, v56;
	v11 =	vld.idx.msk [tilespmem:v25+s25+$0x0], $0xffff  }
0x22a: {  	v8 =	vadd.s32 v2, v27;
	v4 =	vor.u32 v0, v57;
	v14 =	vld.idx.msk [tilespmem:v22+s25+$0x0], $0xffff;
	[tilespmem:v61+s25+$0x0] =	vst.idx.msk $0xffff, v3  }
0x22b: {  	v24 =	vadd.s32 v35, v50;
	v3 =	vmul.f32 v12, v51;
	v61 =	vmovc v59;
	v59 =	vmov v18;
	v20 =	vld.idx.msk [tilespmem:v28+s25+$0x0], $0xffff  }
0x22c: {  	v40 =	vadd.s32 v36, v45;
	v9 =	vadd.s32 v2, v58;
	v12 =	vld.idx.msk [tilespmem:v1+s25+$0x0], $0xffff  }
0x22d: {  	v13 =	vmul.f32 v19, v44;
	v19 =	vadd.s32 v38, v31;
	v60 =	vld.idx.msk [tilespmem:v15+s19+$0x0], $0xffff;
	[tilespmem:v6+s25+$0x0] =	vst.idx.msk $0xffff, v3  }
0x22e: {  	v15 =	vadd.s32 v39, v47;
	[tilespmem:v16+s25+$0x0] =	vst.idx.msk $0xffff, v7;
	v6 =	vld.idx.msk [tilespmem:v23+s25+$0x0], $0xffff;
	v7 =	vmul.f32 v10, v49  }
0x22f: {  	v3 =	vadd.s32 v39, v30;
	v47 =	vmov v55;
	v55 =	vmov v27;
	v10 =	vld.idx.msk [tilespmem:v4+s25+$0x0], $0xffff;
	[tilespmem:v29+s25+$0x0] =	vst.idx.msk $0xffff, v13  }
0x230: {  	v13 =	vadd.s32 v36, v47;
	v14 =	vmul.f32 v14, v21;
	v16 =	vld.idx.msk [tilespmem:v24+s25+$0x0], $0xffff;
	[tilespmem:v62+s25+$0x0] =	vst.idx.msk $0xffff, v7  }
0x231: {  	v63 =	vadd.s32 v39, v31;
	v18 =	vmul.f32 v20, v53;
	v20 =	vmul.f32 v34, v48;
	v27 =	vld.idx.msk [tilespmem:v40+s25+$0x0], $0xffff  }
0x232: {  	v7 =	vadd.s32 v39, v26;
	v12 =	vmul.f32 v12, v54;
	[tilespmem:v22+s25+$0x0] =	vst.idx.msk $0xffff, v14;
	v22 =	vld.idx.msk [tilespmem:v19+s25+$0x0], $0xffff  }
0x233: {  	v62 =	vadd.s32 v38, v45;
	v26 =	vmul.f32 v11, v60;
	[tilespmem:v28+s25+$0x0] =	vst.idx.msk $0xffff, v18;
	v28 =	vld.idx.msk [tilespmem:v15+s25+$0x0], $0xffff  }
0x234: {  	v18 =	vadd.s32 v36, v50;
	v29 =	vld.idx.msk [tilespmem:v33+s25+$0x0], $0xffff;
	[tilespmem:v5+s25+$0x0] =	vst.idx.msk $0xffff, v20;
	v5 =	vmul.f32 v6, v51  }
0x235: {  	v14 =	vadd.s32 v37, v45;
	v20 =	vmul.f32 v10, v52;
	[tilespmem:v1+s25+$0x0] =	vst.idx.msk $0xffff, v12;
	v1 =	vld.idx.msk [tilespmem:v13+s25+$0x0], $0xffff  }
0x236: {  	v12 =	vor.u32 v36, v43;
	v6 =	vmul.f32 v16, v44;
	v30 =	vld.idx.msk [tilespmem:v9+s25+$0x0], $0xffff;
	[tilespmem:v23+s25+$0x0] =	vst.idx.msk $0xffff, v5  }
0x237: {  	v11 =	vor.u32 v35, v56;
	v5 =	vmul.f32 v27, v41;
	[tilespmem:v25+s25+$0x0] =	vst.idx.msk $0xffff, v26;
	v23 =	vld.idx.msk [tilespmem:v7+s25+$0x0], $0xffff  }
.Ltmp2:
0x238: {  	v10 =	vmul.f32 v17, v42;
	v17 =	vmul.f32 v22, v46;
	v25 =	vld.idx.msk [tilespmem:v8+s25+$0x0], $0xffff;
	[tilespmem:v24+s25+$0x0] =	vst.idx.msk $0xffff, v6;
	(pc) =	sbr.rel @p0 .LBB2_7-.Ltmp2, $4  }
0x239: {  	v6 =	vadd.s32 v37, v43;
	v26 =	vmul.f32 v28, v21;
	v24 =	vld.idx.msk [tilespmem:v18+s25+$0x0], $0xffff;
	[tilespmem:v40+s25+$0x0] =	vst.idx.msk $0xffff, v5  }
0x23a: {  	v27 =	vmul.f32 v29, v53;
	[tilespmem:v32+s25+$0x0] =	vst.idx.msk $0xffff, v10;
	v10 =	vadd.s32 v37, v47;
	v21 =	vld.idx.msk [tilespmem:v14+s25+$0x0], $0xffff  }
0x23b: {  	v16 =	vor.u32 v35, v58;
	v5 =	vadd.s32 v35, v55;
	v22 =	vld.idx.msk [tilespmem:v12+s25+$0x0], $0xffff;
	[tilespmem:v19+s25+$0x0] =	vst.idx.msk $0xffff, v17  }
0x23c: {  	s5 =	smov.u32 s0;
	v28 =	vmul.f32 v30, v54;
	[tilespmem:v33+s25+$0x0] =	vst.idx.msk $0xffff, v27;
	v27 =	vmul.f32 v1, v48;
	v19 =	vld.idx.msk [tilespmem:v63+s25+$0x0], $0xffff  }
0x23d: {  	v1 =	vor.u32 v2, v57;
	_ =	sdelay $0x3  }
0x23e: {  	[tilespmem:v4+s25+$0x0] =	vst.idx.msk $0xffff, v20  }
0x23f: {  	v4 =	vld.idx.msk [tilespmem:v1+s25+$0x0], $0xffff;
	_ =	sdelay $0x1  }
0x240: {  	v17 =	vmul.f32 v25, v60  }
0x241: {  	v30 =	vadd.s32 v35, v57  }
0x242: {  	[tilespmem:v8+s25+$0x0] =	vst.idx.msk $0xffff, v17  }
0x243: {  	v8 =	vld.idx.msk [tilespmem:v5+s25+$0x0], $0xffff;
	v4 =	vmul.f32 v4, v52  }
0x244: {  	v31 =	vld.idx.msk [tilespmem:v11+s25+$0x0], $0xffff;
	[tilespmem:v9+s25+$0x0] =	vst.idx.msk $0xffff, v28  }
0x245: {  	v9 =	vld.idx.msk [tilespmem:v16+s25+$0x0], $0xffff;
	[tilespmem:v1+s25+$0x0] =	vst.idx.msk $0xffff, v4  }
0x246: {  	[tilespmem:v15+s25+$0x0] =	vst.idx.msk $0xffff, v26;
	v1 =	vadd.s32 v36, v55;
	v4 =	vld.idx.msk [tilespmem:v30+s25+$0x0], $0xffff  }
0x247: {  	v26 =	vmul.f32 v23, v51;
	v32 =	vmul.f32 v24, v44;
	v24 =	vor.u32 v36, v56  }
0x248: {  	v33 =	vadd.s32 v36, v58;
	[tilespmem:v13+s25+$0x0] =	vst.idx.msk $0xffff, v27;
	v8 =	vmul.f32 v8, v60  }
0x249: {  	v15 =	vadd.s32 v36, v57;
	[tilespmem:v7+s25+$0x0] =	vst.idx.msk $0xffff, v26;
	v17 =	vmul.f32 v31, v53  }
0x24a: {  	v34 =	vld.idx.msk [tilespmem:v3+s25+$0x0], $0xffff;
	v9 =	vmul.f32 v9, v54;
	[tilespmem:v5+s25+$0x0] =	vst.idx.msk $0xffff, v8  }
0x24b: {  	[tilespmem:v11+s25+$0x0] =	vst.idx.msk $0xffff, v17;
	v5 =	vld.idx.msk [tilespmem:v1+s25+$0x0], $0xffff;
	v4 =	vmul.f32 v4, v52  }
0x24c: {  	v40 =	vmul.f32 v21, v41;
	v21 =	vld.idx.msk [tilespmem:v24+s25+$0x0], $0xffff;
	[tilespmem:v16+s25+$0x0] =	vst.idx.msk $0xffff, v9  }
0x24d: {  	v25 =	vmul.f32 v22, v42;
	v16 =	vld.idx.msk [tilespmem:v33+s25+$0x0], $0xffff;
	[tilespmem:v30+s25+$0x0] =	vst.idx.msk $0xffff, v4  }
0x24e: {  	[tilespmem:v14+s25+$0x0] =	vst.idx.msk $0xffff, v40;
	v14 =	vadd.s32 v37, v55;
	v27 =	vld.idx.msk [tilespmem:v15+s25+$0x0], $0xffff  }
0x24f: {  	v28 =	vld.idx.msk [tilespmem:v10+s25+$0x0], $0xffff;
	[tilespmem:v12+s25+$0x0] =	vst.idx.msk $0xffff, v25;
	v29 =	vmul.f32 v34, v49;
	v12 =	vadd.s32 v37, v56  }
0x250: {  	[tilespmem:v18+s25+$0x0] =	vst.idx.msk $0xffff, v32;
	v30 =	vld.idx.msk [tilespmem:v6+s25+$0x0], $0xffff;
	v4 =	vadd.s32 v37, v58;
	v5 =	vmul.f32 v5, v60  }
0x251: {  	[tilespmem:v3+s25+$0x0] =	vst.idx.msk $0xffff, v29;
	v3 =	vmul.f32 v21, v53  }
0x252: {  	v31 =	vld.idx.msk [tilespmem:v61+s25+$0x0], $0xffff;
	v9 =	vadd.s32 v38, v47;
	v32 =	vmul.f32 v16, v54;
	[tilespmem:v1+s25+$0x0] =	vst.idx.msk $0xffff, v5  }
0x253: {  	[tilespmem:v24+s25+$0x0] =	vst.idx.msk $0xffff, v3;
	v1 =	vadd.s32 v38, v43;
	v5 =	vld.idx.msk [tilespmem:v14+s25+$0x0], $0xffff;
	v8 =	vmul.f32 v27, v52  }
0x254: {  	v3 =	vmul.f32 v28, v48;
	[tilespmem:v33+s25+$0x0] =	vst.idx.msk $0xffff, v32;
	v33 =	vld.idx.msk [tilespmem:v12+s25+$0x0], $0xffff  }
0x255: {  	v16 =	vadd.s32 v38, v50;
	v34 =	vmul.f32 v30, v42;
	v40 =	vld.idx.msk [tilespmem:v4+s25+$0x0], $0xffff;
	[tilespmem:v15+s25+$0x0] =	vst.idx.msk $0xffff, v8  }
0x256: {  	v49 =	vmul.f32 v19, v46;
	[tilespmem:v10+s25+$0x0] =	vst.idx.msk $0xffff, v3;
	v10 =	vadd.s32 v38, v55;
	v3 =	vld.idx.msk [tilespmem:v59+s25+$0x0], $0xffff  }
0x257: {  	v7 =	vmul.f32 v31, v44;
	v24 =	vadd.s32 v38, v56;
	v51 =	vld.idx.msk [tilespmem:v9+s25+$0x0], $0xffff;
	[tilespmem:v6+s25+$0x0] =	vst.idx.msk $0xffff, v34  }
0x258: {  	v26 =	vadd.s32 v38, v58;
	[tilespmem:v63+s25+$0x0] =	vst.idx.msk $0xffff, v49;
	v25 =	vld.idx.msk [tilespmem:v1+s25+$0x0], $0xffff;
	v5 =	vmul.f32 v5, v60  }
0x259: {  	v29 =	vadd.s32 v38, v57;
	[tilespmem:v61+s25+$0x0] =	vst.idx.msk $0xffff, v7;
	v28 =	vmul.f32 v33, v53;
	v27 =	vld.idx.msk [tilespmem:v62+s25+$0x0], $0xffff  }
0x25a: {  	v31 =	vld.idx.msk [tilespmem:v16+s25+$0x0], $0xffff;
	v30 =	vadd.s32 v39, v47;
	v17 =	vmul.f32 v40, v54;
	[tilespmem:v14+s25+$0x0] =	vst.idx.msk $0xffff, v5  }
0x25b: {  	v32 =	vadd.s32 v39, v43;
	[tilespmem:v12+s25+$0x0] =	vst.idx.msk $0xffff, v28;
	v14 =	vld.idx.msk [tilespmem:v10+s25+$0x0], $0xffff;
	v3 =	vmul.f32 v3, v52  }
0x25c: {  	v33 =	vadd.s32 v39, v45;
	v34 =	vmul.f32 v51, v48;
	v40 =	vld.idx.msk [tilespmem:v24+s25+$0x0], $0xffff;
	[tilespmem:v4+s25+$0x0] =	vst.idx.msk $0xffff, v17  }
0x25d: {  	v43 =	vadd.s32 v39, v50;
	v17 =	vld.idx.msk [tilespmem:v26+s25+$0x0], $0xffff;
	v8 =	vmul.f32 v25, v42;
	[tilespmem:v59+s25+$0x0] =	vst.idx.msk $0xffff, v3  }
0x25e: {  	v45 =	vadd.s32 v39, v55;
	[tilespmem:v9+s25+$0x0] =	vst.idx.msk $0xffff, v34;
	v3 =	vmul.f32 v27, v41;
	v46 =	vld.idx.msk [tilespmem:v29+s25+$0x0], $0xffff  }
0x25f: {  	v49 =	vadd.s32 v39, v56;
	v47 =	vld.idx.msk [tilespmem:v30+s25+$0x0], $0xffff;
	[tilespmem:v1+s25+$0x0] =	vst.idx.msk $0xffff, v8;
	v1 =	vmul.f32 v31, v44  }
0x260: {  	v50 =	vadd.s32 v39, v58;
	[tilespmem:v62+s25+$0x0] =	vst.idx.msk $0xffff, v3;
	v3 =	vld.idx.msk [tilespmem:v32+s25+$0x0], $0xffff;
	v14 =	vmul.f32 v14, v60  }
0x261: {  	v51 =	vadd.s32 v39, v57;
	v4 =	vmul.f32 v40, v53;
	[tilespmem:v16+s25+$0x0] =	vst.idx.msk $0xffff, v1;
	v1 =	vld.idx.msk [tilespmem:v33+s25+$0x0], $0xffff  }
0x262: {  	v17 =	vmul.f32 v17, v54;
	v55 =	vld.idx.msk [tilespmem:v43+s25+$0x0], $0xffff;
	[tilespmem:v10+s25+$0x0] =	vst.idx.msk $0xffff, v14  }
0x263: {  	[tilespmem:v24+s25+$0x0] =	vst.idx.msk $0xffff, v4;
	v10 =	vld.idx.msk [tilespmem:v45+s25+$0x0], $0xffff;
	v56 =	vmul.f32 v46, v52  }
0x264: {  	v57 =	vmul.f32 v47, v48;
	v58 =	vld.idx.msk [tilespmem:v49+s25+$0x0], $0xffff;
	[tilespmem:v26+s25+$0x0] =	vst.idx.msk $0xffff, v17  }
0x265: {  	v59 =	vld.idx.msk [tilespmem:v50+s25+$0x0], $0xffff;
	v3 =	vmul.f32 v3, v42;
	[tilespmem:v29+s25+$0x0] =	vst.idx.msk $0xffff, v56  }
0x266: {  	[tilespmem:v30+s25+$0x0] =	vst.idx.msk $0xffff, v57;
	v1 =	vmul.f32 v1, v41;
	v61 =	vld.idx.msk [tilespmem:v51+s25+$0x0], $0xffff  }
0x267: {  	v62 =	vmul.f32 v55, v44;
	[tilespmem:v32+s25+$0x0] =	vst.idx.msk $0xffff, v3  }
0x268: {  	s30 =	sadd.s32 $0x1, s30;
	[tilespmem:v33+s25+$0x0] =	vst.idx.msk $0xffff, v1;
	v1 =	vmul.f32 v10, v60  }
0x269: {  	p0 =	sne.s32 s30, s11;
	v3 =	vmul.f32 v58, v53;
	[tilespmem:v43+s25+$0x0] =	vst.idx.msk $0xffff, v62  }
.Ltmp3:
0x26a: {  	[tilespmem:v45+s25+$0x0] =	vst.idx.msk $0xffff, v1;
	v1 =	vmul.f32 v59, v54;
	(pc) =	sbr.rel @p0 .LBB2_4-.Ltmp3, $4  }
0x26b: {  	[tilespmem:v49+s25+$0x0] =	vst.idx.msk $0xffff, v3;
	v63 =	vmul.f32 v61, v52  }
0x26c: {  	[tilespmem:v50+s25+$0x0] =	vst.idx.msk $0xffff, v1  }
0x26d: {  	s0 =	sadd.s32 $0x1C80, s1;
	[tilespmem:v51+s25+$0x0] =	vst.idx.msk $0xffff, v63  }
0x26e: {  	[spmem:s2] =	stream.indirect.scatter.add.f32 [tilespmem:s25], [sflag:$0x4], $0x70, s0, s20, $0xb8;
	[tilespmem:$0x1F000] =	vst v63  }
0x26f: {  	_ =	swait.ge [sflag:s26], $0x2A00  }
0x270: {  	[sflag:s26] =	ssyncset.done $0x0  }
0x271: {  	[sflag:s26] =	ssyncadd.s32 $0xFFFFD600  }
0x272: {  	s28 =	sadd.s32 $0x1, s28;
	[bflag:$0x0] =	sbarrier.arrive $0xFFFF  }
0x273: {  	[hbm:s12], [sflag:s17] =	dma.local [spmem:s18], $0x2290  }
0x274: {  	p0 =	sne.s32 s28, s13;
	_ =	swait.ge [sflag:s15], $0x2290  }
.Ltmp4:
0x275: {  	v1 =	vld [tilespmem:$0x1FFF0];
	(pc) =	sbr.rel @p0 .LBB2_1-.Ltmp4, $3  }
0x276: {  	_ =	sdelay $0x1  }
0x277: {  	[sflag:s15] =	ssyncset.done $0x0  }
0x278: {  	[sflag:s15] =	ssyncadd.s32 $0xFFFFDD70  }
0x279: {  	_ =	sfence.sel $0x180000  }
0x27a: {  	[bflag:$0x0] =	sbarrier.arrive $0xFFFF  }
0x27b: {  	_ =	strace $0x9000004A  }
0x27c: {  	s0 =	stileid.u32;
	[bflag:$0x2] =	sbarrier.arrive $0xFFFF  }
0x27d: {  	p0 =	sne.s32 s0, $0x0;
	s0 =	rddreg [dreg:$0x2]  }
0x27e: {  	s0 =	sadd.s32 @!p0 $0x100000, s0  }
0x27f: {  	[sflag:s0] =	ssyncadd.tile.s32 @!p0 $0x1;
	_ =	shalt  }
.Lfunc_end2:
_tile_overlayer_lowered:
.L_overlay_start_2:
0x280: {  	(tag) =	ssettag $0x2  }
0x281: {  	s0 =	rddreg [dreg:$0x0];
	s2 =	stileid.u32  }
0x282: {  	s1 =	rddreg [dreg:$0x1];
	p0 =	sne.s32 s2, $0x0  }
0x283: {  	s3 =	rddreg [dreg:$0x2];
	[bflag:$0x3] =	sbarrier.arrive $0xFFFF;
	s2 =	simm.s32 @!p0 $0x1C05  }
0x284: {  	[timem:s3], [sflag:s2] =	dma.local @!p0 [hbm:s0], s1  }
0x285: {  	s0 =	simm.s32 @!p0 $0x5  }
0x286: {  	_ =	swait.ge @!p0 [sflag:s0], s1  }
0x287: {  	s1 =	ssub.s32 @!p0 $0x0, s1;
	[sflag:s0] =	ssyncset.done @!p0 $0x0  }
0x288: {  	[sflag:s0] =	ssyncadd.s32 @!p0 s1  }
0x289: {  	[bflag:$0x3] =	sbarrier.arrive $0xFFFF  }
0x28a: {  	_ =	shalt  }

// kernel: kernel.8.cloned.1.call-start
scs
__scs_entry_jumppad:
0x0: {  	(pc) =	sbr.rel $0x88, $3  }
0x1: {  	(tag) =	ssettag $0x0;
	lr =	simm.s32 $0x1  }
0x2: {  	[smem:$0x3F92] =	sst lr;
	_ =	strace $0xD0000000  }
0x3: {  	_ = 	snop  }
0x4: {  	_ = 	snop  }
0x5: {  	_ = 	snop  }
0x6: {  	_ = 	snop  }
0x7: {  	_ = 	snop  }
__scs_overlays_trampoline_lowered:
0x8: {  	[smem:$0x3FA1] =	sst s0  }
0x9: {  	[smem:$0x3FA2] =	sst s1  }
0xa: {  	[smem:$0x3FA3] =	sst s2  }
0xb: {  	[smem:$0x3FA4] =	sst s3  }
0xc: {  	[smem:$0x3FA5] =	sst s4  }
0xd: {  	[smem:$0x3FA6] =	sst s5  }
0xe: {  	[smem:$0x3FA7] =	sst s6  }
0xf: {  	[smem:$0x3FA8] =	sst s7  }
0x10: {  	[smem:$0x3FA9] =	sst s8  }
0x11: {  	[smem:$0x3FAA] =	sst s9;
	s0 =	simm.s32 @!p0 $0x0  }
0x12: {  	s1 =	sld [smem:$0x3F90];
	s0 =	simm.s32 @p0 $0x1  }
0x13: {  	[smem:$0x3FAB] =	sst s0;
	s0 =	simm.s32 @!p1 $0x0  }
0x14: {  	s2 =	sld [smem:$0x3F8F];
	s0 =	simm.s32 @p1 $0x1  }
0x15: {  	[smem:$0x3FAC] =	sst s0;
	s0 =	simm.s32 @!p2 $0x0  }
0x16: {  	s3 =	sld [smem:$0x3FDB];
	s0 =	simm.s32 @p2 $0x1  }
0x17: {  	s4 =	simm.s32 $0x1BF5;
	[smem:$0x3FAE] =	sst s0  }
0x18: {  	s0 =	sld [smem:$0x3F91];
	_ =	swait.ge [sflag:s4], $0x0  }
0x19: {  	s7 =	sld [smem:$0x3F92]  }
0x1a: {  	s8 =	sadd.s32 $0xFFFFE003, lr  }
0x1b: {  	s9 =	sadd.s32 $0xFFFFFEF7, lr;
	s5 =	simm.s32 $0xFFFFFFFF;
	p2 =	slt.u32 s8, $0xFFFFF086  }
0x1c: {  	p1 =	slt.u32 s9, $0xF7A;
	s5 =	simm.s32 @!p2 $0x0  }
0x1d: {  	s5 =	simm.s32 @p1 $0x1;
	p0 =	seq.s32 s7, s2  }
0x1e: {  	s7 =	smul.u32 @!p0 $0xF7A, s2;
	p2 =	seq.s32 @!p0 s5, $0x0  }
0x1f: {  	s9 =	smul.u32 $0xF7A, s1;
	s8 =	simm.s32 @!p0 $0x1BF5;
	p2 =	por !p2, p0  }
0x20: {  	[sflag:s8] =	ssyncset.s32 @!p0 $0xFFFFF086;
	s6 =	sadd.s32 @!p0 s3, s7;
	s7 =	simm.s32 @!p0 $0x108  }
0x21: {  	s3 =	sadd.s32 s3, s9;
	s6 =	sadd.s32 @!p0 $0x88, s6;
	s7 =	simm.s32 @p2 $0x1082  }
0x22: {  	[simem:s7], [sflag:s8] =	dma.local @!p0 [hbm:s6], $0xF7A  }
0x23: {  	s9 =	sor.u32 $0xD0000000, s2;
	s6 =	simm.s32 $0x108;
	_ =	swait.ge @!p0 [sflag:s8], $0x0  }
0x24: {  	s3 =	sadd.s32 $0x88, s3;
	s6 =	simm.s32 @!p1 $0x1082;
	[sflag:s4] =	ssyncset.s32 $0xFFFFF086  }
0x25: {  	[simem:s6], [sflag:s4] =	dma.local [hbm:s3], $0xF7A  }
0x26: {  	[smem:$0x3F92] =	sst s1;
	(tag) =	ssettag s2;
	_ =	strace s9  }
0x27: {  	s1 =	sld [smem:$0x3FA2]  }
0x28: {  	s2 =	sld [smem:$0x3FA3]  }
0x29: {  	s4 =	sld [smem:$0x3FA5]  }
0x2a: {  	p0 =	seq.s32 s5, $0x0;
	s5 =	sld [smem:$0x3FA6]  }
0x2b: {  	s6 =	sld [smem:$0x3FA7]  }
0x2c: {  	s7 =	sld [smem:$0x3FA8]  }
0x2d: {  	s3 =	simm.s32 $0x108;
	s8 =	sld [smem:$0x3FA9]  }
0x2e: {  	s3 =	simm.s32 @!p0 $0x1082;
	s9 =	sld [smem:$0x3FAA]  }
0x2f: {  	lr =	sadd.s32 s0, s3;
	s0 =	sld [smem:$0x3FA1]  }
0x30: {  	s3 =	sld [smem:$0x3FA4]  }
0x31: {  	[smem:$0x3FAD] =	sst s10  }
0x32: {  	s10 =	sld [smem:$0x3FAB];
	_ =	sdelay $0x3  }
0x33: {  	p0 =	seq.s32 s10, $0x1;
	s10 =	sld [smem:$0x3FAD];
	_ =	sdelay $0x3  }
0x34: {  	[smem:$0x3FAD] =	sst s10  }
0x35: {  	s10 =	sld [smem:$0x3FAC];
	_ =	sdelay $0x3  }
0x36: {  	p1 =	seq.s32 s10, $0x1;
	s10 =	sld [smem:$0x3FAD];
	_ =	sdelay $0x3  }
0x37: {  	[smem:$0x3FAD] =	sst s10  }
0x38: {  	s10 =	sld [smem:$0x3FAE]  }
0x39: {  	_ = 	snop;
	(pc) =	sbr.ind lr, $3  }
0x3a: {  	_ = 	snop  }
0x3b: {  	_ = 	snop  }
0x3c: {  	p2 =	seq.s32 s10, $0x1;
	s10 =	sld [smem:$0x3FAD]  }
0x3d: {  	_ =	shalt  }
0x3e: {  	_ =	shalt  }
0x3f: {  	_ =	shalt  }
0x40: {  	_ =	shalt  }
0x41: {  	_ =	shalt  }
0x42: {  	_ =	shalt  }
0x43: {  	_ =	shalt  }
0x44: {  	_ =	shalt  }
0x45: {  	_ =	shalt  }
0x46: {  	_ =	shalt  }
0x47: {  	_ =	shalt  }
0x48: {  	_ =	shalt  }
0x49: {  	_ =	shalt  }
0x4a: {  	_ =	shalt  }
0x4b: {  	_ =	shalt  }
0x4c: {  	_ =	shalt  }
0x4d: {  	_ =	shalt  }
0x4e: {  	_ =	shalt  }
0x4f: {  	_ =	shalt  }
0x50: {  	_ =	shalt  }
0x51: {  	_ =	shalt  }
0x52: {  	_ =	shalt  }
0x53: {  	_ =	shalt  }
0x54: {  	_ =	shalt  }
0x55: {  	_ =	shalt  }
0x56: {  	_ =	shalt  }
0x57: {  	_ =	shalt  }
0x58: {  	_ =	shalt  }
0x59: {  	_ =	shalt  }
0x5a: {  	_ =	shalt  }
0x5b: {  	_ =	shalt  }
0x5c: {  	_ =	shalt  }
0x5d: {  	_ =	shalt  }
0x5e: {  	_ =	shalt  }
0x5f: {  	_ =	shalt  }
0x60: {  	_ =	shalt  }
0x61: {  	_ =	shalt  }
0x62: {  	_ =	shalt  }
0x63: {  	_ =	shalt  }
0x64: {  	_ =	shalt  }
0x65: {  	_ =	shalt  }
0x66: {  	_ =	shalt  }
0x67: {  	_ =	shalt  }
0x68: {  	_ =	shalt  }
0x69: {  	_ =	shalt  }
0x6a: {  	_ =	shalt  }
0x6b: {  	_ =	shalt  }
0x6c: {  	_ =	shalt  }
0x6d: {  	_ =	shalt  }
0x6e: {  	_ =	shalt  }
0x6f: {  	_ =	shalt  }
0x70: {  	_ =	shalt  }
0x71: {  	_ =	shalt  }
0x72: {  	_ =	shalt  }
0x73: {  	_ =	shalt  }
0x74: {  	_ =	shalt  }
0x75: {  	_ =	shalt  }
0x76: {  	_ =	shalt  }
0x77: {  	_ =	shalt  }
0x78: {  	_ =	shalt  }
0x79: {  	_ =	shalt  }
0x7a: {  	_ =	shalt  }
0x7b: {  	_ =	shalt  }
0x7c: {  	_ =	shalt  }
0x7d: {  	_ =	shalt  }
0x7e: {  	_ =	shalt  }
0x7f: {  	_ =	shalt  }
0x80: {  	_ =	shalt  }
0x81: {  	_ =	shalt  }
0x82: {  	_ =	shalt  }
0x83: {  	_ =	shalt  }
0x84: {  	_ =	shalt  }
0x85: {  	_ =	shalt  }
0x86: {  	_ =	shalt  }
0x87: {  	_ =	shalt  }
.Lfunc_end0:
.L_simem_size_0:
called_computation_lowered:
.L_overlay_start_0:
0x88: {  	s2 =	sld [smem:$0x3FD9]  }
0x89: {  	s3 =	sld [smem:$0x3FFE];
	_ =	sdelay $0x1  }
0x8a: {  	s1 =	srdreg.scid  }
0x8b: {  	s0 =	sand.u32 $0x1, s1  }
0x8c: {  	s16 =	sshll.u32 s0, $0xA;
	s2 =	sadd.s32 s3, s2  }
0x8d: {  	s2 =	sadd.s32 s2, s16  }
0x8e: {  	[smem:$0x3FB9] =	sst s2  }
0x8f: {  	_ = 	snop  }
0x90: {  	(tm) =	ssettm $0x1  }
0x91: {  	s17 =	sld [smem:$0x3FFB];
	_ =	sdelay $0x3  }
0x92: {  	_ =	strace s17  }
0x93: {  	s2 =	sld [smem:$0x3FFC];
	_ =	sdelay $0x3  }
0x94: {  	_ =	strace s2  }
0x95: {  	s2 =	sld [smem:$0x3FFD];
	_ =	sdelay $0x3  }
0x96: {  	_ =	strace s2  }
0x97: {  	_ =	strace $0x8FFFFFFF  }
0x98: {  	s18 =	sld [smem:$0x3FDB];
	_ =	sdelay $0x1  }
0x99: {  	s19 =	simm.s32 $_scs_section_size  }
0x9a: {  	s4 =	simm.s32 $_size__tile_overlayer_lowered;
	s5 =	simm.s32 $_tile_overlayer_lowered  }
0x9b: {  	s22 =	simm.s32 $0x1BFF;
	s21 =	sshll.u32 s5, $0x1;
	s2 =	sadd.s32 s19, s18  }
0x9c: {  	s6 =	simm.s32 $0x0;
	s20 =	sshll.u32 s4, $0x1;
	s4 =	sadd.s32 s21, s2  }
0x9d: {  	[timem:s6], [sflag:s22] =	dma.local [hbm:s4], s20  }
0x9e: {  	_ =	swait.ge [sflag:s22], s20  }
0x9f: {  	s3 =	ssub.s32 $0x0, s20;
	[sflag:s22] =	ssyncset.done $0x0  }
0xa0: {  	[sflag:s22] =	ssyncadd.s32 s3;
	_ =	sdelay $0x1  }
0xa1: {  	s23 =	simm.s32 $0x1B8B  }
0xa2: {  	_ =	swait.ge [sflag:s23], $0x1  }
0xa3: {  	[sflag:s23] =	ssyncset.done $0x0  }
0xa4: {  	s25 =	simm.s32 $0x1B8E;
	s24 =	sld [smem:$0x3FFE];
	[sflag:s23] =	ssyncadd.s32 $0xFFFFFFFF  }
0xa5: {  	s26 =	simm.s32 $execute0_lowered;
	[smem:$0x3FD2] =	sst s25  }
0xa6: {  	s4 =	sshll.u32 s26, $0x1;
	_ =	strace $0x80000046;
	[dreg:$0x1] =	wrdreg $0xFFFFFFFF  }
0xa7: {  	s28 =	simm.s32 $_size_execute0_lowered;
	s2 =	sadd.s32 s2, s4;
	[dreg:$0x0] =	wrdreg $0x0  }
0xa8: {  	s4 =	sshll.u32 s28, $0x1;
	[dreg:$0x2] =	wrdreg s2  }
0xa9: {  	[dreg:$0x3] =	wrdreg s4  }
0xaa: {  	[dreg:$0x4] =	wrdreg $0xC0  }
0xab: {  	_ =	task [dreg:s6], $0x5FFFF  }
0xac: {  	[dreg:$0x1] =	wrdreg $0xFFFFFFFF  }
0xad: {  	[dreg:$0x0] =	wrdreg $0x60  }
0xae: {  	[dreg:$0x2] =	wrdreg s24  }
0xaf: {  	[dreg:$0x3] =	wrdreg $0xC3800  }
0xb0: {  	[dreg:$0x4] =	wrdreg $0x9  }
0xb1: {  	_ =	task.clear_ibuf [dreg:s6], $0x5FFFF;
	_ =	strace $0x90000046  }
0xb2: {  	s29 =	simm.s32 $0x9;
	_ =	strace $0x80000048  }
0xb3: {  	_ =	swait.ge [sflag:s29], $0x1  }
0xb4: {  	[sflag:s29] =	ssyncadd.s32 $0xFFFFFFFF  }
0xb5: {  	_ =	strace $0x90000048  }
0xb6: {  	_ =	sfence  }
0xb7: {  	s30 =	sld [smem:$0x0];
	_ =	sdelay $0x2  }
0xb8: {  	s31 =	sshll.u32 s1, $0xD;
	s1 =	sshrl.u32 s1, $0x2  }
0xb9: {  	s3 =	sand.u32 $0x4000, s31;
	s1 =	sadd.s32 s1, s30  }
0xba: {  	s0 =	sor.u32 s3, s0;
	s1 =	sshll.u32 s1, $0x11  }
0xbb: {  	s0 =	sor.u32 s1, s0  }
0xbc: {  	s0 =	sadd.s32 $0x8F2B, s0  }
0xbd: {  	[sflag:s0] =	ssyncadd.remote.s32 $0x1  }
0xbe: {  	_ =	sfence.sel $0xFFFF  }
0xbf: {  	[dreg:$0x0] =	wrdreg $0xFFFFFFFF;
	(pc) =	sbr.abs _section_cstart, $3  }
0xc0: {  	[dreg:$0x1] =	wrdreg $0xFFFFFFFF  }
0xc1: {  	_ =	task.clear_ibuf [dreg:s6], $0x2FFFF;
	_ =	strace $0x9FFFFFFF  }
0xc2: {  	(tm) =	ssettm $0x7FFFFFFF  }
0xc3: {  	_ =	shalt  }
tec
execute0_lowered:
.L_overlay_start_1:
0x0: {  	(tag) =	ssettag $0x1  }
0x1: {  	s0 =	srdreg.scid  }
0x2: {  	s5 =	stileid.u32;
	s6 =	rddreg [dreg:$0x0]  }
0x3: {  	s2 =	rddreg [dreg:$0x1];
	s3 =	simm.s32 $0x0;
	s14 =	simm.s32 $0x3900  }
0x4: {  	s15 =	simm.s32 $0x5;
	s16 =	simm.s32 $0x1C80;
	s19 =	simm.s32 $0x8720  }
0x5: {  	s20 =	simm.s32 $0x60;
	s21 =	simm.s32 $0x8780;
	s22 =	simm.s32 $0x1  }
0x6: {  	s23 =	simm.s32 $0x3;
	s28 =	simm.s32 $0x0;
	s29 =	simm.s32 $0x0  }
0x7: {  	s0 =	sand.u32 $0x1, s0;
	s8 =	smul.u32 $0xC580, s5;
	[smem:$0x7FF] =	sst s3  }
0x8: {  	s4 =	sadd.s32 $0xFA00, s6;
	s9 =	sadd.s32 $0x28200, s6;
	s26 =	smul.u32 $0xD80, s5  }
0x9: {  	s31 =	sshll.u32 s5, $0x6;
	s1 =	sshll.u32 s0, $0x4;
	s7 =	smul.u32 $0xC5800, s0  }
0xa: {  	_ =	strace $0x80000047;
	[dreg:$0x3] =	wrdreg s9;
	s10 =	ssub.s32 $0x2, s0  }
0xb: {  	p0 =	seq.s32 s0, $0x0;
	s9 =	simm.s32 $0x4C;
	s17 =	sor.u32 $0x1C05, s31  }
0xc: {  	s1 =	sor.u32 s5, s1;
	s24 =	sshrl.u32 s8, $0x3;
	s25 =	sshrl.u32 s10, $0x1  }
0xd: {  	s18 =	sadd.s32 s8, s2;
	s9 =	simm.s32 @!p0 $0x24;
	s1 =	smul.u32 $0x390, s1  }
0xe: {  	s7 =	sadd.s32 s8, s7;
	s11 =	sadd.s32 s24, s6;
	s13 =	ssub.s32 s10, s25  }
0xf: {  	s8 =	sadd.s32 $0x1C800, s26;
	s18 =	sshrl.u32 s18, $0x3;
	s24 =	simm.s32 $0x2  }
0x10: {  	v0 =	vlaneseq.u32;
	s25 =	simm.s32 $0xA580;
	s26 =	simm.s32 $0x4;
	s1 =	sadd.s32 s1, s6  }
0x11: {  	v3 =	vmul.u32 $0xFFFFFFFF, v0;
	s7 =	sshrl.u32 s7, $0x3;
	s30 =	sadd.s32 $0x1600, s1;
	s1 =	sadd.s32 $0x8800, s1  }
0x12: {  	v1 =	vor.u32 $0x2710, v0;
	s10 =	sadd.s32 $0x28C00, s11;
	[dreg:$0x5] =	wrdreg s1;
	s1 =	smul.u32 $0x1C80, s5  }
0x13: {  	v2 =	vor.u32 $0x10, v0;
	v34 =	vadd.s32 $0x29810, v3;
	v3 =	vor.u32 $0x50, v0;
	s11 =	sshrl.u32 s9, $0x1;
	s13 =	smax.u32 s13, $0x1;
	s12 =	sadd.s32 s7, s6  }
0x14: {  	v35 =	vor.u32 $0x20, v0;
	v36 =	vor.u32 $0x30, v0;
	v37 =	vor.u32 $0x40, v0;
	[tilespmem:$0x1FFF0] =	vst v3;
	s12 =	sadd.s32 $0x41800, s12;
	[dreg:$0x4] =	wrdreg s30;
	s8 =	smov.u32 @p0 s1  }
.LBB2_1:
0x15: {  	s0 =	rddreg [dreg:$0x3]  }
0x16: {  	[tilespmem:s14], [sflag:$0x5] =	stream.linear.gather [hbm4b:s0+s3], $0x4E20, $0x38;
	[tilespmem:$0x18900] =	vst v63  }
0x17: {  	_ =	swait.ge [sflag:s15], $0x4E20  }
0x18: {  	[sflag:s15] =	ssyncset.done $0x0  }
0x19: {  	s7 =	rddreg [dreg:$0x4];
	[sflag:s15] =	ssyncadd.s32 $0xFFFFB1E0  }
0x1a: {  	[tilespmem:s3], [sflag:$0x5] =	stream.linear.gather [hbm4b:s7+s3], $0x1C80, $0x38;
	[tilespmem:$0x18900] =	vst v63  }
0x1b: {  	_ =	swait.ge [sflag:s15], $0x1C80  }
0x1c: {  	[sflag:s15] =	ssyncset.done $0x0  }
0x1d: {  	s30 =	rddreg [dreg:$0x5];
	[sflag:s15] =	ssyncadd.s32 $0xFFFFE380  }
0x1e: {  	[tilespmem:s16], [sflag:$0x5] =	stream.linear.gather [hbm4b:s30+s3], $0x1C80, $0x38;
	[tilespmem:$0x18900] =	vst v63  }
0x1f: {  	_ =	swait.ge [sflag:s15], $0x1C80  }
0x20: {  	[sflag:s15] =	ssyncset.done $0x0  }
0x21: {  	v3 =	vadd.s32 s3, v1;
	[sflag:s15] =	ssyncadd.s32 $0xFFFFE380  }
0x22: {  	v4 =	vor.u32 s3, v0;
	[spmem:s18], [sflag:s17] =	dma.local [hbm:s10], $0x18B0  }
0x23: {  	_ =	swait.ge [sflag:s15], $0x18B0  }
0x24: {  	[sflag:s15] =	ssyncset.done $0x0  }
0x25: {  	s31 =	simm.s32 $0x10;
	[sflag:s15] =	ssyncadd.s32 $0xFFFFE750  }
0x26: {  	v5 =	vadd.s32 s31, v1;
	v8 =	vld.idx.msk [tilespmem:v3+s14+$0x0], $0xffff  }
0x27: {  	v7 =	vor.u32 s31, v0;
	v4 =	vld.idx.msk [tilespmem:v4+s14+$0x0], $0xffff;
	_ =	sdelay $0x3  }
0x28: {  	v6 =	vimm.f32 $-Inf;
	s0 =	simm.s32 $0x20;
	v3 =	vimm.f32 $-Inf;
	v5 =	vld.idx.msk [tilespmem:v5+s14+$0x0], $0xffff  }
.LBB2_2:
0x29: {  	v9 =	vadd.s32 s0, v1;
	v3 =	vmax.f32 v3, v4;
	v4 =	vld.idx.msk [tilespmem:v7+s14+$0x0], $0xffff;
	v6 =	vmax.f32 v6, v8;
	p0 =	sne.s32 s0, $0x2700  }
.Ltmp0:
0x2a: {  	v7 =	vor.u32 s0, v0;
	s0 =	sadd.s32 $0x10, s0;
	(pc) =	sbr.rel @p0 .LBB2_2-.Ltmp0, $2  }
0x2b: {  	_ =	sdelay $0x2  }
0x2c: {  	v8 =	vmov v5;
	v5 =	vld.idx.msk [tilespmem:v9+s14+$0x0], $0xffff  }
0x2d: {  	_ =	sdelay $0x3  }
0x2e: {  	v7 =	vld.idx.msk [tilespmem:v7+s14+$0x0], $0xffff;
	_ =	sdelay $0x3  }
0x2f: {  	v3 =	vmax.f32 v3, v4;
	v49 =	vimm.s32 $0x10  }
0x30: {  	v48 =	vmax.f32 v6, v8;
	v50 =	vimm.s32 $0x1;
	v3 =	vmax.f32 v3, v7  }
0x31: {  	v51 =	vimm.s32 $0x11;
	v4 =	vmax.f32 v48, v5;
	[tilespmem:v0+s19+$0x0] =	vst.idx.msk $0xffff, v3  }
0x32: {  	v52 =	vimm.s32 $0x2;
	[tilespmem:v2+s19+$0x0] =	vst.idx.msk $0xffff, v4  }
0x33: {  	v53 =	vimm.s32 $0x12;
	v3 =	vld.msk [tilespmem:s19+$0x0], $0xffff  }
0x34: {  	v9 =	vimm.s32 $0x3;
	v4 =	vld.idx.msk [tilespmem:v49+s19+$0x0], $0xffff  }
0x35: {  	v10 =	vimm.s32 $0x13;
	v5 =	vld.idx.msk [tilespmem:v50+s19+$0x0], $0xffff  }
0x36: {  	v11 =	vimm.s32 $0x4;
	v6 =	vld.idx.msk [tilespmem:v51+s19+$0x0], $0xffff  }
0x37: {  	v12 =	vimm.s32 $0x14;
	v7 =	vld.idx.msk [tilespmem:v52+s19+$0x0], $0xffff  }
0x38: {  	v13 =	vimm.s32 $0x5;
	v8 =	vld.idx.msk [tilespmem:v53+s19+$0x0], $0xffff  }
0x39: {  	v14 =	vimm.s32 $0x15;
	v9 =	vld.idx.msk [tilespmem:v9+s19+$0x0], $0xffff  }
0x3a: {  	v15 =	vimm.s32 $0x6;
	v10 =	vld.idx.msk [tilespmem:v10+s19+$0x0], $0xffff  }
0x3b: {  	v16 =	vimm.s32 $0x16;
	v11 =	vld.idx.msk [tilespmem:v11+s19+$0x0], $0xffff  }
0x3c: {  	v17 =	vimm.s32 $0x7;
	v12 =	vld.idx.msk [tilespmem:v12+s19+$0x0], $0xffff  }
0x3d: {  	v18 =	vimm.s32 $0x17;
	v13 =	vld.idx.msk [tilespmem:v13+s19+$0x0], $0xffff  }
0x3e: {  	v19 =	vimm.s32 $0x8;
	v14 =	vld.idx.msk [tilespmem:v14+s19+$0x0], $0xffff  }
0x3f: {  	v20 =	vimm.s32 $0x18;
	v15 =	vld.idx.msk [tilespmem:v15+s19+$0x0], $0xffff  }
0x40: {  	v21 =	vimm.s32 $0x9;
	v16 =	vld.idx.msk [tilespmem:v16+s19+$0x0], $0xffff  }
0x41: {  	v22 =	vimm.s32 $0x19;
	v17 =	vld.idx.msk [tilespmem:v17+s19+$0x0], $0xffff  }
0x42: {  	v23 =	vimm.s32 $0xA;
	v18 =	vld.idx.msk [tilespmem:v18+s19+$0x0], $0xffff  }
0x43: {  	v24 =	vimm.s32 $0x1A;
	v19 =	vld.idx.msk [tilespmem:v19+s19+$0x0], $0xffff  }
0x44: {  	v54 =	vimm.s32 $0xB;
	v20 =	vld.idx.msk [tilespmem:v20+s19+$0x0], $0xffff  }
0x45: {  	v55 =	vimm.s32 $0x1B;
	v21 =	vld.idx.msk [tilespmem:v21+s19+$0x0], $0xffff  }
0x46: {  	v56 =	vimm.s32 $0xC;
	v22 =	vld.idx.msk [tilespmem:v22+s19+$0x0], $0xffff  }
0x47: {  	v57 =	vimm.s32 $0x1C;
	v23 =	vld.idx.msk [tilespmem:v23+s19+$0x0], $0xffff  }
0x48: {  	v58 =	vimm.s32 $0xD;
	v24 =	vld.idx.msk [tilespmem:v24+s19+$0x0], $0xffff  }
0x49: {  	v59 =	vimm.s32 $0x1D;
	v3 =	vmax.f32 v3, v5;
	v4 =	vmax.f32 v4, v6;
	v5 =	vld.idx.msk [tilespmem:v54+s19+$0x0], $0xffff  }
0x4a: {  	v60 =	vimm.s32 $0xE;
	v6 =	vld.idx.msk [tilespmem:v55+s19+$0x0], $0xffff;
	v3 =	vmax.f32 v3, v7;
	v4 =	vmax.f32 v4, v8  }
0x4b: {  	v61 =	vimm.s32 $0x1E;
	v7 =	vld.idx.msk [tilespmem:v56+s19+$0x0], $0xffff;
	v3 =	vmax.f32 v3, v9;
	v4 =	vmax.f32 v4, v10  }
0x4c: {  	v62 =	vimm.s32 $0xF;
	v8 =	vld.idx.msk [tilespmem:v57+s19+$0x0], $0xffff;
	v3 =	vmax.f32 v3, v11;
	v4 =	vmax.f32 v4, v12  }
0x4d: {  	v63 =	vimm.s32 $0x1F;
	v9 =	vld.idx.msk [tilespmem:v58+s19+$0x0], $0xffff;
	v3 =	vmax.f32 v3, v13;
	v4 =	vmax.f32 v4, v14  }
0x4e: {  	v10 =	vld.idx.msk [tilespmem:v59+s19+$0x0], $0xffff;
	v3 =	vmax.f32 v3, v15;
	v4 =	vmax.f32 v4, v16  }
0x4f: {  	v11 =	vld.idx.msk [tilespmem:v60+s19+$0x0], $0xffff;
	v3 =	vmax.f32 v3, v17;
	v4 =	vmax.f32 v4, v18  }
0x50: {  	v12 =	vld.idx.msk [tilespmem:v61+s19+$0x0], $0xffff;
	v3 =	vmax.f32 v3, v19;
	v4 =	vmax.f32 v4, v20  }
0x51: {  	v13 =	vld.idx.msk [tilespmem:v62+s19+$0x0], $0xffff;
	v3 =	vmax.f32 v3, v21;
	v4 =	vmax.f32 v4, v22  }
0x52: {  	v14 =	vld.idx.msk [tilespmem:v63+s19+$0x0], $0xffff;
	v3 =	vmax.f32 v3, v23;
	v4 =	vmax.f32 v4, v24  }
0x53: {  	v3 =	vmax.f32 v3, v5;
	v4 =	vmax.f32 v4, v6  }
0x54: {  	v3 =	vmax.f32 v3, v7;
	v4 =	vmax.f32 v4, v8  }
0x55: {  	v3 =	vmax.f32 v3, v9;
	v4 =	vmax.f32 v4, v10  }
0x56: {  	v3 =	vmax.f32 v3, v11;
	v4 =	vmax.f32 v4, v12  }
0x57: {  	v3 =	vmax.f32 v3, v13;
	v4 =	vmax.f32 v4, v14  }
0x58: {  	v3 =	vadd.f32 v4, v3;
	_ =	sdelay $0x1  }
0x59: {  	v4 =	vmul.f32 $2.000000030e-01, v3  }
0x5a: {  	s30 =	simm.s32 $0x0;
	[bflag:$0x0] =	sbarrier.arrive $0xFFFF  }
0x5b: {  	[tilespmem:s21], [sflag:$0x1] =	stream.indirect.gather [hbm4b:s4+s20], $0x50, s29, s20, $0xb8;
	v39 =	vmax.f32 v3, v4;
	[tilespmem:$0x18900] =	vst v63  }
.LBB2_4:
0x5c: {  	s31 =	sshll.u32 s30, $0x1  }
0x5d: {  	v3 =	vmov s31  }
0x5e: {  	v3 =	vmul.u32 $0x60, v3;
	_ =	sdelay $0x1  }
0x5f: {  	v3 =	vbroadcast v3, $0x0;
	_ =	sdelay $0x1  }
0x60: {  	v4 =	vor.u32 v0, v3;
	_ =	sdelay $0x4  }
0x61: {  	v5 =	vld.idx.msk [tilespmem:v4+s16+$0x0], $0xffff  }
0x62: {  	v4 =	vld.idx.msk [tilespmem:v4+s3+$0x0], $0xffff;
	_ =	sdelay $0x3  }
0x63: {  	v5 =	vadd.s32 $0x2710, v5;
	_ =	sdelay $0x3  }
0x64: {  	v4 =	vld.idx.msk [tilespmem:v4+s14+$0x0], $0xffff  }
0x65: {  	v5 =	vld.idx.msk [tilespmem:v5+s14+$0x0], $0xffff;
	_ =	sdelay $0x4  }
0x66: {  	v4 =	vadd.f32 v5, v4;
	_ =	sdelay $0x1  }
0x67: {  	v5 =	vmul.f32 $2.000000030e-01, v4;
	_ =	sdelay $0x1  }
0x68: {  	v4 =	vmax.f32 v4, v5  }
0x69: {  	v4 =	vsub.f32 v4, v39;
	_ =	sdelay $0x1  }
0x6a: {  	v4 =	vmul.f32 $1.442695020e+00, v4;
	_ =	sdelay $0x1  }
0x6b: {  	(erf) = vpow2.f32 v4;
	_ =	sdelay $0x4  }
0x6c: {  	s0 =	smul.u32 $0xC0, s30;
	_ =	sdelay $0x1  }
0x6d: {  	s0 =	sadd.s32 s8, s0;
	v4 =	vor.u32 v2, v3  }
0x6e: {  	v5 =	vmov s0  }
0x6f: {  	vm0 =	vlt.u32 v5, v34;
	v6 =	vpop (erf)  }
0x70: {  	v5 =	vnsel vm0, $0x0, v6  }
0x71: {  	[tilespmem:v0+s19+$0x0] =	vst.idx.msk $0xffff, v5  }
0x72: {  	v5 =	vld.idx.msk [tilespmem:v4+s16+$0x0], $0xffff  }
0x73: {  	v4 =	vld.idx.msk [tilespmem:v4+s3+$0x0], $0xffff;
	_ =	sdelay $0x3  }
0x74: {  	v5 =	vadd.s32 $0x2710, v5;
	_ =	sdelay $0x3  }
0x75: {  	v4 =	vld.idx.msk [tilespmem:v4+s14+$0x0], $0xffff  }
0x76: {  	v5 =	vld.idx.msk [tilespmem:v5+s14+$0x0], $0xffff;
	_ =	sdelay $0x4  }
0x77: {  	v4 =	vadd.f32 v5, v4;
	_ =	sdelay $0x1  }
0x78: {  	v5 =	vmul.f32 $2.000000030e-01, v4;
	_ =	sdelay $0x1  }
0x79: {  	v4 =	vmax.f32 v4, v5  }
0x7a: {  	v4 =	vsub.f32 v4, v39;
	_ =	sdelay $0x1  }
0x7b: {  	v4 =	vmul.f32 $1.442695020e+00, v4;
	_ =	sdelay $0x1  }
0x7c: {  	(erf) = vpow2.f32 v4;
	_ =	sdelay $0x6  }
0x7d: {  	s1 =	sor.u32 $0x10, s0;
	v4 =	vor.u32 v35, v3  }
0x7e: {  	v5 =	vmov s1  }
0x7f: {  	vm11 =	vlt.u32 v5, v34;
	v6 =	vpop (erf)  }
0x80: {  	v5 =	vnsel vm11, $0x0, v6  }
0x81: {  	[tilespmem:v2+s19+$0x0] =	vst.idx.msk $0xffff, v5  }
0x82: {  	v5 =	vld.idx.msk [tilespmem:v4+s16+$0x0], $0xffff  }
0x83: {  	v4 =	vld.idx.msk [tilespmem:v4+s3+$0x0], $0xffff;
	_ =	sdelay $0x3  }
0x84: {  	v5 =	vadd.s32 $0x2710, v5;
	_ =	sdelay $0x3  }
0x85: {  	v4 =	vld.idx.msk [tilespmem:v4+s14+$0x0], $0xffff  }
0x86: {  	v5 =	vld.idx.msk [tilespmem:v5+s14+$0x0], $0xffff;
	_ =	sdelay $0x4  }
0x87: {  	v4 =	vadd.f32 v5, v4;
	_ =	sdelay $0x1  }
0x88: {  	v5 =	vmul.f32 $2.000000030e-01, v4;
	_ =	sdelay $0x1  }
0x89: {  	v4 =	vmax.f32 v4, v5  }
0x8a: {  	v4 =	vsub.f32 v4, v39;
	_ =	sdelay $0x1  }
0x8b: {  	v4 =	vmul.f32 $1.442695020e+00, v4;
	_ =	sdelay $0x1  }
0x8c: {  	(erf) = vpow2.f32 v4;
	_ =	sdelay $0x6  }
0x8d: {  	s7 =	sor.u32 $0x20, s0;
	v4 =	vor.u32 v36, v3  }
0x8e: {  	v5 =	vmov s7  }
0x8f: {  	vm12 =	vlt.u32 v5, v34;
	v6 =	vpop (erf)  }
0x90: {  	v5 =	vnsel vm12, $0x0, v6  }
0x91: {  	[tilespmem:v35+s19+$0x0] =	vst.idx.msk $0xffff, v5  }
0x92: {  	v5 =	vld.idx.msk [tilespmem:v4+s16+$0x0], $0xffff  }
0x93: {  	v4 =	vld.idx.msk [tilespmem:v4+s3+$0x0], $0xffff;
	_ =	sdelay $0x3  }
0x94: {  	v5 =	vadd.s32 $0x2710, v5;
	_ =	sdelay $0x3  }
0x95: {  	v4 =	vld.idx.msk [tilespmem:v4+s14+$0x0], $0xffff  }
0x96: {  	v5 =	vld.idx.msk [tilespmem:v5+s14+$0x0], $0xffff;
	_ =	sdelay $0x4  }
0x97: {  	v4 =	vadd.f32 v5, v4;
	_ =	sdelay $0x1  }
0x98: {  	v5 =	vmul.f32 $2.000000030e-01, v4;
	_ =	sdelay $0x1  }
0x99: {  	v4 =	vmax.f32 v4, v5  }
0x9a: {  	v4 =	vsub.f32 v4, v39;
	_ =	sdelay $0x1  }
0x9b: {  	v4 =	vmul.f32 $1.442695020e+00, v4;
	_ =	sdelay $0x1  }
0x9c: {  	(erf) = vpow2.f32 v4;
	_ =	sdelay $0x6  }
0x9d: {  	s5 =	sor.u32 $0x30, s0;
	v4 =	vadd.s32 v37, v3  }
0x9e: {  	v5 =	vmov s5  }
0x9f: {  	vm13 =	vlt.u32 v5, v34;
	v6 =	vpop (erf)  }
0xa0: {  	v5 =	vnsel vm13, $0x0, v6  }
0xa1: {  	[tilespmem:v36+s19+$0x0] =	vst.idx.msk $0xffff, v5  }
0xa2: {  	v5 =	vld.idx.msk [tilespmem:v4+s16+$0x0], $0xffff  }
0xa3: {  	v4 =	vld.idx.msk [tilespmem:v4+s3+$0x0], $0xffff;
	_ =	sdelay $0x3  }
0xa4: {  	v5 =	vadd.s32 $0x2710, v5;
	_ =	sdelay $0x3  }
0xa5: {  	v4 =	vld.idx.msk [tilespmem:v4+s14+$0x0], $0xffff  }
0xa6: {  	v5 =	vld.idx.msk [tilespmem:v5+s14+$0x0], $0xffff;
	_ =	sdelay $0x4  }
0xa7: {  	v4 =	vadd.f32 v5, v4;
	_ =	sdelay $0x1  }
0xa8: {  	v5 =	vmul.f32 $2.000000030e-01, v4;
	_ =	sdelay $0x1  }
0xa9: {  	v4 =	vmax.f32 v4, v5  }
0xaa: {  	v4 =	vsub.f32 v4, v39;
	_ =	sdelay $0x1  }
0xab: {  	v4 =	vmul.f32 $1.442695020e+00, v4;
	_ =	sdelay $0x1  }
0xac: {  	(erf) = vpow2.f32 v4;
	_ =	sdelay $0x1  }
0xad: {  	v6 =	vld [tilespmem:$0x1FFF0];
	_ =	sdelay $0x4  }
0xae: {  	s6 =	sadd.s32 $0x40, s0;
	v3 =	vadd.s32 v6, v3  }
0xaf: {  	v4 =	vmov s6  }
0xb0: {  	vm14 =	vlt.u32 v4, v34;
	v5 =	vpop (erf)  }
0xb1: {  	v4 =	vnsel vm14, $0x0, v5  }
0xb2: {  	[tilespmem:v37+s19+$0x0] =	vst.idx.msk $0xffff, v4  }
0xb3: {  	v4 =	vld.idx.msk [tilespmem:v3+s16+$0x0], $0xffff  }
0xb4: {  	v3 =	vld.idx.msk [tilespmem:v3+s3+$0x0], $0xffff;
	_ =	sdelay $0x3  }
0xb5: {  	v4 =	vadd.s32 $0x2710, v4;
	_ =	sdelay $0x3  }
0xb6: {  	v3 =	vld.idx.msk [tilespmem:v3+s14+$0x0], $0xffff  }
0xb7: {  	v4 =	vld.idx.msk [tilespmem:v4+s14+$0x0], $0xffff;
	_ =	sdelay $0x4  }
0xb8: {  	v3 =	vadd.f32 v4, v3;
	_ =	sdelay $0x1  }
0xb9: {  	v4 =	vmul.f32 $2.000000030e-01, v3;
	_ =	sdelay $0x1  }
0xba: {  	v3 =	vmax.f32 v3, v4  }
0xbb: {  	v3 =	vsub.f32 v3, v39;
	_ =	sdelay $0x1  }
0xbc: {  	v3 =	vmul.f32 $1.442695020e+00, v3;
	_ =	sdelay $0x1  }
0xbd: {  	(erf) = vpow2.f32 v3;
	_ =	sdelay $0x6  }
0xbe: {  	s0 =	sadd.s32 $0x50, s0  }
0xbf: {  	v3 =	vmov s0  }
0xc0: {  	vm15 =	vlt.u32 v3, v34;
	v4 =	vpop (erf)  }
0xc1: {  	p0 =	seq.s32 s30, $0x0;
	s1 =	sor.u32 $0x1, s31;
	v3 =	vnsel vm15, $0x0, v4  }
0xc2: {  	p1 =	sge.u32 s1, s9;
	s0 =	simm.s32 @!p0 $0x4;
	[tilespmem:v6+s19+$0x0] =	vst.idx.msk $0xffff, v3  }
0xc3: {  	s5 =	smul.u32 @!p1 $0x180, s1;
	_ =	swait.ge @!p0 [sflag:s0], $0x1E00  }
0xc4: {  	v3 =	vmov s29;
	[sflag:s0] =	ssyncset.done @!p0 $0x0  }
0xc5: {  	v8 =	vmul.u32 $0x50, v3;
	[sflag:s0] =	ssyncadd.s32 @!p0 $0xFFFFE200;
	s0 =	sshra.s32 @!p1 s5, $0x2;
	s5 =	simm.s32 $0x2  }
0xc6: {  	s7 =	simm.s32 @!p1 $0xA580;
	s6 =	simm.s32 @!p1 $0x60;
	v4 =	vmov s5;
	s5 =	simm.s32 $0x1  }
0xc7: {  	v10 =	vor.u32 v0, v8;
	[tilespmem:s7], [sflag:$0x2] =	stream.indirect.gather @!p1 [hbm4b:s4+s6], $0x50, s0, s6, $0xb8;
	[tilespmem:$0x18900] =	vst v63  }
0xc8: {  	s7 =	simm.s32 $0x3;
	v7 =	vmov s5;
	_ =	swait.ge [sflag:s22], $0x1E00  }
0xc9: {  	v6 =	vmul.u32 $0x50, v4;
	v11 =	vmov s7;
	[sflag:s22] =	ssyncset.done $0x0  }
0xca: {  	v5 =	vmul.u32 $0x50, v11;
	[sflag:s22] =	ssyncadd.s32 $0xFFFFE200  }
0xcb: {  	v9 =	vmul.u32 $0x50, v7;
	v12 =	vor.u32 v0, v6;
	v47 =	vld.idx.msk [tilespmem:v3+s19+$0x0], $0xffff  }
0xcc: {  	v3 =	vor.u32 v0, v5;
	v13 =	vld.idx.msk [tilespmem:v10+s21+$0x0], $0xffff  }
0xcd: {  	s5 =	simm.s32 $0x4;
	v49 =	vld.idx.msk [tilespmem:v7+s19+$0x0], $0xffff;
	v7 =	vor.u32 v0, v9  }
0xce: {  	v19 =	vmov s5;
	v50 =	vld.idx.msk [tilespmem:v4+s19+$0x0], $0xffff  }
0xcf: {  	v42 =	vmul.u32 $0x50, v19;
	v54 =	vld.idx.msk [tilespmem:v11+s19+$0x0], $0xffff  }
0xd0: {  	v14 =	vld.idx.msk [tilespmem:v12+s21+$0x0], $0xffff  }
0xd1: {  	v20 =	vor.u32 v0, v42;
	v4 =	vld.idx.msk [tilespmem:v3+s21+$0x0], $0xffff  }
0xd2: {  	v11 =	vor.u32 v2, v8;
	v13 =	vmul.f32 v13, v47;
	v15 =	vld.idx.msk [tilespmem:v7+s21+$0x0], $0xffff  }
0xd3: {  	s6 =	simm.s32 $0x6;
	v16 =	vor.u32 v2, v6  }
0xd4: {  	v17 =	vadd.s32 v2, v5;
	[tilespmem:v10+s21+$0x0] =	vst.idx.msk $0xffff, v13;
	v10 =	vmov s6;
	s6 =	simm.s32 $0x7  }
0xd5: {  	v40 =	vld.idx.msk [tilespmem:v19+s19+$0x0], $0xffff;
	v19 =	vmov s6;
	v14 =	vmul.f32 v14, v50  }
0xd6: {  	s7 =	simm.s32 $0x5;
	v18 =	vadd.s32 v2, v9;
	v22 =	vld.idx.msk [tilespmem:v20+s21+$0x0], $0xffff;
	v4 =	vmul.f32 v4, v54  }
0xd7: {  	v43 =	vmul.u32 $0x50, v10;
	[tilespmem:v12+s21+$0x0] =	vst.idx.msk $0xffff, v14;
	v12 =	vmov s7;
	v13 =	vmul.f32 v15, v49;
	v15 =	vld.idx.msk [tilespmem:v11+s21+$0x0], $0xffff  }
0xd8: {  	v48 =	vmul.u32 $0x50, v19;
	v14 =	vld.idx.msk [tilespmem:v16+s21+$0x0], $0xffff;
	[tilespmem:v3+s21+$0x0] =	vst.idx.msk $0xffff, v4  }
0xd9: {  	v3 =	vor.u32 v0, v43;
	v4 =	vld.idx.msk [tilespmem:v17+s21+$0x0], $0xffff  }
0xda: {  	v24 =	vor.u32 v0, v48;
	v44 =	vld.idx.msk [tilespmem:v19+s19+$0x0], $0xffff;
	[tilespmem:v7+s21+$0x0] =	vst.idx.msk $0xffff, v13  }
0xdb: {  	v26 =	vor.u32 v2, v42;
	v45 =	vmul.u32 $0x50, v12;
	v7 =	vld.idx.msk [tilespmem:v18+s21+$0x0], $0xffff  }
0xdc: {  	v19 =	vmul.f32 v22, v40;
	v46 =	vld.idx.msk [tilespmem:v12+s19+$0x0], $0xffff;
	v12 =	vadd.s32 v35, v5  }
0xdd: {  	v41 =	vld.idx.msk [tilespmem:v10+s19+$0x0], $0xffff;
	v21 =	vor.u32 v0, v45;
	v14 =	vmul.f32 v14, v50  }
0xde: {  	s7 =	simm.s32 $0x8;
	v13 =	vadd.s32 v35, v6;
	[tilespmem:v20+s21+$0x0] =	vst.idx.msk $0xffff, v19;
	v23 =	vld.idx.msk [tilespmem:v3+s21+$0x0], $0xffff;
	v4 =	vmul.f32 v4, v54  }
0xdf: {  	v20 =	vmov s7;
	v25 =	vld.idx.msk [tilespmem:v24+s21+$0x0], $0xffff;
	[tilespmem:v16+s21+$0x0] =	vst.idx.msk $0xffff, v14  }
0xe0: {  	v57 =	vld.idx.msk [tilespmem:v26+s21+$0x0], $0xffff;
	v15 =	vmul.f32 v15, v47;
	v14 =	vor.u32 v35, v9;
	[tilespmem:v17+s21+$0x0] =	vst.idx.msk $0xffff, v4  }
0xe1: {  	v7 =	vmul.f32 v7, v49;
	v17 =	vor.u32 v2, v43;
	v4 =	vld.idx.msk [tilespmem:v12+s21+$0x0], $0xffff  }
0xe2: {  	s5 =	simm.s32 $0x9;
	v22 =	vor.u32 v35, v8;
	v16 =	vld.idx.msk [tilespmem:v21+s21+$0x0], $0xffff;
	[tilespmem:v11+s21+$0x0] =	vst.idx.msk $0xffff, v15  }
0xe3: {  	v15 =	vmov s5;
	v10 =	vld.idx.msk [tilespmem:v13+s21+$0x0], $0xffff;
	[tilespmem:v18+s21+$0x0] =	vst.idx.msk $0xffff, v7;
	v7 =	vmul.f32 v23, v41  }
0xe4: {  	v51 =	vld.idx.msk [tilespmem:v20+s19+$0x0], $0xffff;
	v18 =	vadd.s32 v36, v5  }
0xe5: {  	v23 =	vadd.s32 v2, v45;
	v19 =	vld.idx.msk [tilespmem:v14+s21+$0x0], $0xffff;
	[tilespmem:v3+s21+$0x0] =	vst.idx.msk $0xffff, v7  }
0xe6: {  	v11 =	vadd.s32 v36, v6;
	v7 =	vld.idx.msk [tilespmem:v17+s21+$0x0], $0xffff;
	v3 =	vmul.f32 v4, v54  }
0xe7: {  	v61 =	vadd.s32 v36, v9;
	v60 =	vadd.s32 v2, v48;
	v4 =	vmul.f32 v16, v46;
	v16 =	vld.idx.msk [tilespmem:v22+s21+$0x0], $0xffff  }
0xe8: {  	v27 =	vadd.s32 v35, v43;
	v53 =	vld.idx.msk [tilespmem:v15+s19+$0x0], $0xffff;
	[tilespmem:v12+s21+$0x0] =	vst.idx.msk $0xffff, v3;
	v3 =	vmul.f32 v10, v50  }
0xe9: {  	v52 =	vmul.u32 $0x50, v20;
	v55 =	vmul.u32 $0x50, v15;
	[tilespmem:v21+s21+$0x0] =	vst.idx.msk $0xffff, v4;
	v4 =	vmul.f32 v25, v44;
	v10 =	vld.idx.msk [tilespmem:v18+s21+$0x0], $0xffff  }
0xea: {  	v21 =	vor.u32 v36, v8;
	v25 =	vld.idx.msk [tilespmem:v23+s21+$0x0], $0xffff;
	[tilespmem:v13+s21+$0x0] =	vst.idx.msk $0xffff, v3;
	v3 =	vmul.f32 v19, v49  }
0xeb: {  	s6 =	simm.s32 $0xA;
	v19 =	vor.u32 v0, v52;
	[tilespmem:v24+s21+$0x0] =	vst.idx.msk $0xffff, v4;
	v15 =	vmul.f32 v7, v41;
	v12 =	vld.idx.msk [tilespmem:v11+s21+$0x0], $0xffff  }
0xec: {  	s7 =	simm.s32 $0xB;
	v13 =	vmov s6;
	v4 =	vor.u32 v0, v55;
	v20 =	vld.idx.msk [tilespmem:v60+s21+$0x0], $0xffff;
	v16 =	vmul.f32 v16, v47;
	[tilespmem:v14+s21+$0x0] =	vst.idx.msk $0xffff, v3  }
0xed: {  	v24 =	vmov s7;
	v56 =	vmul.u32 $0x50, v13;
	[tilespmem:v17+s21+$0x0] =	vst.idx.msk $0xffff, v15;
	v17 =	vld.idx.msk [tilespmem:v61+s21+$0x0], $0xffff  }
0xee: {  	v59 =	vmul.u32 $0x50, v24;
	v28 =	vld.idx.msk [tilespmem:v27+s21+$0x0], $0xffff;
	[tilespmem:v22+s21+$0x0] =	vst.idx.msk $0xffff, v16  }
0xef: {  	v29 =	vmul.f32 v57, v40;
	v7 =	vor.u32 v0, v56;
	v16 =	vld.idx.msk [tilespmem:v21+s21+$0x0], $0xffff  }
0xf0: {  	v62 =	vor.u32 v2, v52;
	v63 =	vor.u32 v0, v59;
	v3 =	vmul.f32 v10, v54;
	v22 =	vld.idx.msk [tilespmem:v19+s21+$0x0], $0xffff  }
0xf1: {  	[tilespmem:v26+s21+$0x0] =	vst.idx.msk $0xffff, v29;
	v15 =	vadd.s32 v35, v48;
	v30 =	vld.idx.msk [tilespmem:v4+s21+$0x0], $0xffff;
	v10 =	vmul.f32 v12, v50  }
0xf2: {  	v14 =	vadd.s32 v37, v9;
	v9 =	vor.u32 v35, v45;
	v58 =	vld.idx.msk [tilespmem:v24+s19+$0x0], $0xffff;
	[tilespmem:v18+s21+$0x0] =	vst.idx.msk $0xffff, v3  }
0xf3: {  	v57 =	vld.idx.msk [tilespmem:v13+s19+$0x0], $0xffff;
	v12 =	vadd.s32 v37, v5;
	[tilespmem:v11+s21+$0x0] =	vst.idx.msk $0xffff, v10;
	v11 =	vmul.f32 v20, v44  }
0xf4: {  	v3 =	vadd.s32 v2, v55;
	v18 =	vld.idx.msk [tilespmem:v7+s21+$0x0], $0xffff;
	v17 =	vmul.f32 v17, v49;
	v10 =	vadd.s32 v37, v8  }
0xf5: {  	v5 =	vadd.s32 v2, v59;
	v31 =	vld.idx.msk [tilespmem:v63+s21+$0x0], $0xffff;
	v8 =	vmul.f32 v16, v47;
	[tilespmem:v60+s21+$0x0] =	vst.idx.msk $0xffff, v11  }
0xf6: {  	v13 =	vmul.f32 v22, v51;
	[tilespmem:v61+s21+$0x0] =	vst.idx.msk $0xffff, v17;
	v11 =	vadd.s32 v37, v6;
	v22 =	vld.idx.msk [tilespmem:v15+s21+$0x0], $0xffff  }
0xf7: {  	v28 =	vmul.f32 v28, v41;
	v6 =	vmul.f32 v25, v46;
	[tilespmem:v21+s21+$0x0] =	vst.idx.msk $0xffff, v8;
	v21 =	vld.idx.msk [tilespmem:v14+s21+$0x0], $0xffff  }
0xf8: {  	v16 =	vor.u32 v2, v56;
	v60 =	vor.u32 v36, v42;
	v20 =	vld.idx.msk [tilespmem:v12+s21+$0x0], $0xffff;
	[tilespmem:v19+s21+$0x0] =	vst.idx.msk $0xffff, v13  }
0xf9: {  	v61 =	vadd.s32 v36, v45;
	v24 =	vmul.f32 v30, v53;
	[tilespmem:v23+s21+$0x0] =	vst.idx.msk $0xffff, v6;
	v19 =	vld.idx.msk [tilespmem:v10+s21+$0x0], $0xffff  }
0xfa: {  	[tilespmem:v27+s21+$0x0] =	vst.idx.msk $0xffff, v28;
	v13 =	vor.u32 v35, v42;
	v25 =	vmul.f32 v18, v57;
	v17 =	vld.idx.msk [tilespmem:v9+s21+$0x0], $0xffff  }
0xfb: {  	s0 =	simm.s32 $0xC;
	v8 =	vadd.s32 v36, v48;
	v6 =	vadd.s32 v36, v43;
	v23 =	vmul.f32 v31, v58;
	v18 =	vld.idx.msk [tilespmem:v11+s21+$0x0], $0xffff  }
.LBB2_5:
0xfc: {  	v26 =	vmov s0;
	[tilespmem:v7+s21+$0x0] =	vst.idx.msk $0xffff, v25;
	v28 =	vadd.s32 v35, v56;
	v7 =	vmul.f32 v22, v44  }
0xfd: {  	s5 =	sadd.s32 $0x1, s0;
	s6 =	sadd.s32 $0x2, s0;
	s7 =	sadd.s32 $0x3, s0;
	v27 =	vld.idx.msk [tilespmem:v62+s21+$0x0], $0xffff;
	v22 =	vmovc v45;
	v45 =	vmovc v55;
	v25 =	vmov v43;
	v43 =	vmov v56;
	v29 =	vmov v48  }
0xfe: {  	p0 =	slt.u32 s0, $0x5C;
	s0 =	sadd.s32 $0x4, s0;
	v48 =	vmovc v59;
	v30 =	vmul.u32 $0x50, v26;
	v31 =	vmov s5;
	[tilespmem:v4+s21+$0x0] =	vst.idx.msk $0xffff, v24;
	v24 =	vld.idx.msk [tilespmem:v16+s21+$0x0], $0xffff;
	v4 =	vmul.f32 v21, v49  }
0xff: {  	v21 =	vmov s7;
	v49 =	vmovc v46;
	v55 =	vmul.u32 $0x50, v31;
	v32 =	vld.idx.msk [tilespmem:v13+s21+$0x0], $0xffff;
	[tilespmem:v15+s21+$0x0] =	vst.idx.msk $0xffff, v7;
	v7 =	vmul.f32 v20, v54  }
0x100: {  	v33 =	vmov s6;
	v19 =	vmul.f32 v19, v47;
	v20 =	vor.u32 v0, v30;
	v15 =	vld.idx.msk [tilespmem:v8+s21+$0x0], $0xffff;
	[tilespmem:v14+s21+$0x0] =	vst.idx.msk $0xffff, v4  }
0x101: {  	v56 =	vmul.u32 $0x50, v33;
	v59 =	vmul.u32 $0x50, v21;
	v4 =	vor.u32 v0, v55;
	v38 =	vld.idx.msk [tilespmem:v3+s21+$0x0], $0xffff;
	[tilespmem:v12+s21+$0x0] =	vst.idx.msk $0xffff, v7  }
0x102: {  	v14 =	vmul.f32 v17, v49;
	v12 =	vld.idx.msk [tilespmem:v26+s19+$0x0], $0xffff;
	[tilespmem:v10+s21+$0x0] =	vst.idx.msk $0xffff, v19;
	v10 =	vmul.f32 v18, v50  }
0x103: {  	v7 =	vor.u32 v0, v56;
	[tilespmem:v63+s21+$0x0] =	vst.idx.msk $0xffff, v23;
	v63 =	vor.u32 v0, v59;
	v17 =	vld.idx.msk [tilespmem:v6+s21+$0x0], $0xffff  }
0x104: {  	v26 =	vmul.f32 v27, v51;
	v23 =	vmul.f32 v24, v57;
	v18 =	vld.idx.msk [tilespmem:v31+s19+$0x0], $0xffff;
	[tilespmem:v11+s21+$0x0] =	vst.idx.msk $0xffff, v10  }
0x105: {  	v47 =	vmov v40;
	v24 =	vmul.f32 v32, v40;
	v40 =	vmov v51;
	v10 =	vld.idx.msk [tilespmem:v5+s21+$0x0], $0xffff;
	[tilespmem:v9+s21+$0x0] =	vst.idx.msk $0xffff, v14  }
0x106: {  	v46 =	vmov v53;
	v27 =	vmov v62;
	v14 =	vmul.f32 v15, v44;
	[tilespmem:v16+s21+$0x0] =	vst.idx.msk $0xffff, v23;
	v9 =	vld.idx.msk [tilespmem:v61+s21+$0x0], $0xffff  }
0x107: {  	v54 =	vmovc v44;
	v19 =	vmov v3;
	v11 =	vmov v5;
	v44 =	vmov v58;
	v16 =	vld.idx.msk [tilespmem:v28+s21+$0x0], $0xffff;
	[tilespmem:v13+s21+$0x0] =	vst.idx.msk $0xffff, v24  }
0x108: {  	v50 =	vmov v41;
	v41 =	vmov v57;
	v51 =	vmov v12;
	v13 =	vld.idx.msk [tilespmem:v60+s21+$0x0], $0xffff;
	[tilespmem:v8+s21+$0x0] =	vst.idx.msk $0xffff, v14  }
0x109: {  	v62 =	vor.u32 v2, v30;
	v5 =	vmul.f32 v17, v50;
	v8 =	vld.idx.msk [tilespmem:v20+s21+$0x0], $0xffff  }
0x10a: {  	v3 =	vadd.s32 v2, v55;
	v15 =	vadd.s32 v35, v48;
	v53 =	vmov v18;
	v17 =	vld.idx.msk [tilespmem:v7+s21+$0x0], $0xffff  }
0x10b: {  	v12 =	vadd.s32 v37, v29;
	v14 =	vadd.s32 v37, v22;
	v18 =	vld.idx.msk [tilespmem:v4+s21+$0x0], $0xffff;
	[tilespmem:v6+s21+$0x0] =	vst.idx.msk $0xffff, v5  }
0x10c: {  	v5 =	vadd.s32 v2, v59;
	v6 =	vmul.f32 v10, v44;
	v58 =	vld.idx.msk [tilespmem:v21+s19+$0x0], $0xffff;
	v21 =	vmul.f32 v9, v49  }
0x10d: {  	v10 =	vadd.s32 v37, v42;
	v42 =	vmovc v52;
	v52 =	vmov v30;
	v23 =	vmul.f32 v16, v41;
	v57 =	vld.idx.msk [tilespmem:v33+s19+$0x0], $0xffff  }
0x10e: {  	v9 =	vor.u32 v35, v45;
	v29 =	vld.idx.msk [tilespmem:v63+s21+$0x0], $0xffff;
	[tilespmem:v11+s21+$0x0] =	vst.idx.msk $0xffff, v6;
	v6 =	vmul.f32 v13, v47  }
0x10f: {  	v8 =	vmul.f32 v8, v51;
	v11 =	vadd.s32 v37, v25;
	v22 =	vld.idx.msk [tilespmem:v15+s21+$0x0], $0xffff;
	[tilespmem:v61+s21+$0x0] =	vst.idx.msk $0xffff, v21  }
.Ltmp1:
0x110: {  	v25 =	vmul.f32 v38, v46;
	[tilespmem:v60+s21+$0x0] =	vst.idx.msk $0xffff, v6;
	v60 =	vor.u32 v36, v42;
	v21 =	vld.idx.msk [tilespmem:v14+s21+$0x0], $0xffff;
	(pc) =	sbr.rel @p0 .LBB2_5-.Ltmp1, $4  }
0x111: {  	v16 =	vor.u32 v2, v56;
	v61 =	vadd.s32 v36, v45;
	[tilespmem:v20+s21+$0x0] =	vst.idx.msk $0xffff, v8;
	v20 =	vld.idx.msk [tilespmem:v12+s21+$0x0], $0xffff  }
0x112: {  	v13 =	vor.u32 v35, v42;
	v24 =	vmul.f32 v18, v53;
	[tilespmem:v19+s21+$0x0] =	vst.idx.msk $0xffff, v25;
	v19 =	vld.idx.msk [tilespmem:v10+s21+$0x0], $0xffff  }
0x113: {  	v8 =	vadd.s32 v36, v48;
	v25 =	vmul.f32 v17, v57;
	v17 =	vld.idx.msk [tilespmem:v9+s21+$0x0], $0xffff;
	[tilespmem:v28+s21+$0x0] =	vst.idx.msk $0xffff, v23  }
0x114: {  	v6 =	vadd.s32 v36, v43;
	v23 =	vmul.f32 v29, v58;
	[tilespmem:v27+s21+$0x0] =	vst.idx.msk $0xffff, v26;
	v18 =	vld.idx.msk [tilespmem:v11+s21+$0x0], $0xffff  }
0x115: {  	_ =	sdelay $0x3  }
0x116: {  	[tilespmem:v4+s21+$0x0] =	vst.idx.msk $0xffff, v24  }
0x117: {  	v4 =	vld.idx.msk [tilespmem:v3+s21+$0x0], $0xffff;
	[tilespmem:v63+s21+$0x0] =	vst.idx.msk $0xffff, v23  }
0x118: {  	v23 =	vld.idx.msk [tilespmem:v5+s21+$0x0], $0xffff  }
0x119: {  	v24 =	vld.idx.msk [tilespmem:v62+s21+$0x0], $0xffff;
	[tilespmem:v7+s21+$0x0] =	vst.idx.msk $0xffff, v25;
	v7 =	vmul.f32 v22, v44  }
0x11a: {  	v21 =	vmul.f32 v21, v49;
	v25 =	vor.u32 v35, v55;
	v22 =	vld.idx.msk [tilespmem:v16+s21+$0x0], $0xffff  }
0x11b: {  	[tilespmem:v15+s21+$0x0] =	vst.idx.msk $0xffff, v7;
	v7 =	vmul.f32 v20, v54;
	v15 =	vadd.s32 v35, v59  }
0x11c: {  	[tilespmem:v14+s21+$0x0] =	vst.idx.msk $0xffff, v21;
	v14 =	vor.u32 v35, v52;
	v4 =	vmul.f32 v4, v53  }
0x11d: {  	v20 =	vadd.s32 v35, v56;
	v21 =	vld.idx.msk [tilespmem:v13+s21+$0x0], $0xffff;
	[tilespmem:v12+s21+$0x0] =	vst.idx.msk $0xffff, v7;
	v7 =	vmul.f32 v23, v58  }
0x11e: {  	v12 =	vmul.f32 v24, v51;
	[tilespmem:v3+s21+$0x0] =	vst.idx.msk $0xffff, v4  }
0x11f: {  	v3 =	vmul.f32 v22, v57;
	[tilespmem:v5+s21+$0x0] =	vst.idx.msk $0xffff, v7;
	v4 =	vld.idx.msk [tilespmem:v25+s21+$0x0], $0xffff  }
0x120: {  	[tilespmem:v62+s21+$0x0] =	vst.idx.msk $0xffff, v12;
	v5 =	vmul.f32 v17, v46;
	v7 =	vld.idx.msk [tilespmem:v15+s21+$0x0], $0xffff  }
0x121: {  	v12 =	vmul.f32 v19, v47;
	[tilespmem:v16+s21+$0x0] =	vst.idx.msk $0xffff, v3;
	v3 =	vld.idx.msk [tilespmem:v14+s21+$0x0], $0xffff  }
0x122: {  	v16 =	vmul.f32 v21, v40;
	[tilespmem:v9+s21+$0x0] =	vst.idx.msk $0xffff, v5;
	v5 =	vld.idx.msk [tilespmem:v20+s21+$0x0], $0xffff;
	v9 =	vadd.s32 v36, v55  }
0x123: {  	[tilespmem:v10+s21+$0x0] =	vst.idx.msk $0xffff, v12;
	v10 =	vmul.f32 v18, v50;
	v17 =	vadd.s32 v36, v59;
	v12 =	vld.idx.msk [tilespmem:v61+s21+$0x0], $0xffff  }
0x124: {  	v18 =	vld.idx.msk [tilespmem:v8+s21+$0x0], $0xffff;
	[tilespmem:v13+s21+$0x0] =	vst.idx.msk $0xffff, v16;
	v13 =	vor.u32 v36, v52;
	v4 =	vmul.f32 v4, v53  }
0x125: {  	[tilespmem:v11+s21+$0x0] =	vst.idx.msk $0xffff, v10;
	v11 =	vadd.s32 v36, v56;
	v10 =	vld.idx.msk [tilespmem:v60+s21+$0x0], $0xffff;
	v7 =	vmul.f32 v7, v58  }
0x126: {  	v19 =	vadd.s32 v37, v45;
	v16 =	vld.idx.msk [tilespmem:v6+s21+$0x0], $0xffff;
	v3 =	vmul.f32 v3, v51;
	[tilespmem:v25+s21+$0x0] =	vst.idx.msk $0xffff, v4  }
0x127: {  	v4 =	vadd.s32 v37, v48;
	v5 =	vmul.f32 v5, v57;
	[tilespmem:v15+s21+$0x0] =	vst.idx.msk $0xffff, v7;
	v7 =	vld.idx.msk [tilespmem:v9+s21+$0x0], $0xffff  }
0x128: {  	v12 =	vmul.f32 v12, v46;
	v15 =	vadd.s32 v37, v42;
	[tilespmem:v14+s21+$0x0] =	vst.idx.msk $0xffff, v3;
	v21 =	vld.idx.msk [tilespmem:v17+s21+$0x0], $0xffff  }
0x129: {  	v3 =	vmul.f32 v18, v44;
	v14 =	vadd.s32 v37, v43;
	[tilespmem:v20+s21+$0x0] =	vst.idx.msk $0xffff, v5;
	v5 =	vld.idx.msk [tilespmem:v13+s21+$0x0], $0xffff  }
0x12a: {  	v18 =	vadd.s32 v37, v55;
	v10 =	vmul.f32 v10, v40;
	[tilespmem:v61+s21+$0x0] =	vst.idx.msk $0xffff, v12;
	v12 =	vld.idx.msk [tilespmem:v11+s21+$0x0], $0xffff  }
0x12b: {  	[tilespmem:v8+s21+$0x0] =	vst.idx.msk $0xffff, v3;
	v3 =	vmul.f32 v16, v41;
	v16 =	vadd.s32 v37, v59;
	v8 =	vld.idx.msk [tilespmem:v19+s21+$0x0], $0xffff  }
0x12c: {  	v20 =	vadd.s32 v37, v52;
	[tilespmem:v60+s21+$0x0] =	vst.idx.msk $0xffff, v10;
	v10 =	vld.idx.msk [tilespmem:v4+s21+$0x0], $0xffff;
	v7 =	vmul.f32 v7, v53  }
0x12d: {  	[tilespmem:v6+s21+$0x0] =	vst.idx.msk $0xffff, v3;
	v3 =	vld.idx.msk [tilespmem:v15+s21+$0x0], $0xffff;
	v6 =	vmul.f32 v21, v58;
	v21 =	vadd.s32 v37, v56  }
0x12e: {  	v22 =	vld.idx.msk [tilespmem:v14+s21+$0x0], $0xffff;
	v5 =	vmul.f32 v5, v51;
	[tilespmem:v9+s21+$0x0] =	vst.idx.msk $0xffff, v7  }
0x12f: {  	[tilespmem:v17+s21+$0x0] =	vst.idx.msk $0xffff, v6;
	v6 =	vmul.f32 v12, v57;
	v7 =	vld.idx.msk [tilespmem:v18+s21+$0x0], $0xffff  }
0x130: {  	v8 =	vmul.f32 v8, v46;
	[tilespmem:v13+s21+$0x0] =	vst.idx.msk $0xffff, v5;
	v5 =	vld.idx.msk [tilespmem:v16+s21+$0x0], $0xffff  }
0x131: {  	v9 =	vmul.f32 v10, v44;
	v10 =	vmov s1;
	[tilespmem:v11+s21+$0x0] =	vst.idx.msk $0xffff, v6;
	v6 =	vld.idx.msk [tilespmem:v20+s21+$0x0], $0xffff  }
0x132: {  	v3 =	vmul.f32 v3, v40;
	[tilespmem:v19+s21+$0x0] =	vst.idx.msk $0xffff, v8;
	v10 =	vmul.u32 $0x60, v10;
	v8 =	vld.idx.msk [tilespmem:v21+s21+$0x0], $0xffff  }
0x133: {  	[tilespmem:v4+s21+$0x0] =	vst.idx.msk $0xffff, v9;
	v4 =	vmul.f32 v22, v41  }
0x134: {  	[tilespmem:v15+s21+$0x0] =	vst.idx.msk $0xffff, v3;
	v3 =	vmul.f32 v7, v53;
	v7 =	vbroadcast v10, $0x0  }
0x135: {  	[tilespmem:v14+s21+$0x0] =	vst.idx.msk $0xffff, v4;
	v4 =	vmul.f32 v5, v58  }
0x136: {  	s0 =	smul.u32 $0x300, s30;
	v5 =	vmul.f32 v6, v51;
	[tilespmem:v18+s21+$0x0] =	vst.idx.msk $0xffff, v3;
	v3 =	vor.u32 v0, v7  }
0x137: {  	[tilespmem:v16+s21+$0x0] =	vst.idx.msk $0xffff, v4;
	v4 =	vmul.f32 v8, v57  }
0x138: {  	s0 =	sshra.s32 s0, $0x2;
	[tilespmem:v20+s21+$0x0] =	vst.idx.msk $0xffff, v5  }
0x139: {  	s0 =	sadd.s32 $0x1C80, s0;
	[tilespmem:v21+s21+$0x0] =	vst.idx.msk $0xffff, v4  }
0x13a: {  	[spmem:s2] =	stream.indirect.scatter.add.f32 [tilespmem:s21], [sflag:$0x3], $0x50, s0, s20, $0xb8;
	[tilespmem:$0x18900] =	vst v63  }
0x13b: {  	v4 =	vld.idx.msk [tilespmem:v3+s16+$0x0], $0xffff  }
0x13c: {  	v3 =	vld.idx.msk [tilespmem:v3+s3+$0x0], $0xffff;
	_ =	sdelay $0x3  }
0x13d: {  	v4 =	vadd.s32 $0x2710, v4;
	_ =	sdelay $0x3  }
0x13e: {  	v3 =	vld.idx.msk [tilespmem:v3+s14+$0x0], $0xffff  }
0x13f: {  	v4 =	vld.idx.msk [tilespmem:v4+s14+$0x0], $0xffff;
	_ =	sdelay $0x4  }
0x140: {  	v3 =	vadd.f32 v4, v3;
	_ =	sdelay $0x1  }
0x141: {  	v4 =	vmul.f32 $2.000000030e-01, v3;
	_ =	sdelay $0x1  }
0x142: {  	v3 =	vmax.f32 v3, v4  }
0x143: {  	v3 =	vsub.f32 v3, v39;
	_ =	sdelay $0x1  }
0x144: {  	v3 =	vmul.f32 $1.442695020e+00, v3;
	_ =	sdelay $0x1  }
0x145: {  	(erf) = vpow2.f32 v3;
	_ =	sdelay $0x4  }
0x146: {  	s1 =	smul.u32 $0x60, s1;
	_ =	sdelay $0x1  }
0x147: {  	s0 =	sadd.s32 s8, s1;
	v3 =	vor.u32 v2, v7  }
0x148: {  	v4 =	vmov s0  }
0x149: {  	vm0 =	vlt.u32 v4, v34;
	v5 =	vpop (erf)  }
0x14a: {  	v4 =	vnsel vm0, $0x0, v5  }
0x14b: {  	[tilespmem:v0+s19+$0x0] =	vst.idx.msk $0xffff, v4  }
0x14c: {  	v4 =	vld.idx.msk [tilespmem:v3+s16+$0x0], $0xffff  }
0x14d: {  	v3 =	vld.idx.msk [tilespmem:v3+s3+$0x0], $0xffff;
	_ =	sdelay $0x3  }
0x14e: {  	v4 =	vadd.s32 $0x2710, v4;
	_ =	sdelay $0x3  }
0x14f: {  	v3 =	vld.idx.msk [tilespmem:v3+s14+$0x0], $0xffff  }
0x150: {  	v4 =	vld.idx.msk [tilespmem:v4+s14+$0x0], $0xffff;
	_ =	sdelay $0x4  }
0x151: {  	v3 =	vadd.f32 v4, v3;
	_ =	sdelay $0x1  }
0x152: {  	v4 =	vmul.f32 $2.000000030e-01, v3;
	_ =	sdelay $0x1  }
0x153: {  	v3 =	vmax.f32 v3, v4  }
0x154: {  	v3 =	vsub.f32 v3, v39;
	_ =	sdelay $0x1  }
0x155: {  	v3 =	vmul.f32 $1.442695020e+00, v3;
	_ =	sdelay $0x1  }
0x156: {  	(erf) = vpow2.f32 v3;
	_ =	sdelay $0x6  }
0x157: {  	s5 =	sor.u32 $0x10, s0;
	v3 =	vadd.s32 v35, v7  }
0x158: {  	v4 =	vmov s5  }
0x159: {  	vm11 =	vlt.u32 v4, v34;
	v5 =	vpop (erf)  }
0x15a: {  	v4 =	vnsel vm11, $0x0, v5  }
0x15b: {  	[tilespmem:v2+s19+$0x0] =	vst.idx.msk $0xffff, v4  }
0x15c: {  	v4 =	vld.idx.msk [tilespmem:v3+s16+$0x0], $0xffff  }
0x15d: {  	v3 =	vld.idx.msk [tilespmem:v3+s3+$0x0], $0xffff;
	_ =	sdelay $0x3  }
0x15e: {  	v4 =	vadd.s32 $0x2710, v4;
	_ =	sdelay $0x3  }
0x15f: {  	v3 =	vld.idx.msk [tilespmem:v3+s14+$0x0], $0xffff  }
0x160: {  	v4 =	vld.idx.msk [tilespmem:v4+s14+$0x0], $0xffff;
	_ =	sdelay $0x4  }
0x161: {  	v3 =	vadd.f32 v4, v3;
	_ =	sdelay $0x1  }
0x162: {  	v4 =	vmul.f32 $2.000000030e-01, v3;
	_ =	sdelay $0x1  }
0x163: {  	v3 =	vmax.f32 v3, v4  }
0x164: {  	v3 =	vsub.f32 v3, v39;
	_ =	sdelay $0x1  }
0x165: {  	v3 =	vmul.f32 $1.442695020e+00, v3;
	_ =	sdelay $0x1  }
0x166: {  	(erf) = vpow2.f32 v3;
	_ =	sdelay $0x6  }
0x167: {  	s6 =	sadd.s32 $0x20, s0;
	v3 =	vadd.s32 v36, v7  }
0x168: {  	v4 =	vmov s6  }
0x169: {  	vm12 =	vlt.u32 v4, v34;
	v5 =	vpop (erf)  }
0x16a: {  	v4 =	vnsel vm12, $0x0, v5  }
0x16b: {  	[tilespmem:v35+s19+$0x0] =	vst.idx.msk $0xffff, v4  }
0x16c: {  	v4 =	vld.idx.msk [tilespmem:v3+s16+$0x0], $0xffff  }
0x16d: {  	v3 =	vld.idx.msk [tilespmem:v3+s3+$0x0], $0xffff;
	_ =	sdelay $0x3  }
0x16e: {  	v4 =	vadd.s32 $0x2710, v4;
	_ =	sdelay $0x3  }
0x16f: {  	v3 =	vld.idx.msk [tilespmem:v3+s14+$0x0], $0xffff  }
0x170: {  	v4 =	vld.idx.msk [tilespmem:v4+s14+$0x0], $0xffff;
	_ =	sdelay $0x4  }
0x171: {  	v3 =	vadd.f32 v4, v3;
	_ =	sdelay $0x1  }
0x172: {  	v4 =	vmul.f32 $2.000000030e-01, v3;
	_ =	sdelay $0x1  }
0x173: {  	v3 =	vmax.f32 v3, v4  }
0x174: {  	v3 =	vsub.f32 v3, v39;
	_ =	sdelay $0x1  }
0x175: {  	v3 =	vmul.f32 $1.442695020e+00, v3;
	_ =	sdelay $0x1  }
0x176: {  	(erf) = vpow2.f32 v3;
	_ =	sdelay $0x6  }
0x177: {  	s7 =	sadd.s32 $0x30, s0;
	v3 =	vadd.s32 v37, v7  }
0x178: {  	v4 =	vmov s7  }
0x179: {  	vm13 =	vlt.u32 v4, v34;
	v5 =	vpop (erf)  }
0x17a: {  	v4 =	vnsel vm13, $0x0, v5  }
0x17b: {  	[tilespmem:v36+s19+$0x0] =	vst.idx.msk $0xffff, v4  }
0x17c: {  	v4 =	vld.idx.msk [tilespmem:v3+s16+$0x0], $0xffff  }
0x17d: {  	v3 =	vld.idx.msk [tilespmem:v3+s3+$0x0], $0xffff;
	_ =	sdelay $0x3  }
0x17e: {  	v4 =	vadd.s32 $0x2710, v4;
	_ =	sdelay $0x3  }
0x17f: {  	v3 =	vld.idx.msk [tilespmem:v3+s14+$0x0], $0xffff  }
0x180: {  	v4 =	vld.idx.msk [tilespmem:v4+s14+$0x0], $0xffff;
	_ =	sdelay $0x4  }
0x181: {  	v3 =	vadd.f32 v4, v3;
	_ =	sdelay $0x1  }
0x182: {  	v4 =	vmul.f32 $2.000000030e-01, v3;
	_ =	sdelay $0x1  }
0x183: {  	v3 =	vmax.f32 v3, v4  }
0x184: {  	v3 =	vsub.f32 v3, v39;
	_ =	sdelay $0x1  }
0x185: {  	v3 =	vmul.f32 $1.442695020e+00, v3;
	_ =	sdelay $0x1  }
0x186: {  	(erf) = vpow2.f32 v3;
	_ =	sdelay $0x1  }
0x187: {  	v6 =	vld [tilespmem:$0x1FFF0];
	_ =	sdelay $0x4  }
0x188: {  	s6 =	sadd.s32 $0x40, s0;
	v3 =	vadd.s32 v6, v7  }
0x189: {  	v4 =	vmov s6  }
0x18a: {  	vm14 =	vlt.u32 v4, v34;
	v5 =	vpop (erf)  }
0x18b: {  	v4 =	vnsel vm14, $0x0, v5  }
0x18c: {  	[tilespmem:v37+s19+$0x0] =	vst.idx.msk $0xffff, v4  }
0x18d: {  	v4 =	vld.idx.msk [tilespmem:v3+s16+$0x0], $0xffff  }
0x18e: {  	v3 =	vld.idx.msk [tilespmem:v3+s3+$0x0], $0xffff;
	_ =	sdelay $0x3  }
0x18f: {  	v4 =	vadd.s32 $0x2710, v4;
	_ =	sdelay $0x3  }
0x190: {  	v3 =	vld.idx.msk [tilespmem:v3+s14+$0x0], $0xffff  }
0x191: {  	v4 =	vld.idx.msk [tilespmem:v4+s14+$0x0], $0xffff;
	_ =	sdelay $0x4  }
0x192: {  	v3 =	vadd.f32 v4, v3;
	_ =	sdelay $0x1  }
0x193: {  	v4 =	vmul.f32 $2.000000030e-01, v3;
	_ =	sdelay $0x1  }
0x194: {  	v3 =	vmax.f32 v3, v4  }
0x195: {  	v3 =	vsub.f32 v3, v39;
	_ =	sdelay $0x1  }
0x196: {  	v3 =	vmul.f32 $1.442695020e+00, v3;
	_ =	sdelay $0x1  }
0x197: {  	(erf) = vpow2.f32 v3;
	_ =	sdelay $0x6  }
0x198: {  	s0 =	sadd.s32 $0x50, s0  }
0x199: {  	v3 =	vmov s0  }
0x19a: {  	s0 =	sadd.s32 $0x2, s31;
	vm15 =	vlt.u32 v3, v34;
	v4 =	vpop (erf)  }
0x19b: {  	p0 =	sge.u32 s0, s9;
	v3 =	vnsel vm15, $0x0, v4  }
0x19c: {  	s0 =	smul.u32 @!p0 $0x180, s0;
	[tilespmem:v6+s19+$0x0] =	vst.idx.msk $0xffff, v3  }
0x19d: {  	s7 =	simm.s32 $0x0;
	s31 =	simm.s32 $0x2;
	_ =	swait.ge [sflag:s23], $0x1E00  }
0x19e: {  	s6 =	simm.s32 @!p0 $0x60;
	s0 =	sshra.s32 @!p0 s0, $0x2;
	v3 =	vmov s7;
	[sflag:s23] =	ssyncset.done $0x0  }
0x19f: {  	v4 =	vmov s31;
	s31 =	simm.s32 $0x1;
	s7 =	simm.s32 @!p0 $0x8780;
	v8 =	vmul.u32 $0x50, v3;
	[sflag:s23] =	ssyncadd.s32 $0xFFFFE200  }
0x1a0: {  	v7 =	vmov s31;
	v6 =	vmul.u32 $0x50, v4;
	[tilespmem:s7], [sflag:$0x1] =	stream.indirect.gather @!p0 [hbm4b:s4+s6], $0x50, s0, s6, $0xb8;
	[tilespmem:$0x18900] =	vst v63  }
0x1a1: {  	s31 =	simm.s32 $0x3;
	v10 =	vor.u32 v0, v8;
	_ =	swait.ge [sflag:s24], $0x1E00  }
0x1a2: {  	v11 =	vmov s31;
	v12 =	vor.u32 v0, v6;
	[sflag:s24] =	ssyncset.done $0x0  }
0x1a3: {  	v5 =	vmul.u32 $0x50, v11;
	[sflag:s24] =	ssyncadd.s32 $0xFFFFE200  }
0x1a4: {  	v47 =	vld.idx.msk [tilespmem:v3+s19+$0x0], $0xffff  }
0x1a5: {  	s5 =	simm.s32 $0x4;
	v3 =	vor.u32 v0, v5;
	v49 =	vld.idx.msk [tilespmem:v7+s19+$0x0], $0xffff  }
0x1a6: {  	v19 =	vmov s5;
	v9 =	vmul.u32 $0x50, v7;
	v13 =	vld.idx.msk [tilespmem:v10+s25+$0x0], $0xffff  }
0x1a7: {  	v14 =	vld.idx.msk [tilespmem:v12+s25+$0x0], $0xffff  }
0x1a8: {  	v42 =	vmul.u32 $0x50, v19;
	v7 =	vor.u32 v0, v9;
	v50 =	vld.idx.msk [tilespmem:v4+s19+$0x0], $0xffff  }
0x1a9: {  	v54 =	vld.idx.msk [tilespmem:v11+s19+$0x0], $0xffff  }
0x1aa: {  	v20 =	vor.u32 v0, v42;
	s31 =	simm.s32 $0x7;
	v4 =	vld.idx.msk [tilespmem:v3+s25+$0x0], $0xffff  }
0x1ab: {  	v40 =	vld.idx.msk [tilespmem:v19+s19+$0x0], $0xffff;
	v19 =	vmov s31  }
0x1ac: {  	v16 =	vor.u32 v2, v6;
	v13 =	vmul.f32 v13, v47  }
0x1ad: {  	v17 =	vadd.s32 v2, v5;
	v15 =	vld.idx.msk [tilespmem:v7+s25+$0x0], $0xffff;
	v14 =	vmul.f32 v14, v50  }
0x1ae: {  	s6 =	simm.s32 $0x6;
	s7 =	simm.s32 $0x5;
	v11 =	vor.u32 v2, v8;
	[tilespmem:v10+s25+$0x0] =	vst.idx.msk $0xffff, v13  }
0x1af: {  	v22 =	vld.idx.msk [tilespmem:v20+s25+$0x0], $0xffff;
	v10 =	vmov s6;
	[tilespmem:v12+s25+$0x0] =	vst.idx.msk $0xffff, v14;
	v12 =	vmov s7;
	v4 =	vmul.f32 v4, v54  }
0x1b0: {  	v18 =	vadd.s32 v2, v9;
	v44 =	vld.idx.msk [tilespmem:v19+s19+$0x0], $0xffff;
	v43 =	vmul.u32 $0x50, v10  }
0x1b1: {  	v48 =	vmul.u32 $0x50, v19;
	v14 =	vld.idx.msk [tilespmem:v16+s25+$0x0], $0xffff;
	[tilespmem:v3+s25+$0x0] =	vst.idx.msk $0xffff, v4  }
0x1b2: {  	v13 =	vmul.f32 v15, v49;
	v3 =	vor.u32 v0, v43;
	v4 =	vld.idx.msk [tilespmem:v17+s25+$0x0], $0xffff  }
0x1b3: {  	v24 =	vor.u32 v0, v48;
	v15 =	vld.idx.msk [tilespmem:v11+s25+$0x0], $0xffff  }
0x1b4: {  	v26 =	vor.u32 v2, v42;
	v45 =	vmul.u32 $0x50, v12;
	[tilespmem:v7+s25+$0x0] =	vst.idx.msk $0xffff, v13;
	v46 =	vld.idx.msk [tilespmem:v12+s19+$0x0], $0xffff  }
0x1b5: {  	v19 =	vmul.f32 v22, v40;
	v12 =	vadd.s32 v35, v5;
	v7 =	vld.idx.msk [tilespmem:v18+s25+$0x0], $0xffff  }
0x1b6: {  	v21 =	vor.u32 v0, v45;
	v41 =	vld.idx.msk [tilespmem:v10+s19+$0x0], $0xffff;
	v14 =	vmul.f32 v14, v50  }
0x1b7: {  	s5 =	simm.s32 $0x8;
	[tilespmem:v20+s25+$0x0] =	vst.idx.msk $0xffff, v19;
	v13 =	vadd.s32 v35, v6;
	v23 =	vld.idx.msk [tilespmem:v3+s25+$0x0], $0xffff;
	v4 =	vmul.f32 v4, v54  }
0x1b8: {  	v20 =	vmov s5;
	v25 =	vld.idx.msk [tilespmem:v24+s25+$0x0], $0xffff;
	[tilespmem:v16+s25+$0x0] =	vst.idx.msk $0xffff, v14  }
0x1b9: {  	v27 =	vld.idx.msk [tilespmem:v26+s25+$0x0], $0xffff;
	v14 =	vor.u32 v35, v9;
	v15 =	vmul.f32 v15, v47;
	[tilespmem:v17+s25+$0x0] =	vst.idx.msk $0xffff, v4  }
0x1ba: {  	v7 =	vmul.f32 v7, v49;
	v17 =	vor.u32 v2, v43;
	v4 =	vld.idx.msk [tilespmem:v12+s25+$0x0], $0xffff  }
0x1bb: {  	v22 =	vor.u32 v35, v8;
	s6 =	simm.s32 $0x9;
	v16 =	vld.idx.msk [tilespmem:v21+s25+$0x0], $0xffff;
	[tilespmem:v11+s25+$0x0] =	vst.idx.msk $0xffff, v15  }
0x1bc: {  	v10 =	vld.idx.msk [tilespmem:v13+s25+$0x0], $0xffff;
	v15 =	vmov s6;
	[tilespmem:v18+s25+$0x0] =	vst.idx.msk $0xffff, v7;
	v7 =	vmul.f32 v23, v41  }
0x1bd: {  	v51 =	vld.idx.msk [tilespmem:v20+s19+$0x0], $0xffff;
	v18 =	vadd.s32 v36, v5  }
0x1be: {  	v19 =	vld.idx.msk [tilespmem:v14+s25+$0x0], $0xffff;
	v23 =	vadd.s32 v2, v45;
	[tilespmem:v3+s25+$0x0] =	vst.idx.msk $0xffff, v7  }
0x1bf: {  	v11 =	vadd.s32 v36, v6;
	v7 =	vld.idx.msk [tilespmem:v17+s25+$0x0], $0xffff;
	v3 =	vmul.f32 v4, v54  }
0x1c0: {  	v29 =	vadd.s32 v36, v9;
	v28 =	vadd.s32 v2, v48;
	v4 =	vmul.f32 v16, v46;
	v16 =	vld.idx.msk [tilespmem:v22+s25+$0x0], $0xffff  }
0x1c1: {  	v30 =	vadd.s32 v35, v43;
	v53 =	vld.idx.msk [tilespmem:v15+s19+$0x0], $0xffff;
	[tilespmem:v12+s25+$0x0] =	vst.idx.msk $0xffff, v3;
	v3 =	vmul.f32 v10, v50  }
0x1c2: {  	v52 =	vmul.u32 $0x50, v20;
	v55 =	vmul.u32 $0x50, v15;
	[tilespmem:v21+s25+$0x0] =	vst.idx.msk $0xffff, v4;
	v4 =	vmul.f32 v25, v44;
	v10 =	vld.idx.msk [tilespmem:v18+s25+$0x0], $0xffff  }
0x1c3: {  	v21 =	vor.u32 v36, v8;
	v25 =	vld.idx.msk [tilespmem:v23+s25+$0x0], $0xffff;
	[tilespmem:v13+s25+$0x0] =	vst.idx.msk $0xffff, v3;
	v3 =	vmul.f32 v19, v49  }
0x1c4: {  	s7 =	simm.s32 $0xA;
	v19 =	vor.u32 v0, v52;
	[tilespmem:v24+s25+$0x0] =	vst.idx.msk $0xffff, v4;
	v15 =	vmul.f32 v7, v41;
	v12 =	vld.idx.msk [tilespmem:v11+s25+$0x0], $0xffff  }
0x1c5: {  	s31 =	simm.s32 $0xB;
	v13 =	vmov s7;
	v4 =	vor.u32 v0, v55;
	v20 =	vld.idx.msk [tilespmem:v28+s25+$0x0], $0xffff;
	v16 =	vmul.f32 v16, v47;
	[tilespmem:v14+s25+$0x0] =	vst.idx.msk $0xffff, v3  }
0x1c6: {  	v24 =	vmov s31;
	v56 =	vmul.u32 $0x50, v13;
	[tilespmem:v17+s25+$0x0] =	vst.idx.msk $0xffff, v15;
	v17 =	vld.idx.msk [tilespmem:v29+s25+$0x0], $0xffff  }
0x1c7: {  	v59 =	vmul.u32 $0x50, v24;
	v31 =	vld.idx.msk [tilespmem:v30+s25+$0x0], $0xffff;
	[tilespmem:v22+s25+$0x0] =	vst.idx.msk $0xffff, v16  }
0x1c8: {  	v60 =	vor.u32 v36, v42;
	v7 =	vor.u32 v0, v56;
	v16 =	vld.idx.msk [tilespmem:v21+s25+$0x0], $0xffff  }
0x1c9: {  	v62 =	vor.u32 v2, v52;
	v27 =	vmul.f32 v27, v40;
	v63 =	vor.u32 v0, v59;
	v22 =	vld.idx.msk [tilespmem:v19+s25+$0x0], $0xffff  }
0x1ca: {  	v15 =	vadd.s32 v35, v48;
	v3 =	vmul.f32 v10, v54;
	v32 =	vld.idx.msk [tilespmem:v4+s25+$0x0], $0xffff;
	v10 =	vmul.f32 v12, v50  }
0x1cb: {  	v61 =	vadd.s32 v36, v45;
	[tilespmem:v26+s25+$0x0] =	vst.idx.msk $0xffff, v27;
	v14 =	vadd.s32 v37, v9;
	v58 =	vld.idx.msk [tilespmem:v24+s19+$0x0], $0xffff  }
0x1cc: {  	v57 =	vld.idx.msk [tilespmem:v13+s19+$0x0], $0xffff;
	v12 =	vadd.s32 v37, v5;
	[tilespmem:v11+s25+$0x0] =	vst.idx.msk $0xffff, v10;
	v11 =	vmul.f32 v20, v44  }
0x1cd: {  	[tilespmem:v18+s25+$0x0] =	vst.idx.msk $0xffff, v3;
	v18 =	vld.idx.msk [tilespmem:v7+s25+$0x0], $0xffff;
	v17 =	vmul.f32 v17, v49;
	v10 =	vadd.s32 v37, v8  }
0x1ce: {  	v9 =	vor.u32 v35, v45;
	v33 =	vld.idx.msk [tilespmem:v63+s25+$0x0], $0xffff;
	v8 =	vmul.f32 v16, v47;
	[tilespmem:v28+s25+$0x0] =	vst.idx.msk $0xffff, v11  }
0x1cf: {  	v13 =	vmul.f32 v22, v51;
	[tilespmem:v29+s25+$0x0] =	vst.idx.msk $0xffff, v17;
	v11 =	vadd.s32 v37, v6;
	v22 =	vld.idx.msk [tilespmem:v15+s25+$0x0], $0xffff  }
0x1d0: {  	v3 =	vadd.s32 v2, v55;
	v6 =	vmul.f32 v25, v46;
	[tilespmem:v21+s25+$0x0] =	vst.idx.msk $0xffff, v8;
	v21 =	vld.idx.msk [tilespmem:v14+s25+$0x0], $0xffff  }
0x1d1: {  	v5 =	vadd.s32 v2, v59;
	v31 =	vmul.f32 v31, v41;
	v20 =	vld.idx.msk [tilespmem:v12+s25+$0x0], $0xffff;
	[tilespmem:v19+s25+$0x0] =	vst.idx.msk $0xffff, v13  }
0x1d2: {  	v16 =	vor.u32 v2, v56;
	v24 =	vmul.f32 v32, v53;
	[tilespmem:v23+s25+$0x0] =	vst.idx.msk $0xffff, v6;
	v19 =	vld.idx.msk [tilespmem:v10+s25+$0x0], $0xffff  }
0x1d3: {  	[tilespmem:v30+s25+$0x0] =	vst.idx.msk $0xffff, v31;
	v13 =	vor.u32 v35, v42;
	v25 =	vmul.f32 v18, v57;
	v17 =	vld.idx.msk [tilespmem:v9+s25+$0x0], $0xffff  }
0x1d4: {  	s0 =	simm.s32 $0xC;
	v8 =	vadd.s32 v36, v48;
	v6 =	vadd.s32 v36, v43;
	v23 =	vmul.f32 v33, v58;
	v18 =	vld.idx.msk [tilespmem:v11+s25+$0x0], $0xffff  }
.LBB2_7:
0x1d5: {  	v26 =	vmov s0;
	[tilespmem:v7+s25+$0x0] =	vst.idx.msk $0xffff, v25;
	v28 =	vadd.s32 v35, v56;
	v7 =	vmul.f32 v22, v44  }
0x1d6: {  	s5 =	sadd.s32 $0x1, s0;
	s6 =	sadd.s32 $0x2, s0;
	s7 =	sadd.s32 $0x3, s0;
	v27 =	vld.idx.msk [tilespmem:v62+s25+$0x0], $0xffff;
	v22 =	vmovc v45;
	v45 =	vmovc v55;
	v25 =	vmov v43;
	v43 =	vmov v56;
	v29 =	vmov v48  }
0x1d7: {  	p0 =	slt.u32 s0, $0x5C;
	s0 =	sadd.s32 $0x4, s0;
	v48 =	vmovc v59;
	v30 =	vmul.u32 $0x50, v26;
	v31 =	vmov s5;
	[tilespmem:v4+s25+$0x0] =	vst.idx.msk $0xffff, v24;
	v24 =	vld.idx.msk [tilespmem:v16+s25+$0x0], $0xffff;
	v4 =	vmul.f32 v21, v49  }
0x1d8: {  	v21 =	vmov s7;
	v49 =	vmovc v46;
	v55 =	vmul.u32 $0x50, v31;
	v32 =	vld.idx.msk [tilespmem:v13+s25+$0x0], $0xffff;
	[tilespmem:v15+s25+$0x0] =	vst.idx.msk $0xffff, v7;
	v7 =	vmul.f32 v20, v54  }
0x1d9: {  	v33 =	vmov s6;
	v19 =	vmul.f32 v19, v47;
	v20 =	vor.u32 v0, v30;
	v15 =	vld.idx.msk [tilespmem:v8+s25+$0x0], $0xffff;
	[tilespmem:v14+s25+$0x0] =	vst.idx.msk $0xffff, v4  }
0x1da: {  	v56 =	vmul.u32 $0x50, v33;
	v59 =	vmul.u32 $0x50, v21;
	v4 =	vor.u32 v0, v55;
	v38 =	vld.idx.msk [tilespmem:v3+s25+$0x0], $0xffff;
	[tilespmem:v12+s25+$0x0] =	vst.idx.msk $0xffff, v7  }
0x1db: {  	v14 =	vmul.f32 v17, v49;
	v12 =	vld.idx.msk [tilespmem:v26+s19+$0x0], $0xffff;
	[tilespmem:v10+s25+$0x0] =	vst.idx.msk $0xffff, v19;
	v10 =	vmul.f32 v18, v50  }
0x1dc: {  	v7 =	vor.u32 v0, v56;
	[tilespmem:v63+s25+$0x0] =	vst.idx.msk $0xffff, v23;
	v63 =	vor.u32 v0, v59;
	v17 =	vld.idx.msk [tilespmem:v6+s25+$0x0], $0xffff  }
0x1dd: {  	v26 =	vmul.f32 v27, v51;
	v23 =	vmul.f32 v24, v57;
	v18 =	vld.idx.msk [tilespmem:v31+s19+$0x0], $0xffff;
	[tilespmem:v11+s25+$0x0] =	vst.idx.msk $0xffff, v10  }
0x1de: {  	v47 =	vmov v40;
	v24 =	vmul.f32 v32, v40;
	v40 =	vmov v51;
	v10 =	vld.idx.msk [tilespmem:v5+s25+$0x0], $0xffff;
	[tilespmem:v9+s25+$0x0] =	vst.idx.msk $0xffff, v14  }
0x1df: {  	v46 =	vmov v53;
	v27 =	vmov v62;
	v14 =	vmul.f32 v15, v44;
	[tilespmem:v16+s25+$0x0] =	vst.idx.msk $0xffff, v23;
	v9 =	vld.idx.msk [tilespmem:v61+s25+$0x0], $0xffff  }
0x1e0: {  	v54 =	vmovc v44;
	v19 =	vmov v3;
	v11 =	vmov v5;
	v44 =	vmov v58;
	v16 =	vld.idx.msk [tilespmem:v28+s25+$0x0], $0xffff;
	[tilespmem:v13+s25+$0x0] =	vst.idx.msk $0xffff, v24  }
0x1e1: {  	v50 =	vmov v41;
	v41 =	vmov v57;
	v51 =	vmov v12;
	v13 =	vld.idx.msk [tilespmem:v60+s25+$0x0], $0xffff;
	[tilespmem:v8+s25+$0x0] =	vst.idx.msk $0xffff, v14  }
0x1e2: {  	v62 =	vor.u32 v2, v30;
	v5 =	vmul.f32 v17, v50;
	v8 =	vld.idx.msk [tilespmem:v20+s25+$0x0], $0xffff  }
0x1e3: {  	v3 =	vadd.s32 v2, v55;
	v15 =	vadd.s32 v35, v48;
	v53 =	vmov v18;
	v17 =	vld.idx.msk [tilespmem:v7+s25+$0x0], $0xffff  }
0x1e4: {  	v12 =	vadd.s32 v37, v29;
	v14 =	vadd.s32 v37, v22;
	v18 =	vld.idx.msk [tilespmem:v4+s25+$0x0], $0xffff;
	[tilespmem:v6+s25+$0x0] =	vst.idx.msk $0xffff, v5  }
0x1e5: {  	v5 =	vadd.s32 v2, v59;
	v6 =	vmul.f32 v10, v44;
	v58 =	vld.idx.msk [tilespmem:v21+s19+$0x0], $0xffff;
	v21 =	vmul.f32 v9, v49  }
0x1e6: {  	v10 =	vadd.s32 v37, v42;
	v42 =	vmovc v52;
	v52 =	vmov v30;
	v23 =	vmul.f32 v16, v41;
	v57 =	vld.idx.msk [tilespmem:v33+s19+$0x0], $0xffff  }
0x1e7: {  	v9 =	vor.u32 v35, v45;
	v29 =	vld.idx.msk [tilespmem:v63+s25+$0x0], $0xffff;
	[tilespmem:v11+s25+$0x0] =	vst.idx.msk $0xffff, v6;
	v6 =	vmul.f32 v13, v47  }
0x1e8: {  	v8 =	vmul.f32 v8, v51;
	v11 =	vadd.s32 v37, v25;
	v22 =	vld.idx.msk [tilespmem:v15+s25+$0x0], $0xffff;
	[tilespmem:v61+s25+$0x0] =	vst.idx.msk $0xffff, v21  }
.Ltmp2:
0x1e9: {  	v25 =	vmul.f32 v38, v46;
	[tilespmem:v60+s25+$0x0] =	vst.idx.msk $0xffff, v6;
	v60 =	vor.u32 v36, v42;
	v21 =	vld.idx.msk [tilespmem:v14+s25+$0x0], $0xffff;
	(pc) =	sbr.rel @p0 .LBB2_7-.Ltmp2, $4  }
0x1ea: {  	v16 =	vor.u32 v2, v56;
	v61 =	vadd.s32 v36, v45;
	[tilespmem:v20+s25+$0x0] =	vst.idx.msk $0xffff, v8;
	v20 =	vld.idx.msk [tilespmem:v12+s25+$0x0], $0xffff  }
0x1eb: {  	v13 =	vor.u32 v35, v42;
	v24 =	vmul.f32 v18, v53;
	[tilespmem:v19+s25+$0x0] =	vst.idx.msk $0xffff, v25;
	v19 =	vld.idx.msk [tilespmem:v10+s25+$0x0], $0xffff  }
0x1ec: {  	v8 =	vadd.s32 v36, v48;
	v25 =	vmul.f32 v17, v57;
	v17 =	vld.idx.msk [tilespmem:v9+s25+$0x0], $0xffff;
	[tilespmem:v28+s25+$0x0] =	vst.idx.msk $0xffff, v23  }
0x1ed: {  	v6 =	vadd.s32 v36, v43;
	v23 =	vmul.f32 v29, v58;
	[tilespmem:v27+s25+$0x0] =	vst.idx.msk $0xffff, v26;
	v18 =	vld.idx.msk [tilespmem:v11+s25+$0x0], $0xffff  }
0x1ee: {  	_ =	sdelay $0x3  }
0x1ef: {  	[tilespmem:v4+s25+$0x0] =	vst.idx.msk $0xffff, v24  }
0x1f0: {  	v4 =	vld.idx.msk [tilespmem:v3+s25+$0x0], $0xffff;
	[tilespmem:v63+s25+$0x0] =	vst.idx.msk $0xffff, v23  }
0x1f1: {  	v23 =	vld.idx.msk [tilespmem:v5+s25+$0x0], $0xffff  }
0x1f2: {  	v33 =	vld.idx.msk [tilespmem:v62+s25+$0x0], $0xffff;
	[tilespmem:v7+s25+$0x0] =	vst.idx.msk $0xffff, v25;
	v38 =	vmul.f32 v22, v44  }
0x1f3: {  	v21 =	vmul.f32 v21, v49;
	v25 =	vor.u32 v35, v55;
	v63 =	vld.idx.msk [tilespmem:v16+s25+$0x0], $0xffff  }
0x1f4: {  	v28 =	vmul.f32 v20, v54;
	[tilespmem:v15+s25+$0x0] =	vst.idx.msk $0xffff, v38;
	v15 =	vadd.s32 v35, v59  }
0x1f5: {  	[tilespmem:v14+s25+$0x0] =	vst.idx.msk $0xffff, v21;
	v14 =	vor.u32 v35, v52;
	v4 =	vmul.f32 v4, v53  }
0x1f6: {  	v29 =	vld.idx.msk [tilespmem:v13+s25+$0x0], $0xffff;
	v20 =	vadd.s32 v35, v56;
	[tilespmem:v12+s25+$0x0] =	vst.idx.msk $0xffff, v28;
	v30 =	vmul.f32 v23, v58  }
0x1f7: {  	v31 =	vmul.f32 v33, v51;
	[tilespmem:v3+s25+$0x0] =	vst.idx.msk $0xffff, v4  }
0x1f8: {  	v3 =	vmul.f32 v63, v57;
	[tilespmem:v5+s25+$0x0] =	vst.idx.msk $0xffff, v30;
	v4 =	vld.idx.msk [tilespmem:v25+s25+$0x0], $0xffff  }
0x1f9: {  	v32 =	vmul.f32 v17, v46;
	[tilespmem:v62+s25+$0x0] =	vst.idx.msk $0xffff, v31;
	v7 =	vld.idx.msk [tilespmem:v15+s25+$0x0], $0xffff  }
0x1fa: {  	v49 =	vmul.f32 v18, v50;
	v33 =	vmul.f32 v19, v47;
	[tilespmem:v16+s25+$0x0] =	vst.idx.msk $0xffff, v3;
	v3 =	vld.idx.msk [tilespmem:v14+s25+$0x0], $0xffff  }
0x1fb: {  	v38 =	vmul.f32 v29, v40;
	[tilespmem:v9+s25+$0x0] =	vst.idx.msk $0xffff, v32;
	v9 =	vadd.s32 v36, v55;
	v47 =	vld.idx.msk [tilespmem:v20+s25+$0x0], $0xffff  }
0x1fc: {  	v17 =	vadd.s32 v36, v59;
	v50 =	vld.idx.msk [tilespmem:v61+s25+$0x0], $0xffff;
	[tilespmem:v11+s25+$0x0] =	vst.idx.msk $0xffff, v49  }
0x1fd: {  	v54 =	vld.idx.msk [tilespmem:v8+s25+$0x0], $0xffff;
	[tilespmem:v13+s25+$0x0] =	vst.idx.msk $0xffff, v38;
	v62 =	vor.u32 v36, v52;
	v4 =	vmul.f32 v4, v53  }
0x1fe: {  	v24 =	vadd.s32 v36, v56;
	[tilespmem:v10+s25+$0x0] =	vst.idx.msk $0xffff, v33;
	v63 =	vld.idx.msk [tilespmem:v60+s25+$0x0], $0xffff;
	v7 =	vmul.f32 v7, v58  }
0x1ff: {  	v26 =	vld.idx.msk [tilespmem:v6+s25+$0x0], $0xffff;
	v27 =	vadd.s32 v37, v45;
	v3 =	vmul.f32 v3, v51;
	[tilespmem:v25+s25+$0x0] =	vst.idx.msk $0xffff, v4  }
0x200: {  	v28 =	vadd.s32 v37, v48;
	v5 =	vmul.f32 v47, v57;
	[tilespmem:v15+s25+$0x0] =	vst.idx.msk $0xffff, v7;
	v29 =	vld.idx.msk [tilespmem:v9+s25+$0x0], $0xffff  }
0x201: {  	v30 =	vadd.s32 v37, v42;
	v12 =	vmul.f32 v50, v46;
	[tilespmem:v14+s25+$0x0] =	vst.idx.msk $0xffff, v3;
	v31 =	vld.idx.msk [tilespmem:v17+s25+$0x0], $0xffff  }
0x202: {  	v32 =	vadd.s32 v37, v43;
	v3 =	vmul.f32 v54, v44;
	[tilespmem:v20+s25+$0x0] =	vst.idx.msk $0xffff, v5;
	v33 =	vld.idx.msk [tilespmem:v62+s25+$0x0], $0xffff  }
0x203: {  	v42 =	vadd.s32 v37, v55;
	v10 =	vmul.f32 v63, v40;
	[tilespmem:v61+s25+$0x0] =	vst.idx.msk $0xffff, v12;
	v38 =	vld.idx.msk [tilespmem:v24+s25+$0x0], $0xffff  }
0x204: {  	v45 =	vadd.s32 v37, v59;
	v43 =	vld.idx.msk [tilespmem:v27+s25+$0x0], $0xffff;
	[tilespmem:v8+s25+$0x0] =	vst.idx.msk $0xffff, v3;
	v3 =	vmul.f32 v26, v41  }
0x205: {  	v48 =	vadd.s32 v37, v52;
	[tilespmem:v60+s25+$0x0] =	vst.idx.msk $0xffff, v10;
	v47 =	vld.idx.msk [tilespmem:v28+s25+$0x0], $0xffff;
	v7 =	vmul.f32 v29, v53  }
0x206: {  	v50 =	vadd.s32 v37, v56;
	[tilespmem:v6+s25+$0x0] =	vst.idx.msk $0xffff, v3;
	v3 =	vld.idx.msk [tilespmem:v30+s25+$0x0], $0xffff;
	v49 =	vmul.f32 v31, v58  }
0x207: {  	v52 =	vld.idx.msk [tilespmem:v32+s25+$0x0], $0xffff;
	v5 =	vmul.f32 v33, v51;
	[tilespmem:v9+s25+$0x0] =	vst.idx.msk $0xffff, v7  }
0x208: {  	v54 =	vmul.f32 v38, v57;
	[tilespmem:v17+s25+$0x0] =	vst.idx.msk $0xffff, v49;
	v7 =	vld.idx.msk [tilespmem:v42+s25+$0x0], $0xffff  }
0x209: {  	v8 =	vmul.f32 v43, v46;
	[tilespmem:v62+s25+$0x0] =	vst.idx.msk $0xffff, v5;
	v55 =	vld.idx.msk [tilespmem:v45+s25+$0x0], $0xffff  }
0x20a: {  	v56 =	vmul.f32 v47, v44;
	[tilespmem:v24+s25+$0x0] =	vst.idx.msk $0xffff, v54;
	v59 =	vld.idx.msk [tilespmem:v48+s25+$0x0], $0xffff  }
0x20b: {  	[tilespmem:v27+s25+$0x0] =	vst.idx.msk $0xffff, v8;
	v3 =	vmul.f32 v3, v40;
	v60 =	vld.idx.msk [tilespmem:v50+s25+$0x0], $0xffff  }
0x20c: {  	[tilespmem:v28+s25+$0x0] =	vst.idx.msk $0xffff, v56;
	v61 =	vmul.f32 v52, v41  }
0x20d: {  	s30 =	sadd.s32 $0x1, s30;
	[tilespmem:v30+s25+$0x0] =	vst.idx.msk $0xffff, v3;
	v3 =	vmul.f32 v7, v53  }
0x20e: {  	p0 =	sne.s32 s30, s11;
	[tilespmem:v32+s25+$0x0] =	vst.idx.msk $0xffff, v61;
	v62 =	vmul.f32 v55, v58  }
.Ltmp3:
0x20f: {  	v63 =	vmul.f32 v59, v51;
	[tilespmem:v42+s25+$0x0] =	vst.idx.msk $0xffff, v3;
	(pc) =	sbr.rel @p0 .LBB2_4-.Ltmp3, $4  }
0x210: {  	v3 =	vmul.f32 v60, v57;
	[tilespmem:v45+s25+$0x0] =	vst.idx.msk $0xffff, v62  }
0x211: {  	[tilespmem:v48+s25+$0x0] =	vst.idx.msk $0xffff, v63  }
0x212: {  	s0 =	sadd.s32 $0x1C80, s1;
	[tilespmem:v50+s25+$0x0] =	vst.idx.msk $0xffff, v3  }
0x213: {  	[spmem:s2] =	stream.indirect.scatter.add.f32 [tilespmem:s25], [sflag:$0x4], $0x50, s0, s20, $0xb8;
	[tilespmem:$0x18900] =	vst v63  }
0x214: {  	_ =	swait.ge [sflag:s26], $0x1E00  }
0x215: {  	s28 =	sadd.s32 $0x1, s28;
	[sflag:s26] =	ssyncset.done $0x0  }
0x216: {  	p0 =	sne.s32 s28, s13;
	[sflag:s26] =	ssyncadd.s32 $0xFFFFE200  }
.Ltmp4:
0x217: {  	[bflag:$0x0] =	sbarrier.arrive $0xFFFF;
	(pc) =	sbr.rel @p0 .LBB2_1-.Ltmp4, $4  }
0x218: {  	[hbm:s12], [sflag:s17] =	dma.local [spmem:s18], $0x18B0  }
0x219: {  	_ =	swait.ge [sflag:s15], $0x18B0  }
0x21a: {  	[sflag:s15] =	ssyncset.done $0x0  }
0x21b: {  	[sflag:s15] =	ssyncadd.s32 $0xFFFFE750  }
0x21c: {  	_ =	sfence.sel $0x180000  }
0x21d: {  	[bflag:$0x0] =	sbarrier.arrive $0xFFFF  }
0x21e: {  	_ =	strace $0x90000047  }
0x21f: {  	s0 =	stileid.u32;
	[bflag:$0x2] =	sbarrier.arrive $0xFFFF  }
0x220: {  	p0 =	sne.s32 s0, $0x0;
	s0 =	rddreg [dreg:$0x2]  }
0x221: {  	s0 =	sadd.s32 @!p0 $0x100000, s0  }
0x222: {  	[sflag:s0] =	ssyncadd.tile.s32 @!p0 $0x1;
	_ =	shalt  }
.Lfunc_end2:
_tile_overlayer_lowered:
.L_overlay_start_2:
0x223: {  	(tag) =	ssettag $0x2  }
0x224: {  	s0 =	rddreg [dreg:$0x0];
	s2 =	stileid.u32  }
0x225: {  	s1 =	rddreg [dreg:$0x1];
	p0 =	sne.s32 s2, $0x0  }
0x226: {  	s3 =	rddreg [dreg:$0x2];
	[bflag:$0x3] =	sbarrier.arrive $0xFFFF;
	s2 =	simm.s32 @!p0 $0x1C05  }
0x227: {  	[timem:s3], [sflag:s2] =	dma.local @!p0 [hbm:s0], s1  }
0x228: {  	s0 =	simm.s32 @!p0 $0x5  }
0x229: {  	_ =	swait.ge @!p0 [sflag:s0], s1  }
0x22a: {  	s1 =	ssub.s32 @!p0 $0x0, s1;
	[sflag:s0] =	ssyncset.done @!p0 $0x0  }
0x22b: {  	[sflag:s0] =	ssyncadd.s32 @!p0 s1  }
0x22c: {  	[bflag:$0x3] =	sbarrier.arrive $0xFFFF  }
0x22d: {  	_ =	shalt  }

</sc_bundles>
